<compile_context>
chip_gen: v7x
topology: tpu7x:2x2x1
jax: 0.10.2.dev20260603
libtpu: 0.0.44.dev20260713+nightly
codegen_flags: <defaults>
</compile_context>

<pallas_src>
import functools

import jax
import jax.numpy as jnp
from jax import lax
from jax.experimental import pallas as pl
from jax.experimental.pallas import tpu as pltpu
from jax.experimental.pallas import tpu_sc as plsc

N = 50000
E = 800000
B = 50
NPER = 1000
EF = 64
HF = EF // 2

NC = 2
NS = 16
CH = 128
K = 5
SCH = K * CH
NSUP = E // SCH
ZA = 200

_mesh = plsc.VectorSubcoreMesh(
    core_axis_name="c", subcore_axis_name="s", num_cores=NC, num_subcores=NS)

_sc_params = pltpu.CompilerParams(
    needs_layout_passes=False, use_tc_tiling_on_sc=False)


@functools.partial(
    pl.kernel,
    out_type=pltpu.MemorySpace.HBM((NC, N, 16), jnp.float32),
    mesh=_mesh,
    scratch_types=[
        pltpu.VMEM_SHARED((N, 16), jnp.float32),
        [pltpu.VMEM((CH, 16), jnp.float32) for _ in range(K)],
        pltpu.VMEM((SCH,), jnp.int32),
        pltpu.VMEM((K, CH), jnp.int32),
        pltpu.VMEM((SCH,), jnp.float32),
        pltpu.VMEM((ZA, 16), jnp.float32),
        pltpu.SemaphoreType.DMA,
        pltpu.SemaphoreType.DMA,
    ],
    compiler_params=_sc_params,
)
def _pass_a(ei_ref, w_ref, xtab_ref, zeros_ref, out_ref,
            acc, pays, srcb, dstb, wb, zbuf, semi, semg):
    cid = lax.axis_index("c")
    sid = lax.axis_index("s")
    wid = cid * NS + sid

    nz = 15 + jnp.where(sid < 10, 1, 0)
    pltpu.sync_copy(zeros_ref, zbuf)

    def zbody(k, _):
        pltpu.sync_copy(zbuf, acc.at[pl.ds((sid + NS * k) * ZA, ZA)])
        return 0

    lax.fori_loop(0, nz, zbody, 0)
    plsc.subcore_barrier()

    rows0 = lax.iota(jnp.int32, 16)
    col2 = jnp.full((16,), 2, jnp.int32)
    niter = 39 + jnp.where(wid < 2, 1, 0)

    def body(i, _):
        base = (wid + 32 * i) * SCH
        cpi = [pltpu.async_copy(ei_ref.at[0, pl.ds(base, SCH)], srcb, semi),
               pltpu.async_copy(w_ref.at[pl.ds(base, SCH)], wb, semi)]
        cpi += [pltpu.async_copy(ei_ref.at[1, pl.ds(base + k * CH, CH)],
                                 dstb.at[k], semi) for k in range(K)]
        for c in cpi:
            c.wait()
        gs = [pltpu.async_copy(
            xtab_ref.at[srcb.at[pl.ds(k * CH, CH)]], pays[k], semg)
            for k in range(K)]
        for k in range(K):
            gs[k].wait()
            for j in range(CH // 16):
                w16 = wb[pl.ds(k * CH + j * 16, 16)]
                rr = rows0 + (j * 16)
                plsc.store_scatter(pays[k], [rr, col2], jnp.maximum(w16, 0.0))
                plsc.store_scatter(pays[k], [rr, col2 + 1],
                                   jnp.maximum(-w16, 0.0))
            pltpu.sync_copy(pays[k], acc.at[dstb.at[k]], add=True)
        return 0

    lax.fori_loop(0, niter, body, 0)
    plsc.subcore_barrier()

    def obody(k, _):
        off = (sid + NS * k) * ZA
        pltpu.sync_copy(acc.at[pl.ds(off, ZA)], zbuf)
        pltpu.sync_copy(zbuf, out_ref.at[cid, pl.ds(off, ZA)])
        return 0

    lax.fori_loop(0, nz, obody, 0)


@functools.partial(
    pl.kernel,
    out_type=pltpu.MemorySpace.HBM((NC, N, HF), jnp.float32),
    mesh=_mesh,
    scratch_types=[
        pltpu.VMEM_SHARED((N, HF), jnp.float32),
        [pltpu.VMEM((CH, HF), jnp.float32) for _ in range(K)],
        pltpu.VMEM((SCH,), jnp.int32),
        pltpu.VMEM((K, CH), jnp.int32),
        pltpu.VMEM((ZA, HF), jnp.float32),
        pltpu.SemaphoreType.DMA,
        pltpu.SemaphoreType.DMA,
    ],
    compiler_params=_sc_params,
)
def _pass_b(ei_ref, h_ref, zeros_ref, out_ref,
            acc, rows, srcb, dstb, zbuf, semi, semg):
    cid = lax.axis_index("c")
    sid = lax.axis_index("s")

    nz = 15 + jnp.where(sid < 10, 1, 0)
    pltpu.sync_copy(zeros_ref, zbuf)

    def zbody(k, _):
        pltpu.sync_copy(zbuf, acc.at[pl.ds((sid + NS * k) * ZA, ZA)])
        return 0

    lax.fori_loop(0, nz, zbody, 0)
    plsc.subcore_barrier()

    niter = 78 + jnp.where(sid < 2, 1, 0)

    def body(i, _):
        base = (sid + NS * i) * SCH
        cpi = [pltpu.async_copy(ei_ref.at[0, pl.ds(base, SCH)], srcb, semi)]
        cpi += [pltpu.async_copy(ei_ref.at[1, pl.ds(base + k * CH, CH)],
                                 dstb.at[k], semi) for k in range(K)]
        for c in cpi:
            c.wait()
        gs = [pltpu.async_copy(
            h_ref.at[cid].at[srcb.at[pl.ds(k * CH, CH)]], rows[k], semg)
            for k in range(K)]
        for k in range(K):
            gs[k].wait()
            pltpu.sync_copy(rows[k], acc.at[dstb.at[k]], add=True)
        return 0

    lax.fori_loop(0, niter, body, 0)
    plsc.subcore_barrier()

    def obody(k, _):
        off = (sid + NS * k) * ZA
        pltpu.sync_copy(acc.at[pl.ds(off, ZA)], zbuf)
        pltpu.sync_copy(zbuf, out_ref.at[cid, pl.ds(off, ZA)])
        return 0

    lax.fori_loop(0, nz, obody, 0)



PK = 128


def _bdiag(m):
    r, f = m.shape
    return (jnp.eye(8, dtype=jnp.float32)[:, None, :, None]
            * m[None, :, None, :]).reshape(8 * r, 8 * f)


def _k1_body(outa_ref, xt_ref, sx_ref, sa_ref, bias_ref, h0_ref, h1_ref):
    agg = outa_ref[0] + outa_ref[1]
    xt = xt_ref[...]
    za = (jnp.dot(xt, sx_ref[0], preferred_element_type=jnp.float32)
          + jnp.dot(agg, sa_ref[0], preferred_element_type=jnp.float32)
          + bias_ref[0:1, 0:256])
    zb = (jnp.dot(xt, sx_ref[1], preferred_element_type=jnp.float32)
          + jnp.dot(agg, sa_ref[1], preferred_element_type=jnp.float32)
          + bias_ref[0:1, 256:512])
    h0_ref[...] = jnp.maximum(za, 0.0)
    h1_ref[...] = jnp.maximum(zb, 0.0)


def _run_k1(outa128, xt128, sx, sa, bias):
    full = pl.BlockSpec(memory_space=pltpu.MemorySpace.VMEM)
    return pl.pallas_call(
        _k1_body,
        in_specs=[full] * 5,
        out_specs=[full, full],
        out_shape=[jax.ShapeDtypeStruct((N // 8, 256), jnp.float32),
                   jax.ShapeDtypeStruct((N // 8, 256), jnp.float32)],
        compiler_params=pltpu.CompilerParams(
            vmem_limit_bytes=100 * 1024 * 1024),
    )(outa128, xt128, sx, sa, bias)


RP = N // 8


def _k2a_body(sv_ref, xt_ref, outa_ref, sh_ref,
              sx2_ref, sa2_ref, sb_ref, bias2_ref,
              pool_ref, cur_ref, h2s):
    agg = outa_ref[0] + outa_ref[1]
    z = (jnp.dot(xt_ref[...], sx2_ref[...],
                 preferred_element_type=jnp.float32)
         + jnp.dot(agg, sa2_ref[...], preferred_element_type=jnp.float32)
         + jnp.dot(sh_ref[0], sb_ref[0], preferred_element_type=jnp.float32)
         + jnp.dot(sh_ref[1], sb_ref[1], preferred_element_type=jnp.float32)
         + bias2_ref[...])
    h2 = jnp.maximum(z, 0.0)
    h2s[...] = h2

    gp = NPER // 8
    pools = [jnp.sum(h2[gg * gp:(gg + 1) * gp], axis=0, keepdims=True)
             for gg in range(B)]
    pool_ref[...] = jnp.concatenate(pools, axis=0)

    curs = []
    for gg in range(B):
        sv = sv_ref[gg, 0]
        r8 = gg * gp + sv // 8
        curs.append(h2s[pl.ds(r8, 1), :])
    cur_ref[...] = jnp.concatenate(curs, axis=0)


def _run_k2a(state_v, xt128, outa128, sh256, sx2, sa2, sb, bias2):
    full = pl.BlockSpec(memory_space=pltpu.MemorySpace.VMEM)
    return pl.pallas_call(
        _k2a_body,
        in_specs=[pl.BlockSpec(memory_space=pltpu.SMEM)] + [full] * 7,
        out_specs=[full, full],
        out_shape=[jax.ShapeDtypeStruct((B, 512), jnp.float32),
                   jax.ShapeDtypeStruct((B, 512), jnp.float32)],
        scratch_shapes=[pltpu.VMEM((RP, 512), jnp.float32)],
        compiler_params=pltpu.CompilerParams(
            vmem_limit_bytes=100 * 1024 * 1024),
    )(state_v, xt128, outa128, sh256, sx2, sa2, sb, bias2)


def _k2b_body(pool_ref, cur_ref, svm_ref, sc_ref, ac_ref,
              w5_ref, b5_ref, w6_ref, b6_ref, w7_ref, b7_ref,
              w8_ref, b8_ref, w9_ref, b9_ref, q_ref):
    pooled = pool_ref[...]
    curp = cur_ref[...]
    w6t = jnp.concatenate([w6_ref[...]] * 8, axis=0)
    h1 = jnp.dot(pooled, w6t, preferred_element_type=jnp.float32) \
        + b6_ref[...]
    cur = jnp.zeros((B, EF), jnp.float32)
    for m in range(8):
        cur = cur + jnp.where(svm_ref[...] == m,
                              curp[:, m * EF:(m + 1) * EF], 0.0)
    h2 = (jnp.dot(cur, w7_ref[...], preferred_element_type=jnp.float32)
          + b7_ref[...] + ac_ref[...] * w8_ref[...] + b8_ref[...]
          + sc_ref[...] * w9_ref[...] + b9_ref[...])
    hh = jnp.maximum(jnp.concatenate([h1, h2], axis=1), 0.0)
    q_ref[...] = jnp.dot(hh, w5_ref[...],
                         preferred_element_type=jnp.float32) + b5_ref[...]


def _run_k2b(pooled, cur, svm, state_c, action,
             W5, b5, W6, b6, W7, b7, W8, b8, W9, b9):
    full = pl.BlockSpec(memory_space=pltpu.MemorySpace.VMEM)
    return pl.pallas_call(
        _k2b_body,
        in_specs=[full] * 15,
        out_specs=full,
        out_shape=jax.ShapeDtypeStruct((B, 1), jnp.float32),
    )(pooled, cur, svm, state_c, action,
      W5, b5, W6, b6, W7, b7, W8, b8, W9, b9)


def kernel(x, edge_index, edge_w, state_v, state_c, action,
           W1x, W1w, W1f, b1f, wvec1,
           W2x, W2w, W2f, b2f, wvec2,
           W5, b5, W6, b6, W7, b7, W8, b8, W9, b9):
    xlin = jnp.pad(x, ((0, 0), (0, 14))).reshape(-1)
    xtab = xlin.reshape(N, 16)
    xt128 = xlin.reshape(N // 8, 128)
    w = edge_w.reshape(E // 128, 128).reshape(E)

    zeros_a = jnp.zeros((ZA, 16), jnp.float32)
    zeros_b = jnp.zeros((ZA, HF), jnp.float32)

    outa = _pass_a(edge_index, w, xtab, zeros_a)
    outa128 = outa.reshape(NC, N // 8, 128)

    a1p = jnp.maximum(wvec1, 0.0) @ W1w
    a1n = jnp.maximum(-wvec1, 0.0) @ W1w
    z16 = jnp.zeros((16, HF), jnp.float32)
    sx = jnp.stack([_bdiag(z16.at[0:2, :].set(W1x[:, :HF])),
                    _bdiag(z16.at[0:2, :].set(W1x[:, HF:]))])
    sa = jnp.stack([
        _bdiag(z16.at[0:2, :].set(W1f[:, :HF]).at[2, :].set(a1p[:HF])
               .at[3, :].set(a1n[:HF])),
        _bdiag(z16.at[0:2, :].set(W1f[:, HF:]).at[2, :].set(a1p[HF:])
               .at[3, :].set(a1n[HF:]))])
    bias1 = jnp.concatenate([jnp.tile(b1f[:HF], 8),
                             jnp.tile(b1f[HF:], 8)]).reshape(1, 512)

    h0, h1 = _run_k1(outa128, xt128, sx, sa, bias1)
    hv = jnp.stack([h0, h1]).reshape(2, N, HF)

    outb = _pass_b(edge_index, hv, zeros_b)
    sh256 = outb.reshape(2, N // 8, 256)

    a2p = jnp.maximum(wvec2, 0.0) @ W2w
    a2n = jnp.maximum(-wvec2, 0.0) @ W2w
    z16b = jnp.zeros((16, EF), jnp.float32)
    sx2 = _bdiag(z16b.at[0:2, :].set(W2x))
    sa2 = _bdiag(z16b.at[2, :].set(a2p).at[3, :].set(a2n))
    sb = jnp.stack([_bdiag(W2f[:HF, :]), _bdiag(W2f[HF:, :])])
    bias2 = jnp.tile(b2f, 8).reshape(1, 512)

    sv = state_v.reshape(B, 1)
    pooled, cur = _run_k2a(sv, xt128, outa128, sh256, sx2, sa2, sb, bias2)

    r1 = lambda v: v.reshape(1, -1)
    svm = (state_v % 8).reshape(B, 1)
    return _run_k2b(pooled, cur, svm, state_c, action,
                    W5, b5.reshape(1, 1), W6, r1(b6), W7, r1(b7),
                    r1(W8[0]), r1(b8), r1(W9[0]), r1(b9))

# --- scband reference (transcript-rebuilt; emitter-appended) ---
"""Pipeline reference for scband-qgnn-27771258536762 (READ-ONLY COPY).

The authoritative reference and input builder live on the scoring server;
editing this copy changes nothing except your own understanding.
"""

import jax, jax.numpy as jnp
import numpy as np

N = 50000
E = 800000
B = 50
NPER = 1000
XF = 2
EF = 64


def setup_inputs(seed: int = 0) -> dict:
    key = jax.random.key(seed)
    ks = jax.random.split(key, 32)

    x = jax.random.normal(ks[0], (N, XF), dtype=jnp.float32)
    # edges constrained within each of the B batched graphs (DGL batched-graph semantics)
    gid = jax.random.randint(ks[1], (E,), 0, B)
    src = gid * NPER + jax.random.randint(ks[2], (E,), 0, NPER)
    dst = gid * NPER + jax.random.randint(ks[3], (E,), 0, NPER)
    edge_index = jnp.stack([src, dst]).astype(jnp.int32)
    edge_w = jax.random.uniform(ks[4], (E, 1), dtype=jnp.float32)
    state_v = jax.random.randint(ks[5], (B,), 0, NPER).astype(jnp.int32)
    state_c = jax.random.normal(ks[6], (B, 1), dtype=jnp.float32)
    action = jax.random.normal(ks[7], (B, 1), dtype=jnp.float32)

    def lin(k, i, o):
        return (jax.random.uniform(k, (i, o), dtype=jnp.float32) * 2.0 - 1.0) / np.sqrt(i)

    def bias(k, i, o):
        return (jax.random.uniform(k, (o,), dtype=jnp.float32) * 2.0 - 1.0) / np.sqrt(i)

    params = {
        # structure2Vec layer 1 (in_feats = x_feats)
        'W1x': lin(ks[8], XF, EF),
        'W1w': lin(ks[9], EF, EF),
        'W1f': lin(ks[10], XF, EF), 'b1f': bias(ks[11], XF, EF),
        'wvec1': jax.random.normal(ks[12], (EF,), dtype=jnp.float32) * 0.01,
        # structure2Vec layer 2 (in_feats = e_feats)
        'W2x': lin(ks[13], XF, EF),
        'W2w': lin(ks[14], EF, EF),
        'W2f': lin(ks[15], EF, EF), 'b2f': bias(ks[16], EF, EF),
        'wvec2': jax.random.normal(ks[17], (EF,), dtype=jnp.float32) * 0.01,
        # QFunction
        'W5': lin(ks[18], 2 * EF, 1), 'b5': bias(ks[19], 2 * EF, 1),
        'W6': lin(ks[20], EF, EF), 'b6': bias(ks[21], EF, EF),
        'W7': lin(ks[22], EF, EF), 'b7': bias(ks[23], EF, EF),
        'W8': lin(ks[24], 1, EF), 'b8': bias(ks[25], 1, EF),
        'W9': lin(ks[26], 1, EF), 'b9': bias(ks[27], 1, EF),
    }

    inp = {'x': x, 'edge_index': edge_index, 'edge_w': edge_w,
           'state_v': state_v, 'state_c': state_c, 'action': action}
    inp.update(params)
    return inp


def reference(x, edge_index, edge_w, state_v, state_c, action,
              W1x, W1w, W1f, b1f, wvec1,
              W2x, W2w, W2f, b2f, wvec2,
              W5, b5, W6, b6, W7, b7, W8, b8, W9, b9):
    Nn = x.shape[0]
    src = edge_index[0]
    dst = edge_index[1]

    def s2v(feat, Wx, Ww, Wf, bf, wvec):
        # _aggw: g = relu(w * theta-weights) per edge, copy_e -> sum at dst, then linear
        g = jax.nn.relu(edge_w * wvec[None, :])            # [E, EF]
        hw = jax.ops.segment_sum(g, dst, num_segments=Nn) @ Ww
        # _aggf: copy_u(feat) -> sum at dst, then linear
        hf = jax.ops.segment_sum(jnp.take(feat, src, axis=0), dst, num_segments=Nn) @ Wf + bf
        return jax.nn.relu(x @ Wx + hw + hf)

    h = s2v(x, W1x, W1w, W1f, b1f, wvec1)
    h = s2v(h, W2x, W2w, W2f, b2f, wvec2)

    Bn = state_v.shape[0]
    nper = Nn // Bn
    hb = h.reshape(Bn, nper, -1)
    # _agglob: per-graph sum pooling + theta6
    h1 = hb.sum(axis=1) @ W6 + b6
    # _aggcur: gather current node feature per graph + theta7/8/9
    cur = hb[jnp.arange(Bn), state_v]
    h2 = cur @ W7 + b7 + action @ W8 + b8 + state_c @ W9 + b9
    hh = jax.nn.relu(jnp.concatenate([h1, h2], axis=1))
    q = hh @ W5 + b5
    return q

if __name__ == "__main__":
    import jax
    _d = setup_inputs()
    print(jax.jit(kernel)(*tuple(_d.values())))

</pallas_src>

<mosaic_0001>
#map = affine_map<(d0, d1) -> (0, 0)>
#map1 = affine_map<(d0, d1) -> (0)>
#map2 = affine_map<(d0, d1) -> (0, 0, 0)>
module attributes {stable_mosaic.version = 14 : i64} {
  func.func @_pass_a(%arg0: i32, %arg1: i32, %arg2: memref<2x800000xi32, #tpu.memory_space<hbm>>, %arg3: memref<800000xf32, #tpu.memory_space<hbm>>, %arg4: memref<50000x16xf32, #tpu.memory_space<hbm>>, %arg5: memref<200x16xf32, #tpu.memory_space<hbm>>, %arg6: memref<2x50000x16xf32, #tpu.memory_space<hbm>>, %arg7: memref<50000x16xf32, #tpu.memory_space<vmem_shared>>, %arg8: memref<128x16xf32, #tpu.memory_space<vmem>>, %arg9: memref<128x16xf32, #tpu.memory_space<vmem>>, %arg10: memref<128x16xf32, #tpu.memory_space<vmem>>, %arg11: memref<128x16xf32, #tpu.memory_space<vmem>>, %arg12: memref<128x16xf32, #tpu.memory_space<vmem>>, %arg13: memref<640xi32, #tpu.memory_space<vmem>>, %arg14: memref<5x128xi32, #tpu.memory_space<vmem>>, %arg15: memref<640xf32, #tpu.memory_space<vmem>>, %arg16: memref<200x16xf32, #tpu.memory_space<vmem>>, %arg17: memref<!tpu.dma_semaphore, #tpu.memory_space<semaphore_mem>>, %arg18: memref<!tpu.dma_semaphore, #tpu.memory_space<semaphore_mem>>) attributes {dimension_semantics = [#tpu.dimension_semantics<core_parallel>, #tpu.dimension_semantics<subcore_parallel>], iteration_bounds = array<i64: 2, 16>, scalar_prefetch = 0 : i64, scratch_operands = 12 : i64, tpu.core_type = #tpu.core_type<sc_vector_subcore>, window_params = [{transform_indices = #map}, {transform_indices = #map1}, {transform_indices = #map}, {transform_indices = #map}, {transform_indices = #map2}]} {
    %mul3A = arith.constant 16 : i32
    %mul3A_0 = arith.muli %arg0, %mul3A : i32
    %add3A = arith.addi %mul3A_0, %arg1 : i32
    %lt3A = arith.constant 10 : i32
    %lt3A_1 = arith.cmpi slt, %arg1, %lt3A : i32
    %jit3A = arith.constant 1 : i32
    %jit3A_2 = arith.constant 0 : i32
    %select_n3A = arith.select %lt3A_1, %jit3A, %jit3A_2 : i32
    %add3A_3 = arith.constant 15 : i32
    %add3A_4 = arith.addi %add3A_3, %select_n3A : i32
    "tpu.region"() ({
      %run_scoped3A = tpu.sem_alloc : memref<!tpu.dma_semaphore, #tpu.memory_space<semaphore_mem>>
      tpu.enqueue_dma source(%arg5 : memref<200x16xf32, #tpu.memory_space<hbm>>) target(%arg16 : memref<200x16xf32, #tpu.memory_space<vmem>>) target_semaphore(%run_scoped3A : memref<!tpu.dma_semaphore, #tpu.memory_space<semaphore_mem>>)
      tpu.wait_dma2 semaphore(%run_scoped3A : memref<!tpu.dma_semaphore, #tpu.memory_space<semaphore_mem>>) src(%arg5 : memref<200x16xf32, #tpu.memory_space<hbm>>) dst(%arg16 : memref<200x16xf32, #tpu.memory_space<vmem>>)
      tpu.yield
    }) : () -> ()
    %while3A = arith.constant 0 : i32
    %while3A_5 = arith.constant 0 : i32
    %while3A_6 = arith.subi %add3A_4, %while3A : i32
    %while3A_7 = arith.addi %while3A, %while3A_6 : i32
    %while3A_8 = arith.constant 1 : i32
    %while3A_9 = arith.divsi %while3A_6, %while3A_8 : i32
    %while3A_10 = arith.muli %while3A_9, %while3A_8 : i32
    %while3A_11 = arith.addi %while3A, %while3A_10 : i32
    %while3A_12 = arith.constant 1 : i32
    %while3A_13 = scf.for %while3A_49 = %while3A to %while3A_11 step %while3A_12 iter_args(%while3A_50 = %while3A_5) -> (i32)  : i32 {
      %mul3A_51 = arith.constant 16 : i32
      %mul3A_52 = arith.muli %mul3A_51, %while3A_49 : i32
      %add3A_53 = arith.addi %arg1, %mul3A_52 : i32
      %mul3A_54 = arith.constant 200 : i32
      %mul3A_55 = arith.muli %add3A_53, %mul3A_54 : i32
      "tpu.region"() ({
        %run_scoped3A = tpu.sem_alloc : memref<!tpu.dma_semaphore, #tpu.memory_space<semaphore_mem>>
        %dma_start3A = arith.constant 0 : i32
        %dma_start3A_57 = tpu.memref_slice %arg7[%mul3A_55, %dma_start3A] : memref<50000x16xf32, #tpu.memory_space<vmem_shared>> -> memref<200x16xf32, #tpu.memory_space<vmem_shared>>
        %dma_start3A_58 = arith.constant 0 : i32
        %dma_start3A_59 = tpu.memref_slice %arg7[%mul3A_55, %dma_start3A_58] : memref<50000x16xf32, #tpu.memory_space<vmem_shared>> -> memref<200x16xf32, #tpu.memory_space<vmem_shared>>
        tpu.enqueue_dma source(%arg16 : memref<200x16xf32, #tpu.memory_space<vmem>>) target(%dma_start3A_59 : memref<200x16xf32, #tpu.memory_space<vmem_shared>>) target_semaphore(%run_scoped3A : memref<!tpu.dma_semaphore, #tpu.memory_space<semaphore_mem>>)
        %dma_wait3A = arith.constant 0 : i32
        %dma_wait3A_60 = tpu.memref_slice %arg7[%mul3A_55, %dma_wait3A] : memref<50000x16xf32, #tpu.memory_space<vmem_shared>> -> memref<200x16xf32, #tpu.memory_space<vmem_shared>>
        %dma_wait3A_61 = arith.constant 0 : i32
        %dma_wait3A_62 = tpu.memref_slice %arg7[%mul3A_55, %dma_wait3A_61] : memref<50000x16xf32, #tpu.memory_space<vmem_shared>> -> memref<200x16xf32, #tpu.memory_space<vmem_shared>>
        tpu.wait_dma2 semaphore(%run_scoped3A : memref<!tpu.dma_semaphore, #tpu.memory_space<semaphore_mem>>) src(%arg16 : memref<200x16xf32, #tpu.memory_space<vmem>>) dst(%dma_wait3A_62 : memref<200x16xf32, #tpu.memory_space<vmem_shared>>)
        tpu.yield
      }) : () -> ()
      %while3A_56 = arith.constant 0 : i32
      scf.yield %while3A_56 : i32
    }
    %while3A_14 = arith.constant 1 : i32
    %while3A_15 = scf.for %while3A_49 = %while3A_11 to %while3A_7 step %while3A_14 iter_args(%while3A_50 = %while3A_13) -> (i32)  : i32 {
      %mul3A_51 = arith.constant 16 : i32
      %mul3A_52 = arith.muli %mul3A_51, %while3A_49 : i32
      %add3A_53 = arith.addi %arg1, %mul3A_52 : i32
      %mul3A_54 = arith.constant 200 : i32
      %mul3A_55 = arith.muli %add3A_53, %mul3A_54 : i32
      "tpu.region"() ({
        %run_scoped3A = tpu.sem_alloc : memref<!tpu.dma_semaphore, #tpu.memory_space<semaphore_mem>>
        %dma_start3A = arith.constant 0 : i32
        %dma_start3A_57 = tpu.memref_slice %arg7[%mul3A_55, %dma_start3A] : memref<50000x16xf32, #tpu.memory_space<vmem_shared>> -> memref<200x16xf32, #tpu.memory_space<vmem_shared>>
        %dma_start3A_58 = arith.constant 0 : i32
        %dma_start3A_59 = tpu.memref_slice %arg7[%mul3A_55, %dma_start3A_58] : memref<50000x16xf32, #tpu.memory_space<vmem_shared>> -> memref<200x16xf32, #tpu.memory_space<vmem_shared>>
        tpu.enqueue_dma source(%arg16 : memref<200x16xf32, #tpu.memory_space<vmem>>) target(%dma_start3A_59 : memref<200x16xf32, #tpu.memory_space<vmem_shared>>) target_semaphore(%run_scoped3A : memref<!tpu.dma_semaphore, #tpu.memory_space<semaphore_mem>>)
        %dma_wait3A = arith.constant 0 : i32
        %dma_wait3A_60 = tpu.memref_slice %arg7[%mul3A_55, %dma_wait3A] : memref<50000x16xf32, #tpu.memory_space<vmem_shared>> -> memref<200x16xf32, #tpu.memory_space<vmem_shared>>
        %dma_wait3A_61 = arith.constant 0 : i32
        %dma_wait3A_62 = tpu.memref_slice %arg7[%mul3A_55, %dma_wait3A_61] : memref<50000x16xf32, #tpu.memory_space<vmem_shared>> -> memref<200x16xf32, #tpu.memory_space<vmem_shared>>
        tpu.wait_dma2 semaphore(%run_scoped3A : memref<!tpu.dma_semaphore, #tpu.memory_space<semaphore_mem>>) src(%arg16 : memref<200x16xf32, #tpu.memory_space<vmem>>) dst(%dma_wait3A_62 : memref<200x16xf32, #tpu.memory_space<vmem_shared>>)
        tpu.yield
      }) : () -> ()
      %while3A_56 = arith.constant 0 : i32
      scf.yield %while3A_56 : i32
    }
    %barrier3A = arith.constant 0 : index
    tpu.barrier barrier_id(%barrier3A)
    %iota3A = tpu.iota {dimensions = array<i32: 0>} : vector<16xi32>
    %broadcast_in_dim3A = arith.constant 2 : i32
    %broadcast_in_dim3A_16 = vector.broadcast %broadcast_in_dim3A : i32 to vector<16xi32>
    %lt3A_17 = arith.constant 2 : i32
    %lt3A_18 = arith.cmpi slt, %add3A, %lt3A_17 : i32
    %jit3A_19 = arith.constant 1 : i32
    %jit3A_20 = arith.constant 0 : i32
    %select_n3A_21 = arith.select %lt3A_18, %jit3A_19, %jit3A_20 : i32
    %add3A_22 = arith.constant 39 : i32
    %add3A_23 = arith.addi %add3A_22, %select_n3A_21 : i32
    %while3A_24 = arith.constant 0 : i32
    %while3A_25 = arith.constant 0 : i32
    %while3A_26 = arith.subi %add3A_23, %while3A_24 : i32
    %while3A_27 = arith.addi %while3A_24, %while3A_26 : i32
    %while3A_28 = arith.constant 1 : i32
    %while3A_29 = arith.divsi %while3A_26, %while3A_28 : i32
    %while3A_30 = arith.muli %while3A_29, %while3A_28 : i32
    %while3A_31 = arith.addi %while3A_24, %while3A_30 : i32
    %while3A_32 = arith.constant 1 : i32
    %while3A_33 = scf.for %while3A_49 = %while3A_24 to %while3A_31 step %while3A_32 iter_args(%while3A_50 = %while3A_25) -> (i32)  : i32 {
      %mul3A_51 = arith.constant 32 : i32
      %mul3A_52 = arith.muli %mul3A_51, %while3A_49 : i32
      %add3A_53 = arith.addi %add3A, %mul3A_52 : i32
      %mul3A_54 = arith.constant 640 : i32
      %mul3A_55 = arith.muli %add3A_53, %mul3A_54 : i32
      %dma_start3A = arith.constant 0 : i32
      %dma_start3A_56 = tpu.memref_slice %arg2[%dma_start3A, %mul3A_55] : memref<2x800000xi32, #tpu.memory_space<hbm>> -> memref<1x640xi32, #tpu.memory_space<hbm>>
      %dma_start3A_57 = tpu.memref_squeeze %dma_start3A_56 : memref<1x640xi32, #tpu.memory_space<hbm>> -> memref<640xi32, #tpu.memory_space<hbm>>
      %dma_start3A_58 = tpu.memref_slice %arg2[%dma_start3A, %mul3A_55] : memref<2x800000xi32, #tpu.memory_space<hbm>> -> memref<1x640xi32, #tpu.memory_space<hbm>>
      %dma_start3A_59 = tpu.memref_squeeze %dma_start3A_58 : memref<1x640xi32, #tpu.memory_space<hbm>> -> memref<640xi32, #tpu.memory_space<hbm>>
      tpu.enqueue_dma source(%dma_start3A_59 : memref<640xi32, #tpu.memory_space<hbm>>) target(%arg13 : memref<640xi32, #tpu.memory_space<vmem>>) target_semaphore(%arg17 : memref<!tpu.dma_semaphore, #tpu.memory_space<semaphore_mem>>)
      %dma_start3A_60 = tpu.memref_slice %arg3[%mul3A_55] : memref<800000xf32, #tpu.memory_space<hbm>> -> memref<640xf32, #tpu.memory_space<hbm>>
      %dma_start3A_61 = tpu.memref_slice %arg3[%mul3A_55] : memref<800000xf32, #tpu.memory_space<hbm>> -> memref<640xf32, #tpu.memory_space<hbm>>
      tpu.enqueue_dma source(%dma_start3A_61 : memref<640xf32, #tpu.memory_space<hbm>>) target(%arg15 : memref<640xf32, #tpu.memory_space<vmem>>) target_semaphore(%arg17 : memref<!tpu.dma_semaphore, #tpu.memory_space<semaphore_mem>>)
      %add3A_62 = arith.constant 0 : i32
      %add3A_63 = arith.addi %mul3A_55, %add3A_62 : i32
      %dma_start3A_64 = arith.constant 1 : i32
      %dma_start3A_65 = arith.constant 0 : i32
      %dma_start3A_66 = arith.constant 0 : i32
      %dma_start3A_67 = tpu.memref_slice %arg14[%dma_start3A_65, %dma_start3A_66] : memref<5x128xi32, #tpu.memory_space<vmem>> -> memref<1x128xi32, #tpu.memory_space<vmem>>
      %dma_start3A_68 = tpu.memref_squeeze %dma_start3A_67 : memref<1x128xi32, #tpu.memory_space<vmem>> -> memref<128xi32, #tpu.memory_space<vmem>>
      %dma_start3A_69 = tpu.memref_slice %arg2[%dma_start3A_64, %add3A_63] : memref<2x800000xi32, #tpu.memory_space<hbm>> -> memref<1x128xi32, #tpu.memory_space<hbm>>
      %dma_start3A_70 = tpu.memref_squeeze %dma_start3A_69 : memref<1x128xi32, #tpu.memory_space<hbm>> -> memref<128xi32, #tpu.memory_space<hbm>>
      %dma_start3A_71 = arith.constant 0 : i32
      %dma_start3A_72 = tpu.memref_slice %arg14[%dma_start3A_65, %dma_start3A_71] : memref<5x128xi32, #tpu.memory_space<vmem>> -> memref<1x128xi32, #tpu.memory_space<vmem>>
      %dma_start3A_73 = tpu.memref_squeeze %dma_start3A_72 : memref<1x128xi32, #tpu.memory_space<vmem>> -> memref<128xi32, #tpu.memory_space<vmem>>
      %dma_start3A_74 = tpu.memref_slice %arg2[%dma_start3A_64, %add3A_63] : memref<2x800000xi32, #tpu.memory_space<hbm>> -> memref<1x128xi32, #tpu.memory_space<hbm>>
      %dma_start3A_75 = tpu.memref_squeeze %dma_start3A_74 : memref<1x128xi32, #tpu.memory_space<hbm>> -> memref<128xi32, #tpu.memory_space<hbm>>
      tpu.enqueue_dma source(%dma_start3A_75 : memref<128xi32, #tpu.memory_space<hbm>>) target(%dma_start3A_73 : memref<128xi32, #tpu.memory_space<vmem>>) target_semaphore(%arg17 : memref<!tpu.dma_semaphore, #tpu.memory_space<semaphore_mem>>)
      %add3A_76 = arith.constant 128 : i32
      %add3A_77 = arith.addi %mul3A_55, %add3A_76 : i32
      %dma_start3A_78 = arith.constant 1 : i32
      %dma_start3A_79 = arith.constant 1 : i32
      %dma_start3A_80 = arith.constant 0 : i32
      %dma_start3A_81 = tpu.memref_slice %arg14[%dma_start3A_79, %dma_start3A_80] : memref<5x128xi32, #tpu.memory_space<vmem>> -> memref<1x128xi32, #tpu.memory_space<vmem>>
      %dma_start3A_82 = tpu.memref_squeeze %dma_start3A_81 : memref<1x128xi32, #tpu.memory_space<vmem>> -> memref<128xi32, #tpu.memory_space<vmem>>
      %dma_start3A_83 = tpu.memref_slice %arg2[%dma_start3A_78, %add3A_77] : memref<2x800000xi32, #tpu.memory_space<hbm>> -> memref<1x128xi32, #tpu.memory_space<hbm>>
      %dma_start3A_84 = tpu.memref_squeeze %dma_start3A_83 : memref<1x128xi32, #tpu.memory_space<hbm>> -> memref<128xi32, #tpu.memory_space<hbm>>
      %dma_start3A_85 = arith.constant 0 : i32
      %dma_start3A_86 = tpu.memref_slice %arg14[%dma_start3A_79, %dma_start3A_85] : memref<5x128xi32, #tpu.memory_space<vmem>> -> memref<1x128xi32, #tpu.memory_space<vmem>>
      %dma_start3A_87 = tpu.memref_squeeze %dma_start3A_86 : memref<1x128xi32, #tpu.memory_space<vmem>> -> memref<128xi32, #tpu.memory_space<vmem>>
      %dma_start3A_88 = tpu.memref_slice %arg2[%dma_start3A_78, %add3A_77] : memref<2x800000xi32, #tpu.memory_space<hbm>> -> memref<1x128xi32, #tpu.memory_space<hbm>>
      %dma_start3A_89 = tpu.memref_squeeze %dma_start3A_88 : memref<1x128xi32, #tpu.memory_space<hbm>> -> memref<128xi32, #tpu.memory_space<hbm>>
      tpu.enqueue_dma source(%dma_start3A_89 : memref<128xi32, #tpu.memory_space<hbm>>) target(%dma_start3A_87 : memref<128xi32, #tpu.memory_space<vmem>>) target_semaphore(%arg17 : memref<!tpu.dma_semaphore, #tpu.memory_space<semaphore_mem>>)
      %add3A_90 = arith.constant 256 : i32
      %add3A_91 = arith.addi %mul3A_55, %add3A_90 : i32
      %dma_start3A_92 = arith.constant 1 : i32
      %dma_start3A_93 = arith.constant 2 : i32
      %dma_start3A_94 = arith.constant 0 : i32
      %dma_start3A_95 = tpu.memref_slice %arg14[%dma_start3A_93, %dma_start3A_94] : memref<5x128xi32, #tpu.memory_space<vmem>> -> memref<1x128xi32, #tpu.memory_space<vmem>>
      %dma_start3A_96 = tpu.memref_squeeze %dma_start3A_95 : memref<1x128xi32, #tpu.memory_space<vmem>> -> memref<128xi32, #tpu.memory_space<vmem>>
      %dma_start3A_97 = tpu.memref_slice %arg2[%dma_start3A_92, %add3A_91] : memref<2x800000xi32, #tpu.memory_space<hbm>> -> memref<1x128xi32, #tpu.memory_space<hbm>>
      %dma_start3A_98 = tpu.memref_squeeze %dma_start3A_97 : memref<1x128xi32, #tpu.memory_space<hbm>> -> memref<128xi32, #tpu.memory_space<hbm>>
      %dma_start3A_99 = arith.constant 0 : i32
      %dma_start3A_100 = tpu.memref_slice %arg14[%dma_start3A_93, %dma_start3A_99] : memref<5x128xi32, #tpu.memory_space<vmem>> -> memref<1x128xi32, #tpu.memory_space<vmem>>
      %dma_start3A_101 = tpu.memref_squeeze %dma_start3A_100 : memref<1x128xi32, #tpu.memory_space<vmem>> -> memref<128xi32, #tpu.memory_space<vmem>>
      %dma_start3A_102 = tpu.memref_slice %arg2[%dma_start3A_92, %add3A_91] : memref<2x800000xi32, #tpu.memory_space<hbm>> -> memref<1x128xi32, #tpu.memory_space<hbm>>
      %dma_start3A_103 = tpu.memref_squeeze %dma_start3A_102 : memref<1x128xi32, #tpu.memory_space<hbm>> -> memref<128xi32, #tpu.memory_space<hbm>>
      tpu.enqueue_dma source(%dma_start3A_103 : memref<128xi32, #tpu.memory_space<hbm>>) target(%dma_start3A_101 : memref<128xi32, #tpu.memory_space<vmem>>) target_semaphore(%arg17 : memref<!tpu.dma_semaphore, #tpu.memory_space<semaphore_mem>>)
      %add3A_104 = arith.constant 384 : i32
      %add3A_105 = arith.addi %mul3A_55, %add3A_104 : i32
      %dma_start3A_106 = arith.constant 1 : i32
      %dma_start3A_107 = arith.constant 3 : i32
      %dma_start3A_108 = arith.constant 0 : i32
      %dma_start3A_109 = tpu.memref_slice %arg14[%dma_start3A_107, %dma_start3A_108] : memref<5x128xi32, #tpu.memory_space<vmem>> -> memref<1x128xi32, #tpu.memory_space<vmem>>
      %dma_start3A_110 = tpu.memref_squeeze %dma_start3A_109 : memref<1x128xi32, #tpu.memory_space<vmem>> -> memref<128xi32, #tpu.memory_space<vmem>>
      %dma_start3A_111 = tpu.memref_slice %arg2[%dma_start3A_106, %add3A_105] : memref<2x800000xi32, #tpu.memory_space<hbm>> -> memref<1x128xi32, #tpu.memory_space<hbm>>
      %dma_start3A_112 = tpu.memref_squeeze %dma_start3A_111 : memref<1x128xi32, #tpu.memory_space<hbm>> -> memref<128xi32, #tpu.memory_space<hbm>>
      %dma_start3A_113 = arith.constant 0 : i32
      %dma_start3A_114 = tpu.memref_slice %arg14[%dma_start3A_107, %dma_start3A_113] : memref<5x128xi32, #tpu.memory_space<vmem>> -> memref<1x128xi32, #tpu.memory_space<vmem>>
      %dma_start3A_115 = tpu.memref_squeeze %dma_start3A_114 : memref<1x128xi32, #tpu.memory_space<vmem>> -> memref<128xi32, #tpu.memory_space<vmem>>
      %dma_start3A_116 = tpu.memref_slice %arg2[%dma_start3A_106, %add3A_105] : memref<2x800000xi32, #tpu.memory_space<hbm>> -> memref<1x128xi32, #tpu.memory_space<hbm>>
      %dma_start3A_117 = tpu.memref_squeeze %dma_start3A_116 : memref<1x128xi32, #tpu.memory_space<hbm>> -> memref<128xi32, #tpu.memory_space<hbm>>
      tpu.enqueue_dma source(%dma_start3A_117 : memref<128xi32, #tpu.memory_space<hbm>>) target(%dma_start3A_115 : memref<128xi32, #tpu.memory_space<vmem>>) target_semaphore(%arg17 : memref<!tpu.dma_semaphore, #tpu.memory_space<semaphore_mem>>)
      %add3A_118 = arith.constant 512 : i32
      %add3A_119 = arith.addi %mul3A_55, %add3A_118 : i32
      %dma_start3A_120 = arith.constant 1 : i32
      %dma_start3A_121 = arith.constant 4 : i32
      %dma_start3A_122 = arith.constant 0 : i32
      %dma_start3A_123 = tpu.memref_slice %arg14[%dma_start3A_121, %dma_start3A_122] : memref<5x128xi32, #tpu.memory_space<vmem>> -> memref<1x128xi32, #tpu.memory_space<vmem>>
      %dma_start3A_124 = tpu.memref_squeeze %dma_start3A_123 : memref<1x128xi32, #tpu.memory_space<vmem>> -> memref<128xi32, #tpu.memory_space<vmem>>
      %dma_start3A_125 = tpu.memref_slice %arg2[%dma_start3A_120, %add3A_119] : memref<2x800000xi32, #tpu.memory_space<hbm>> -> memref<1x128xi32, #tpu.memory_space<hbm>>
      %dma_start3A_126 = tpu.memref_squeeze %dma_start3A_125 : memref<1x128xi32, #tpu.memory_space<hbm>> -> memref<128xi32, #tpu.memory_space<hbm>>
      %dma_start3A_127 = arith.constant 0 : i32
      %dma_start3A_128 = tpu.memref_slice %arg14[%dma_start3A_121, %dma_start3A_127] : memref<5x128xi32, #tpu.memory_space<vmem>> -> memref<1x128xi32, #tpu.memory_space<vmem>>
      %dma_start3A_129 = tpu.memref_squeeze %dma_start3A_128 : memref<1x128xi32, #tpu.memory_space<vmem>> -> memref<128xi32, #tpu.memory_space<vmem>>
      %dma_start3A_130 = tpu.memref_slice %arg2[%dma_start3A_120, %add3A_119] : memref<2x800000xi32, #tpu.memory_space<hbm>> -> memref<1x128xi32, #tpu.memory_space<hbm>>
      %dma_start3A_131 = tpu.memref_squeeze %dma_start3A_130 : memref<1x128xi32, #tpu.memory_space<hbm>> -> memref<128xi32, #tpu.memory_space<hbm>>
      tpu.enqueue_dma source(%dma_start3A_131 : memref<128xi32, #tpu.memory_space<hbm>>) target(%dma_start3A_129 : memref<128xi32, #tpu.memory_space<vmem>>) target_semaphore(%arg17 : memref<!tpu.dma_semaphore, #tpu.memory_space<semaphore_mem>>)
      %dma_wait3A = arith.constant 0 : i32
      %dma_wait3A_132 = tpu.memref_slice %arg2[%dma_wait3A, %mul3A_55] : memref<2x800000xi32, #tpu.memory_space<hbm>> -> memref<1x640xi32, #tpu.memory_space<hbm>>
      %dma_wait3A_133 = tpu.memref_squeeze %dma_wait3A_132 : memref<1x640xi32, #tpu.memory_space<hbm>> -> memref<640xi32, #tpu.memory_space<hbm>>
      %dma_wait3A_134 = tpu.memref_slice %arg2[%dma_wait3A, %mul3A_55] : memref<2x800000xi32, #tpu.memory_space<hbm>> -> memref<1x640xi32, #tpu.memory_space<hbm>>
      %dma_wait3A_135 = tpu.memref_squeeze %dma_wait3A_134 : memref<1x640xi32, #tpu.memory_space<hbm>> -> memref<640xi32, #tpu.memory_space<hbm>>
      tpu.wait_dma2 semaphore(%arg17 : memref<!tpu.dma_semaphore, #tpu.memory_space<semaphore_mem>>) src(%dma_wait3A_135 : memref<640xi32, #tpu.memory_space<hbm>>) dst(%arg13 : memref<640xi32, #tpu.memory_space<vmem>>)
      %dma_wait3A_136 = tpu.memref_slice %arg3[%mul3A_55] : memref<800000xf32, #tpu.memory_space<hbm>> -> memref<640xf32, #tpu.memory_space<hbm>>
      %dma_wait3A_137 = tpu.memref_slice %arg3[%mul3A_55] : memref<800000xf32, #tpu.memory_space<hbm>> -> memref<640xf32, #tpu.memory_space<hbm>>
      tpu.wait_dma2 semaphore(%arg17 : memref<!tpu.dma_semaphore, #tpu.memory_space<semaphore_mem>>) src(%dma_wait3A_137 : memref<640xf32, #tpu.memory_space<hbm>>) dst(%arg15 : memref<640xf32, #tpu.memory_space<vmem>>)
      %dma_wait3A_138 = arith.constant 1 : i32
      %dma_wait3A_139 = arith.constant 0 : i32
      %dma_wait3A_140 = arith.constant 0 : i32
      %dma_wait3A_141 = tpu.memref_slice %arg14[%dma_wait3A_139, %dma_wait3A_140] : memref<5x128xi32, #tpu.memory_space<vmem>> -> memref<1x128xi32, #tpu.memory_space<vmem>>
      %dma_wait3A_142 = tpu.memref_squeeze %dma_wait3A_141 : memref<1x128xi32, #tpu.memory_space<vmem>> -> memref<128xi32, #tpu.memory_space<vmem>>
      %dma_wait3A_143 = tpu.memref_slice %arg2[%dma_wait3A_138, %add3A_63] : memref<2x800000xi32, #tpu.memory_space<hbm>> -> memref<1x128xi32, #tpu.memory_space<hbm>>
      %dma_wait3A_144 = tpu.memref_squeeze %dma_wait3A_143 : memref<1x128xi32, #tpu.memory_space<hbm>> -> memref<128xi32, #tpu.memory_space<hbm>>
      %dma_wait3A_145 = arith.constant 0 : i32
      %dma_wait3A_146 = tpu.memref_slice %arg14[%dma_wait3A_139, %dma_wait3A_145] : memref<5x128xi32, #tpu.memory_space<vmem>> -> memref<1x128xi32, #tpu.memory_space<vmem>>
      %dma_wait3A_147 = tpu.memref_squeeze %dma_wait3A_146 : memref<1x128xi32, #tpu.memory_space<vmem>> -> memref<128xi32, #tpu.memory_space<vmem>>
      %dma_wait3A_148 = tpu.memref_slice %arg2[%dma_wait3A_138, %add3A_63] : memref<2x800000xi32, #tpu.memory_space<hbm>> -> memref<1x128xi32, #tpu.memory_space<hbm>>
      %dma_wait3A_149 = tpu.memref_squeeze %dma_wait3A_148 : memref<1x128xi32, #tpu.memory_space<hbm>> -> memref<128xi32, #tpu.memory_space<hbm>>
      tpu.wait_dma2 semaphore(%arg17 : memref<!tpu.dma_semaphore, #tpu.memory_space<semaphore_mem>>) src(%dma_wait3A_149 : memref<128xi32, #tpu.memory_space<hbm>>) dst(%dma_wait3A_147 : memref<128xi32, #tpu.memory_space<vmem>>)
      %dma_wait3A_150 = arith.constant 1 : i32
      %dma_wait3A_151 = arith.constant 1 : i32
      %dma_wait3A_152 = arith.constant 0 : i32
      %dma_wait3A_153 = tpu.memref_slice %arg14[%dma_wait3A_151, %dma_wait3A_152] : memref<5x128xi32, #tpu.memory_space<vmem>> -> memref<1x128xi32, #tpu.memory_space<vmem>>
      %dma_wait3A_154 = tpu.memref_squeeze %dma_wait3A_153 : memref<1x128xi32, #tpu.memory_space<vmem>> -> memref<128xi32, #tpu.memory_space<vmem>>
      %dma_wait3A_155 = tpu.memref_slice %arg2[%dma_wait3A_150, %add3A_77] : memref<2x800000xi32, #tpu.memory_space<hbm>> -> memref<1x128xi32, #tpu.memory_space<hbm>>
      %dma_wait3A_156 = tpu.memref_squeeze %dma_wait3A_155 : memref<1x128xi32, #tpu.memory_space<hbm>> -> memref<128xi32, #tpu.memory_space<hbm>>
      %dma_wait3A_157 = arith.constant 0 : i32
      %dma_wait3A_158 = tpu.memref_slice %arg14[%dma_wait3A_151, %dma_wait3A_157] : memref<5x128xi32, #tpu.memory_space<vmem>> -> memref<1x128xi32, #tpu.memory_space<vmem>>
      %dma_wait3A_159 = tpu.memref_squeeze %dma_wait3A_158 : memref<1x128xi32, #tpu.memory_space<vmem>> -> memref<128xi32, #tpu.memory_space<vmem>>
      %dma_wait3A_160 = tpu.memref_slice %arg2[%dma_wait3A_150, %add3A_77] : memref<2x800000xi32, #tpu.memory_space<hbm>> -> memref<1x128xi32, #tpu.memory_space<hbm>>
      %dma_wait3A_161 = tpu.memref_squeeze %dma_wait3A_160 : memref<1x128xi32, #tpu.memory_space<hbm>> -> memref<128xi32, #tpu.memory_space<hbm>>
      tpu.wait_dma2 semaphore(%arg17 : memref<!tpu.dma_semaphore, #tpu.memory_space<semaphore_mem>>) src(%dma_wait3A_161 : memref<128xi32, #tpu.memory_space<hbm>>) dst(%dma_wait3A_159 : memref<128xi32, #tpu.memory_space<vmem>>)
      %dma_wait3A_162 = arith.constant 1 : i32
      %dma_wait3A_163 = arith.constant 2 : i32
      %dma_wait3A_164 = arith.constant 0 : i32
      %dma_wait3A_165 = tpu.memref_slice %arg14[%dma_wait3A_163, %dma_wait3A_164] : memref<5x128xi32, #tpu.memory_space<vmem>> -> memref<1x128xi32, #tpu.memory_space<vmem>>
      %dma_wait3A_166 = tpu.memref_squeeze %dma_wait3A_165 : memref<1x128xi32, #tpu.memory_space<vmem>> -> memref<128xi32, #tpu.memory_space<vmem>>
      %dma_wait3A_167 = tpu.memref_slice %arg2[%dma_wait3A_162, %add3A_91] : memref<2x800000xi32, #tpu.memory_space<hbm>> -> memref<1x128xi32, #tpu.memory_space<hbm>>
      %dma_wait3A_168 = tpu.memref_squeeze %dma_wait3A_167 : memref<1x128xi32, #tpu.memory_space<hbm>> -> memref<128xi32, #tpu.memory_space<hbm>>
      %dma_wait3A_169 = arith.constant 0 : i32
      %dma_wait3A_170 = tpu.memref_slice %arg14[%dma_wait3A_163, %dma_wait3A_169] : memref<5x128xi32, #tpu.memory_space<vmem>> -> memref<1x128xi32, #tpu.memory_space<vmem>>
      %dma_wait3A_171 = tpu.memref_squeeze %dma_wait3A_170 : memref<1x128xi32, #tpu.memory_space<vmem>> -> memref<128xi32, #tpu.memory_space<vmem>>
      %dma_wait3A_172 = tpu.memref_slice %arg2[%dma_wait3A_162, %add3A_91] : memref<2x800000xi32, #tpu.memory_space<hbm>> -> memref<1x128xi32, #tpu.memory_space<hbm>>
      %dma_wait3A_173 = tpu.memref_squeeze %dma_wait3A_172 : memref<1x128xi32, #tpu.memory_space<hbm>> -> memref<128xi32, #tpu.memory_space<hbm>>
      tpu.wait_dma2 semaphore(%arg17 : memref<!tpu.dma_semaphore, #tpu.memory_space<semaphore_mem>>) src(%dma_wait3A_173 : memref<128xi32, #tpu.memory_space<hbm>>) dst(%dma_wait3A_171 : memref<128xi32, #tpu.memory_space<vmem>>)
      %dma_wait3A_174 = arith.constant 1 : i32
      %dma_wait3A_175 = arith.constant 3 : i32
      %dma_wait3A_176 = arith.constant 0 : i32
      %dma_wait3A_177 = tpu.memref_slice %arg14[%dma_wait3A_175, %dma_wait3A_176] : memref<5x128xi32, #tpu.memory_space<vmem>> -> memref<1x128xi32, #tpu.memory_space<vmem>>
      %dma_wait3A_178 = tpu.memref_squeeze %dma_wait3A_177 : memref<1x128xi32, #tpu.memory_space<vmem>> -> memref<128xi32, #tpu.memory_space<vmem>>
      %dma_wait3A_179 = tpu.memref_slice %arg2[%dma_wait3A_174, %add3A_105] : memref<2x800000xi32, #tpu.memory_space<hbm>> -> memref<1x128xi32, #tpu.memory_space<hbm>>
      %dma_wait3A_180 = tpu.memref_squeeze %dma_wait3A_179 : memref<1x128xi32, #tpu.memory_space<hbm>> -> memref<128xi32, #tpu.memory_space<hbm>>
      %dma_wait3A_181 = arith.constant 0 : i32
      %dma_wait3A_182 = tpu.memref_slice %arg14[%dma_wait3A_175, %dma_wait3A_181] : memref<5x128xi32, #tpu.memory_space<vmem>> -> memref<1x128xi32, #tpu.memory_space<vmem>>
      %dma_wait3A_183 = tpu.memref_squeeze %dma_wait3A_182 : memref<1x128xi32, #tpu.memory_space<vmem>> -> memref<128xi32, #tpu.memory_space<vmem>>
      %dma_wait3A_184 = tpu.memref_slice %arg2[%dma_wait3A_174, %add3A_105] : memref<2x800000xi32, #tpu.memory_space<hbm>> -> memref<1x128xi32, #tpu.memory_space<hbm>>
      %dma_wait3A_185 = tpu.memref_squeeze %dma_wait3A_184 : memref<1x128xi32, #tpu.memory_space<hbm>> -> memref<128xi32, #tpu.memory_space<hbm>>
      tpu.wait_dma2 semaphore(%arg17 : memref<!tpu.dma_semaphore, #tpu.memory_space<semaphore_mem>>) src(%dma_wait3A_185 : memref<128xi32, #tpu.memory_space<hbm>>) dst(%dma_wait3A_183 : memref<128xi32, #tpu.memory_space<vmem>>)
      %dma_wait3A_186 = arith.constant 1 : i32
      %dma_wait3A_187 = arith.constant 4 : i32
      %dma_wait3A_188 = arith.constant 0 : i32
      %dma_wait3A_189 = tpu.memref_slice %arg14[%dma_wait3A_187, %dma_wait3A_188] : memref<5x128xi32, #tpu.memory_space<vmem>> -> memref<1x128xi32, #tpu.memory_space<vmem>>
      %dma_wait3A_190 = tpu.memref_squeeze %dma_wait3A_189 : memref<1x128xi32, #tpu.memory_space<vmem>> -> memref<128xi32, #tpu.memory_space<vmem>>
      %dma_wait3A_191 = tpu.memref_slice %arg2[%dma_wait3A_186, %add3A_119] : memref<2x800000xi32, #tpu.memory_space<hbm>> -> memref<1x128xi32, #tpu.memory_space<hbm>>
      %dma_wait3A_192 = tpu.memref_squeeze %dma_wait3A_191 : memref<1x128xi32, #tpu.memory_space<hbm>> -> memref<128xi32, #tpu.memory_space<hbm>>
      %dma_wait3A_193 = arith.constant 0 : i32
      %dma_wait3A_194 = tpu.memref_slice %arg14[%dma_wait3A_187, %dma_wait3A_193] : memref<5x128xi32, #tpu.memory_space<vmem>> -> memref<1x128xi32, #tpu.memory_space<vmem>>
      %dma_wait3A_195 = tpu.memref_squeeze %dma_wait3A_194 : memref<1x128xi32, #tpu.memory_space<vmem>> -> memref<128xi32, #tpu.memory_space<vmem>>
      %dma_wait3A_196 = tpu.memref_slice %arg2[%dma_wait3A_186, %add3A_119] : memref<2x800000xi32, #tpu.memory_space<hbm>> -> memref<1x128xi32, #tpu.memory_space<hbm>>
      %dma_wait3A_197 = tpu.memref_squeeze %dma_wait3A_196 : memref<1x128xi32, #tpu.memory_space<hbm>> -> memref<128xi32, #tpu.memory_space<hbm>>
      tpu.wait_dma2 semaphore(%arg17 : memref<!tpu.dma_semaphore, #tpu.memory_space<semaphore_mem>>) src(%dma_wait3A_197 : memref<128xi32, #tpu.memory_space<hbm>>) dst(%dma_wait3A_195 : memref<128xi32, #tpu.memory_space<vmem>>)
      %dma_start3A_198 = arith.constant 0 : i32
      %dma_start3A_199 = tpu.memref_slice %arg13[%dma_start3A_198] : memref<640xi32, #tpu.memory_space<vmem>> -> memref<128xi32, #tpu.memory_space<vmem>>
      %dma_start3A_200 = arith.constant 0 : i32
      %dma_start3A_201 = arith.constant 0 : i32
      %dma_start3A_202 = tpu.memref_slice %arg4[%dma_start3A_200, %dma_start3A_201] : memref<50000x16xf32, #tpu.memory_space<hbm>> -> memref<50000x16xf32, #tpu.memory_space<hbm>>
      tpu.enqueue_indirect_dma source(%dma_start3A_202 : memref<50000x16xf32, #tpu.memory_space<hbm>>) target(%arg8 : memref<128x16xf32, #tpu.memory_space<vmem>>) offsets(%dma_start3A_199 : memref<128xi32, #tpu.memory_space<vmem>>) semaphore(%arg18 : memref<!tpu.dma_semaphore, #tpu.memory_space<semaphore_mem>>)
      %dma_start3A_203 = arith.constant 128 : i32
      %dma_start3A_204 = tpu.memref_slice %arg13[%dma_start3A_203] : memref<640xi32, #tpu.memory_space<vmem>> -> memref<128xi32, #tpu.memory_space<vmem>>
      %dma_start3A_205 = arith.constant 0 : i32
      %dma_start3A_206 = arith.constant 0 : i32
      %dma_start3A_207 = tpu.memref_slice %arg4[%dma_start3A_205, %dma_start3A_206] : memref<50000x16xf32, #tpu.memory_space<hbm>> -> memref<50000x16xf32, #tpu.memory_space<hbm>>
      tpu.enqueue_indirect_dma source(%dma_start3A_207 : memref<50000x16xf32, #tpu.memory_space<hbm>>) target(%arg9 : memref<128x16xf32, #tpu.memory_space<vmem>>) offsets(%dma_start3A_204 : memref<128xi32, #tpu.memory_space<vmem>>) semaphore(%arg18 : memref<!tpu.dma_semaphore, #tpu.memory_space<semaphore_mem>>)
      %dma_start3A_208 = arith.constant 256 : i32
      %dma_start3A_209 = tpu.memref_slice %arg13[%dma_start3A_208] : memref<640xi32, #tpu.memory_space<vmem>> -> memref<128xi32, #tpu.memory_space<vmem>>
      %dma_start3A_210 = arith.constant 0 : i32
      %dma_start3A_211 = arith.constant 0 : i32
      %dma_start3A_212 = tpu.memref_slice %arg4[%dma_start3A_210, %dma_start3A_211] : memref<50000x16xf32, #tpu.memory_space<hbm>> -> memref<50000x16xf32, #tpu.memory_space<hbm>>
      tpu.enqueue_indirect_dma source(%dma_start3A_212 : memref<50000x16xf32, #tpu.memory_space<hbm>>) target(%arg10 : memref<128x16xf32, #tpu.memory_space<vmem>>) offsets(%dma_start3A_209 : memref<128xi32, #tpu.memory_space<vmem>>) semaphore(%arg18 : memref<!tpu.dma_semaphore, #tpu.memory_space<semaphore_mem>>)
      %dma_start3A_213 = arith.constant 384 : i32
      %dma_start3A_214 = tpu.memref_slice %arg13[%dma_start3A_213] : memref<640xi32, #tpu.memory_space<vmem>> -> memref<128xi32, #tpu.memory_space<vmem>>
      %dma_start3A_215 = arith.constant 0 : i32
      %dma_start3A_216 = arith.constant 0 : i32
      %dma_start3A_217 = tpu.memref_slice %arg4[%dma_start3A_215, %dma_start3A_216] : memref<50000x16xf32, #tpu.memory_space<hbm>> -> memref<50000x16xf32, #tpu.memory_space<hbm>>
      tpu.enqueue_indirect_dma source(%dma_start3A_217 : memref<50000x16xf32, #tpu.memory_space<hbm>>) target(%arg11 : memref<128x16xf32, #tpu.memory_space<vmem>>) offsets(%dma_start3A_214 : memref<128xi32, #tpu.memory_space<vmem>>) semaphore(%arg18 : memref<!tpu.dma_semaphore, #tpu.memory_space<semaphore_mem>>)
      %dma_start3A_218 = arith.constant 512 : i32
      %dma_start3A_219 = tpu.memref_slice %arg13[%dma_start3A_218] : memref<640xi32, #tpu.memory_space<vmem>> -> memref<128xi32, #tpu.memory_space<vmem>>
      %dma_start3A_220 = arith.constant 0 : i32
      %dma_start3A_221 = arith.constant 0 : i32
      %dma_start3A_222 = tpu.memref_slice %arg4[%dma_start3A_220, %dma_start3A_221] : memref<50000x16xf32, #tpu.memory_space<hbm>> -> memref<50000x16xf32, #tpu.memory_space<hbm>>
      tpu.enqueue_indirect_dma source(%dma_start3A_222 : memref<50000x16xf32, #tpu.memory_space<hbm>>) target(%arg12 : memref<128x16xf32, #tpu.memory_space<vmem>>) offsets(%dma_start3A_219 : memref<128xi32, #tpu.memory_space<vmem>>) semaphore(%arg18 : memref<!tpu.dma_semaphore, #tpu.memory_space<semaphore_mem>>)
      %dma_wait3A_223 = arith.constant 0 : i32
      %dma_wait3A_224 = tpu.memref_slice %arg13[%dma_wait3A_223] : memref<640xi32, #tpu.memory_space<vmem>> -> memref<128xi32, #tpu.memory_space<vmem>>
      %dma_wait3A_225 = arith.constant 0 : i32
      %dma_wait3A_226 = arith.constant 0 : i32
      %dma_wait3A_227 = tpu.memref_slice %arg4[%dma_wait3A_225, %dma_wait3A_226] : memref<50000x16xf32, #tpu.memory_space<hbm>> -> memref<50000x16xf32, #tpu.memory_space<hbm>>
      tpu.wait_indirect_dma semaphore(%arg18 : memref<!tpu.dma_semaphore, #tpu.memory_space<semaphore_mem>>) src(%dma_wait3A_227 : memref<50000x16xf32, #tpu.memory_space<hbm>>) dst(%arg8 : memref<128x16xf32, #tpu.memory_space<vmem>>)
      %get3A = arith.constant 0 : index
      %get3A_228 = tpu.vector_load %arg15[%get3A] {strides = array<i32>} : memref<640xf32, #tpu.memory_space<vmem>>, vector<16xf32>,
      %add3A_229 = arith.constant 0 : i32
      %add3A_230 = vector.broadcast %add3A_229 : i32 to vector<16xi32>
      %add3A_231 = arith.addi %iota3A, %add3A_230 : vector<16xi32>
      %max3A = arith.constant 0.000000e+00 : f32
      %max3A_232 = vector.broadcast %max3A : f32 to vector<16xf32>
      %max3A_233 = arith.maximumf %get3A_228, %max3A_232 : vector<16xf32>
      tpu.vector_store_idx %arg8[%add3A_231, %broadcast_in_dim3A_16], %max3A_233 : memref<128x16xf32, #tpu.memory_space<vmem>>[vector<16xi32>, vector<16xi32>], vector<16xf32>,
      %add3A_234 = arith.constant 1 : i32
      %add3A_235 = vector.broadcast %add3A_234 : i32 to vector<16xi32>
      %add3A_236 = arith.addi %broadcast_in_dim3A_16, %add3A_235 : vector<16xi32>
      %neg3A = arith.constant 0.000000e+00 : f32
      %neg3A_237 = vector.broadcast %neg3A : f32 to vector<16xf32>
      %neg3A_238 = arith.subf %neg3A_237, %get3A_228 : vector<16xf32>
      %max3A_239 = arith.constant 0.000000e+00 : f32
      %max3A_240 = vector.broadcast %max3A_239 : f32 to vector<16xf32>
      %max3A_241 = arith.maximumf %neg3A_238, %max3A_240 : vector<16xf32>
      tpu.vector_store_idx %arg8[%add3A_231, %add3A_236], %max3A_241 : memref<128x16xf32, #tpu.memory_space<vmem>>[vector<16xi32>, vector<16xi32>], vector<16xf32>,
      %get3A_242 = arith.constant 16 : index
      %get3A_243 = tpu.vector_load %arg15[%get3A_242] {strides = array<i32>} : memref<640xf32, #tpu.memory_space<vmem>>, vector<16xf32>,
      %add3A_244 = arith.constant 16 : i32
      %add3A_245 = vector.broadcast %add3A_244 : i32 to vector<16xi32>
      %add3A_246 = arith.addi %iota3A, %add3A_245 : vector<16xi32>
      %max3A_247 = arith.constant 0.000000e+00 : f32
      %max3A_248 = vector.broadcast %max3A_247 : f32 to vector<16xf32>
      %max3A_249 = arith.maximumf %get3A_243, %max3A_248 : vector<16xf32>
      tpu.vector_store_idx %arg8[%add3A_246, %broadcast_in_dim3A_16], %max3A_249 : memref<128x16xf32, #tpu.memory_space<vmem>>[vector<16xi32>, vector<16xi32>], vector<16xf32>,
      %add3A_250 = arith.constant 1 : i32
      %add3A_251 = vector.broadcast %add3A_250 : i32 to vector<16xi32>
      %add3A_252 = arith.addi %broadcast_in_dim3A_16, %add3A_251 : vector<16xi32>
      %neg3A_253 = arith.constant 0.000000e+00 : f32
      %neg3A_254 = vector.broadcast %neg3A_253 : f32 to vector<16xf32>
      %neg3A_255 = arith.subf %neg3A_254, %get3A_243 : vector<16xf32>
      %max3A_256 = arith.constant 0.000000e+00 : f32
      %max3A_257 = vector.broadcast %max3A_256 : f32 to vector<16xf32>
      %max3A_258 = arith.maximumf %neg3A_255, %max3A_257 : vector<16xf32>
      tpu.vector_store_idx %arg8[%add3A_246, %add3A_252], %max3A_258 : memref<128x16xf32, #tpu.memory_space<vmem>>[vector<16xi32>, vector<16xi32>], vector<16xf32>,
      %get3A_259 = arith.constant 32 : index
      %get3A_260 = tpu.vector_load %arg15[%get3A_259] {strides = array<i32>} : memref<640xf32, #tpu.memory_space<vmem>>, vector<16xf32>,
      %add3A_261 = arith.constant 32 : i32
      %add3A_262 = vector.broadcast %add3A_261 : i32 to vector<16xi32>
      %add3A_263 = arith.addi %iota3A, %add3A_262 : vector<16xi32>
      %max3A_264 = arith.constant 0.000000e+00 : f32
      %max3A_265 = vector.broadcast %max3A_264 : f32 to vector<16xf32>
      %max3A_266 = arith.maximumf %get3A_260, %max3A_265 : vector<16xf32>
      tpu.vector_store_idx %arg8[%add3A_263, %broadcast_in_dim3A_16], %max3A_266 : memref<128x16xf32, #tpu.memory_space<vmem>>[vector<16xi32>, vector<16xi32>], vector<16xf32>,
      %add3A_267 = arith.constant 1 : i32
      %add3A_268 = vector.broadcast %add3A_267 : i32 to vector<16xi32>
      %add3A_269 = arith.addi %broadcast_in_dim3A_16, %add3A_268 : vector<16xi32>
      %neg3A_270 = arith.constant 0.000000e+00 : f32
      %neg3A_271 = vector.broadcast %neg3A_270 : f32 to vector<16xf32>
      %neg3A_272 = arith.subf %neg3A_271, %get3A_260 : vector<16xf32>
      %max3A_273 = arith.constant 0.000000e+00 : f32
      %max3A_274 = vector.broadcast %max3A_273 : f32 to vector<16xf32>
      %max3A_275 = arith.maximumf %neg3A_272, %max3A_274 : vector<16xf32>
      tpu.vector_store_idx %arg8[%add3A_263, %add3A_269], %max3A_275 : memref<128x16xf32, #tpu.memory_space<vmem>>[vector<16xi32>, vector<16xi32>], vector<16xf32>,
      %get3A_276 = arith.constant 48 : index
      %get3A_277 = tpu.vector_load %arg15[%get3A_276] {strides = array<i32>} : memref<640xf32, #tpu.memory_space<vmem>>, vector<16xf32>,
      %add3A_278 = arith.constant 48 : i32
      %add3A_279 = vector.broadcast %add3A_278 : i32 to vector<16xi32>
      %add3A_280 = arith.addi %iota3A, %add3A_279 : vector<16xi32>
      %max3A_281 = arith.constant 0.000000e+00 : f32
      %max3A_282 = vector.broadcast %max3A_281 : f32 to vector<16xf32>
      %max3A_283 = arith.maximumf %get3A_277, %max3A_282 : vector<16xf32>
      tpu.vector_store_idx %arg8[%add3A_280, %broadcast_in_dim3A_16], %max3A_283 : memref<128x16xf32, #tpu.memory_space<vmem>>[vector<16xi32>, vector<16xi32>], vector<16xf32>,
      %add3A_284 = arith.constant 1 : i32
      %add3A_285 = vector.broadcast %add3A_284 : i32 to vector<16xi32>
      %add3A_286 = arith.addi %broadcast_in_dim3A_16, %add3A_285 : vector<16xi32>
      %neg3A_287 = arith.constant 0.000000e+00 : f32
      %neg3A_288 = vector.broadcast %neg3A_287 : f32 to vector<16xf32>
      %neg3A_289 = arith.subf %neg3A_288, %get3A_277 : vector<16xf32>
      %max3A_290 = arith.constant 0.000000e+00 : f32
      %max3A_291 = vector.broadcast %max3A_290 : f32 to vector<16xf32>
      %max3A_292 = arith.maximumf %neg3A_289, %max3A_291 : vector<16xf32>
      tpu.vector_store_idx %arg8[%add3A_280, %add3A_286], %max3A_292 : memref<128x16xf32, #tpu.memory_space<vmem>>[vector<16xi32>, vector<16xi32>], vector<16xf32>,
      %get3A_293 = arith.constant 64 : index
      %get3A_294 = tpu.vector_load %arg15[%get3A_293] {strides = array<i32>} : memref<640xf32, #tpu.memory_space<vmem>>, vector<16xf32>,
      %add3A_295 = arith.constant 64 : i32
      %add3A_296 = vector.broadcast %add3A_295 : i32 to vector<16xi32>
      %add3A_297 = arith.addi %iota3A, %add3A_296 : vector<16xi32>
      %max3A_298 = arith.constant 0.000000e+00 : f32
      %max3A_299 = vector.broadcast %max3A_298 : f32 to vector<16xf32>
      %max3A_300 = arith.maximumf %get3A_294, %max3A_299 : vector<16xf32>
      tpu.vector_store_idx %arg8[%add3A_297, %broadcast_in_dim3A_16], %max3A_300 : memref<128x16xf32, #tpu.memory_space<vmem>>[vector<16xi32>, vector<16xi32>], vector<16xf32>,
      %add3A_301 = arith.constant 1 : i32
      %add3A_302 = vector.broadcast %add3A_301 : i32 to vector<16xi32>
      %add3A_303 = arith.addi %broadcast_in_dim3A_16, %add3A_302 : vector<16xi32>
      %neg3A_304 = arith.constant 0.000000e+00 : f32
      %neg3A_305 = vector.broadcast %neg3A_304 : f32 to vector<16xf32>
      %neg3A_306 = arith.subf %neg3A_305, %get3A_294 : vector<16xf32>
      %max3A_307 = arith.constant 0.000000e+00 : f32
      %max3A_308 = vector.broadcast %max3A_307 : f32 to vector<16xf32>
      %max3A_309 = arith.maximumf %neg3A_306, %max3A_308 : vector<16xf32>
      tpu.vector_store_idx %arg8[%add3A_297, %add3A_303], %max3A_309 : memref<128x16xf32, #tpu.memory_space<vmem>>[vector<16xi32>, vector<16xi32>], vector<16xf32>,
      %get3A_310 = arith.constant 80 : index
      %get3A_311 = tpu.vector_load %arg15[%get3A_310] {strides = array<i32>} : memref<640xf32, #tpu.memory_space<vmem>>, vector<16xf32>,
      %add3A_312 = arith.constant 80 : i32
      %add3A_313 = vector.broadcast %add3A_312 : i32 to vector<16xi32>
      %add3A_314 = arith.addi %iota3A, %add3A_313 : vector<16xi32>
      %max3A_315 = arith.constant 0.000000e+00 : f32
      %max3A_316 = vector.broadcast %max3A_315 : f32 to vector<16xf32>
      %max3A_317 = arith.maximumf %get3A_311, %max3A_316 : vector<16xf32>
      tpu.vector_store_idx %arg8[%add3A_314, %broadcast_in_dim3A_16], %max3A_317 : memref<128x16xf32, #tpu.memory_space<vmem>>[vector<16xi32>, vector<16xi32>], vector<16xf32>,
      %add3A_318 = arith.constant 1 : i32
      %add3A_319 = vector.broadcast %add3A_318 : i32 to vector<16xi32>
      %add3A_320 = arith.addi %broadcast_in_dim3A_16, %add3A_319 : vector<16xi32>
      %neg3A_321 = arith.constant 0.000000e+00 : f32
      %neg3A_322 = vector.broadcast %neg3A_321 : f32 to vector<16xf32>
      %neg3A_323 = arith.subf %neg3A_322, %get3A_311 : vector<16xf32>
      %max3A_324 = arith.constant 0.000000e+00 : f32
      %max3A_325 = vector.broadcast %max3A_324 : f32 to vector<16xf32>
      %max3A_326 = arith.maximumf %neg3A_323, %max3A_325 : vector<16xf32>
      tpu.vector_store_idx %arg8[%add3A_314, %add3A_320], %max3A_326 : memref<128x16xf32, #tpu.memory_space<vmem>>[vector<16xi32>, vector<16xi32>], vector<16xf32>,
      %get3A_327 = arith.constant 96 : index
      %get3A_328 = tpu.vector_load %arg15[%get3A_327] {strides = array<i32>} : memref<640xf32, #tpu.memory_space<vmem>>, vector<16xf32>,
      %add3A_329 = arith.constant 96 : i32
      %add3A_330 = vector.broadcast %add3A_329 : i32 to vector<16xi32>
      %add3A_331 = arith.addi %iota3A, %add3A_330 : vector<16xi32>
      %max3A_332 = arith.constant 0.000000e+00 : f32
      %max3A_333 = vector.broadcast %max3A_332 : f32 to vector<16xf32>
      %max3A_334 = arith.maximumf %get3A_328, %max3A_333 : vector<16xf32>
      tpu.vector_store_idx %arg8[%add3A_331, %broadcast_in_dim3A_16], %max3A_334 : memref<128x16xf32, #tpu.memory_space<vmem>>[vector<16xi32>, vector<16xi32>], vector<16xf32>,
      %add3A_335 = arith.constant 1 : i32
      %add3A_336 = vector.broadcast %add3A_335 : i32 to vector<16xi32>
      %add3A_337 = arith.addi %broadcast_in_dim3A_16, %add3A_336 : vector<16xi32>
      %neg3A_338 = arith.constant 0.000000e+00 : f32
      %neg3A_339 = vector.broadcast %neg3A_338 : f32 to vector<16xf32>
      %neg3A_340 = arith.subf %neg3A_339, %get3A_328 : vector<16xf32>
      %max3A_341 = arith.constant 0.000000e+00 : f32
      %max3A_342 = vector.broadcast %max3A_341 : f32 to vector<16xf32>
      %max3A_343 = arith.maximumf %neg3A_340, %max3A_342 : vector<16xf32>
      tpu.vector_store_idx %arg8[%add3A_331, %add3A_337], %max3A_343 : memref<128x16xf32, #tpu.memory_space<vmem>>[vector<16xi32>, vector<16xi32>], vector<16xf32>,
      %get3A_344 = arith.constant 112 : index
      %get3A_345 = tpu.vector_load %arg15[%get3A_344] {strides = array<i32>} : memref<640xf32, #tpu.memory_space<vmem>>, vector<16xf32>,
      %add3A_346 = arith.constant 112 : i32
      %add3A_347 = vector.broadcast %add3A_346 : i32 to vector<16xi32>
      %add3A_348 = arith.addi %iota3A, %add3A_347 : vector<16xi32>
      %max3A_349 = arith.constant 0.000000e+00 : f32
      %max3A_350 = vector.broadcast %max3A_349 : f32 to vector<16xf32>
      %max3A_351 = arith.maximumf %get3A_345, %max3A_350 : vector<16xf32>
      tpu.vector_store_idx %arg8[%add3A_348, %broadcast_in_dim3A_16], %max3A_351 : memref<128x16xf32, #tpu.memory_space<vmem>>[vector<16xi32>, vector<16xi32>], vector<16xf32>,
      %add3A_352 = arith.constant 1 : i32
      %add3A_353 = vector.broadcast %add3A_352 : i32 to vector<16xi32>
      %add3A_354 = arith.addi %broadcast_in_dim3A_16, %add3A_353 : vector<16xi32>
      %neg3A_355 = arith.constant 0.000000e+00 : f32
      %neg3A_356 = vector.broadcast %neg3A_355 : f32 to vector<16xf32>
      %neg3A_357 = arith.subf %neg3A_356, %get3A_345 : vector<16xf32>
      %max3A_358 = arith.constant 0.000000e+00 : f32
      %max3A_359 = vector.broadcast %max3A_358 : f32 to vector<16xf32>
      %max3A_360 = arith.maximumf %neg3A_357, %max3A_359 : vector<16xf32>
      tpu.vector_store_idx %arg8[%add3A_348, %add3A_354], %max3A_360 : memref<128x16xf32, #tpu.memory_space<vmem>>[vector<16xi32>, vector<16xi32>], vector<16xf32>,
      %run_scoped3A = arith.constant 0 : i32
      "tpu.region"() ({
        %run_scoped3A_930 = tpu.sem_alloc : memref<!tpu.dma_semaphore, #tpu.memory_space<semaphore_mem>>
        %dma_start3A_931 = arith.constant 0 : i32
        %dma_start3A_932 = tpu.memref_slice %arg14[%run_scoped3A, %dma_start3A_931] : memref<5x128xi32, #tpu.memory_space<vmem>> -> memref<1x128xi32, #tpu.memory_space<vmem>>
        %dma_start3A_933 = tpu.memref_squeeze %dma_start3A_932 : memref<1x128xi32, #tpu.memory_space<vmem>> -> memref<128xi32, #tpu.memory_space<vmem>>
        %dma_start3A_934 = arith.constant 0 : i32
        %dma_start3A_935 = arith.constant 0 : i32
        %dma_start3A_936 = tpu.memref_slice %arg7[%dma_start3A_934, %dma_start3A_935] : memref<50000x16xf32, #tpu.memory_space<vmem_shared>> -> memref<50000x16xf32, #tpu.memory_space<vmem_shared>>
        tpu.enqueue_indirect_dma source(%arg8 : memref<128x16xf32, #tpu.memory_space<vmem>>) target(%dma_start3A_936 : memref<50000x16xf32, #tpu.memory_space<vmem_shared>>) offsets(%dma_start3A_933 : memref<128xi32, #tpu.memory_space<vmem>>) semaphore(%run_scoped3A_930 : memref<!tpu.dma_semaphore, #tpu.memory_space<semaphore_mem>>) {add = true}
        %dma_wait3A_937 = arith.constant 0 : i32
        %dma_wait3A_938 = tpu.memref_slice %arg14[%run_scoped3A, %dma_wait3A_937] : memref<5x128xi32, #tpu.memory_space<vmem>> -> memref<1x128xi32, #tpu.memory_space<vmem>>
        %dma_wait3A_939 = tpu.memref_squeeze %dma_wait3A_938 : memref<1x128xi32, #tpu.memory_space<vmem>> -> memref<128xi32, #tpu.memory_space<vmem>>
        %dma_wait3A_940 = arith.constant 0 : i32
        %dma_wait3A_941 = arith.constant 0 : i32
        %dma_wait3A_942 = tpu.memref_slice %arg7[%dma_wait3A_940, %dma_wait3A_941] : memref<50000x16xf32, #tpu.memory_space<vmem_shared>> -> memref<50000x16xf32, #tpu.memory_space<vmem_shared>>
        tpu.wait_indirect_dma semaphore(%run_scoped3A_930 : memref<!tpu.dma_semaphore, #tpu.memory_space<semaphore_mem>>) src(%arg8 : memref<128x16xf32, #tpu.memory_space<vmem>>) dst(%dma_wait3A_942 : memref<50000x16xf32, #tpu.memory_space<vmem_shared>>)
        tpu.yield
      }) : () -> ()
      %dma_wait3A_361 = arith.constant 128 : i32
      %dma_wait3A_362 = tpu.memref_slice %arg13[%dma_wait3A_361] : memref<640xi32, #tpu.memory_space<vmem>> -> memref<128xi32, #tpu.memory_space<vmem>>
      %dma_wait3A_363 = arith.constant 0 : i32
      %dma_wait3A_364 = arith.constant 0 : i32
      %dma_wait3A_365 = tpu.memref_slice %arg4[%dma_wait3A_363, %dma_wait3A_364] : memref<50000x16xf32, #tpu.memory_space<hbm>> -> memref<50000x16xf32, #tpu.memory_space<hbm>>
      tpu.wait_indirect_dma semaphore(%arg18 : memref<!tpu.dma_semaphore, #tpu.memory_space<semaphore_mem>>) src(%dma_wait3A_365 : memref<50000x16xf32, #tpu.memory_space<hbm>>) dst(%arg9 : memref<128x16xf32, #tpu.memory_space<vmem>>)
      %get3A_366 = arith.constant 128 : index
      %get3A_367 = tpu.vector_load %arg15[%get3A_366] {strides = array<i32>} : memref<640xf32, #tpu.memory_space<vmem>>, vector<16xf32>,
      %add3A_368 = arith.constant 0 : i32
      %add3A_369 = vector.broadcast %add3A_368 : i32 to vector<16xi32>
      %add3A_370 = arith.addi %iota3A, %add3A_369 : vector<16xi32>
      %max3A_371 = arith.constant 0.000000e+00 : f32
      %max3A_372 = vector.broadcast %max3A_371 : f32 to vector<16xf32>
      %max3A_373 = arith.maximumf %get3A_367, %max3A_372 : vector<16xf32>
      tpu.vector_store_idx %arg9[%add3A_370, %broadcast_in_dim3A_16], %max3A_373 : memref<128x16xf32, #tpu.memory_space<vmem>>[vector<16xi32>, vector<16xi32>], vector<16xf32>,
      %add3A_374 = arith.constant 1 : i32
      %add3A_375 = vector.broadcast %add3A_374 : i32 to vector<16xi32>
      %add3A_376 = arith.addi %broadcast_in_dim3A_16, %add3A_375 : vector<16xi32>
      %neg3A_377 = arith.constant 0.000000e+00 : f32
      %neg3A_378 = vector.broadcast %neg3A_377 : f32 to vector<16xf32>
      %neg3A_379 = arith.subf %neg3A_378, %get3A_367 : vector<16xf32>
      %max3A_380 = arith.constant 0.000000e+00 : f32
      %max3A_381 = vector.broadcast %max3A_380 : f32 to vector<16xf32>
      %max3A_382 = arith.maximumf %neg3A_379, %max3A_381 : vector<16xf32>
      tpu.vector_store_idx %arg9[%add3A_370, %add3A_376], %max3A_382 : memref<128x16xf32, #tpu.memory_space<vmem>>[vector<16xi32>, vector<16xi32>], vector<16xf32>,
      %get3A_383 = arith.constant 144 : index
      %get3A_384 = tpu.vector_load %arg15[%get3A_383] {strides = array<i32>} : memref<640xf32, #tpu.memory_space<vmem>>, vector<16xf32>,
      %add3A_385 = arith.constant 16 : i32
      %add3A_386 = vector.broadcast %add3A_385 : i32 to vector<16xi32>
      %add3A_387 = arith.addi %iota3A, %add3A_386 : vector<16xi32>
      %max3A_388 = arith.constant 0.000000e+00 : f32
      %max3A_389 = vector.broadcast %max3A_388 : f32 to vector<16xf32>
      %max3A_390 = arith.maximumf %get3A_384, %max3A_389 : vector<16xf32>
      tpu.vector_store_idx %arg9[%add3A_387, %broadcast_in_dim3A_16], %max3A_390 : memref<128x16xf32, #tpu.memory_space<vmem>>[vector<16xi32>, vector<16xi32>], vector<16xf32>,
      %add3A_391 = arith.constant 1 : i32
      %add3A_392 = vector.broadcast %add3A_391 : i32 to vector<16xi32>
      %add3A_393 = arith.addi %broadcast_in_dim3A_16, %add3A_392 : vector<16xi32>
      %neg3A_394 = arith.constant 0.000000e+00 : f32
      %neg3A_395 = vector.broadcast %neg3A_394 : f32 to vector<16xf32>
      %neg3A_396 = arith.subf %neg3A_395, %get3A_384 : vector<16xf32>
      %max3A_397 = arith.constant 0.000000e+00 : f32
      %max3A_398 = vector.broadcast %max3A_397 : f32 to vector<16xf32>
      %max3A_399 = arith.maximumf %neg3A_396, %max3A_398 : vector<16xf32>
      tpu.vector_store_idx %arg9[%add3A_387, %add3A_393], %max3A_399 : memref<128x16xf32, #tpu.memory_space<vmem>>[vector<16xi32>, vector<16xi32>], vector<16xf32>,
      %get3A_400 = arith.constant 160 : index
      %get3A_401 = tpu.vector_load %arg15[%get3A_400] {strides = array<i32>} : memref<640xf32, #tpu.memory_space<vmem>>, vector<16xf32>,
      %add3A_402 = arith.constant 32 : i32
      %add3A_403 = vector.broadcast %add3A_402 : i32 to vector<16xi32>
      %add3A_404 = arith.addi %iota3A, %add3A_403 : vector<16xi32>
      %max3A_405 = arith.constant 0.000000e+00 : f32
      %max3A_406 = vector.broadcast %max3A_405 : f32 to vector<16xf32>
      %max3A_407 = arith.maximumf %get3A_401, %max3A_406 : vector<16xf32>
      tpu.vector_store_idx %arg9[%add3A_404, %broadcast_in_dim3A_16], %max3A_407 : memref<128x16xf32, #tpu.memory_space<vmem>>[vector<16xi32>, vector<16xi32>], vector<16xf32>,
      %add3A_408 = arith.constant 1 : i32
      %add3A_409 = vector.broadcast %add3A_408 : i32 to vector<16xi32>
      %add3A_410 = arith.addi %broadcast_in_dim3A_16, %add3A_409 : vector<16xi32>
      %neg3A_411 = arith.constant 0.000000e+00 : f32
      %neg3A_412 = vector.broadcast %neg3A_411 : f32 to vector<16xf32>
      %neg3A_413 = arith.subf %neg3A_412, %get3A_401 : vector<16xf32>
      %max3A_414 = arith.constant 0.000000e+00 : f32
      %max3A_415 = vector.broadcast %max3A_414 : f32 to vector<16xf32>
      %max3A_416 = arith.maximumf %neg3A_413, %max3A_415 : vector<16xf32>
      tpu.vector_store_idx %arg9[%add3A_404, %add3A_410], %max3A_416 : memref<128x16xf32, #tpu.memory_space<vmem>>[vector<16xi32>, vector<16xi32>], vector<16xf32>,
      %get3A_417 = arith.constant 176 : index
      %get3A_418 = tpu.vector_load %arg15[%get3A_417] {strides = array<i32>} : memref<640xf32, #tpu.memory_space<vmem>>, vector<16xf32>,
      %add3A_419 = arith.constant 48 : i32
      %add3A_420 = vector.broadcast %add3A_419 : i32 to vector<16xi32>
      %add3A_421 = arith.addi %iota3A, %add3A_420 : vector<16xi32>
      %max3A_422 = arith.constant 0.000000e+00 : f32
      %max3A_423 = vector.broadcast %max3A_422 : f32 to vector<16xf32>
      %max3A_424 = arith.maximumf %get3A_418, %max3A_423 : vector<16xf32>
      tpu.vector_store_idx %arg9[%add3A_421, %broadcast_in_dim3A_16], %max3A_424 : memref<128x16xf32, #tpu.memory_space<vmem>>[vector<16xi32>, vector<16xi32>], vector<16xf32>,
      %add3A_425 = arith.constant 1 : i32
      %add3A_426 = vector.broadcast %add3A_425 : i32 to vector<16xi32>
      %add3A_427 = arith.addi %broadcast_in_dim3A_16, %add3A_426 : vector<16xi32>
      %neg3A_428 = arith.constant 0.000000e+00 : f32
      %neg3A_429 = vector.broadcast %neg3A_428 : f32 to vector<16xf32>
      %neg3A_430 = arith.subf %neg3A_429, %get3A_418 : vector<16xf32>
      %max3A_431 = arith.constant 0.000000e+00 : f32
      %max3A_432 = vector.broadcast %max3A_431 : f32 to vector<16xf32>
      %max3A_433 = arith.maximumf %neg3A_430, %max3A_432 : vector<16xf32>
      tpu.vector_store_idx %arg9[%add3A_421, %add3A_427], %max3A_433 : memref<128x16xf32, #tpu.memory_space<vmem>>[vector<16xi32>, vector<16xi32>], vector<16xf32>,
      %get3A_434 = arith.constant 192 : index
      %get3A_435 = tpu.vector_load %arg15[%get3A_434] {strides = array<i32>} : memref<640xf32, #tpu.memory_space<vmem>>, vector<16xf32>,
      %add3A_436 = arith.constant 64 : i32
      %add3A_437 = vector.broadcast %add3A_436 : i32 to vector<16xi32>
      %add3A_438 = arith.addi %iota3A, %add3A_437 : vector<16xi32>
      %max3A_439 = arith.constant 0.000000e+00 : f32
      %max3A_440 = vector.broadcast %max3A_439 : f32 to vector<16xf32>
      %max3A_441 = arith.maximumf %get3A_435, %max3A_440 : vector<16xf32>
      tpu.vector_store_idx %arg9[%add3A_438, %broadcast_in_dim3A_16], %max3A_441 : memref<128x16xf32, #tpu.memory_space<vmem>>[vector<16xi32>, vector<16xi32>], vector<16xf32>,
      %add3A_442 = arith.constant 1 : i32
      %add3A_443 = vector.broadcast %add3A_442 : i32 to vector<16xi32>
      %add3A_444 = arith.addi %broadcast_in_dim3A_16, %add3A_443 : vector<16xi32>
      %neg3A_445 = arith.constant 0.000000e+00 : f32
      %neg3A_446 = vector.broadcast %neg3A_445 : f32 to vector<16xf32>
      %neg3A_447 = arith.subf %neg3A_446, %get3A_435 : vector<16xf32>
      %max3A_448 = arith.constant 0.000000e+00 : f32
      %max3A_449 = vector.broadcast %max3A_448 : f32 to vector<16xf32>
      %max3A_450 = arith.maximumf %neg3A_447, %max3A_449 : vector<16xf32>
      tpu.vector_store_idx %arg9[%add3A_438, %add3A_444], %max3A_450 : memref<128x16xf32, #tpu.memory_space<vmem>>[vector<16xi32>, vector<16xi32>], vector<16xf32>,
      %get3A_451 = arith.constant 208 : index
      %get3A_452 = tpu.vector_load %arg15[%get3A_451] {strides = array<i32>} : memref<640xf32, #tpu.memory_space<vmem>>, vector<16xf32>,
      %add3A_453 = arith.constant 80 : i32
      %add3A_454 = vector.broadcast %add3A_453 : i32 to vector<16xi32>
      %add3A_455 = arith.addi %iota3A, %add3A_454 : vector<16xi32>
      %max3A_456 = arith.constant 0.000000e+00 : f32
      %max3A_457 = vector.broadcast %max3A_456 : f32 to vector<16xf32>
      %max3A_458 = arith.maximumf %get3A_452, %max3A_457 : vector<16xf32>
      tpu.vector_store_idx %arg9[%add3A_455, %broadcast_in_dim3A_16], %max3A_458 : memref<128x16xf32, #tpu.memory_space<vmem>>[vector<16xi32>, vector<16xi32>], vector<16xf32>,
      %add3A_459 = arith.constant 1 : i32
      %add3A_460 = vector.broadcast %add3A_459 : i32 to vector<16xi32>
      %add3A_461 = arith.addi %broadcast_in_dim3A_16, %add3A_460 : vector<16xi32>
      %neg3A_462 = arith.constant 0.000000e+00 : f32
      %neg3A_463 = vector.broadcast %neg3A_462 : f32 to vector<16xf32>
      %neg3A_464 = arith.subf %neg3A_463, %get3A_452 : vector<16xf32>
      %max3A_465 = arith.constant 0.000000e+00 : f32
      %max3A_466 = vector.broadcast %max3A_465 : f32 to vector<16xf32>
      %max3A_467 = arith.maximumf %neg3A_464, %max3A_466 : vector<16xf32>
      tpu.vector_store_idx %arg9[%add3A_455, %add3A_461], %max3A_467 : memref<128x16xf32, #tpu.memory_space<vmem>>[vector<16xi32>, vector<16xi32>], vector<16xf32>,
      %get3A_468 = arith.constant 224 : index
      %get3A_469 = tpu.vector_load %arg15[%get3A_468] {strides = array<i32>} : memref<640xf32, #tpu.memory_space<vmem>>, vector<16xf32>,
      %add3A_470 = arith.constant 96 : i32
      %add3A_471 = vector.broadcast %add3A_470 : i32 to vector<16xi32>
      %add3A_472 = arith.addi %iota3A, %add3A_471 : vector<16xi32>
      %max3A_473 = arith.constant 0.000000e+00 : f32
      %max3A_474 = vector.broadcast %max3A_473 : f32 to vector<16xf32>
      %max3A_475 = arith.maximumf %get3A_469, %max3A_474 : vector<16xf32>
      tpu.vector_store_idx %arg9[%add3A_472, %broadcast_in_dim3A_16], %max3A_475 : memref<128x16xf32, #tpu.memory_space<vmem>>[vector<16xi32>, vector<16xi32>], vector<16xf32>,
      %add3A_476 = arith.constant 1 : i32
      %add3A_477 = vector.broadcast %add3A_476 : i32 to vector<16xi32>
      %add3A_478 = arith.addi %broadcast_in_dim3A_16, %add3A_477 : vector<16xi32>
      %neg3A_479 = arith.constant 0.000000e+00 : f32
      %neg3A_480 = vector.broadcast %neg3A_479 : f32 to vector<16xf32>
      %neg3A_481 = arith.subf %neg3A_480, %get3A_469 : vector<16xf32>
      %max3A_482 = arith.constant 0.000000e+00 : f32
      %max3A_483 = vector.broadcast %max3A_482 : f32 to vector<16xf32>
      %max3A_484 = arith.maximumf %neg3A_481, %max3A_483 : vector<16xf32>
      tpu.vector_store_idx %arg9[%add3A_472, %add3A_478], %max3A_484 : memref<128x16xf32, #tpu.memory_space<vmem>>[vector<16xi32>, vector<16xi32>], vector<16xf32>,
      %get3A_485 = arith.constant 240 : index
      %get3A_486 = tpu.vector_load %arg15[%get3A_485] {strides = array<i32>} : memref<640xf32, #tpu.memory_space<vmem>>, vector<16xf32>,
      %add3A_487 = arith.constant 112 : i32
      %add3A_488 = vector.broadcast %add3A_487 : i32 to vector<16xi32>
      %add3A_489 = arith.addi %iota3A, %add3A_488 : vector<16xi32>
      %max3A_490 = arith.constant 0.000000e+00 : f32
      %max3A_491 = vector.broadcast %max3A_490 : f32 to vector<16xf32>
      %max3A_492 = arith.maximumf %get3A_486, %max3A_491 : vector<16xf32>
      tpu.vector_store_idx %arg9[%add3A_489, %broadcast_in_dim3A_16], %max3A_492 : memref<128x16xf32, #tpu.memory_space<vmem>>[vector<16xi32>, vector<16xi32>], vector<16xf32>,
      %add3A_493 = arith.constant 1 : i32
      %add3A_494 = vector.broadcast %add3A_493 : i32 to vector<16xi32>
      %add3A_495 = arith.addi %broadcast_in_dim3A_16, %add3A_494 : vector<16xi32>
      %neg3A_496 = arith.constant 0.000000e+00 : f32
      %neg3A_497 = vector.broadcast %neg3A_496 : f32 to vector<16xf32>
      %neg3A_498 = arith.subf %neg3A_497, %get3A_486 : vector<16xf32>
      %max3A_499 = arith.constant 0.000000e+00 : f32
      %max3A_500 = vector.broadcast %max3A_499 : f32 to vector<16xf32>
      %max3A_501 = arith.maximumf %neg3A_498, %max3A_500 : vector<16xf32>
      tpu.vector_store_idx %arg9[%add3A_489, %add3A_495], %max3A_501 : memref<128x16xf32, #tpu.memory_space<vmem>>[vector<16xi32>, vector<16xi32>], vector<16xf32>,
      %run_scoped3A_502 = arith.constant 1 : i32
      "tpu.region"() ({
        %run_scoped3A_930 = tpu.sem_alloc : memref<!tpu.dma_semaphore, #tpu.memory_space<semaphore_mem>>
        %dma_start3A_931 = arith.constant 0 : i32
        %dma_start3A_932 = tpu.memref_slice %arg14[%run_scoped3A_502, %dma_start3A_931] : memref<5x128xi32, #tpu.memory_space<vmem>> -> memref<1x128xi32, #tpu.memory_space<vmem>>
        %dma_start3A_933 = tpu.memref_squeeze %dma_start3A_932 : memref<1x128xi32, #tpu.memory_space<vmem>> -> memref<128xi32, #tpu.memory_space<vmem>>
        %dma_start3A_934 = arith.constant 0 : i32
        %dma_start3A_935 = arith.constant 0 : i32
        %dma_start3A_936 = tpu.memref_slice %arg7[%dma_start3A_934, %dma_start3A_935] : memref<50000x16xf32, #tpu.memory_space<vmem_shared>> -> memref<50000x16xf32, #tpu.memory_space<vmem_shared>>
        tpu.enqueue_indirect_dma source(%arg9 : memref<128x16xf32, #tpu.memory_space<vmem>>) target(%dma_start3A_936 : memref<50000x16xf32, #tpu.memory_space<vmem_shared>>) offsets(%dma_start3A_933 : memref<128xi32, #tpu.memory_space<vmem>>) semaphore(%run_scoped3A_930 : memref<!tpu.dma_semaphore, #tpu.memory_space<semaphore_mem>>) {add = true}
        %dma_wait3A_937 = arith.constant 0 : i32
        %dma_wait3A_938 = tpu.memref_slice %arg14[%run_scoped3A_502, %dma_wait3A_937] : memref<5x128xi32, #tpu.memory_space<vmem>> -> memref<1x128xi32, #tpu.memory_space<vmem>>
        %dma_wait3A_939 = tpu.memref_squeeze %dma_wait3A_938 : memref<1x128xi32, #tpu.memory_space<vmem>> -> memref<128xi32, #tpu.memory_space<vmem>>
        %dma_wait3A_940 = arith.constant 0 : i32
        %dma_wait3A_941 = arith.constant 0 : i32
        %dma_wait3A_942 = tpu.memref_slice %arg7[%dma_wait3A_940, %dma_wait3A_941] : memref<50000x16xf32, #tpu.memory_space<vmem_shared>> -> memref<50000x16xf32, #tpu.memory_space<vmem_shared>>
        tpu.wait_indirect_dma semaphore(%run_scoped3A_930 : memref<!tpu.dma_semaphore, #tpu.memory_space<semaphore_mem>>) src(%arg9 : memref<128x16xf32, #tpu.memory_space<vmem>>) dst(%dma_wait3A_942 : memref<50000x16xf32, #tpu.memory_space<vmem_shared>>)
        tpu.yield
      }) : () -> ()
      %dma_wait3A_503 = arith.constant 256 : i32
      %dma_wait3A_504 = tpu.memref_slice %arg13[%dma_wait3A_503] : memref<640xi32, #tpu.memory_space<vmem>> -> memref<128xi32, #tpu.memory_space<vmem>>
      %dma_wait3A_505 = arith.constant 0 : i32
      %dma_wait3A_506 = arith.constant 0 : i32
      %dma_wait3A_507 = tpu.memref_slice %arg4[%dma_wait3A_505, %dma_wait3A_506] : memref<50000x16xf32, #tpu.memory_space<hbm>> -> memref<50000x16xf32, #tpu.memory_space<hbm>>
      tpu.wait_indirect_dma semaphore(%arg18 : memref<!tpu.dma_semaphore, #tpu.memory_space<semaphore_mem>>) src(%dma_wait3A_507 : memref<50000x16xf32, #tpu.memory_space<hbm>>) dst(%arg10 : memref<128x16xf32, #tpu.memory_space<vmem>>)
      %get3A_508 = arith.constant 256 : index
      %get3A_509 = tpu.vector_load %arg15[%get3A_508] {strides = array<i32>} : memref<640xf32, #tpu.memory_space<vmem>>, vector<16xf32>,
      %add3A_510 = arith.constant 0 : i32
      %add3A_511 = vector.broadcast %add3A_510 : i32 to vector<16xi32>
      %add3A_512 = arith.addi %iota3A, %add3A_511 : vector<16xi32>
      %max3A_513 = arith.constant 0.000000e+00 : f32
      %max3A_514 = vector.broadcast %max3A_513 : f32 to vector<16xf32>
      %max3A_515 = arith.maximumf %get3A_509, %max3A_514 : vector<16xf32>
      tpu.vector_store_idx %arg10[%add3A_512, %broadcast_in_dim3A_16], %max3A_515 : memref<128x16xf32, #tpu.memory_space<vmem>>[vector<16xi32>, vector<16xi32>], vector<16xf32>,
      %add3A_516 = arith.constant 1 : i32
      %add3A_517 = vector.broadcast %add3A_516 : i32 to vector<16xi32>
      %add3A_518 = arith.addi %broadcast_in_dim3A_16, %add3A_517 : vector<16xi32>
      %neg3A_519 = arith.constant 0.000000e+00 : f32
      %neg3A_520 = vector.broadcast %neg3A_519 : f32 to vector<16xf32>
      %neg3A_521 = arith.subf %neg3A_520, %get3A_509 : vector<16xf32>
      %max3A_522 = arith.constant 0.000000e+00 : f32
      %max3A_523 = vector.broadcast %max3A_522 : f32 to vector<16xf32>
      %max3A_524 = arith.maximumf %neg3A_521, %max3A_523 : vector<16xf32>
      tpu.vector_store_idx %arg10[%add3A_512, %add3A_518], %max3A_524 : memref<128x16xf32, #tpu.memory_space<vmem>>[vector<16xi32>, vector<16xi32>], vector<16xf32>,
      %get3A_525 = arith.constant 272 : index
      %get3A_526 = tpu.vector_load %arg15[%get3A_525] {strides = array<i32>} : memref<640xf32, #tpu.memory_space<vmem>>, vector<16xf32>,
      %add3A_527 = arith.constant 16 : i32
      %add3A_528 = vector.broadcast %add3A_527 : i32 to vector<16xi32>
      %add3A_529 = arith.addi %iota3A, %add3A_528 : vector<16xi32>
      %max3A_530 = arith.constant 0.000000e+00 : f32
      %max3A_531 = vector.broadcast %max3A_530 : f32 to vector<16xf32>
      %max3A_532 = arith.maximumf %get3A_526, %max3A_531 : vector<16xf32>
      tpu.vector_store_idx %arg10[%add3A_529, %broadcast_in_dim3A_16], %max3A_532 : memref<128x16xf32, #tpu.memory_space<vmem>>[vector<16xi32>, vector<16xi32>], vector<16xf32>,
      %add3A_533 = arith.constant 1 : i32
      %add3A_534 = vector.broadcast %add3A_533 : i32 to vector<16xi32>
      %add3A_535 = arith.addi %broadcast_in_dim3A_16, %add3A_534 : vector<16xi32>
      %neg3A_536 = arith.constant 0.000000e+00 : f32
      %neg3A_537 = vector.broadcast %neg3A_536 : f32 to vector<16xf32>
      %neg3A_538 = arith.subf %neg3A_537, %get3A_526 : vector<16xf32>
      %max3A_539 = arith.constant 0.000000e+00 : f32
      %max3A_540 = vector.broadcast %max3A_539 : f32 to vector<16xf32>
      %max3A_541 = arith.maximumf %neg3A_538, %max3A_540 : vector<16xf32>
      tpu.vector_store_idx %arg10[%add3A_529, %add3A_535], %max3A_541 : memref<128x16xf32, #tpu.memory_space<vmem>>[vector<16xi32>, vector<16xi32>], vector<16xf32>,
      %get3A_542 = arith.constant 288 : index
      %get3A_543 = tpu.vector_load %arg15[%get3A_542] {strides = array<i32>} : memref<640xf32, #tpu.memory_space<vmem>>, vector<16xf32>,
      %add3A_544 = arith.constant 32 : i32
      %add3A_545 = vector.broadcast %add3A_544 : i32 to vector<16xi32>
      %add3A_546 = arith.addi %iota3A, %add3A_545 : vector<16xi32>
      %max3A_547 = arith.constant 0.000000e+00 : f32
      %max3A_548 = vector.broadcast %max3A_547 : f32 to vector<16xf32>
      %max3A_549 = arith.maximumf %get3A_543, %max3A_548 : vector<16xf32>
      tpu.vector_store_idx %arg10[%add3A_546, %broadcast_in_dim3A_16], %max3A_549 : memref<128x16xf32, #tpu.memory_space<vmem>>[vector<16xi32>, vector<16xi32>], vector<16xf32>,
      %add3A_550 = arith.constant 1 : i32
      %add3A_551 = vector.broadcast %add3A_550 : i32 to vector<16xi32>
      %add3A_552 = arith.addi %broadcast_in_dim3A_16, %add3A_551 : vector<16xi32>
      %neg3A_553 = arith.constant 0.000000e+00 : f32
      %neg3A_554 = vector.broadcast %neg3A_553 : f32 to vector<16xf32>
      %neg3A_555 = arith.subf %neg3A_554, %get3A_543 : vector<16xf32>
      %max3A_556 = arith.constant 0.000000e+00 : f32
      %max3A_557 = vector.broadcast %max3A_556 : f32 to vector<16xf32>
      %max3A_558 = arith.maximumf %neg3A_555, %max3A_557 : vector<16xf32>
      tpu.vector_store_idx %arg10[%add3A_546, %add3A_552], %max3A_558 : memref<128x16xf32, #tpu.memory_space<vmem>>[vector<16xi32>, vector<16xi32>], vector<16xf32>,
      %get3A_559 = arith.constant 304 : index
      %get3A_560 = tpu.vector_load %arg15[%get3A_559] {strides = array<i32>} : memref<640xf32, #tpu.memory_space<vmem>>, vector<16xf32>,
      %add3A_561 = arith.constant 48 : i32
      %add3A_562 = vector.broadcast %add3A_561 : i32 to vector<16xi32>
      %add3A_563 = arith.addi %iota3A, %add3A_562 : vector<16xi32>
      %max3A_564 = arith.constant 0.000000e+00 : f32
      %max3A_565 = vector.broadcast %max3A_564 : f32 to vector<16xf32>
      %max3A_566 = arith.maximumf %get3A_560, %max3A_565 : vector<16xf32>
      tpu.vector_store_idx %arg10[%add3A_563, %broadcast_in_dim3A_16], %max3A_566 : memref<128x16xf32, #tpu.memory_space<vmem>>[vector<16xi32>, vector<16xi32>], vector<16xf32>,
      %add3A_567 = arith.constant 1 : i32
      %add3A_568 = vector.broadcast %add3A_567 : i32 to vector<16xi32>
      %add3A_569 = arith.addi %broadcast_in_dim3A_16, %add3A_568 : vector<16xi32>
      %neg3A_570 = arith.constant 0.000000e+00 : f32
      %neg3A_571 = vector.broadcast %neg3A_570 : f32 to vector<16xf32>
      %neg3A_572 = arith.subf %neg3A_571, %get3A_560 : vector<16xf32>
      %max3A_573 = arith.constant 0.000000e+00 : f32
      %max3A_574 = vector.broadcast %max3A_573 : f32 to vector<16xf32>
      %max3A_575 = arith.maximumf %neg3A_572, %max3A_574 : vector<16xf32>
      tpu.vector_store_idx %arg10[%add3A_563, %add3A_569], %max3A_575 : memref<128x16xf32, #tpu.memory_space<vmem>>[vector<16xi32>, vector<16xi32>], vector<16xf32>,
      %get3A_576 = arith.constant 320 : index
      %get3A_577 = tpu.vector_load %arg15[%get3A_576] {strides = array<i32>} : memref<640xf32, #tpu.memory_space<vmem>>, vector<16xf32>,
      %add3A_578 = arith.constant 64 : i32
      %add3A_579 = vector.broadcast %add3A_578 : i32 to vector<16xi32>
      %add3A_580 = arith.addi %iota3A, %add3A_579 : vector<16xi32>
      %max3A_581 = arith.constant 0.000000e+00 : f32
      %max3A_582 = vector.broadcast %max3A_581 : f32 to vector<16xf32>
      %max3A_583 = arith.maximumf %get3A_577, %max3A_582 : vector<16xf32>
      tpu.vector_store_idx %arg10[%add3A_580, %broadcast_in_dim3A_16], %max3A_583 : memref<128x16xf32, #tpu.memory_space<vmem>>[vector<16xi32>, vector<16xi32>], vector<16xf32>,
      %add3A_584 = arith.constant 1 : i32
      %add3A_585 = vector.broadcast %add3A_584 : i32 to vector<16xi32>
      %add3A_586 = arith.addi %broadcast_in_dim3A_16, %add3A_585 : vector<16xi32>
      %neg3A_587 = arith.constant 0.000000e+00 : f32
      %neg3A_588 = vector.broadcast %neg3A_587 : f32 to vector<16xf32>
      %neg3A_589 = arith.subf %neg3A_588, %get3A_577 : vector<16xf32>
      %max3A_590 = arith.constant 0.000000e+00 : f32
      %max3A_591 = vector.broadcast %max3A_590 : f32 to vector<16xf32>
      %max3A_592 = arith.maximumf %neg3A_589, %max3A_591 : vector<16xf32>
      tpu.vector_store_idx %arg10[%add3A_580, %add3A_586], %max3A_592 : memref<128x16xf32, #tpu.memory_space<vmem>>[vector<16xi32>, vector<16xi32>], vector<16xf32>,
      %get3A_593 = arith.constant 336 : index
      %get3A_594 = tpu.vector_load %arg15[%get3A_593] {strides = array<i32>} : memref<640xf32, #tpu.memory_space<vmem>>, vector<16xf32>,
      %add3A_595 = arith.constant 80 : i32
      %add3A_596 = vector.broadcast %add3A_595 : i32 to vector<16xi32>
      %add3A_597 = arith.addi %iota3A, %add3A_596 : vector<16xi32>
      %max3A_598 = arith.constant 0.000000e+00 : f32
      %max3A_599 = vector.broadcast %max3A_598 : f32 to vector<16xf32>
      %max3A_600 = arith.maximumf %get3A_594, %max3A_599 : vector<16xf32>
      tpu.vector_store_idx %arg10[%add3A_597, %broadcast_in_dim3A_16], %max3A_600 : memref<128x16xf32, #tpu.memory_space<vmem>>[vector<16xi32>, vector<16xi32>], vector<16xf32>,
      %add3A_601 = arith.constant 1 : i32
      %add3A_602 = vector.broadcast %add3A_601 : i32 to vector<16xi32>
      %add3A_603 = arith.addi %broadcast_in_dim3A_16, %add3A_602 : vector<16xi32>
      %neg3A_604 = arith.constant 0.000000e+00 : f32
      %neg3A_605 = vector.broadcast %neg3A_604 : f32 to vector<16xf32>
      %neg3A_606 = arith.subf %neg3A_605, %get3A_594 : vector<16xf32>
      %max3A_607 = arith.constant 0.000000e+00 : f32
      %max3A_608 = vector.broadcast %max3A_607 : f32 to vector<16xf32>
      %max3A_609 = arith.maximumf %neg3A_606, %max3A_608 : vector<16xf32>
      tpu.vector_store_idx %arg10[%add3A_597, %add3A_603], %max3A_609 : memref<128x16xf32, #tpu.memory_space<vmem>>[vector<16xi32>, vector<16xi32>], vector<16xf32>,
      %get3A_610 = arith.constant 352 : index
      %get3A_611 = tpu.vector_load %arg15[%get3A_610] {strides = array<i32>} : memref<640xf32, #tpu.memory_space<vmem>>, vector<16xf32>,
      %add3A_612 = arith.constant 96 : i32
      %add3A_613 = vector.broadcast %add3A_612 : i32 to vector<16xi32>
      %add3A_614 = arith.addi %iota3A, %add3A_613 : vector<16xi32>
      %max3A_615 = arith.constant 0.000000e+00 : f32
      %max3A_616 = vector.broadcast %max3A_615 : f32 to vector<16xf32>
      %max3A_617 = arith.maximumf %get3A_611, %max3A_616 : vector<16xf32>
      tpu.vector_store_idx %arg10[%add3A_614, %broadcast_in_dim3A_16], %max3A_617 : memref<128x16xf32, #tpu.memory_space<vmem>>[vector<16xi32>, vector<16xi32>], vector<16xf32>,
      %add3A_618 = arith.constant 1 : i32
      %add3A_619 = vector.broadcast %add3A_618 : i32 to vector<16xi32>
      %add3A_620 = arith.addi %broadcast_in_dim3A_16, %add3A_619 : vector<16xi32>
      %neg3A_621 = arith.constant 0.000000e+00 : f32
      %neg3A_622 = vector.broadcast %neg3A_621 : f32 to vector<16xf32>
      %neg3A_623 = arith.subf %neg3A_622, %get3A_611 : vector<16xf32>
      %max3A_624 = arith.constant 0.000000e+00 : f32
      %max3A_625 = vector.broadcast %max3A_624 : f32 to vector<16xf32>
      %max3A_626 = arith.maximumf %neg3A_623, %max3A_625 : vector<16xf32>
      tpu.vector_store_idx %arg10[%add3A_614, %add3A_620], %max3A_626 : memref<128x16xf32, #tpu.memory_space<vmem>>[vector<16xi32>, vector<16xi32>], vector<16xf32>,
      %get3A_627 = arith.constant 368 : index
      %get3A_628 = tpu.vector_load %arg15[%get3A_627] {strides = array<i32>} : memref<640xf32, #tpu.memory_space<vmem>>, vector<16xf32>,
      %add3A_629 = arith.constant 112 : i32
      %add3A_630 = vector.broadcast %add3A_629 : i32 to vector<16xi32>
      %add3A_631 = arith.addi %iota3A, %add3A_630 : vector<16xi32>
      %max3A_632 = arith.constant 0.000000e+00 : f32
      %max3A_633 = vector.broadcast %max3A_632 : f32 to vector<16xf32>
      %max3A_634 = arith.maximumf %get3A_628, %max3A_633 : vector<16xf32>
      tpu.vector_store_idx %arg10[%add3A_631, %broadcast_in_dim3A_16], %max3A_634 : memref<128x16xf32, #tpu.memory_space<vmem>>[vector<16xi32>, vector<16xi32>], vector<16xf32>,
      %add3A_635 = arith.constant 1 : i32
      %add3A_636 = vector.broadcast %add3A_635 : i32 to vector<16xi32>
      %add3A_637 = arith.addi %broadcast_in_dim3A_16, %add3A_636 : vector<16xi32>
      %neg3A_638 = arith.constant 0.000000e+00 : f32
      %neg3A_639 = vector.broadcast %neg3A_638 : f32 to vector<16xf32>
      %neg3A_640 = arith.subf %neg3A_639, %get3A_628 : vector<16xf32>
      %max3A_641 = arith.constant 0.000000e+00 : f32
      %max3A_642 = vector.broadcast %max3A_641 : f32 to vector<16xf32>
      %max3A_643 = arith.maximumf %neg3A_640, %max3A_642 : vector<16xf32>
      tpu.vector_store_idx %arg10[%add3A_631, %add3A_637], %max3A_643 : memref<128x16xf32, #tpu.memory_space<vmem>>[vector<16xi32>, vector<16xi32>], vector<16xf32>,
      %run_scoped3A_644 = arith.constant 2 : i32
      "tpu.region"() ({
        %run_scoped3A_930 = tpu.sem_alloc : memref<!tpu.dma_semaphore, #tpu.memory_space<semaphore_mem>>
        %dma_start3A_931 = arith.constant 0 : i32
        %dma_start3A_932 = tpu.memref_slice %arg14[%run_scoped3A_644, %dma_start3A_931] : memref<5x128xi32, #tpu.memory_space<vmem>> -> memref<1x128xi32, #tpu.memory_space<vmem>>
        %dma_start3A_933 = tpu.memref_squeeze %dma_start3A_932 : memref<1x128xi32, #tpu.memory_space<vmem>> -> memref<128xi32, #tpu.memory_space<vmem>>
        %dma_start3A_934 = arith.constant 0 : i32
        %dma_start3A_935 = arith.constant 0 : i32
        %dma_start3A_936 = tpu.memref_slice %arg7[%dma_start3A_934, %dma_start3A_935] : memref<50000x16xf32, #tpu.memory_space<vmem_shared>> -> memref<50000x16xf32, #tpu.memory_space<vmem_shared>>
        tpu.enqueue_indirect_dma source(%arg10 : memref<128x16xf32, #tpu.memory_space<vmem>>) target(%dma_start3A_936 : memref<50000x16xf32, #tpu.memory_space<vmem_shared>>) offsets(%dma_start3A_933 : memref<128xi32, #tpu.memory_space<vmem>>) semaphore(%run_scoped3A_930 : memref<!tpu.dma_semaphore, #tpu.memory_space<semaphore_mem>>) {add = true}
        %dma_wait3A_937 = arith.constant 0 : i32
        %dma_wait3A_938 = tpu.memref_slice %arg14[%run_scoped3A_644, %dma_wait3A_937] : memref<5x128xi32, #tpu.memory_space<vmem>> -> memref<1x128xi32, #tpu.memory_space<vmem>>
        %dma_wait3A_939 = tpu.memref_squeeze %dma_wait3A_938 : memref<1x128xi32, #tpu.memory_space<vmem>> -> memref<128xi32, #tpu.memory_space<vmem>>
        %dma_wait3A_940 = arith.constant 0 : i32
        %dma_wait3A_941 = arith.constant 0 : i32
        %dma_wait3A_942 = tpu.memref_slice %arg7[%dma_wait3A_940, %dma_wait3A_941] : memref<50000x16xf32, #tpu.memory_space<vmem_shared>> -> memref<50000x16xf32, #tpu.memory_space<vmem_shared>>
        tpu.wait_indirect_dma semaphore(%run_scoped3A_930 : memref<!tpu.dma_semaphore, #tpu.memory_space<semaphore_mem>>) src(%arg10 : memref<128x16xf32, #tpu.memory_space<vmem>>) dst(%dma_wait3A_942 : memref<50000x16xf32, #tpu.memory_space<vmem_shared>>)
        tpu.yield
      }) : () -> ()
      %dma_wait3A_645 = arith.constant 384 : i32
      %dma_wait3A_646 = tpu.memref_slice %arg13[%dma_wait3A_645] : memref<640xi32, #tpu.memory_space<vmem>> -> memref<128xi32, #tpu.memory_space<vmem>>
      %dma_wait3A_647 = arith.constant 0 : i32
      %dma_wait3A_648 = arith.constant 0 : i32
      %dma_wait3A_649 = tpu.memref_slice %arg4[%dma_wait3A_647, %dma_wait3A_648] : memref<50000x16xf32, #tpu.memory_space<hbm>> -> memref<50000x16xf32, #tpu.memory_space<hbm>>
      tpu.wait_indirect_dma semaphore(%arg18 : memref<!tpu.dma_semaphore, #tpu.memory_space<semaphore_mem>>) src(%dma_wait3A_649 : memref<50000x16xf32, #tpu.memory_space<hbm>>) dst(%arg11 : memref<128x16xf32, #tpu.memory_space<vmem>>)
      %get3A_650 = arith.constant 384 : index
      %get3A_651 = tpu.vector_load %arg15[%get3A_650] {strides = array<i32>} : memref<640xf32, #tpu.memory_space<vmem>>, vector<16xf32>,
      %add3A_652 = arith.constant 0 : i32
      %add3A_653 = vector.broadcast %add3A_652 : i32 to vector<16xi32>
      %add3A_654 = arith.addi %iota3A, %add3A_653 : vector<16xi32>
      %max3A_655 = arith.constant 0.000000e+00 : f32
      %max3A_656 = vector.broadcast %max3A_655 : f32 to vector<16xf32>
      %max3A_657 = arith.maximumf %get3A_651, %max3A_656 : vector<16xf32>
      tpu.vector_store_idx %arg11[%add3A_654, %broadcast_in_dim3A_16], %max3A_657 : memref<128x16xf32, #tpu.memory_space<vmem>>[vector<16xi32>, vector<16xi32>], vector<16xf32>,
      %add3A_658 = arith.constant 1 : i32
      %add3A_659 = vector.broadcast %add3A_658 : i32 to vector<16xi32>
      %add3A_660 = arith.addi %broadcast_in_dim3A_16, %add3A_659 : vector<16xi32>
      %neg3A_661 = arith.constant 0.000000e+00 : f32
      %neg3A_662 = vector.broadcast %neg3A_661 : f32 to vector<16xf32>
      %neg3A_663 = arith.subf %neg3A_662, %get3A_651 : vector<16xf32>
      %max3A_664 = arith.constant 0.000000e+00 : f32
      %max3A_665 = vector.broadcast %max3A_664 : f32 to vector<16xf32>
      %max3A_666 = arith.maximumf %neg3A_663, %max3A_665 : vector<16xf32>
      tpu.vector_store_idx %arg11[%add3A_654, %add3A_660], %max3A_666 : memref<128x16xf32, #tpu.memory_space<vmem>>[vector<16xi32>, vector<16xi32>], vector<16xf32>,
      %get3A_667 = arith.constant 400 : index
      %get3A_668 = tpu.vector_load %arg15[%get3A_667] {strides = array<i32>} : memref<640xf32, #tpu.memory_space<vmem>>, vector<16xf32>,
      %add3A_669 = arith.constant 16 : i32
      %add3A_670 = vector.broadcast %add3A_669 : i32 to vector<16xi32>
      %add3A_671 = arith.addi %iota3A, %add3A_670 : vector<16xi32>
      %max3A_672 = arith.constant 0.000000e+00 : f32
      %max3A_673 = vector.broadcast %max3A_672 : f32 to vector<16xf32>
      %max3A_674 = arith.maximumf %get3A_668, %max3A_673 : vector<16xf32>
      tpu.vector_store_idx %arg11[%add3A_671, %broadcast_in_dim3A_16], %max3A_674 : memref<128x16xf32, #tpu.memory_space<vmem>>[vector<16xi32>, vector<16xi32>], vector<16xf32>,
      %add3A_675 = arith.constant 1 : i32
      %add3A_676 = vector.broadcast %add3A_675 : i32 to vector<16xi32>
      %add3A_677 = arith.addi %broadcast_in_dim3A_16, %add3A_676 : vector<16xi32>
      %neg3A_678 = arith.constant 0.000000e+00 : f32
      %neg3A_679 = vector.broadcast %neg3A_678 : f32 to vector<16xf32>
      %neg3A_680 = arith.subf %neg3A_679, %get3A_668 : vector<16xf32>
      %max3A_681 = arith.constant 0.000000e+00 : f32
      %max3A_682 = vector.broadcast %max3A_681 : f32 to vector<16xf32>
      %max3A_683 = arith.maximumf %neg3A_680, %max3A_682 : vector<16xf32>
      tpu.vector_store_idx %arg11[%add3A_671, %add3A_677], %max3A_683 : memref<128x16xf32, #tpu.memory_space<vmem>>[vector<16xi32>, vector<16xi32>], vector<16xf32>,
      %get3A_684 = arith.constant 416 : index
      %get3A_685 = tpu.vector_load %arg15[%get3A_684] {strides = array<i32>} : memref<640xf32, #tpu.memory_space<vmem>>, vector<16xf32>,
      %add3A_686 = arith.constant 32 : i32
      %add3A_687 = vector.broadcast %add3A_686 : i32 to vector<16xi32>
      %add3A_688 = arith.addi %iota3A, %add3A_687 : vector<16xi32>
      %max3A_689 = arith.constant 0.000000e+00 : f32
      %max3A_690 = vector.broadcast %max3A_689 : f32 to vector<16xf32>
      %max3A_691 = arith.maximumf %get3A_685, %max3A_690 : vector<16xf32>
      tpu.vector_store_idx %arg11[%add3A_688, %broadcast_in_dim3A_16], %max3A_691 : memref<128x16xf32, #tpu.memory_space<vmem>>[vector<16xi32>, vector<16xi32>], vector<16xf32>,
      %add3A_692 = arith.constant 1 : i32
      %add3A_693 = vector.broadcast %add3A_692 : i32 to vector<16xi32>
      %add3A_694 = arith.addi %broadcast_in_dim3A_16, %add3A_693 : vector<16xi32>
      %neg3A_695 = arith.constant 0.000000e+00 : f32
      %neg3A_696 = vector.broadcast %neg3A_695 : f32 to vector<16xf32>
      %neg3A_697 = arith.subf %neg3A_696, %get3A_685 : vector<16xf32>
      %max3A_698 = arith.constant 0.000000e+00 : f32
      %max3A_699 = vector.broadcast %max3A_698 : f32 to vector<16xf32>
      %max3A_700 = arith.maximumf %neg3A_697, %max3A_699 : vector<16xf32>
      tpu.vector_store_idx %arg11[%add3A_688, %add3A_694], %max3A_700 : memref<128x16xf32, #tpu.memory_space<vmem>>[vector<16xi32>, vector<16xi32>], vector<16xf32>,
      %get3A_701 = arith.constant 432 : index
      %get3A_702 = tpu.vector_load %arg15[%get3A_701] {strides = array<i32>} : memref<640xf32, #tpu.memory_space<vmem>>, vector<16xf32>,
      %add3A_703 = arith.constant 48 : i32
      %add3A_704 = vector.broadcast %add3A_703 : i32 to vector<16xi32>
      %add3A_705 = arith.addi %iota3A, %add3A_704 : vector<16xi32>
      %max3A_706 = arith.constant 0.000000e+00 : f32
      %max3A_707 = vector.broadcast %max3A_706 : f32 to vector<16xf32>
      %max3A_708 = arith.maximumf %get3A_702, %max3A_707 : vector<16xf32>
      tpu.vector_store_idx %arg11[%add3A_705, %broadcast_in_dim3A_16], %max3A_708 : memref<128x16xf32, #tpu.memory_space<vmem>>[vector<16xi32>, vector<16xi32>], vector<16xf32>,
      %add3A_709 = arith.constant 1 : i32
      %add3A_710 = vector.broadcast %add3A_709 : i32 to vector<16xi32>
      %add3A_711 = arith.addi %broadcast_in_dim3A_16, %add3A_710 : vector<16xi32>
      %neg3A_712 = arith.constant 0.000000e+00 : f32
      %neg3A_713 = vector.broadcast %neg3A_712 : f32 to vector<16xf32>
      %neg3A_714 = arith.subf %neg3A_713, %get3A_702 : vector<16xf32>
      %max3A_715 = arith.constant 0.000000e+00 : f32
      %max3A_716 = vector.broadcast %max3A_715 : f32 to vector<16xf32>
      %max3A_717 = arith.maximumf %neg3A_714, %max3A_716 : vector<16xf32>
      tpu.vector_store_idx %arg11[%add3A_705, %add3A_711], %max3A_717 : memref<128x16xf32, #tpu.memory_space<vmem>>[vector<16xi32>, vector<16xi32>], vector<16xf32>,
      %get3A_718 = arith.constant 448 : index
      %get3A_719 = tpu.vector_load %arg15[%get3A_718] {strides = array<i32>} : memref<640xf32, #tpu.memory_space<vmem>>, vector<16xf32>,
      %add3A_720 = arith.constant 64 : i32
      %add3A_721 = vector.broadcast %add3A_720 : i32 to vector<16xi32>
      %add3A_722 = arith.addi %iota3A, %add3A_721 : vector<16xi32>
      %max3A_723 = arith.constant 0.000000e+00 : f32
      %max3A_724 = vector.broadcast %max3A_723 : f32 to vector<16xf32>
      %max3A_725 = arith.maximumf %get3A_719, %max3A_724 : vector<16xf32>
      tpu.vector_store_idx %arg11[%add3A_722, %broadcast_in_dim3A_16], %max3A_725 : memref<128x16xf32, #tpu.memory_space<vmem>>[vector<16xi32>, vector<16xi32>], vector<16xf32>,
      %add3A_726 = arith.constant 1 : i32
      %add3A_727 = vector.broadcast %add3A_726 : i32 to vector<16xi32>
      %add3A_728 = arith.addi %broadcast_in_dim3A_16, %add3A_727 : vector<16xi32>
      %neg3A_729 = arith.constant 0.000000e+00 : f32
      %neg3A_730 = vector.broadcast %neg3A_729 : f32 to vector<16xf32>
      %neg3A_731 = arith.subf %neg3A_730, %get3A_719 : vector<16xf32>
      %max3A_732 = arith.constant 0.000000e+00 : f32
      %max3A_733 = vector.broadcast %max3A_732 : f32 to vector<16xf32>
      %max3A_734 = arith.maximumf %neg3A_731, %max3A_733 : vector<16xf32>
      tpu.vector_store_idx %arg11[%add3A_722, %add3A_728], %max3A_734 : memref<128x16xf32, #tpu.memory_space<vmem>>[vector<16xi32>, vector<16xi32>], vector<16xf32>,
      %get3A_735 = arith.constant 464 : index
      %get3A_736 = tpu.vector_load %arg15[%get3A_735] {strides = array<i32>} : memref<640xf32, #tpu.memory_space<vmem>>, vector<16xf32>,
      %add3A_737 = arith.constant 80 : i32
      %add3A_738 = vector.broadcast %add3A_737 : i32 to vector<16xi32>
      %add3A_739 = arith.addi %iota3A, %add3A_738 : vector<16xi32>
      %max3A_740 = arith.constant 0.000000e+00 : f32
      %max3A_741 = vector.broadcast %max3A_740 : f32 to vector<16xf32>
      %max3A_742 = arith.maximumf %get3A_736, %max3A_741 : vector<16xf32>
      tpu.vector_store_idx %arg11[%add3A_739, %broadcast_in_dim3A_16], %max3A_742 : memref<128x16xf32, #tpu.memory_space<vmem>>[vector<16xi32>, vector<16xi32>], vector<16xf32>,
      %add3A_743 = arith.constant 1 : i32
      %add3A_744 = vector.broadcast %add3A_743 : i32 to vector<16xi32>
      %add3A_745 = arith.addi %broadcast_in_dim3A_16, %add3A_744 : vector<16xi32>
      %neg3A_746 = arith.constant 0.000000e+00 : f32
      %neg3A_747 = vector.broadcast %neg3A_746 : f32 to vector<16xf32>
      %neg3A_748 = arith.subf %neg3A_747, %get3A_736 : vector<16xf32>
      %max3A_749 = arith.constant 0.000000e+00 : f32
      %max3A_750 = vector.broadcast %max3A_749 : f32 to vector<16xf32>
      %max3A_751 = arith.maximumf %neg3A_748, %max3A_750 : vector<16xf32>
      tpu.vector_store_idx %arg11[%add3A_739, %add3A_745], %max3A_751 : memref<128x16xf32, #tpu.memory_space<vmem>>[vector<16xi32>, vector<16xi32>], vector<16xf32>,
      %get3A_752 = arith.constant 480 : index
      %get3A_753 = tpu.vector_load %arg15[%get3A_752] {strides = array<i32>} : memref<640xf32, #tpu.memory_space<vmem>>, vector<16xf32>,
      %add3A_754 = arith.constant 96 : i32
      %add3A_755 = vector.broadcast %add3A_754 : i32 to vector<16xi32>
      %add3A_756 = arith.addi %iota3A, %add3A_755 : vector<16xi32>
      %max3A_757 = arith.constant 0.000000e+00 : f32
      %max3A_758 = vector.broadcast %max3A_757 : f32 to vector<16xf32>
      %max3A_759 = arith.maximumf %get3A_753, %max3A_758 : vector<16xf32>
      tpu.vector_store_idx %arg11[%add3A_756, %broadcast_in_dim3A_16], %max3A_759 : memref<128x16xf32, #tpu.memory_space<vmem>>[vector<16xi32>, vector<16xi32>], vector<16xf32>,
      %add3A_760 = arith.constant 1 : i32
      %add3A_761 = vector.broadcast %add3A_760 : i32 to vector<16xi32>
      %add3A_762 = arith.addi %broadcast_in_dim3A_16, %add3A_761 : vector<16xi32>
      %neg3A_763 = arith.constant 0.000000e+00 : f32
      %neg3A_764 = vector.broadcast %neg3A_763 : f32 to vector<16xf32>
      %neg3A_765 = arith.subf %neg3A_764, %get3A_753 : vector<16xf32>
      %max3A_766 = arith.constant 0.000000e+00 : f32
      %max3A_767 = vector.broadcast %max3A_766 : f32 to vector<16xf32>
      %max3A_768 = arith.maximumf %neg3A_765, %max3A_767 : vector<16xf32>
      tpu.vector_store_idx %arg11[%add3A_756, %add3A_762], %max3A_768 : memref<128x16xf32, #tpu.memory_space<vmem>>[vector<16xi32>, vector<16xi32>], vector<16xf32>,
      %get3A_769 = arith.constant 496 : index
      %get3A_770 = tpu.vector_load %arg15[%get3A_769] {strides = array<i32>} : memref<640xf32, #tpu.memory_space<vmem>>, vector<16xf32>,
      %add3A_771 = arith.constant 112 : i32
      %add3A_772 = vector.broadcast %add3A_771 : i32 to vector<16xi32>
      %add3A_773 = arith.addi %iota3A, %add3A_772 : vector<16xi32>
      %max3A_774 = arith.constant 0.000000e+00 : f32
      %max3A_775 = vector.broadcast %max3A_774 : f32 to vector<16xf32>
      %max3A_776 = arith.maximumf %get3A_770, %max3A_775 : vector<16xf32>
      tpu.vector_store_idx %arg11[%add3A_773, %broadcast_in_dim3A_16], %max3A_776 : memref<128x16xf32, #tpu.memory_space<vmem>>[vector<16xi32>, vector<16xi32>], vector<16xf32>,
      %add3A_777 = arith.constant 1 : i32
      %add3A_778 = vector.broadcast %add3A_777 : i32 to vector<16xi32>
      %add3A_779 = arith.addi %broadcast_in_dim3A_16, %add3A_778 : vector<16xi32>
      %neg3A_780 = arith.constant 0.000000e+00 : f32
      %neg3A_781 = vector.broadcast %neg3A_780 : f32 to vector<16xf32>
      %neg3A_782 = arith.subf %neg3A_781, %get3A_770 : vector<16xf32>
      %max3A_783 = arith.constant 0.000000e+00 : f32
      %max3A_784 = vector.broadcast %max3A_783 : f32 to vector<16xf32>
      %max3A_785 = arith.maximumf %neg3A_782, %max3A_784 : vector<16xf32>
      tpu.vector_store_idx %arg11[%add3A_773, %add3A_779], %max3A_785 : memref<128x16xf32, #tpu.memory_space<vmem>>[vector<16xi32>, vector<16xi32>], vector<16xf32>,
      %run_scoped3A_786 = arith.constant 3 : i32
      "tpu.region"() ({
        %run_scoped3A_930 = tpu.sem_alloc : memref<!tpu.dma_semaphore, #tpu.memory_space<semaphore_mem>>
        %dma_start3A_931 = arith.constant 0 : i32
        %dma_start3A_932 = tpu.memref_slice %arg14[%run_scoped3A_786, %dma_start3A_931] : memref<5x128xi32, #tpu.memory_space<vmem>> -> memref<1x128xi32, #tpu.memory_space<vmem>>
        %dma_start3A_933 = tpu.memref_squeeze %dma_start3A_932 : memref<1x128xi32, #tpu.memory_space<vmem>> -> memref<128xi32, #tpu.memory_space<vmem>>
        %dma_start3A_934 = arith.constant 0 : i32
        %dma_start3A_935 = arith.constant 0 : i32
        %dma_start3A_936 = tpu.memref_slice %arg7[%dma_start3A_934, %dma_start3A_935] : memref<50000x16xf32, #tpu.memory_space<vmem_shared>> -> memref<50000x16xf32, #tpu.memory_space<vmem_shared>>
        tpu.enqueue_indirect_dma source(%arg11 : memref<128x16xf32, #tpu.memory_space<vmem>>) target(%dma_start3A_936 : memref<50000x16xf32, #tpu.memory_space<vmem_shared>>) offsets(%dma_start3A_933 : memref<128xi32, #tpu.memory_space<vmem>>) semaphore(%run_scoped3A_930 : memref<!tpu.dma_semaphore, #tpu.memory_space<semaphore_mem>>) {add = true}
        %dma_wait3A_937 = arith.constant 0 : i32
        %dma_wait3A_938 = tpu.memref_slice %arg14[%run_scoped3A_786, %dma_wait3A_937] : memref<5x128xi32, #tpu.memory_space<vmem>> -> memref<1x128xi32, #tpu.memory_space<vmem>>
        %dma_wait3A_939 = tpu.memref_squeeze %dma_wait3A_938 : memref<1x128xi32, #tpu.memory_space<vmem>> -> memref<128xi32, #tpu.memory_space<vmem>>
        %dma_wait3A_940 = arith.constant 0 : i32
        %dma_wait3A_941 = arith.constant 0 : i32
        %dma_wait3A_942 = tpu.memref_slice %arg7[%dma_wait3A_940, %dma_wait3A_941] : memref<50000x16xf32, #tpu.memory_space<vmem_shared>> -> memref<50000x16xf32, #tpu.memory_space<vmem_shared>>
        tpu.wait_indirect_dma semaphore(%run_scoped3A_930 : memref<!tpu.dma_semaphore, #tpu.memory_space<semaphore_mem>>) src(%arg11 : memref<128x16xf32, #tpu.memory_space<vmem>>) dst(%dma_wait3A_942 : memref<50000x16xf32, #tpu.memory_space<vmem_shared>>)
        tpu.yield
      }) : () -> ()
      %dma_wait3A_787 = arith.constant 512 : i32
      %dma_wait3A_788 = tpu.memref_slice %arg13[%dma_wait3A_787] : memref<640xi32, #tpu.memory_space<vmem>> -> memref<128xi32, #tpu.memory_space<vmem>>
      %dma_wait3A_789 = arith.constant 0 : i32
      %dma_wait3A_790 = arith.constant 0 : i32
      %dma_wait3A_791 = tpu.memref_slice %arg4[%dma_wait3A_789, %dma_wait3A_790] : memref<50000x16xf32, #tpu.memory_space<hbm>> -> memref<50000x16xf32, #tpu.memory_space<hbm>>
      tpu.wait_indirect_dma semaphore(%arg18 : memref<!tpu.dma_semaphore, #tpu.memory_space<semaphore_mem>>) src(%dma_wait3A_791 : memref<50000x16xf32, #tpu.memory_space<hbm>>) dst(%arg12 : memref<128x16xf32, #tpu.memory_space<vmem>>)
      %get3A_792 = arith.constant 512 : index
      %get3A_793 = tpu.vector_load %arg15[%get3A_792] {strides = array<i32>} : memref<640xf32, #tpu.memory_space<vmem>>, vector<16xf32>,
      %add3A_794 = arith.constant 0 : i32
      %add3A_795 = vector.broadcast %add3A_794 : i32 to vector<16xi32>
      %add3A_796 = arith.addi %iota3A, %add3A_795 : vector<16xi32>
      %max3A_797 = arith.constant 0.000000e+00 : f32
      %max3A_798 = vector.broadcast %max3A_797 : f32 to vector<16xf32>
      %max3A_799 = arith.maximumf %get3A_793, %max3A_798 : vector<16xf32>
      tpu.vector_store_idx %arg12[%add3A_796, %broadcast_in_dim3A_16], %max3A_799 : memref<128x16xf32, #tpu.memory_space<vmem>>[vector<16xi32>, vector<16xi32>], vector<16xf32>,
      %add3A_800 = arith.constant 1 : i32
      %add3A_801 = vector.broadcast %add3A_800 : i32 to vector<16xi32>
      %add3A_802 = arith.addi %broadcast_in_dim3A_16, %add3A_801 : vector<16xi32>
      %neg3A_803 = arith.constant 0.000000e+00 : f32
      %neg3A_804 = vector.broadcast %neg3A_803 : f32 to vector<16xf32>
      %neg3A_805 = arith.subf %neg3A_804, %get3A_793 : vector<16xf32>
      %max3A_806 = arith.constant 0.000000e+00 : f32
      %max3A_807 = vector.broadcast %max3A_806 : f32 to vector<16xf32>
      %max3A_808 = arith.maximumf %neg3A_805, %max3A_807 : vector<16xf32>
      tpu.vector_store_idx %arg12[%add3A_796, %add3A_802], %max3A_808 : memref<128x16xf32, #tpu.memory_space<vmem>>[vector<16xi32>, vector<16xi32>], vector<16xf32>,
      %get3A_809 = arith.constant 528 : index
      %get3A_810 = tpu.vector_load %arg15[%get3A_809] {strides = array<i32>} : memref<640xf32, #tpu.memory_space<vmem>>, vector<16xf32>,
      %add3A_811 = arith.constant 16 : i32
      %add3A_812 = vector.broadcast %add3A_811 : i32 to vector<16xi32>
      %add3A_813 = arith.addi %iota3A, %add3A_812 : vector<16xi32>
      %max3A_814 = arith.constant 0.000000e+00 : f32
      %max3A_815 = vector.broadcast %max3A_814 : f32 to vector<16xf32>
      %max3A_816 = arith.maximumf %get3A_810, %max3A_815 : vector<16xf32>
      tpu.vector_store_idx %arg12[%add3A_813, %broadcast_in_dim3A_16], %max3A_816 : memref<128x16xf32, #tpu.memory_space<vmem>>[vector<16xi32>, vector<16xi32>], vector<16xf32>,
      %add3A_817 = arith.constant 1 : i32
      %add3A_818 = vector.broadcast %add3A_817 : i32 to vector<16xi32>
      %add3A_819 = arith.addi %broadcast_in_dim3A_16, %add3A_818 : vector<16xi32>
      %neg3A_820 = arith.constant 0.000000e+00 : f32
      %neg3A_821 = vector.broadcast %neg3A_820 : f32 to vector<16xf32>
      %neg3A_822 = arith.subf %neg3A_821, %get3A_810 : vector<16xf32>
      %max3A_823 = arith.constant 0.000000e+00 : f32
      %max3A_824 = vector.broadcast %max3A_823 : f32 to vector<16xf32>
      %max3A_825 = arith.maximumf %neg3A_822, %max3A_824 : vector<16xf32>
      tpu.vector_store_idx %arg12[%add3A_813, %add3A_819], %max3A_825 : memref<128x16xf32, #tpu.memory_space<vmem>>[vector<16xi32>, vector<16xi32>], vector<16xf32>,
      %get3A_826 = arith.constant 544 : index
      %get3A_827 = tpu.vector_load %arg15[%get3A_826] {strides = array<i32>} : memref<640xf32, #tpu.memory_space<vmem>>, vector<16xf32>,
      %add3A_828 = arith.constant 32 : i32
      %add3A_829 = vector.broadcast %add3A_828 : i32 to vector<16xi32>
      %add3A_830 = arith.addi %iota3A, %add3A_829 : vector<16xi32>
      %max3A_831 = arith.constant 0.000000e+00 : f32
      %max3A_832 = vector.broadcast %max3A_831 : f32 to vector<16xf32>
      %max3A_833 = arith.maximumf %get3A_827, %max3A_832 : vector<16xf32>
      tpu.vector_store_idx %arg12[%add3A_830, %broadcast_in_dim3A_16], %max3A_833 : memref<128x16xf32, #tpu.memory_space<vmem>>[vector<16xi32>, vector<16xi32>], vector<16xf32>,
      %add3A_834 = arith.constant 1 : i32
      %add3A_835 = vector.broadcast %add3A_834 : i32 to vector<16xi32>
      %add3A_836 = arith.addi %broadcast_in_dim3A_16, %add3A_835 : vector<16xi32>
      %neg3A_837 = arith.constant 0.000000e+00 : f32
      %neg3A_838 = vector.broadcast %neg3A_837 : f32 to vector<16xf32>
      %neg3A_839 = arith.subf %neg3A_838, %get3A_827 : vector<16xf32>
      %max3A_840 = arith.constant 0.000000e+00 : f32
      %max3A_841 = vector.broadcast %max3A_840 : f32 to vector<16xf32>
      %max3A_842 = arith.maximumf %neg3A_839, %max3A_841 : vector<16xf32>
      tpu.vector_store_idx %arg12[%add3A_830, %add3A_836], %max3A_842 : memref<128x16xf32, #tpu.memory_space<vmem>>[vector<16xi32>, vector<16xi32>], vector<16xf32>,
      %get3A_843 = arith.constant 560 : index
      %get3A_844 = tpu.vector_load %arg15[%get3A_843] {strides = array<i32>} : memref<640xf32, #tpu.memory_space<vmem>>, vector<16xf32>,
      %add3A_845 = arith.constant 48 : i32
      %add3A_846 = vector.broadcast %add3A_845 : i32 to vector<16xi32>
      %add3A_847 = arith.addi %iota3A, %add3A_846 : vector<16xi32>
      %max3A_848 = arith.constant 0.000000e+00 : f32
      %max3A_849 = vector.broadcast %max3A_848 : f32 to vector<16xf32>
      %max3A_850 = arith.maximumf %get3A_844, %max3A_849 : vector<16xf32>
      tpu.vector_store_idx %arg12[%add3A_847, %broadcast_in_dim3A_16], %max3A_850 : memref<128x16xf32, #tpu.memory_space<vmem>>[vector<16xi32>, vector<16xi32>], vector<16xf32>,
      %add3A_851 = arith.constant 1 : i32
      %add3A_852 = vector.broadcast %add3A_851 : i32 to vector<16xi32>
      %add3A_853 = arith.addi %broadcast_in_dim3A_16, %add3A_852 : vector<16xi32>
      %neg3A_854 = arith.constant 0.000000e+00 : f32
      %neg3A_855 = vector.broadcast %neg3A_854 : f32 to vector<16xf32>
      %neg3A_856 = arith.subf %neg3A_855, %get3A_844 : vector<16xf32>
      %max3A_857 = arith.constant 0.000000e+00 : f32
      %max3A_858 = vector.broadcast %max3A_857 : f32 to vector<16xf32>
      %max3A_859 = arith.maximumf %neg3A_856, %max3A_858 : vector<16xf32>
      tpu.vector_store_idx %arg12[%add3A_847, %add3A_853], %max3A_859 : memref<128x16xf32, #tpu.memory_space<vmem>>[vector<16xi32>, vector<16xi32>], vector<16xf32>,
      %get3A_860 = arith.constant 576 : index
      %get3A_861 = tpu.vector_load %arg15[%get3A_860] {strides = array<i32>} : memref<640xf32, #tpu.memory_space<vmem>>, vector<16xf32>,
      %add3A_862 = arith.constant 64 : i32
      %add3A_863 = vector.broadcast %add3A_862 : i32 to vector<16xi32>
      %add3A_864 = arith.addi %iota3A, %add3A_863 : vector<16xi32>
      %max3A_865 = arith.constant 0.000000e+00 : f32
      %max3A_866 = vector.broadcast %max3A_865 : f32 to vector<16xf32>
      %max3A_867 = arith.maximumf %get3A_861, %max3A_866 : vector<16xf32>
      tpu.vector_store_idx %arg12[%add3A_864, %broadcast_in_dim3A_16], %max3A_867 : memref<128x16xf32, #tpu.memory_space<vmem>>[vector<16xi32>, vector<16xi32>], vector<16xf32>,
      %add3A_868 = arith.constant 1 : i32
      %add3A_869 = vector.broadcast %add3A_868 : i32 to vector<16xi32>
      %add3A_870 = arith.addi %broadcast_in_dim3A_16, %add3A_869 : vector<16xi32>
      %neg3A_871 = arith.constant 0.000000e+00 : f32
      %neg3A_872 = vector.broadcast %neg3A_871 : f32 to vector<16xf32>
      %neg3A_873 = arith.subf %neg3A_872, %get3A_861 : vector<16xf32>
      %max3A_874 = arith.constant 0.000000e+00 : f32
      %max3A_875 = vector.broadcast %max3A_874 : f32 to vector<16xf32>
      %max3A_876 = arith.maximumf %neg3A_873, %max3A_875 : vector<16xf32>
      tpu.vector_store_idx %arg12[%add3A_864, %add3A_870], %max3A_876 : memref<128x16xf32, #tpu.memory_space<vmem>>[vector<16xi32>, vector<16xi32>], vector<16xf32>,
      %get3A_877 = arith.constant 592 : index
      %get3A_878 = tpu.vector_load %arg15[%get3A_877] {strides = array<i32>} : memref<640xf32, #tpu.memory_space<vmem>>, vector<16xf32>,
      %add3A_879 = arith.constant 80 : i32
      %add3A_880 = vector.broadcast %add3A_879 : i32 to vector<16xi32>
      %add3A_881 = arith.addi %iota3A, %add3A_880 : vector<16xi32>
      %max3A_882 = arith.constant 0.000000e+00 : f32
      %max3A_883 = vector.broadcast %max3A_882 : f32 to vector<16xf32>
      %max3A_884 = arith.maximumf %get3A_878, %max3A_883 : vector<16xf32>
      tpu.vector_store_idx %arg12[%add3A_881, %broadcast_in_dim3A_16], %max3A_884 : memref<128x16xf32, #tpu.memory_space<vmem>>[vector<16xi32>, vector<16xi32>], vector<16xf32>,
      %add3A_885 = arith.constant 1 : i32
      %add3A_886 = vector.broadcast %add3A_885 : i32 to vector<16xi32>
      %add3A_887 = arith.addi %broadcast_in_dim3A_16, %add3A_886 : vector<16xi32>
      %neg3A_888 = arith.constant 0.000000e+00 : f32
      %neg3A_889 = vector.broadcast %neg3A_888 : f32 to vector<16xf32>
      %neg3A_890 = arith.subf %neg3A_889, %get3A_878 : vector<16xf32>
      %max3A_891 = arith.constant 0.000000e+00 : f32
      %max3A_892 = vector.broadcast %max3A_891 : f32 to vector<16xf32>
      %max3A_893 = arith.maximumf %neg3A_890, %max3A_892 : vector<16xf32>
      tpu.vector_store_idx %arg12[%add3A_881, %add3A_887], %max3A_893 : memref<128x16xf32, #tpu.memory_space<vmem>>[vector<16xi32>, vector<16xi32>], vector<16xf32>,
      %get3A_894 = arith.constant 608 : index
      %get3A_895 = tpu.vector_load %arg15[%get3A_894] {strides = array<i32>} : memref<640xf32, #tpu.memory_space<vmem>>, vector<16xf32>,
      %add3A_896 = arith.constant 96 : i32
      %add3A_897 = vector.broadcast %add3A_896 : i32 to vector<16xi32>
      %add3A_898 = arith.addi %iota3A, %add3A_897 : vector<16xi32>
      %max3A_899 = arith.constant 0.000000e+00 : f32
      %max3A_900 = vector.broadcast %max3A_899 : f32 to vector<16xf32>
      %max3A_901 = arith.maximumf %get3A_895, %max3A_900 : vector<16xf32>
      tpu.vector_store_idx %arg12[%add3A_898, %broadcast_in_dim3A_16], %max3A_901 : memref<128x16xf32, #tpu.memory_space<vmem>>[vector<16xi32>, vector<16xi32>], vector<16xf32>,
      %add3A_902 = arith.constant 1 : i32
      %add3A_903 = vector.broadcast %add3A_902 : i32 to vector<16xi32>
      %add3A_904 = arith.addi %broadcast_in_dim3A_16, %add3A_903 : vector<16xi32>
      %neg3A_905 = arith.constant 0.000000e+00 : f32
      %neg3A_906 = vector.broadcast %neg3A_905 : f32 to vector<16xf32>
      %neg3A_907 = arith.subf %neg3A_906, %get3A_895 : vector<16xf32>
      %max3A_908 = arith.constant 0.000000e+00 : f32
      %max3A_909 = vector.broadcast %max3A_908 : f32 to vector<16xf32>
      %max3A_910 = arith.maximumf %neg3A_907, %max3A_909 : vector<16xf32>
      tpu.vector_store_idx %arg12[%add3A_898, %add3A_904], %max3A_910 : memref<128x16xf32, #tpu.memory_space<vmem>>[vector<16xi32>, vector<16xi32>], vector<16xf32>,
      %get3A_911 = arith.constant 624 : index
      %get3A_912 = tpu.vector_load %arg15[%get3A_911] {strides = array<i32>} : memref<640xf32, #tpu.memory_space<vmem>>, vector<16xf32>,
      %add3A_913 = arith.constant 112 : i32
      %add3A_914 = vector.broadcast %add3A_913 : i32 to vector<16xi32>
      %add3A_915 = arith.addi %iota3A, %add3A_914 : vector<16xi32>
      %max3A_916 = arith.constant 0.000000e+00 : f32
      %max3A_917 = vector.broadcast %max3A_916 : f32 to vector<16xf32>
      %max3A_918 = arith.maximumf %get3A_912, %max3A_917 : vector<16xf32>
      tpu.vector_store_idx %arg12[%add3A_915, %broadcast_in_dim3A_16], %max3A_918 : memref<128x16xf32, #tpu.memory_space<vmem>>[vector<16xi32>, vector<16xi32>], vector<16xf32>,
      %add3A_919 = arith.constant 1 : i32
      %add3A_920 = vector.broadcast %add3A_919 : i32 to vector<16xi32>
      %add3A_921 = arith.addi %broadcast_in_dim3A_16, %add3A_920 : vector<16xi32>
      %neg3A_922 = arith.constant 0.000000e+00 : f32
      %neg3A_923 = vector.broadcast %neg3A_922 : f32 to vector<16xf32>
      %neg3A_924 = arith.subf %neg3A_923, %get3A_912 : vector<16xf32>
      %max3A_925 = arith.constant 0.000000e+00 : f32
      %max3A_926 = vector.broadcast %max3A_925 : f32 to vector<16xf32>
      %max3A_927 = arith.maximumf %neg3A_924, %max3A_926 : vector<16xf32>
      tpu.vector_store_idx %arg12[%add3A_915, %add3A_921], %max3A_927 : memref<128x16xf32, #tpu.memory_space<vmem>>[vector<16xi32>, vector<16xi32>], vector<16xf32>,
      %run_scoped3A_928 = arith.constant 4 : i32
      "tpu.region"() ({
        %run_scoped3A_930 = tpu.sem_alloc : memref<!tpu.dma_semaphore, #tpu.memory_space<semaphore_mem>>
        %dma_start3A_931 = arith.constant 0 : i32
        %dma_start3A_932 = tpu.memref_slice %arg14[%run_scoped3A_928, %dma_start3A_931] : memref<5x128xi32, #tpu.memory_space<vmem>> -> memref<1x128xi32, #tpu.memory_space<vmem>>
        %dma_start3A_933 = tpu.memref_squeeze %dma_start3A_932 : memref<1x128xi32, #tpu.memory_space<vmem>> -> memref<128xi32, #tpu.memory_space<vmem>>
        %dma_start3A_934 = arith.constant 0 : i32
        %dma_start3A_935 = arith.constant 0 : i32
        %dma_start3A_936 = tpu.memref_slice %arg7[%dma_start3A_934, %dma_start3A_935] : memref<50000x16xf32, #tpu.memory_space<vmem_shared>> -> memref<50000x16xf32, #tpu.memory_space<vmem_shared>>
        tpu.enqueue_indirect_dma source(%arg12 : memref<128x16xf32, #tpu.memory_space<vmem>>) target(%dma_start3A_936 : memref<50000x16xf32, #tpu.memory_space<vmem_shared>>) offsets(%dma_start3A_933 : memref<128xi32, #tpu.memory_space<vmem>>) semaphore(%run_scoped3A_930 : memref<!tpu.dma_semaphore, #tpu.memory_space<semaphore_mem>>) {add = true}
        %dma_wait3A_937 = arith.constant 0 : i32
        %dma_wait3A_938 = tpu.memref_slice %arg14[%run_scoped3A_928, %dma_wait3A_937] : memref<5x128xi32, #tpu.memory_space<vmem>> -> memref<1x128xi32, #tpu.memory_space<vmem>>
        %dma_wait3A_939 = tpu.memref_squeeze %dma_wait3A_938 : memref<1x128xi32, #tpu.memory_space<vmem>> -> memref<128xi32, #tpu.memory_space<vmem>>
        %dma_wait3A_940 = arith.constant 0 : i32
        %dma_wait3A_941 = arith.constant 0 : i32
        %dma_wait3A_942 = tpu.memref_slice %arg7[%dma_wait3A_940, %dma_wait3A_941] : memref<50000x16xf32, #tpu.memory_space<vmem_shared>> -> memref<50000x16xf32, #tpu.memory_space<vmem_shared>>
        tpu.wait_indirect_dma semaphore(%run_scoped3A_930 : memref<!tpu.dma_semaphore, #tpu.memory_space<semaphore_mem>>) src(%arg12 : memref<128x16xf32, #tpu.memory_space<vmem>>) dst(%dma_wait3A_942 : memref<50000x16xf32, #tpu.memory_space<vmem_shared>>)
        tpu.yield
      }) : () -> ()
      %while3A_929 = arith.constant 0 : i32
      scf.yield %while3A_929 : i32
    }
    %while3A_34 = arith.constant 1 : i32
    %while3A_35 = scf.for %while3A_49 = %while3A_31 to %while3A_27 step %while3A_34 iter_args(%while3A_50 = %while3A_33) -> (i32)  : i32 {
      %mul3A_51 = arith.constant 32 : i32
      %mul3A_52 = arith.muli %mul3A_51, %while3A_49 : i32
      %add3A_53 = arith.addi %add3A, %mul3A_52 : i32
      %mul3A_54 = arith.constant 640 : i32
      %mul3A_55 = arith.muli %add3A_53, %mul3A_54 : i32
      %dma_start3A = arith.constant 0 : i32
      %dma_start3A_56 = tpu.memref_slice %arg2[%dma_start3A, %mul3A_55] : memref<2x800000xi32, #tpu.memory_space<hbm>> -> memref<1x640xi32, #tpu.memory_space<hbm>>
      %dma_start3A_57 = tpu.memref_squeeze %dma_start3A_56 : memref<1x640xi32, #tpu.memory_space<hbm>> -> memref<640xi32, #tpu.memory_space<hbm>>
      %dma_start3A_58 = tpu.memref_slice %arg2[%dma_start3A, %mul3A_55] : memref<2x800000xi32, #tpu.memory_space<hbm>> -> memref<1x640xi32, #tpu.memory_space<hbm>>
      %dma_start3A_59 = tpu.memref_squeeze %dma_start3A_58 : memref<1x640xi32, #tpu.memory_space<hbm>> -> memref<640xi32, #tpu.memory_space<hbm>>
      tpu.enqueue_dma source(%dma_start3A_59 : memref<640xi32, #tpu.memory_space<hbm>>) target(%arg13 : memref<640xi32, #tpu.memory_space<vmem>>) target_semaphore(%arg17 : memref<!tpu.dma_semaphore, #tpu.memory_space<semaphore_mem>>)
      %dma_start3A_60 = tpu.memref_slice %arg3[%mul3A_55] : memref<800000xf32, #tpu.memory_space<hbm>> -> memref<640xf32, #tpu.memory_space<hbm>>
      %dma_start3A_61 = tpu.memref_slice %arg3[%mul3A_55] : memref<800000xf32, #tpu.memory_space<hbm>> -> memref<640xf32, #tpu.memory_space<hbm>>
      tpu.enqueue_dma source(%dma_start3A_61 : memref<640xf32, #tpu.memory_space<hbm>>) target(%arg15 : memref<640xf32, #tpu.memory_space<vmem>>) target_semaphore(%arg17 : memref<!tpu.dma_semaphore, #tpu.memory_space<semaphore_mem>>)
      %add3A_62 = arith.constant 0 : i32
      %add3A_63 = arith.addi %mul3A_55, %add3A_62 : i32
      %dma_start3A_64 = arith.constant 1 : i32
      %dma_start3A_65 = arith.constant 0 : i32
      %dma_start3A_66 = arith.constant 0 : i32
      %dma_start3A_67 = tpu.memref_slice %arg14[%dma_start3A_65, %dma_start3A_66] : memref<5x128xi32, #tpu.memory_space<vmem>> -> memref<1x128xi32, #tpu.memory_space<vmem>>
      %dma_start3A_68 = tpu.memref_squeeze %dma_start3A_67 : memref<1x128xi32, #tpu.memory_space<vmem>> -> memref<128xi32, #tpu.memory_space<vmem>>
      %dma_start3A_69 = tpu.memref_slice %arg2[%dma_start3A_64, %add3A_63] : memref<2x800000xi32, #tpu.memory_space<hbm>> -> memref<1x128xi32, #tpu.memory_space<hbm>>
      %dma_start3A_70 = tpu.memref_squeeze %dma_start3A_69 : memref<1x128xi32, #tpu.memory_space<hbm>> -> memref<128xi32, #tpu.memory_space<hbm>>
      %dma_start3A_71 = arith.constant 0 : i32
      %dma_start3A_72 = tpu.memref_slice %arg14[%dma_start3A_65, %dma_start3A_71] : memref<5x128xi32, #tpu.memory_space<vmem>> -> memref<1x128xi32, #tpu.memory_space<vmem>>
      %dma_start3A_73 = tpu.memref_squeeze %dma_start3A_72 : memref<1x128xi32, #tpu.memory_space<vmem>> -> memref<128xi32, #tpu.memory_space<vmem>>
      %dma_start3A_74 = tpu.memref_slice %arg2[%dma_start3A_64, %add3A_63] : memref<2x800000xi32, #tpu.memory_space<hbm>> -> memref<1x128xi32, #tpu.memory_space<hbm>>
      %dma_start3A_75 = tpu.memref_squeeze %dma_start3A_74 : memref<1x128xi32, #tpu.memory_space<hbm>> -> memref<128xi32, #tpu.memory_space<hbm>>
      tpu.enqueue_dma source(%dma_start3A_75 : memref<128xi32, #tpu.memory_space<hbm>>) target(%dma_start3A_73 : memref<128xi32, #tpu.memory_space<vmem>>) target_semaphore(%arg17 : memref<!tpu.dma_semaphore, #tpu.memory_space<semaphore_mem>>)
      %add3A_76 = arith.constant 128 : i32
      %add3A_77 = arith.addi %mul3A_55, %add3A_76 : i32
      %dma_start3A_78 = arith.constant 1 : i32
      %dma_start3A_79 = arith.constant 1 : i32
      %dma_start3A_80 = arith.constant 0 : i32
      %dma_start3A_81 = tpu.memref_slice %arg14[%dma_start3A_79, %dma_start3A_80] : memref<5x128xi32, #tpu.memory_space<vmem>> -> memref<1x128xi32, #tpu.memory_space<vmem>>
      %dma_start3A_82 = tpu.memref_squeeze %dma_start3A_81 : memref<1x128xi32, #tpu.memory_space<vmem>> -> memref<128xi32, #tpu.memory_space<vmem>>
      %dma_start3A_83 = tpu.memref_slice %arg2[%dma_start3A_78, %add3A_77] : memref<2x800000xi32, #tpu.memory_space<hbm>> -> memref<1x128xi32, #tpu.memory_space<hbm>>
      %dma_start3A_84 = tpu.memref_squeeze %dma_start3A_83 : memref<1x128xi32, #tpu.memory_space<hbm>> -> memref<128xi32, #tpu.memory_space<hbm>>
      %dma_start3A_85 = arith.constant 0 : i32
      %dma_start3A_86 = tpu.memref_slice %arg14[%dma_start3A_79, %dma_start3A_85] : memref<5x128xi32, #tpu.memory_space<vmem>> -> memref<1x128xi32, #tpu.memory_space<vmem>>
      %dma_start3A_87 = tpu.memref_squeeze %dma_start3A_86 : memref<1x128xi32, #tpu.memory_space<vmem>> -> memref<128xi32, #tpu.memory_space<vmem>>
      %dma_start3A_88 = tpu.memref_slice %arg2[%dma_start3A_78, %add3A_77] : memref<2x800000xi32, #tpu.memory_space<hbm>> -> memref<1x128xi32, #tpu.memory_space<hbm>>
      %dma_start3A_89 = tpu.memref_squeeze %dma_start3A_88 : memref<1x128xi32, #tpu.memory_space<hbm>> -> memref<128xi32, #tpu.memory_space<hbm>>
      tpu.enqueue_dma source(%dma_start3A_89 : memref<128xi32, #tpu.memory_space<hbm>>) target(%dma_start3A_87 : memref<128xi32, #tpu.memory_space<vmem>>) target_semaphore(%arg17 : memref<!tpu.dma_semaphore, #tpu.memory_space<semaphore_mem>>)
      %add3A_90 = arith.constant 256 : i32
      %add3A_91 = arith.addi %mul3A_55, %add3A_90 : i32
      %dma_start3A_92 = arith.constant 1 : i32
      %dma_start3A_93 = arith.constant 2 : i32
      %dma_start3A_94 = arith.constant 0 : i32
      %dma_start3A_95 = tpu.memref_slice %arg14[%dma_start3A_93, %dma_start3A_94] : memref<5x128xi32, #tpu.memory_space<vmem>> -> memref<1x128xi32, #tpu.memory_space<vmem>>
      %dma_start3A_96 = tpu.memref_squeeze %dma_start3A_95 : memref<1x128xi32, #tpu.memory_space<vmem>> -> memref<128xi32, #tpu.memory_space<vmem>>
      %dma_start3A_97 = tpu.memref_slice %arg2[%dma_start3A_92, %add3A_91] : memref<2x800000xi32, #tpu.memory_space<hbm>> -> memref<1x128xi32, #tpu.memory_space<hbm>>
      %dma_start3A_98 = tpu.memref_squeeze %dma_start3A_97 : memref<1x128xi32, #tpu.memory_space<hbm>> -> memref<128xi32, #tpu.memory_space<hbm>>
      %dma_start3A_99 = arith.constant 0 : i32
      %dma_start3A_100 = tpu.memref_slice %arg14[%dma_start3A_93, %dma_start3A_99] : memref<5x128xi32, #tpu.memory_space<vmem>> -> memref<1x128xi32, #tpu.memory_space<vmem>>
      %dma_start3A_101 = tpu.memref_squeeze %dma_start3A_100 : memref<1x128xi32, #tpu.memory_space<vmem>> -> memref<128xi32, #tpu.memory_space<vmem>>
      %dma_start3A_102 = tpu.memref_slice %arg2[%dma_start3A_92, %add3A_91] : memref<2x800000xi32, #tpu.memory_space<hbm>> -> memref<1x128xi32, #tpu.memory_space<hbm>>
      %dma_start3A_103 = tpu.memref_squeeze %dma_start3A_102 : memref<1x128xi32, #tpu.memory_space<hbm>> -> memref<128xi32, #tpu.memory_space<hbm>>
      tpu.enqueue_dma source(%dma_start3A_103 : memref<128xi32, #tpu.memory_space<hbm>>) target(%dma_start3A_101 : memref<128xi32, #tpu.memory_space<vmem>>) target_semaphore(%arg17 : memref<!tpu.dma_semaphore, #tpu.memory_space<semaphore_mem>>)
      %add3A_104 = arith.constant 384 : i32
      %add3A_105 = arith.addi %mul3A_55, %add3A_104 : i32
      %dma_start3A_106 = arith.constant 1 : i32
      %dma_start3A_107 = arith.constant 3 : i32
      %dma_start3A_108 = arith.constant 0 : i32
      %dma_start3A_109 = tpu.memref_slice %arg14[%dma_start3A_107, %dma_start3A_108] : memref<5x128xi32, #tpu.memory_space<vmem>> -> memref<1x128xi32, #tpu.memory_space<vmem>>
      %dma_start3A_110 = tpu.memref_squeeze %dma_start3A_109 : memref<1x128xi32, #tpu.memory_space<vmem>> -> memref<128xi32, #tpu.memory_space<vmem>>
      %dma_start3A_111 = tpu.memref_slice %arg2[%dma_start3A_106, %add3A_105] : memref<2x800000xi32, #tpu.memory_space<hbm>> -> memref<1x128xi32, #tpu.memory_space<hbm>>
      %dma_start3A_112 = tpu.memref_squeeze %dma_start3A_111 : memref<1x128xi32, #tpu.memory_space<hbm>> -> memref<128xi32, #tpu.memory_space<hbm>>
      %dma_start3A_113 = arith.constant 0 : i32
      %dma_start3A_114 = tpu.memref_slice %arg14[%dma_start3A_107, %dma_start3A_113] : memref<5x128xi32, #tpu.memory_space<vmem>> -> memref<1x128xi32, #tpu.memory_space<vmem>>
      %dma_start3A_115 = tpu.memref_squeeze %dma_start3A_114 : memref<1x128xi32, #tpu.memory_space<vmem>> -> memref<128xi32, #tpu.memory_space<vmem>>
      %dma_start3A_116 = tpu.memref_slice %arg2[%dma_start3A_106, %add3A_105] : memref<2x800000xi32, #tpu.memory_space<hbm>> -> memref<1x128xi32, #tpu.memory_space<hbm>>
      %dma_start3A_117 = tpu.memref_squeeze %dma_start3A_116 : memref<1x128xi32, #tpu.memory_space<hbm>> -> memref<128xi32, #tpu.memory_space<hbm>>
      tpu.enqueue_dma source(%dma_start3A_117 : memref<128xi32, #tpu.memory_space<hbm>>) target(%dma_start3A_115 : memref<128xi32, #tpu.memory_space<vmem>>) target_semaphore(%arg17 : memref<!tpu.dma_semaphore, #tpu.memory_space<semaphore_mem>>)
      %add3A_118 = arith.constant 512 : i32
      %add3A_119 = arith.addi %mul3A_55, %add3A_118 : i32
      %dma_start3A_120 = arith.constant 1 : i32
      %dma_start3A_121 = arith.constant 4 : i32
      %dma_start3A_122 = arith.constant 0 : i32
      %dma_start3A_123 = tpu.memref_slice %arg14[%dma_start3A_121, %dma_start3A_122] : memref<5x128xi32, #tpu.memory_space<vmem>> -> memref<1x128xi32, #tpu.memory_space<vmem>>
      %dma_start3A_124 = tpu.memref_squeeze %dma_start3A_123 : memref<1x128xi32, #tpu.memory_space<vmem>> -> memref<128xi32, #tpu.memory_space<vmem>>
      %dma_start3A_125 = tpu.memref_slice %arg2[%dma_start3A_120, %add3A_119] : memref<2x800000xi32, #tpu.memory_space<hbm>> -> memref<1x128xi32, #tpu.memory_space<hbm>>
      %dma_start3A_126 = tpu.memref_squeeze %dma_start3A_125 : memref<1x128xi32, #tpu.memory_space<hbm>> -> memref<128xi32, #tpu.memory_space<hbm>>
      %dma_start3A_127 = arith.constant 0 : i32
      %dma_start3A_128 = tpu.memref_slice %arg14[%dma_start3A_121, %dma_start3A_127] : memref<5x128xi32, #tpu.memory_space<vmem>> -> memref<1x128xi32, #tpu.memory_space<vmem>>
      %dma_start3A_129 = tpu.memref_squeeze %dma_start3A_128 : memref<1x128xi32, #tpu.memory_space<vmem>> -> memref<128xi32, #tpu.memory_space<vmem>>
      %dma_start3A_130 = tpu.memref_slice %arg2[%dma_start3A_120, %add3A_119] : memref<2x800000xi32, #tpu.memory_space<hbm>> -> memref<1x128xi32, #tpu.memory_space<hbm>>
      %dma_start3A_131 = tpu.memref_squeeze %dma_start3A_130 : memref<1x128xi32, #tpu.memory_space<hbm>> -> memref<128xi32, #tpu.memory_space<hbm>>
      tpu.enqueue_dma source(%dma_start3A_131 : memref<128xi32, #tpu.memory_space<hbm>>) target(%dma_start3A_129 : memref<128xi32, #tpu.memory_space<vmem>>) target_semaphore(%arg17 : memref<!tpu.dma_semaphore, #tpu.memory_space<semaphore_mem>>)
      %dma_wait3A = arith.constant 0 : i32
      %dma_wait3A_132 = tpu.memref_slice %arg2[%dma_wait3A, %mul3A_55] : memref<2x800000xi32, #tpu.memory_space<hbm>> -> memref<1x640xi32, #tpu.memory_space<hbm>>
      %dma_wait3A_133 = tpu.memref_squeeze %dma_wait3A_132 : memref<1x640xi32, #tpu.memory_space<hbm>> -> memref<640xi32, #tpu.memory_space<hbm>>
      %dma_wait3A_134 = tpu.memref_slice %arg2[%dma_wait3A, %mul3A_55] : memref<2x800000xi32, #tpu.memory_space<hbm>> -> memref<1x640xi32, #tpu.memory_space<hbm>>
      %dma_wait3A_135 = tpu.memref_squeeze %dma_wait3A_134 : memref<1x640xi32, #tpu.memory_space<hbm>> -> memref<640xi32, #tpu.memory_space<hbm>>
      tpu.wait_dma2 semaphore(%arg17 : memref<!tpu.dma_semaphore, #tpu.memory_space<semaphore_mem>>) src(%dma_wait3A_135 : memref<640xi32, #tpu.memory_space<hbm>>) dst(%arg13 : memref<640xi32, #tpu.memory_space<vmem>>)
      %dma_wait3A_136 = tpu.memref_slice %arg3[%mul3A_55] : memref<800000xf32, #tpu.memory_space<hbm>> -> memref<640xf32, #tpu.memory_space<hbm>>
      %dma_wait3A_137 = tpu.memref_slice %arg3[%mul3A_55] : memref<800000xf32, #tpu.memory_space<hbm>> -> memref<640xf32, #tpu.memory_space<hbm>>
      tpu.wait_dma2 semaphore(%arg17 : memref<!tpu.dma_semaphore, #tpu.memory_space<semaphore_mem>>) src(%dma_wait3A_137 : memref<640xf32, #tpu.memory_space<hbm>>) dst(%arg15 : memref<640xf32, #tpu.memory_space<vmem>>)
      %dma_wait3A_138 = arith.constant 1 : i32
      %dma_wait3A_139 = arith.constant 0 : i32
      %dma_wait3A_140 = arith.constant 0 : i32
      %dma_wait3A_141 = tpu.memref_slice %arg14[%dma_wait3A_139, %dma_wait3A_140] : memref<5x128xi32, #tpu.memory_space<vmem>> -> memref<1x128xi32, #tpu.memory_space<vmem>>
      %dma_wait3A_142 = tpu.memref_squeeze %dma_wait3A_141 : memref<1x128xi32, #tpu.memory_space<vmem>> -> memref<128xi32, #tpu.memory_space<vmem>>
      %dma_wait3A_143 = tpu.memref_slice %arg2[%dma_wait3A_138, %add3A_63] : memref<2x800000xi32, #tpu.memory_space<hbm>> -> memref<1x128xi32, #tpu.memory_space<hbm>>
      %dma_wait3A_144 = tpu.memref_squeeze %dma_wait3A_143 : memref<1x128xi32, #tpu.memory_space<hbm>> -> memref<128xi32, #tpu.memory_space<hbm>>
      %dma_wait3A_145 = arith.constant 0 : i32
      %dma_wait3A_146 = tpu.memref_slice %arg14[%dma_wait3A_139, %dma_wait3A_145] : memref<5x128xi32, #tpu.memory_space<vmem>> -> memref<1x128xi32, #tpu.memory_space<vmem>>
      %dma_wait3A_147 = tpu.memref_squeeze %dma_wait3A_146 : memref<1x128xi32, #tpu.memory_space<vmem>> -> memref<128xi32, #tpu.memory_space<vmem>>
      %dma_wait3A_148 = tpu.memref_slice %arg2[%dma_wait3A_138, %add3A_63] : memref<2x800000xi32, #tpu.memory_space<hbm>> -> memref<1x128xi32, #tpu.memory_space<hbm>>
      %dma_wait3A_149 = tpu.memref_squeeze %dma_wait3A_148 : memref<1x128xi32, #tpu.memory_space<hbm>> -> memref<128xi32, #tpu.memory_space<hbm>>
      tpu.wait_dma2 semaphore(%arg17 : memref<!tpu.dma_semaphore, #tpu.memory_space<semaphore_mem>>) src(%dma_wait3A_149 : memref<128xi32, #tpu.memory_space<hbm>>) dst(%dma_wait3A_147 : memref<128xi32, #tpu.memory_space<vmem>>)
      %dma_wait3A_150 = arith.constant 1 : i32
      %dma_wait3A_151 = arith.constant 1 : i32
      %dma_wait3A_152 = arith.constant 0 : i32
      %dma_wait3A_153 = tpu.memref_slice %arg14[%dma_wait3A_151, %dma_wait3A_152] : memref<5x128xi32, #tpu.memory_space<vmem>> -> memref<1x128xi32, #tpu.memory_space<vmem>>
      %dma_wait3A_154 = tpu.memref_squeeze %dma_wait3A_153 : memref<1x128xi32, #tpu.memory_space<vmem>> -> memref<128xi32, #tpu.memory_space<vmem>>
      %dma_wait3A_155 = tpu.memref_slice %arg2[%dma_wait3A_150, %add3A_77] : memref<2x800000xi32, #tpu.memory_space<hbm>> -> memref<1x128xi32, #tpu.memory_space<hbm>>
      %dma_wait3A_156 = tpu.memref_squeeze %dma_wait3A_155 : memref<1x128xi32, #tpu.memory_space<hbm>> -> memref<128xi32, #tpu.memory_space<hbm>>
      %dma_wait3A_157 = arith.constant 0 : i32
      %dma_wait3A_158 = tpu.memref_slice %arg14[%dma_wait3A_151, %dma_wait3A_157] : memref<5x128xi32, #tpu.memory_space<vmem>> -> memref<1x128xi32, #tpu.memory_space<vmem>>
      %dma_wait3A_159 = tpu.memref_squeeze %dma_wait3A_158 : memref<1x128xi32, #tpu.memory_space<vmem>> -> memref<128xi32, #tpu.memory_space<vmem>>
      %dma_wait3A_160 = tpu.memref_slice %arg2[%dma_wait3A_150, %add3A_77] : memref<2x800000xi32, #tpu.memory_space<hbm>> -> memref<1x128xi32, #tpu.memory_space<hbm>>
      %dma_wait3A_161 = tpu.memref_squeeze %dma_wait3A_160 : memref<1x128xi32, #tpu.memory_space<hbm>> -> memref<128xi32, #tpu.memory_space<hbm>>
      tpu.wait_dma2 semaphore(%arg17 : memref<!tpu.dma_semaphore, #tpu.memory_space<semaphore_mem>>) src(%dma_wait3A_161 : memref<128xi32, #tpu.memory_space<hbm>>) dst(%dma_wait3A_159 : memref<128xi32, #tpu.memory_space<vmem>>)
      %dma_wait3A_162 = arith.constant 1 : i32
      %dma_wait3A_163 = arith.constant 2 : i32
      %dma_wait3A_164 = arith.constant 0 : i32
      %dma_wait3A_165 = tpu.memref_slice %arg14[%dma_wait3A_163, %dma_wait3A_164] : memref<5x128xi32, #tpu.memory_space<vmem>> -> memref<1x128xi32, #tpu.memory_space<vmem>>
      %dma_wait3A_166 = tpu.memref_squeeze %dma_wait3A_165 : memref<1x128xi32, #tpu.memory_space<vmem>> -> memref<128xi32, #tpu.memory_space<vmem>>
      %dma_wait3A_167 = tpu.memref_slice %arg2[%dma_wait3A_162, %add3A_91] : memref<2x800000xi32, #tpu.memory_space<hbm>> -> memref<1x128xi32, #tpu.memory_space<hbm>>
      %dma_wait3A_168 = tpu.memref_squeeze %dma_wait3A_167 : memref<1x128xi32, #tpu.memory_space<hbm>> -> memref<128xi32, #tpu.memory_space<hbm>>
      %dma_wait3A_169 = arith.constant 0 : i32
      %dma_wait3A_170 = tpu.memref_slice %arg14[%dma_wait3A_163, %dma_wait3A_169] : memref<5x128xi32, #tpu.memory_space<vmem>> -> memref<1x128xi32, #tpu.memory_space<vmem>>
      %dma_wait3A_171 = tpu.memref_squeeze %dma_wait3A_170 : memref<1x128xi32, #tpu.memory_space<vmem>> -> memref<128xi32, #tpu.memory_space<vmem>>
      %dma_wait3A_172 = tpu.memref_slice %arg2[%dma_wait3A_162, %add3A_91] : memref<2x800000xi32, #tpu.memory_space<hbm>> -> memref<1x128xi32, #tpu.memory_space<hbm>>
      %dma_wait3A_173 = tpu.memref_squeeze %dma_wait3A_172 : memref<1x128xi32, #tpu.memory_space<hbm>> -> memref<128xi32, #tpu.memory_space<hbm>>
      tpu.wait_dma2 semaphore(%arg17 : memref<!tpu.dma_semaphore, #tpu.memory_space<semaphore_mem>>) src(%dma_wait3A_173 : memref<128xi32, #tpu.memory_space<hbm>>) dst(%dma_wait3A_171 : memref<128xi32, #tpu.memory_space<vmem>>)
      %dma_wait3A_174 = arith.constant 1 : i32
      %dma_wait3A_175 = arith.constant 3 : i32
      %dma_wait3A_176 = arith.constant 0 : i32
      %dma_wait3A_177 = tpu.memref_slice %arg14[%dma_wait3A_175, %dma_wait3A_176] : memref<5x128xi32, #tpu.memory_space<vmem>> -> memref<1x128xi32, #tpu.memory_space<vmem>>
      %dma_wait3A_178 = tpu.memref_squeeze %dma_wait3A_177 : memref<1x128xi32, #tpu.memory_space<vmem>> -> memref<128xi32, #tpu.memory_space<vmem>>
      %dma_wait3A_179 = tpu.memref_slice %arg2[%dma_wait3A_174, %add3A_105] : memref<2x800000xi32, #tpu.memory_space<hbm>> -> memref<1x128xi32, #tpu.memory_space<hbm>>
      %dma_wait3A_180 = tpu.memref_squeeze %dma_wait3A_179 : memref<1x128xi32, #tpu.memory_space<hbm>> -> memref<128xi32, #tpu.memory_space<hbm>>
      %dma_wait3A_181 = arith.constant 0 : i32
      %dma_wait3A_182 = tpu.memref_slice %arg14[%dma_wait3A_175, %dma_wait3A_181] : memref<5x128xi32, #tpu.memory_space<vmem>> -> memref<1x128xi32, #tpu.memory_space<vmem>>
      %dma_wait3A_183 = tpu.memref_squeeze %dma_wait3A_182 : memref<1x128xi32, #tpu.memory_space<vmem>> -> memref<128xi32, #tpu.memory_space<vmem>>
      %dma_wait3A_184 = tpu.memref_slice %arg2[%dma_wait3A_174, %add3A_105] : memref<2x800000xi32, #tpu.memory_space<hbm>> -> memref<1x128xi32, #tpu.memory_space<hbm>>
      %dma_wait3A_185 = tpu.memref_squeeze %dma_wait3A_184 : memref<1x128xi32, #tpu.memory_space<hbm>> -> memref<128xi32, #tpu.memory_space<hbm>>
      tpu.wait_dma2 semaphore(%arg17 : memref<!tpu.dma_semaphore, #tpu.memory_space<semaphore_mem>>) src(%dma_wait3A_185 : memref<128xi32, #tpu.memory_space<hbm>>) dst(%dma_wait3A_183 : memref<128xi32, #tpu.memory_space<vmem>>)
      %dma_wait3A_186 = arith.constant 1 : i32
      %dma_wait3A_187 = arith.constant 4 : i32
      %dma_wait3A_188 = arith.constant 0 : i32
      %dma_wait3A_189 = tpu.memref_slice %arg14[%dma_wait3A_187, %dma_wait3A_188] : memref<5x128xi32, #tpu.memory_space<vmem>> -> memref<1x128xi32, #tpu.memory_space<vmem>>
      %dma_wait3A_190 = tpu.memref_squeeze %dma_wait3A_189 : memref<1x128xi32, #tpu.memory_space<vmem>> -> memref<128xi32, #tpu.memory_space<vmem>>
      %dma_wait3A_191 = tpu.memref_slice %arg2[%dma_wait3A_186, %add3A_119] : memref<2x800000xi32, #tpu.memory_space<hbm>> -> memref<1x128xi32, #tpu.memory_space<hbm>>
      %dma_wait3A_192 = tpu.memref_squeeze %dma_wait3A_191 : memref<1x128xi32, #tpu.memory_space<hbm>> -> memref<128xi32, #tpu.memory_space<hbm>>
      %dma_wait3A_193 = arith.constant 0 : i32
      %dma_wait3A_194 = tpu.memref_slice %arg14[%dma_wait3A_187, %dma_wait3A_193] : memref<5x128xi32, #tpu.memory_space<vmem>> -> memref<1x128xi32, #tpu.memory_space<vmem>>
      %dma_wait3A_195 = tpu.memref_squeeze %dma_wait3A_194 : memref<1x128xi32, #tpu.memory_space<vmem>> -> memref<128xi32, #tpu.memory_space<vmem>>
      %dma_wait3A_196 = tpu.memref_slice %arg2[%dma_wait3A_186, %add3A_119] : memref<2x800000xi32, #tpu.memory_space<hbm>> -> memref<1x128xi32, #tpu.memory_space<hbm>>
      %dma_wait3A_197 = tpu.memref_squeeze %dma_wait3A_196 : memref<1x128xi32, #tpu.memory_space<hbm>> -> memref<128xi32, #tpu.memory_space<hbm>>
      tpu.wait_dma2 semaphore(%arg17 : memref<!tpu.dma_semaphore, #tpu.memory_space<semaphore_mem>>) src(%dma_wait3A_197 : memref<128xi32, #tpu.memory_space<hbm>>) dst(%dma_wait3A_195 : memref<128xi32, #tpu.memory_space<vmem>>)
      %dma_start3A_198 = arith.constant 0 : i32
      %dma_start3A_199 = tpu.memref_slice %arg13[%dma_start3A_198] : memref<640xi32, #tpu.memory_space<vmem>> -> memref<128xi32, #tpu.memory_space<vmem>>
      %dma_start3A_200 = arith.constant 0 : i32
      %dma_start3A_201 = arith.constant 0 : i32
      %dma_start3A_202 = tpu.memref_slice %arg4[%dma_start3A_200, %dma_start3A_201] : memref<50000x16xf32, #tpu.memory_space<hbm>> -> memref<50000x16xf32, #tpu.memory_space<hbm>>
      tpu.enqueue_indirect_dma source(%dma_start3A_202 : memref<50000x16xf32, #tpu.memory_space<hbm>>) target(%arg8 : memref<128x16xf32, #tpu.memory_space<vmem>>) offsets(%dma_start3A_199 : memref<128xi32, #tpu.memory_space<vmem>>) semaphore(%arg18 : memref<!tpu.dma_semaphore, #tpu.memory_space<semaphore_mem>>)
      %dma_start3A_203 = arith.constant 128 : i32
      %dma_start3A_204 = tpu.memref_slice %arg13[%dma_start3A_203] : memref<640xi32, #tpu.memory_space<vmem>> -> memref<128xi32, #tpu.memory_space<vmem>>
      %dma_start3A_205 = arith.constant 0 : i32
      %dma_start3A_206 = arith.constant 0 : i32
      %dma_start3A_207 = tpu.memref_slice %arg4[%dma_start3A_205, %dma_start3A_206] : memref<50000x16xf32, #tpu.memory_space<hbm>> -> memref<50000x16xf32, #tpu.memory_space<hbm>>
      tpu.enqueue_indirect_dma source(%dma_start3A_207 : memref<50000x16xf32, #tpu.memory_space<hbm>>) target(%arg9 : memref<128x16xf32, #tpu.memory_space<vmem>>) offsets(%dma_start3A_204 : memref<128xi32, #tpu.memory_space<vmem>>) semaphore(%arg18 : memref<!tpu.dma_semaphore, #tpu.memory_space<semaphore_mem>>)
      %dma_start3A_208 = arith.constant 256 : i32
      %dma_start3A_209 = tpu.memref_slice %arg13[%dma_start3A_208] : memref<640xi32, #tpu.memory_space<vmem>> -> memref<128xi32, #tpu.memory_space<vmem>>
      %dma_start3A_210 = arith.constant 0 : i32
      %dma_start3A_211 = arith.constant 0 : i32
      %dma_start3A_212 = tpu.memref_slice %arg4[%dma_start3A_210, %dma_start3A_211] : memref<50000x16xf32, #tpu.memory_space<hbm>> -> memref<50000x16xf32, #tpu.memory_space<hbm>>
      tpu.enqueue_indirect_dma source(%dma_start3A_212 : memref<50000x16xf32, #tpu.memory_space<hbm>>) target(%arg10 : memref<128x16xf32, #tpu.memory_space<vmem>>) offsets(%dma_start3A_209 : memref<128xi32, #tpu.memory_space<vmem>>) semaphore(%arg18 : memref<!tpu.dma_semaphore, #tpu.memory_space<semaphore_mem>>)
      %dma_start3A_213 = arith.constant 384 : i32
      %dma_start3A_214 = tpu.memref_slice %arg13[%dma_start3A_213] : memref<640xi32, #tpu.memory_space<vmem>> -> memref<128xi32, #tpu.memory_space<vmem>>
      %dma_start3A_215 = arith.constant 0 : i32
      %dma_start3A_216 = arith.constant 0 : i32
      %dma_start3A_217 = tpu.memref_slice %arg4[%dma_start3A_215, %dma_start3A_216] : memref<50000x16xf32, #tpu.memory_space<hbm>> -> memref<50000x16xf32, #tpu.memory_space<hbm>>
      tpu.enqueue_indirect_dma source(%dma_start3A_217 : memref<50000x16xf32, #tpu.memory_space<hbm>>) target(%arg11 : memref<128x16xf32, #tpu.memory_space<vmem>>) offsets(%dma_start3A_214 : memref<128xi32, #tpu.memory_space<vmem>>) semaphore(%arg18 : memref<!tpu.dma_semaphore, #tpu.memory_space<semaphore_mem>>)
      %dma_start3A_218 = arith.constant 512 : i32
      %dma_start3A_219 = tpu.memref_slice %arg13[%dma_start3A_218] : memref<640xi32, #tpu.memory_space<vmem>> -> memref<128xi32, #tpu.memory_space<vmem>>
      %dma_start3A_220 = arith.constant 0 : i32
      %dma_start3A_221 = arith.constant 0 : i32
      %dma_start3A_222 = tpu.memref_slice %arg4[%dma_start3A_220, %dma_start3A_221] : memref<50000x16xf32, #tpu.memory_space<hbm>> -> memref<50000x16xf32, #tpu.memory_space<hbm>>
      tpu.enqueue_indirect_dma source(%dma_start3A_222 : memref<50000x16xf32, #tpu.memory_space<hbm>>) target(%arg12 : memref<128x16xf32, #tpu.memory_space<vmem>>) offsets(%dma_start3A_219 : memref<128xi32, #tpu.memory_space<vmem>>) semaphore(%arg18 : memref<!tpu.dma_semaphore, #tpu.memory_space<semaphore_mem>>)
      %dma_wait3A_223 = arith.constant 0 : i32
      %dma_wait3A_224 = tpu.memref_slice %arg13[%dma_wait3A_223] : memref<640xi32, #tpu.memory_space<vmem>> -> memref<128xi32, #tpu.memory_space<vmem>>
      %dma_wait3A_225 = arith.constant 0 : i32
      %dma_wait3A_226 = arith.constant 0 : i32
      %dma_wait3A_227 = tpu.memref_slice %arg4[%dma_wait3A_225, %dma_wait3A_226] : memref<50000x16xf32, #tpu.memory_space<hbm>> -> memref<50000x16xf32, #tpu.memory_space<hbm>>
      tpu.wait_indirect_dma semaphore(%arg18 : memref<!tpu.dma_semaphore, #tpu.memory_space<semaphore_mem>>) src(%dma_wait3A_227 : memref<50000x16xf32, #tpu.memory_space<hbm>>) dst(%arg8 : memref<128x16xf32, #tpu.memory_space<vmem>>)
      %get3A = arith.constant 0 : index
      %get3A_228 = tpu.vector_load %arg15[%get3A] {strides = array<i32>} : memref<640xf32, #tpu.memory_space<vmem>>, vector<16xf32>,
      %add3A_229 = arith.constant 0 : i32
      %add3A_230 = vector.broadcast %add3A_229 : i32 to vector<16xi32>
      %add3A_231 = arith.addi %iota3A, %add3A_230 : vector<16xi32>
      %max3A = arith.constant 0.000000e+00 : f32
      %max3A_232 = vector.broadcast %max3A : f32 to vector<16xf32>
      %max3A_233 = arith.maximumf %get3A_228, %max3A_232 : vector<16xf32>
      tpu.vector_store_idx %arg8[%add3A_231, %broadcast_in_dim3A_16], %max3A_233 : memref<128x16xf32, #tpu.memory_space<vmem>>[vector<16xi32>, vector<16xi32>], vector<16xf32>,
      %add3A_234 = arith.constant 1 : i32
      %add3A_235 = vector.broadcast %add3A_234 : i32 to vector<16xi32>
      %add3A_236 = arith.addi %broadcast_in_dim3A_16, %add3A_235 : vector<16xi32>
      %neg3A = arith.constant 0.000000e+00 : f32
      %neg3A_237 = vector.broadcast %neg3A : f32 to vector<16xf32>
      %neg3A_238 = arith.subf %neg3A_237, %get3A_228 : vector<16xf32>
      %max3A_239 = arith.constant 0.000000e+00 : f32
      %max3A_240 = vector.broadcast %max3A_239 : f32 to vector<16xf32>
      %max3A_241 = arith.maximumf %neg3A_238, %max3A_240 : vector<16xf32>
      tpu.vector_store_idx %arg8[%add3A_231, %add3A_236], %max3A_241 : memref<128x16xf32, #tpu.memory_space<vmem>>[vector<16xi32>, vector<16xi32>], vector<16xf32>,
      %get3A_242 = arith.constant 16 : index
      %get3A_243 = tpu.vector_load %arg15[%get3A_242] {strides = array<i32>} : memref<640xf32, #tpu.memory_space<vmem>>, vector<16xf32>,
      %add3A_244 = arith.constant 16 : i32
      %add3A_245 = vector.broadcast %add3A_244 : i32 to vector<16xi32>
      %add3A_246 = arith.addi %iota3A, %add3A_245 : vector<16xi32>
      %max3A_247 = arith.constant 0.000000e+00 : f32
      %max3A_248 = vector.broadcast %max3A_247 : f32 to vector<16xf32>
      %max3A_249 = arith.maximumf %get3A_243, %max3A_248 : vector<16xf32>
      tpu.vector_store_idx %arg8[%add3A_246, %broadcast_in_dim3A_16], %max3A_249 : memref<128x16xf32, #tpu.memory_space<vmem>>[vector<16xi32>, vector<16xi32>], vector<16xf32>,
      %add3A_250 = arith.constant 1 : i32
      %add3A_251 = vector.broadcast %add3A_250 : i32 to vector<16xi32>
      %add3A_252 = arith.addi %broadcast_in_dim3A_16, %add3A_251 : vector<16xi32>
      %neg3A_253 = arith.constant 0.000000e+00 : f32
      %neg3A_254 = vector.broadcast %neg3A_253 : f32 to vector<16xf32>
      %neg3A_255 = arith.subf %neg3A_254, %get3A_243 : vector<16xf32>
      %max3A_256 = arith.constant 0.000000e+00 : f32
      %max3A_257 = vector.broadcast %max3A_256 : f32 to vector<16xf32>
      %max3A_258 = arith.maximumf %neg3A_255, %max3A_257 : vector<16xf32>
      tpu.vector_store_idx %arg8[%add3A_246, %add3A_252], %max3A_258 : memref<128x16xf32, #tpu.memory_space<vmem>>[vector<16xi32>, vector<16xi32>], vector<16xf32>,
      %get3A_259 = arith.constant 32 : index
      %get3A_260 = tpu.vector_load %arg15[%get3A_259] {strides = array<i32>} : memref<640xf32, #tpu.memory_space<vmem>>, vector<16xf32>,
      %add3A_261 = arith.constant 32 : i32
      %add3A_262 = vector.broadcast %add3A_261 : i32 to vector<16xi32>
      %add3A_263 = arith.addi %iota3A, %add3A_262 : vector<16xi32>
      %max3A_264 = arith.constant 0.000000e+00 : f32
      %max3A_265 = vector.broadcast %max3A_264 : f32 to vector<16xf32>
      %max3A_266 = arith.maximumf %get3A_260, %max3A_265 : vector<16xf32>
      tpu.vector_store_idx %arg8[%add3A_263, %broadcast_in_dim3A_16], %max3A_266 : memref<128x16xf32, #tpu.memory_space<vmem>>[vector<16xi32>, vector<16xi32>], vector<16xf32>,
      %add3A_267 = arith.constant 1 : i32
      %add3A_268 = vector.broadcast %add3A_267 : i32 to vector<16xi32>
      %add3A_269 = arith.addi %broadcast_in_dim3A_16, %add3A_268 : vector<16xi32>
      %neg3A_270 = arith.constant 0.000000e+00 : f32
      %neg3A_271 = vector.broadcast %neg3A_270 : f32 to vector<16xf32>
      %neg3A_272 = arith.subf %neg3A_271, %get3A_260 : vector<16xf32>
      %max3A_273 = arith.constant 0.000000e+00 : f32
      %max3A_274 = vector.broadcast %max3A_273 : f32 to vector<16xf32>
      %max3A_275 = arith.maximumf %neg3A_272, %max3A_274 : vector<16xf32>
      tpu.vector_store_idx %arg8[%add3A_263, %add3A_269], %max3A_275 : memref<128x16xf32, #tpu.memory_space<vmem>>[vector<16xi32>, vector<16xi32>], vector<16xf32>,
      %get3A_276 = arith.constant 48 : index
      %get3A_277 = tpu.vector_load %arg15[%get3A_276] {strides = array<i32>} : memref<640xf32, #tpu.memory_space<vmem>>, vector<16xf32>,
      %add3A_278 = arith.constant 48 : i32
      %add3A_279 = vector.broadcast %add3A_278 : i32 to vector<16xi32>
      %add3A_280 = arith.addi %iota3A, %add3A_279 : vector<16xi32>
      %max3A_281 = arith.constant 0.000000e+00 : f32
      %max3A_282 = vector.broadcast %max3A_281 : f32 to vector<16xf32>
      %max3A_283 = arith.maximumf %get3A_277, %max3A_282 : vector<16xf32>
      tpu.vector_store_idx %arg8[%add3A_280, %broadcast_in_dim3A_16], %max3A_283 : memref<128x16xf32, #tpu.memory_space<vmem>>[vector<16xi32>, vector<16xi32>], vector<16xf32>,
      %add3A_284 = arith.constant 1 : i32
      %add3A_285 = vector.broadcast %add3A_284 : i32 to vector<16xi32>
      %add3A_286 = arith.addi %broadcast_in_dim3A_16, %add3A_285 : vector<16xi32>
      %neg3A_287 = arith.constant 0.000000e+00 : f32
      %neg3A_288 = vector.broadcast %neg3A_287 : f32 to vector<16xf32>
      %neg3A_289 = arith.subf %neg3A_288, %get3A_277 : vector<16xf32>
      %max3A_290 = arith.constant 0.000000e+00 : f32
      %max3A_291 = vector.broadcast %max3A_290 : f32 to vector<16xf32>
      %max3A_292 = arith.maximumf %neg3A_289, %max3A_291 : vector<16xf32>
      tpu.vector_store_idx %arg8[%add3A_280, %add3A_286], %max3A_292 : memref<128x16xf32, #tpu.memory_space<vmem>>[vector<16xi32>, vector<16xi32>], vector<16xf32>,
      %get3A_293 = arith.constant 64 : index
      %get3A_294 = tpu.vector_load %arg15[%get3A_293] {strides = array<i32>} : memref<640xf32, #tpu.memory_space<vmem>>, vector<16xf32>,
      %add3A_295 = arith.constant 64 : i32
      %add3A_296 = vector.broadcast %add3A_295 : i32 to vector<16xi32>
      %add3A_297 = arith.addi %iota3A, %add3A_296 : vector<16xi32>
      %max3A_298 = arith.constant 0.000000e+00 : f32
      %max3A_299 = vector.broadcast %max3A_298 : f32 to vector<16xf32>
      %max3A_300 = arith.maximumf %get3A_294, %max3A_299 : vector<16xf32>
      tpu.vector_store_idx %arg8[%add3A_297, %broadcast_in_dim3A_16], %max3A_300 : memref<128x16xf32, #tpu.memory_space<vmem>>[vector<16xi32>, vector<16xi32>], vector<16xf32>,
      %add3A_301 = arith.constant 1 : i32
      %add3A_302 = vector.broadcast %add3A_301 : i32 to vector<16xi32>
      %add3A_303 = arith.addi %broadcast_in_dim3A_16, %add3A_302 : vector<16xi32>
      %neg3A_304 = arith.constant 0.000000e+00 : f32
      %neg3A_305 = vector.broadcast %neg3A_304 : f32 to vector<16xf32>
      %neg3A_306 = arith.subf %neg3A_305, %get3A_294 : vector<16xf32>
      %max3A_307 = arith.constant 0.000000e+00 : f32
      %max3A_308 = vector.broadcast %max3A_307 : f32 to vector<16xf32>
      %max3A_309 = arith.maximumf %neg3A_306, %max3A_308 : vector<16xf32>
      tpu.vector_store_idx %arg8[%add3A_297, %add3A_303], %max3A_309 : memref<128x16xf32, #tpu.memory_space<vmem>>[vector<16xi32>, vector<16xi32>], vector<16xf32>,
      %get3A_310 = arith.constant 80 : index
      %get3A_311 = tpu.vector_load %arg15[%get3A_310] {strides = array<i32>} : memref<640xf32, #tpu.memory_space<vmem>>, vector<16xf32>,
      %add3A_312 = arith.constant 80 : i32
      %add3A_313 = vector.broadcast %add3A_312 : i32 to vector<16xi32>
      %add3A_314 = arith.addi %iota3A, %add3A_313 : vector<16xi32>
      %max3A_315 = arith.constant 0.000000e+00 : f32
      %max3A_316 = vector.broadcast %max3A_315 : f32 to vector<16xf32>
      %max3A_317 = arith.maximumf %get3A_311, %max3A_316 : vector<16xf32>
      tpu.vector_store_idx %arg8[%add3A_314, %broadcast_in_dim3A_16], %max3A_317 : memref<128x16xf32, #tpu.memory_space<vmem>>[vector<16xi32>, vector<16xi32>], vector<16xf32>,
      %add3A_318 = arith.constant 1 : i32
      %add3A_319 = vector.broadcast %add3A_318 : i32 to vector<16xi32>
      %add3A_320 = arith.addi %broadcast_in_dim3A_16, %add3A_319 : vector<16xi32>
      %neg3A_321 = arith.constant 0.000000e+00 : f32
      %neg3A_322 = vector.broadcast %neg3A_321 : f32 to vector<16xf32>
      %neg3A_323 = arith.subf %neg3A_322, %get3A_311 : vector<16xf32>
      %max3A_324 = arith.constant 0.000000e+00 : f32
      %max3A_325 = vector.broadcast %max3A_324 : f32 to vector<16xf32>
      %max3A_326 = arith.maximumf %neg3A_323, %max3A_325 : vector<16xf32>
      tpu.vector_store_idx %arg8[%add3A_314, %add3A_320], %max3A_326 : memref<128x16xf32, #tpu.memory_space<vmem>>[vector<16xi32>, vector<16xi32>], vector<16xf32>,
      %get3A_327 = arith.constant 96 : index
      %get3A_328 = tpu.vector_load %arg15[%get3A_327] {strides = array<i32>} : memref<640xf32, #tpu.memory_space<vmem>>, vector<16xf32>,
      %add3A_329 = arith.constant 96 : i32
      %add3A_330 = vector.broadcast %add3A_329 : i32 to vector<16xi32>
      %add3A_331 = arith.addi %iota3A, %add3A_330 : vector<16xi32>
      %max3A_332 = arith.constant 0.000000e+00 : f32
      %max3A_333 = vector.broadcast %max3A_332 : f32 to vector<16xf32>
      %max3A_334 = arith.maximumf %get3A_328, %max3A_333 : vector<16xf32>
      tpu.vector_store_idx %arg8[%add3A_331, %broadcast_in_dim3A_16], %max3A_334 : memref<128x16xf32, #tpu.memory_space<vmem>>[vector<16xi32>, vector<16xi32>], vector<16xf32>,
      %add3A_335 = arith.constant 1 : i32
      %add3A_336 = vector.broadcast %add3A_335 : i32 to vector<16xi32>
      %add3A_337 = arith.addi %broadcast_in_dim3A_16, %add3A_336 : vector<16xi32>
      %neg3A_338 = arith.constant 0.000000e+00 : f32
      %neg3A_339 = vector.broadcast %neg3A_338 : f32 to vector<16xf32>
      %neg3A_340 = arith.subf %neg3A_339, %get3A_328 : vector<16xf32>
      %max3A_341 = arith.constant 0.000000e+00 : f32
      %max3A_342 = vector.broadcast %max3A_341 : f32 to vector<16xf32>
      %max3A_343 = arith.maximumf %neg3A_340, %max3A_342 : vector<16xf32>
      tpu.vector_store_idx %arg8[%add3A_331, %add3A_337], %max3A_343 : memref<128x16xf32, #tpu.memory_space<vmem>>[vector<16xi32>, vector<16xi32>], vector<16xf32>,
      %get3A_344 = arith.constant 112 : index
      %get3A_345 = tpu.vector_load %arg15[%get3A_344] {strides = array<i32>} : memref<640xf32, #tpu.memory_space<vmem>>, vector<16xf32>,
      %add3A_346 = arith.constant 112 : i32
      %add3A_347 = vector.broadcast %add3A_346 : i32 to vector<16xi32>
      %add3A_348 = arith.addi %iota3A, %add3A_347 : vector<16xi32>
      %max3A_349 = arith.constant 0.000000e+00 : f32
      %max3A_350 = vector.broadcast %max3A_349 : f32 to vector<16xf32>
      %max3A_351 = arith.maximumf %get3A_345, %max3A_350 : vector<16xf32>
      tpu.vector_store_idx %arg8[%add3A_348, %broadcast_in_dim3A_16], %max3A_351 : memref<128x16xf32, #tpu.memory_space<vmem>>[vector<16xi32>, vector<16xi32>], vector<16xf32>,
      %add3A_352 = arith.constant 1 : i32
      %add3A_353 = vector.broadcast %add3A_352 : i32 to vector<16xi32>
      %add3A_354 = arith.addi %broadcast_in_dim3A_16, %add3A_353 : vector<16xi32>
      %neg3A_355 = arith.constant 0.000000e+00 : f32
      %neg3A_356 = vector.broadcast %neg3A_355 : f32 to vector<16xf32>
      %neg3A_357 = arith.subf %neg3A_356, %get3A_345 : vector<16xf32>
      %max3A_358 = arith.constant 0.000000e+00 : f32
      %max3A_359 = vector.broadcast %max3A_358 : f32 to vector<16xf32>
      %max3A_360 = arith.maximumf %neg3A_357, %max3A_359 : vector<16xf32>
      tpu.vector_store_idx %arg8[%add3A_348, %add3A_354], %max3A_360 : memref<128x16xf32, #tpu.memory_space<vmem>>[vector<16xi32>, vector<16xi32>], vector<16xf32>,
      %run_scoped3A = arith.constant 0 : i32
      "tpu.region"() ({
        %run_scoped3A_930 = tpu.sem_alloc : memref<!tpu.dma_semaphore, #tpu.memory_space<semaphore_mem>>
        %dma_start3A_931 = arith.constant 0 : i32
        %dma_start3A_932 = tpu.memref_slice %arg14[%run_scoped3A, %dma_start3A_931] : memref<5x128xi32, #tpu.memory_space<vmem>> -> memref<1x128xi32, #tpu.memory_space<vmem>>
        %dma_start3A_933 = tpu.memref_squeeze %dma_start3A_932 : memref<1x128xi32, #tpu.memory_space<vmem>> -> memref<128xi32, #tpu.memory_space<vmem>>
        %dma_start3A_934 = arith.constant 0 : i32
        %dma_start3A_935 = arith.constant 0 : i32
        %dma_start3A_936 = tpu.memref_slice %arg7[%dma_start3A_934, %dma_start3A_935] : memref<50000x16xf32, #tpu.memory_space<vmem_shared>> -> memref<50000x16xf32, #tpu.memory_space<vmem_shared>>
        tpu.enqueue_indirect_dma source(%arg8 : memref<128x16xf32, #tpu.memory_space<vmem>>) target(%dma_start3A_936 : memref<50000x16xf32, #tpu.memory_space<vmem_shared>>) offsets(%dma_start3A_933 : memref<128xi32, #tpu.memory_space<vmem>>) semaphore(%run_scoped3A_930 : memref<!tpu.dma_semaphore, #tpu.memory_space<semaphore_mem>>) {add = true}
        %dma_wait3A_937 = arith.constant 0 : i32
        %dma_wait3A_938 = tpu.memref_slice %arg14[%run_scoped3A, %dma_wait3A_937] : memref<5x128xi32, #tpu.memory_space<vmem>> -> memref<1x128xi32, #tpu.memory_space<vmem>>
        %dma_wait3A_939 = tpu.memref_squeeze %dma_wait3A_938 : memref<1x128xi32, #tpu.memory_space<vmem>> -> memref<128xi32, #tpu.memory_space<vmem>>
        %dma_wait3A_940 = arith.constant 0 : i32
        %dma_wait3A_941 = arith.constant 0 : i32
        %dma_wait3A_942 = tpu.memref_slice %arg7[%dma_wait3A_940, %dma_wait3A_941] : memref<50000x16xf32, #tpu.memory_space<vmem_shared>> -> memref<50000x16xf32, #tpu.memory_space<vmem_shared>>
        tpu.wait_indirect_dma semaphore(%run_scoped3A_930 : memref<!tpu.dma_semaphore, #tpu.memory_space<semaphore_mem>>) src(%arg8 : memref<128x16xf32, #tpu.memory_space<vmem>>) dst(%dma_wait3A_942 : memref<50000x16xf32, #tpu.memory_space<vmem_shared>>)
        tpu.yield
      }) : () -> ()
      %dma_wait3A_361 = arith.constant 128 : i32
      %dma_wait3A_362 = tpu.memref_slice %arg13[%dma_wait3A_361] : memref<640xi32, #tpu.memory_space<vmem>> -> memref<128xi32, #tpu.memory_space<vmem>>
      %dma_wait3A_363 = arith.constant 0 : i32
      %dma_wait3A_364 = arith.constant 0 : i32
      %dma_wait3A_365 = tpu.memref_slice %arg4[%dma_wait3A_363, %dma_wait3A_364] : memref<50000x16xf32, #tpu.memory_space<hbm>> -> memref<50000x16xf32, #tpu.memory_space<hbm>>
      tpu.wait_indirect_dma semaphore(%arg18 : memref<!tpu.dma_semaphore, #tpu.memory_space<semaphore_mem>>) src(%dma_wait3A_365 : memref<50000x16xf32, #tpu.memory_space<hbm>>) dst(%arg9 : memref<128x16xf32, #tpu.memory_space<vmem>>)
      %get3A_366 = arith.constant 128 : index
      %get3A_367 = tpu.vector_load %arg15[%get3A_366] {strides = array<i32>} : memref<640xf32, #tpu.memory_space<vmem>>, vector<16xf32>,
      %add3A_368 = arith.constant 0 : i32
      %add3A_369 = vector.broadcast %add3A_368 : i32 to vector<16xi32>
      %add3A_370 = arith.addi %iota3A, %add3A_369 : vector<16xi32>
      %max3A_371 = arith.constant 0.000000e+00 : f32
      %max3A_372 = vector.broadcast %max3A_371 : f32 to vector<16xf32>
      %max3A_373 = arith.maximumf %get3A_367, %max3A_372 : vector<16xf32>
      tpu.vector_store_idx %arg9[%add3A_370, %broadcast_in_dim3A_16], %max3A_373 : memref<128x16xf32, #tpu.memory_space<vmem>>[vector<16xi32>, vector<16xi32>], vector<16xf32>,
      %add3A_374 = arith.constant 1 : i32
      %add3A_375 = vector.broadcast %add3A_374 : i32 to vector<16xi32>
      %add3A_376 = arith.addi %broadcast_in_dim3A_16, %add3A_375 : vector<16xi32>
      %neg3A_377 = arith.constant 0.000000e+00 : f32
      %neg3A_378 = vector.broadcast %neg3A_377 : f32 to vector<16xf32>
      %neg3A_379 = arith.subf %neg3A_378, %get3A_367 : vector<16xf32>
      %max3A_380 = arith.constant 0.000000e+00 : f32
      %max3A_381 = vector.broadcast %max3A_380 : f32 to vector<16xf32>
      %max3A_382 = arith.maximumf %neg3A_379, %max3A_381 : vector<16xf32>
      tpu.vector_store_idx %arg9[%add3A_370, %add3A_376], %max3A_382 : memref<128x16xf32, #tpu.memory_space<vmem>>[vector<16xi32>, vector<16xi32>], vector<16xf32>,
      %get3A_383 = arith.constant 144 : index
      %get3A_384 = tpu.vector_load %arg15[%get3A_383] {strides = array<i32>} : memref<640xf32, #tpu.memory_space<vmem>>, vector<16xf32>,
      %add3A_385 = arith.constant 16 : i32
      %add3A_386 = vector.broadcast %add3A_385 : i32 to vector<16xi32>
      %add3A_387 = arith.addi %iota3A, %add3A_386 : vector<16xi32>
      %max3A_388 = arith.constant 0.000000e+00 : f32
      %max3A_389 = vector.broadcast %max3A_388 : f32 to vector<16xf32>
      %max3A_390 = arith.maximumf %get3A_384, %max3A_389 : vector<16xf32>
      tpu.vector_store_idx %arg9[%add3A_387, %broadcast_in_dim3A_16], %max3A_390 : memref<128x16xf32, #tpu.memory_space<vmem>>[vector<16xi32>, vector<16xi32>], vector<16xf32>,
      %add3A_391 = arith.constant 1 : i32
      %add3A_392 = vector.broadcast %add3A_391 : i32 to vector<16xi32>
      %add3A_393 = arith.addi %broadcast_in_dim3A_16, %add3A_392 : vector<16xi32>
      %neg3A_394 = arith.constant 0.000000e+00 : f32
      %neg3A_395 = vector.broadcast %neg3A_394 : f32 to vector<16xf32>
      %neg3A_396 = arith.subf %neg3A_395, %get3A_384 : vector<16xf32>
      %max3A_397 = arith.constant 0.000000e+00 : f32
      %max3A_398 = vector.broadcast %max3A_397 : f32 to vector<16xf32>
      %max3A_399 = arith.maximumf %neg3A_396, %max3A_398 : vector<16xf32>
      tpu.vector_store_idx %arg9[%add3A_387, %add3A_393], %max3A_399 : memref<128x16xf32, #tpu.memory_space<vmem>>[vector<16xi32>, vector<16xi32>], vector<16xf32>,
      %get3A_400 = arith.constant 160 : index
      %get3A_401 = tpu.vector_load %arg15[%get3A_400] {strides = array<i32>} : memref<640xf32, #tpu.memory_space<vmem>>, vector<16xf32>,
      %add3A_402 = arith.constant 32 : i32
      %add3A_403 = vector.broadcast %add3A_402 : i32 to vector<16xi32>
      %add3A_404 = arith.addi %iota3A, %add3A_403 : vector<16xi32>
      %max3A_405 = arith.constant 0.000000e+00 : f32
      %max3A_406 = vector.broadcast %max3A_405 : f32 to vector<16xf32>
      %max3A_407 = arith.maximumf %get3A_401, %max3A_406 : vector<16xf32>
      tpu.vector_store_idx %arg9[%add3A_404, %broadcast_in_dim3A_16], %max3A_407 : memref<128x16xf32, #tpu.memory_space<vmem>>[vector<16xi32>, vector<16xi32>], vector<16xf32>,
      %add3A_408 = arith.constant 1 : i32
      %add3A_409 = vector.broadcast %add3A_408 : i32 to vector<16xi32>
      %add3A_410 = arith.addi %broadcast_in_dim3A_16, %add3A_409 : vector<16xi32>
      %neg3A_411 = arith.constant 0.000000e+00 : f32
      %neg3A_412 = vector.broadcast %neg3A_411 : f32 to vector<16xf32>
      %neg3A_413 = arith.subf %neg3A_412, %get3A_401 : vector<16xf32>
      %max3A_414 = arith.constant 0.000000e+00 : f32
      %max3A_415 = vector.broadcast %max3A_414 : f32 to vector<16xf32>
      %max3A_416 = arith.maximumf %neg3A_413, %max3A_415 : vector<16xf32>
      tpu.vector_store_idx %arg9[%add3A_404, %add3A_410], %max3A_416 : memref<128x16xf32, #tpu.memory_space<vmem>>[vector<16xi32>, vector<16xi32>], vector<16xf32>,
      %get3A_417 = arith.constant 176 : index
      %get3A_418 = tpu.vector_load %arg15[%get3A_417] {strides = array<i32>} : memref<640xf32, #tpu.memory_space<vmem>>, vector<16xf32>,
      %add3A_419 = arith.constant 48 : i32
      %add3A_420 = vector.broadcast %add3A_419 : i32 to vector<16xi32>
      %add3A_421 = arith.addi %iota3A, %add3A_420 : vector<16xi32>
      %max3A_422 = arith.constant 0.000000e+00 : f32
      %max3A_423 = vector.broadcast %max3A_422 : f32 to vector<16xf32>
      %max3A_424 = arith.maximumf %get3A_418, %max3A_423 : vector<16xf32>
      tpu.vector_store_idx %arg9[%add3A_421, %broadcast_in_dim3A_16], %max3A_424 : memref<128x16xf32, #tpu.memory_space<vmem>>[vector<16xi32>, vector<16xi32>], vector<16xf32>,
      %add3A_425 = arith.constant 1 : i32
      %add3A_426 = vector.broadcast %add3A_425 : i32 to vector<16xi32>
      %add3A_427 = arith.addi %broadcast_in_dim3A_16, %add3A_426 : vector<16xi32>
      %neg3A_428 = arith.constant 0.000000e+00 : f32
      %neg3A_429 = vector.broadcast %neg3A_428 : f32 to vector<16xf32>
      %neg3A_430 = arith.subf %neg3A_429, %get3A_418 : vector<16xf32>
      %max3A_431 = arith.constant 0.000000e+00 : f32
      %max3A_432 = vector.broadcast %max3A_431 : f32 to vector<16xf32>
      %max3A_433 = arith.maximumf %neg3A_430, %max3A_432 : vector<16xf32>
      tpu.vector_store_idx %arg9[%add3A_421, %add3A_427], %max3A_433 : memref<128x16xf32, #tpu.memory_space<vmem>>[vector<16xi32>, vector<16xi32>], vector<16xf32>,
      %get3A_434 = arith.constant 192 : index
      %get3A_435 = tpu.vector_load %arg15[%get3A_434] {strides = array<i32>} : memref<640xf32, #tpu.memory_space<vmem>>, vector<16xf32>,
      %add3A_436 = arith.constant 64 : i32
      %add3A_437 = vector.broadcast %add3A_436 : i32 to vector<16xi32>
      %add3A_438 = arith.addi %iota3A, %add3A_437 : vector<16xi32>
      %max3A_439 = arith.constant 0.000000e+00 : f32
      %max3A_440 = vector.broadcast %max3A_439 : f32 to vector<16xf32>
      %max3A_441 = arith.maximumf %get3A_435, %max3A_440 : vector<16xf32>
      tpu.vector_store_idx %arg9[%add3A_438, %broadcast_in_dim3A_16], %max3A_441 : memref<128x16xf32, #tpu.memory_space<vmem>>[vector<16xi32>, vector<16xi32>], vector<16xf32>,
      %add3A_442 = arith.constant 1 : i32
      %add3A_443 = vector.broadcast %add3A_442 : i32 to vector<16xi32>
      %add3A_444 = arith.addi %broadcast_in_dim3A_16, %add3A_443 : vector<16xi32>
      %neg3A_445 = arith.constant 0.000000e+00 : f32
      %neg3A_446 = vector.broadcast %neg3A_445 : f32 to vector<16xf32>
      %neg3A_447 = arith.subf %neg3A_446, %get3A_435 : vector<16xf32>
      %max3A_448 = arith.constant 0.000000e+00 : f32
      %max3A_449 = vector.broadcast %max3A_448 : f32 to vector<16xf32>
      %max3A_450 = arith.maximumf %neg3A_447, %max3A_449 : vector<16xf32>
      tpu.vector_store_idx %arg9[%add3A_438, %add3A_444], %max3A_450 : memref<128x16xf32, #tpu.memory_space<vmem>>[vector<16xi32>, vector<16xi32>], vector<16xf32>,
      %get3A_451 = arith.constant 208 : index
      %get3A_452 = tpu.vector_load %arg15[%get3A_451] {strides = array<i32>} : memref<640xf32, #tpu.memory_space<vmem>>, vector<16xf32>,
      %add3A_453 = arith.constant 80 : i32
      %add3A_454 = vector.broadcast %add3A_453 : i32 to vector<16xi32>
      %add3A_455 = arith.addi %iota3A, %add3A_454 : vector<16xi32>
      %max3A_456 = arith.constant 0.000000e+00 : f32
      %max3A_457 = vector.broadcast %max3A_456 : f32 to vector<16xf32>
      %max3A_458 = arith.maximumf %get3A_452, %max3A_457 : vector<16xf32>
      tpu.vector_store_idx %arg9[%add3A_455, %broadcast_in_dim3A_16], %max3A_458 : memref<128x16xf32, #tpu.memory_space<vmem>>[vector<16xi32>, vector<16xi32>], vector<16xf32>,
      %add3A_459 = arith.constant 1 : i32
      %add3A_460 = vector.broadcast %add3A_459 : i32 to vector<16xi32>
      %add3A_461 = arith.addi %broadcast_in_dim3A_16, %add3A_460 : vector<16xi32>
      %neg3A_462 = arith.constant 0.000000e+00 : f32
      %neg3A_463 = vector.broadcast %neg3A_462 : f32 to vector<16xf32>
      %neg3A_464 = arith.subf %neg3A_463, %get3A_452 : vector<16xf32>
      %max3A_465 = arith.constant 0.000000e+00 : f32
      %max3A_466 = vector.broadcast %max3A_465 : f32 to vector<16xf32>
      %max3A_467 = arith.maximumf %neg3A_464, %max3A_466 : vector<16xf32>
      tpu.vector_store_idx %arg9[%add3A_455, %add3A_461], %max3A_467 : memref<128x16xf32, #tpu.memory_space<vmem>>[vector<16xi32>, vector<16xi32>], vector<16xf32>,
      %get3A_468 = arith.constant 224 : index
      %get3A_469 = tpu.vector_load %arg15[%get3A_468] {strides = array<i32>} : memref<640xf32, #tpu.memory_space<vmem>>, vector<16xf32>,
      %add3A_470 = arith.constant 96 : i32
      %add3A_471 = vector.broadcast %add3A_470 : i32 to vector<16xi32>
      %add3A_472 = arith.addi %iota3A, %add3A_471 : vector<16xi32>
      %max3A_473 = arith.constant 0.000000e+00 : f32
      %max3A_474 = vector.broadcast %max3A_473 : f32 to vector<16xf32>
      %max3A_475 = arith.maximumf %get3A_469, %max3A_474 : vector<16xf32>
      tpu.vector_store_idx %arg9[%add3A_472, %broadcast_in_dim3A_16], %max3A_475 : memref<128x16xf32, #tpu.memory_space<vmem>>[vector<16xi32>, vector<16xi32>], vector<16xf32>,
      %add3A_476 = arith.constant 1 : i32
      %add3A_477 = vector.broadcast %add3A_476 : i32 to vector<16xi32>
      %add3A_478 = arith.addi %broadcast_in_dim3A_16, %add3A_477 : vector<16xi32>
      %neg3A_479 = arith.constant 0.000000e+00 : f32
      %neg3A_480 = vector.broadcast %neg3A_479 : f32 to vector<16xf32>
      %neg3A_481 = arith.subf %neg3A_480, %get3A_469 : vector<16xf32>
      %max3A_482 = arith.constant 0.000000e+00 : f32
      %max3A_483 = vector.broadcast %max3A_482 : f32 to vector<16xf32>
      %max3A_484 = arith.maximumf %neg3A_481, %max3A_483 : vector<16xf32>
      tpu.vector_store_idx %arg9[%add3A_472, %add3A_478], %max3A_484 : memref<128x16xf32, #tpu.memory_space<vmem>>[vector<16xi32>, vector<16xi32>], vector<16xf32>,
      %get3A_485 = arith.constant 240 : index
      %get3A_486 = tpu.vector_load %arg15[%get3A_485] {strides = array<i32>} : memref<640xf32, #tpu.memory_space<vmem>>, vector<16xf32>,
      %add3A_487 = arith.constant 112 : i32
      %add3A_488 = vector.broadcast %add3A_487 : i32 to vector<16xi32>
      %add3A_489 = arith.addi %iota3A, %add3A_488 : vector<16xi32>
      %max3A_490 = arith.constant 0.000000e+00 : f32
      %max3A_491 = vector.broadcast %max3A_490 : f32 to vector<16xf32>
      %max3A_492 = arith.maximumf %get3A_486, %max3A_491 : vector<16xf32>
      tpu.vector_store_idx %arg9[%add3A_489, %broadcast_in_dim3A_16], %max3A_492 : memref<128x16xf32, #tpu.memory_space<vmem>>[vector<16xi32>, vector<16xi32>], vector<16xf32>,
      %add3A_493 = arith.constant 1 : i32
      %add3A_494 = vector.broadcast %add3A_493 : i32 to vector<16xi32>
      %add3A_495 = arith.addi %broadcast_in_dim3A_16, %add3A_494 : vector<16xi32>
      %neg3A_496 = arith.constant 0.000000e+00 : f32
      %neg3A_497 = vector.broadcast %neg3A_496 : f32 to vector<16xf32>
      %neg3A_498 = arith.subf %neg3A_497, %get3A_486 : vector<16xf32>
      %max3A_499 = arith.constant 0.000000e+00 : f32
      %max3A_500 = vector.broadcast %max3A_499 : f32 to vector<16xf32>
      %max3A_501 = arith.maximumf %neg3A_498, %max3A_500 : vector<16xf32>
      tpu.vector_store_idx %arg9[%add3A_489, %add3A_495], %max3A_501 : memref<128x16xf32, #tpu.memory_space<vmem>>[vector<16xi32>, vector<16xi32>], vector<16xf32>,
      %run_scoped3A_502 = arith.constant 1 : i32
      "tpu.region"() ({
        %run_scoped3A_930 = tpu.sem_alloc : memref<!tpu.dma_semaphore, #tpu.memory_space<semaphore_mem>>
        %dma_start3A_931 = arith.constant 0 : i32
        %dma_start3A_932 = tpu.memref_slice %arg14[%run_scoped3A_502, %dma_start3A_931] : memref<5x128xi32, #tpu.memory_space<vmem>> -> memref<1x128xi32, #tpu.memory_space<vmem>>
        %dma_start3A_933 = tpu.memref_squeeze %dma_start3A_932 : memref<1x128xi32, #tpu.memory_space<vmem>> -> memref<128xi32, #tpu.memory_space<vmem>>
        %dma_start3A_934 = arith.constant 0 : i32
        %dma_start3A_935 = arith.constant 0 : i32
        %dma_start3A_936 = tpu.memref_slice %arg7[%dma_start3A_934, %dma_start3A_935] : memref<50000x16xf32, #tpu.memory_space<vmem_shared>> -> memref<50000x16xf32, #tpu.memory_space<vmem_shared>>
        tpu.enqueue_indirect_dma source(%arg9 : memref<128x16xf32, #tpu.memory_space<vmem>>) target(%dma_start3A_936 : memref<50000x16xf32, #tpu.memory_space<vmem_shared>>) offsets(%dma_start3A_933 : memref<128xi32, #tpu.memory_space<vmem>>) semaphore(%run_scoped3A_930 : memref<!tpu.dma_semaphore, #tpu.memory_space<semaphore_mem>>) {add = true}
        %dma_wait3A_937 = arith.constant 0 : i32
        %dma_wait3A_938 = tpu.memref_slice %arg14[%run_scoped3A_502, %dma_wait3A_937] : memref<5x128xi32, #tpu.memory_space<vmem>> -> memref<1x128xi32, #tpu.memory_space<vmem>>
        %dma_wait3A_939 = tpu.memref_squeeze %dma_wait3A_938 : memref<1x128xi32, #tpu.memory_space<vmem>> -> memref<128xi32, #tpu.memory_space<vmem>>
        %dma_wait3A_940 = arith.constant 0 : i32
        %dma_wait3A_941 = arith.constant 0 : i32
        %dma_wait3A_942 = tpu.memref_slice %arg7[%dma_wait3A_940, %dma_wait3A_941] : memref<50000x16xf32, #tpu.memory_space<vmem_shared>> -> memref<50000x16xf32, #tpu.memory_space<vmem_shared>>
        tpu.wait_indirect_dma semaphore(%run_scoped3A_930 : memref<!tpu.dma_semaphore, #tpu.memory_space<semaphore_mem>>) src(%arg9 : memref<128x16xf32, #tpu.memory_space<vmem>>) dst(%dma_wait3A_942 : memref<50000x16xf32, #tpu.memory_space<vmem_shared>>)
        tpu.yield
      }) : () -> ()
      %dma_wait3A_503 = arith.constant 256 : i32
      %dma_wait3A_504 = tpu.memref_slice %arg13[%dma_wait3A_503] : memref<640xi32, #tpu.memory_space<vmem>> -> memref<128xi32, #tpu.memory_space<vmem>>
      %dma_wait3A_505 = arith.constant 0 : i32
      %dma_wait3A_506 = arith.constant 0 : i32
      %dma_wait3A_507 = tpu.memref_slice %arg4[%dma_wait3A_505, %dma_wait3A_506] : memref<50000x16xf32, #tpu.memory_space<hbm>> -> memref<50000x16xf32, #tpu.memory_space<hbm>>
      tpu.wait_indirect_dma semaphore(%arg18 : memref<!tpu.dma_semaphore, #tpu.memory_space<semaphore_mem>>) src(%dma_wait3A_507 : memref<50000x16xf32, #tpu.memory_space<hbm>>) dst(%arg10 : memref<128x16xf32, #tpu.memory_space<vmem>>)
      %get3A_508 = arith.constant 256 : index
      %get3A_509 = tpu.vector_load %arg15[%get3A_508] {strides = array<i32>} : memref<640xf32, #tpu.memory_space<vmem>>, vector<16xf32>,
      %add3A_510 = arith.constant 0 : i32
      %add3A_511 = vector.broadcast %add3A_510 : i32 to vector<16xi32>
      %add3A_512 = arith.addi %iota3A, %add3A_511 : vector<16xi32>
      %max3A_513 = arith.constant 0.000000e+00 : f32
      %max3A_514 = vector.broadcast %max3A_513 : f32 to vector<16xf32>
      %max3A_515 = arith.maximumf %get3A_509, %max3A_514 : vector<16xf32>
      tpu.vector_store_idx %arg10[%add3A_512, %broadcast_in_dim3A_16], %max3A_515 : memref<128x16xf32, #tpu.memory_space<vmem>>[vector<16xi32>, vector<16xi32>], vector<16xf32>,
      %add3A_516 = arith.constant 1 : i32
      %add3A_517 = vector.broadcast %add3A_516 : i32 to vector<16xi32>
      %add3A_518 = arith.addi %broadcast_in_dim3A_16, %add3A_517 : vector<16xi32>
      %neg3A_519 = arith.constant 0.000000e+00 : f32
      %neg3A_520 = vector.broadcast %neg3A_519 : f32 to vector<16xf32>
      %neg3A_521 = arith.subf %neg3A_520, %get3A_509 : vector<16xf32>
      %max3A_522 = arith.constant 0.000000e+00 : f32
      %max3A_523 = vector.broadcast %max3A_522 : f32 to vector<16xf32>
      %max3A_524 = arith.maximumf %neg3A_521, %max3A_523 : vector<16xf32>
      tpu.vector_store_idx %arg10[%add3A_512, %add3A_518], %max3A_524 : memref<128x16xf32, #tpu.memory_space<vmem>>[vector<16xi32>, vector<16xi32>], vector<16xf32>,
      %get3A_525 = arith.constant 272 : index
      %get3A_526 = tpu.vector_load %arg15[%get3A_525] {strides = array<i32>} : memref<640xf32, #tpu.memory_space<vmem>>, vector<16xf32>,
      %add3A_527 = arith.constant 16 : i32
      %add3A_528 = vector.broadcast %add3A_527 : i32 to vector<16xi32>
      %add3A_529 = arith.addi %iota3A, %add3A_528 : vector<16xi32>
      %max3A_530 = arith.constant 0.000000e+00 : f32
      %max3A_531 = vector.broadcast %max3A_530 : f32 to vector<16xf32>
      %max3A_532 = arith.maximumf %get3A_526, %max3A_531 : vector<16xf32>
      tpu.vector_store_idx %arg10[%add3A_529, %broadcast_in_dim3A_16], %max3A_532 : memref<128x16xf32, #tpu.memory_space<vmem>>[vector<16xi32>, vector<16xi32>], vector<16xf32>,
      %add3A_533 = arith.constant 1 : i32
      %add3A_534 = vector.broadcast %add3A_533 : i32 to vector<16xi32>
      %add3A_535 = arith.addi %broadcast_in_dim3A_16, %add3A_534 : vector<16xi32>
      %neg3A_536 = arith.constant 0.000000e+00 : f32
      %neg3A_537 = vector.broadcast %neg3A_536 : f32 to vector<16xf32>
      %neg3A_538 = arith.subf %neg3A_537, %get3A_526 : vector<16xf32>
      %max3A_539 = arith.constant 0.000000e+00 : f32
      %max3A_540 = vector.broadcast %max3A_539 : f32 to vector<16xf32>
      %max3A_541 = arith.maximumf %neg3A_538, %max3A_540 : vector<16xf32>
      tpu.vector_store_idx %arg10[%add3A_529, %add3A_535], %max3A_541 : memref<128x16xf32, #tpu.memory_space<vmem>>[vector<16xi32>, vector<16xi32>], vector<16xf32>,
      %get3A_542 = arith.constant 288 : index
      %get3A_543 = tpu.vector_load %arg15[%get3A_542] {strides = array<i32>} : memref<640xf32, #tpu.memory_space<vmem>>, vector<16xf32>,
      %add3A_544 = arith.constant 32 : i32
      %add3A_545 = vector.broadcast %add3A_544 : i32 to vector<16xi32>
      %add3A_546 = arith.addi %iota3A, %add3A_545 : vector<16xi32>
      %max3A_547 = arith.constant 0.000000e+00 : f32
      %max3A_548 = vector.broadcast %max3A_547 : f32 to vector<16xf32>
      %max3A_549 = arith.maximumf %get3A_543, %max3A_548 : vector<16xf32>
      tpu.vector_store_idx %arg10[%add3A_546, %broadcast_in_dim3A_16], %max3A_549 : memref<128x16xf32, #tpu.memory_space<vmem>>[vector<16xi32>, vector<16xi32>], vector<16xf32>,
      %add3A_550 = arith.constant 1 : i32
      %add3A_551 = vector.broadcast %add3A_550 : i32 to vector<16xi32>
      %add3A_552 = arith.addi %broadcast_in_dim3A_16, %add3A_551 : vector<16xi32>
      %neg3A_553 = arith.constant 0.000000e+00 : f32
      %neg3A_554 = vector.broadcast %neg3A_553 : f32 to vector<16xf32>
      %neg3A_555 = arith.subf %neg3A_554, %get3A_543 : vector<16xf32>
      %max3A_556 = arith.constant 0.000000e+00 : f32
      %max3A_557 = vector.broadcast %max3A_556 : f32 to vector<16xf32>
      %max3A_558 = arith.maximumf %neg3A_555, %max3A_557 : vector<16xf32>
      tpu.vector_store_idx %arg10[%add3A_546, %add3A_552], %max3A_558 : memref<128x16xf32, #tpu.memory_space<vmem>>[vector<16xi32>, vector<16xi32>], vector<16xf32>,
      %get3A_559 = arith.constant 304 : index
      %get3A_560 = tpu.vector_load %arg15[%get3A_559] {strides = array<i32>} : memref<640xf32, #tpu.memory_space<vmem>>, vector<16xf32>,
      %add3A_561 = arith.constant 48 : i32
      %add3A_562 = vector.broadcast %add3A_561 : i32 to vector<16xi32>
      %add3A_563 = arith.addi %iota3A, %add3A_562 : vector<16xi32>
      %max3A_564 = arith.constant 0.000000e+00 : f32
      %max3A_565 = vector.broadcast %max3A_564 : f32 to vector<16xf32>
      %max3A_566 = arith.maximumf %get3A_560, %max3A_565 : vector<16xf32>
      tpu.vector_store_idx %arg10[%add3A_563, %broadcast_in_dim3A_16], %max3A_566 : memref<128x16xf32, #tpu.memory_space<vmem>>[vector<16xi32>, vector<16xi32>], vector<16xf32>,
      %add3A_567 = arith.constant 1 : i32
      %add3A_568 = vector.broadcast %add3A_567 : i32 to vector<16xi32>
      %add3A_569 = arith.addi %broadcast_in_dim3A_16, %add3A_568 : vector<16xi32>
      %neg3A_570 = arith.constant 0.000000e+00 : f32
      %neg3A_571 = vector.broadcast %neg3A_570 : f32 to vector<16xf32>
      %neg3A_572 = arith.subf %neg3A_571, %get3A_560 : vector<16xf32>
      %max3A_573 = arith.constant 0.000000e+00 : f32
      %max3A_574 = vector.broadcast %max3A_573 : f32 to vector<16xf32>
      %max3A_575 = arith.maximumf %neg3A_572, %max3A_574 : vector<16xf32>
      tpu.vector_store_idx %arg10[%add3A_563, %add3A_569], %max3A_575 : memref<128x16xf32, #tpu.memory_space<vmem>>[vector<16xi32>, vector<16xi32>], vector<16xf32>,
      %get3A_576 = arith.constant 320 : index
      %get3A_577 = tpu.vector_load %arg15[%get3A_576] {strides = array<i32>} : memref<640xf32, #tpu.memory_space<vmem>>, vector<16xf32>,
      %add3A_578 = arith.constant 64 : i32
      %add3A_579 = vector.broadcast %add3A_578 : i32 to vector<16xi32>
      %add3A_580 = arith.addi %iota3A, %add3A_579 : vector<16xi32>
      %max3A_581 = arith.constant 0.000000e+00 : f32
      %max3A_582 = vector.broadcast %max3A_581 : f32 to vector<16xf32>
      %max3A_583 = arith.maximumf %get3A_577, %max3A_582 : vector<16xf32>
      tpu.vector_store_idx %arg10[%add3A_580, %broadcast_in_dim3A_16], %max3A_583 : memref<128x16xf32, #tpu.memory_space<vmem>>[vector<16xi32>, vector<16xi32>], vector<16xf32>,
      %add3A_584 = arith.constant 1 : i32
      %add3A_585 = vector.broadcast %add3A_584 : i32 to vector<16xi32>
      %add3A_586 = arith.addi %broadcast_in_dim3A_16, %add3A_585 : vector<16xi32>
      %neg3A_587 = arith.constant 0.000000e+00 : f32
      %neg3A_588 = vector.broadcast %neg3A_587 : f32 to vector<16xf32>
      %neg3A_589 = arith.subf %neg3A_588, %get3A_577 : vector<16xf32>
      %max3A_590 = arith.constant 0.000000e+00 : f32
      %max3A_591 = vector.broadcast %max3A_590 : f32 to vector<16xf32>
      %max3A_592 = arith.maximumf %neg3A_589, %max3A_591 : vector<16xf32>
      tpu.vector_store_idx %arg10[%add3A_580, %add3A_586], %max3A_592 : memref<128x16xf32, #tpu.memory_space<vmem>>[vector<16xi32>, vector<16xi32>], vector<16xf32>,
      %get3A_593 = arith.constant 336 : index
      %get3A_594 = tpu.vector_load %arg15[%get3A_593] {strides = array<i32>} : memref<640xf32, #tpu.memory_space<vmem>>, vector<16xf32>,
      %add3A_595 = arith.constant 80 : i32
      %add3A_596 = vector.broadcast %add3A_595 : i32 to vector<16xi32>
      %add3A_597 = arith.addi %iota3A, %add3A_596 : vector<16xi32>
      %max3A_598 = arith.constant 0.000000e+00 : f32
      %max3A_599 = vector.broadcast %max3A_598 : f32 to vector<16xf32>
      %max3A_600 = arith.maximumf %get3A_594, %max3A_599 : vector<16xf32>
      tpu.vector_store_idx %arg10[%add3A_597, %broadcast_in_dim3A_16], %max3A_600 : memref<128x16xf32, #tpu.memory_space<vmem>>[vector<16xi32>, vector<16xi32>], vector<16xf32>,
      %add3A_601 = arith.constant 1 : i32
      %add3A_602 = vector.broadcast %add3A_601 : i32 to vector<16xi32>
      %add3A_603 = arith.addi %broadcast_in_dim3A_16, %add3A_602 : vector<16xi32>
      %neg3A_604 = arith.constant 0.000000e+00 : f32
      %neg3A_605 = vector.broadcast %neg3A_604 : f32 to vector<16xf32>
      %neg3A_606 = arith.subf %neg3A_605, %get3A_594 : vector<16xf32>
      %max3A_607 = arith.constant 0.000000e+00 : f32
      %max3A_608 = vector.broadcast %max3A_607 : f32 to vector<16xf32>
      %max3A_609 = arith.maximumf %neg3A_606, %max3A_608 : vector<16xf32>
      tpu.vector_store_idx %arg10[%add3A_597, %add3A_603], %max3A_609 : memref<128x16xf32, #tpu.memory_space<vmem>>[vector<16xi32>, vector<16xi32>], vector<16xf32>,
      %get3A_610 = arith.constant 352 : index
      %get3A_611 = tpu.vector_load %arg15[%get3A_610] {strides = array<i32>} : memref<640xf32, #tpu.memory_space<vmem>>, vector<16xf32>,
      %add3A_612 = arith.constant 96 : i32
      %add3A_613 = vector.broadcast %add3A_612 : i32 to vector<16xi32>
      %add3A_614 = arith.addi %iota3A, %add3A_613 : vector<16xi32>
      %max3A_615 = arith.constant 0.000000e+00 : f32
      %max3A_616 = vector.broadcast %max3A_615 : f32 to vector<16xf32>
      %max3A_617 = arith.maximumf %get3A_611, %max3A_616 : vector<16xf32>
      tpu.vector_store_idx %arg10[%add3A_614, %broadcast_in_dim3A_16], %max3A_617 : memref<128x16xf32, #tpu.memory_space<vmem>>[vector<16xi32>, vector<16xi32>], vector<16xf32>,
      %add3A_618 = arith.constant 1 : i32
      %add3A_619 = vector.broadcast %add3A_618 : i32 to vector<16xi32>
      %add3A_620 = arith.addi %broadcast_in_dim3A_16, %add3A_619 : vector<16xi32>
      %neg3A_621 = arith.constant 0.000000e+00 : f32
      %neg3A_622 = vector.broadcast %neg3A_621 : f32 to vector<16xf32>
      %neg3A_623 = arith.subf %neg3A_622, %get3A_611 : vector<16xf32>
      %max3A_624 = arith.constant 0.000000e+00 : f32
      %max3A_625 = vector.broadcast %max3A_624 : f32 to vector<16xf32>
      %max3A_626 = arith.maximumf %neg3A_623, %max3A_625 : vector<16xf32>
      tpu.vector_store_idx %arg10[%add3A_614, %add3A_620], %max3A_626 : memref<128x16xf32, #tpu.memory_space<vmem>>[vector<16xi32>, vector<16xi32>], vector<16xf32>,
      %get3A_627 = arith.constant 368 : index
      %get3A_628 = tpu.vector_load %arg15[%get3A_627] {strides = array<i32>} : memref<640xf32, #tpu.memory_space<vmem>>, vector<16xf32>,
      %add3A_629 = arith.constant 112 : i32
      %add3A_630 = vector.broadcast %add3A_629 : i32 to vector<16xi32>
      %add3A_631 = arith.addi %iota3A, %add3A_630 : vector<16xi32>
      %max3A_632 = arith.constant 0.000000e+00 : f32
      %max3A_633 = vector.broadcast %max3A_632 : f32 to vector<16xf32>
      %max3A_634 = arith.maximumf %get3A_628, %max3A_633 : vector<16xf32>
      tpu.vector_store_idx %arg10[%add3A_631, %broadcast_in_dim3A_16], %max3A_634 : memref<128x16xf32, #tpu.memory_space<vmem>>[vector<16xi32>, vector<16xi32>], vector<16xf32>,
      %add3A_635 = arith.constant 1 : i32
      %add3A_636 = vector.broadcast %add3A_635 : i32 to vector<16xi32>
      %add3A_637 = arith.addi %broadcast_in_dim3A_16, %add3A_636 : vector<16xi32>
      %neg3A_638 = arith.constant 0.000000e+00 : f32
      %neg3A_639 = vector.broadcast %neg3A_638 : f32 to vector<16xf32>
      %neg3A_640 = arith.subf %neg3A_639, %get3A_628 : vector<16xf32>
      %max3A_641 = arith.constant 0.000000e+00 : f32
      %max3A_642 = vector.broadcast %max3A_641 : f32 to vector<16xf32>
      %max3A_643 = arith.maximumf %neg3A_640, %max3A_642 : vector<16xf32>
      tpu.vector_store_idx %arg10[%add3A_631, %add3A_637], %max3A_643 : memref<128x16xf32, #tpu.memory_space<vmem>>[vector<16xi32>, vector<16xi32>], vector<16xf32>,
      %run_scoped3A_644 = arith.constant 2 : i32
      "tpu.region"() ({
        %run_scoped3A_930 = tpu.sem_alloc : memref<!tpu.dma_semaphore, #tpu.memory_space<semaphore_mem>>
        %dma_start3A_931 = arith.constant 0 : i32
        %dma_start3A_932 = tpu.memref_slice %arg14[%run_scoped3A_644, %dma_start3A_931] : memref<5x128xi32, #tpu.memory_space<vmem>> -> memref<1x128xi32, #tpu.memory_space<vmem>>
        %dma_start3A_933 = tpu.memref_squeeze %dma_start3A_932 : memref<1x128xi32, #tpu.memory_space<vmem>> -> memref<128xi32, #tpu.memory_space<vmem>>
        %dma_start3A_934 = arith.constant 0 : i32
        %dma_start3A_935 = arith.constant 0 : i32
        %dma_start3A_936 = tpu.memref_slice %arg7[%dma_start3A_934, %dma_start3A_935] : memref<50000x16xf32, #tpu.memory_space<vmem_shared>> -> memref<50000x16xf32, #tpu.memory_space<vmem_shared>>
        tpu.enqueue_indirect_dma source(%arg10 : memref<128x16xf32, #tpu.memory_space<vmem>>) target(%dma_start3A_936 : memref<50000x16xf32, #tpu.memory_space<vmem_shared>>) offsets(%dma_start3A_933 : memref<128xi32, #tpu.memory_space<vmem>>) semaphore(%run_scoped3A_930 : memref<!tpu.dma_semaphore, #tpu.memory_space<semaphore_mem>>) {add = true}
        %dma_wait3A_937 = arith.constant 0 : i32
        %dma_wait3A_938 = tpu.memref_slice %arg14[%run_scoped3A_644, %dma_wait3A_937] : memref<5x128xi32, #tpu.memory_space<vmem>> -> memref<1x128xi32, #tpu.memory_space<vmem>>
        %dma_wait3A_939 = tpu.memref_squeeze %dma_wait3A_938 : memref<1x128xi32, #tpu.memory_space<vmem>> -> memref<128xi32, #tpu.memory_space<vmem>>
        %dma_wait3A_940 = arith.constant 0 : i32
        %dma_wait3A_941 = arith.constant 0 : i32
        %dma_wait3A_942 = tpu.memref_slice %arg7[%dma_wait3A_940, %dma_wait3A_941] : memref<50000x16xf32, #tpu.memory_space<vmem_shared>> -> memref<50000x16xf32, #tpu.memory_space<vmem_shared>>
        tpu.wait_indirect_dma semaphore(%run_scoped3A_930 : memref<!tpu.dma_semaphore, #tpu.memory_space<semaphore_mem>>) src(%arg10 : memref<128x16xf32, #tpu.memory_space<vmem>>) dst(%dma_wait3A_942 : memref<50000x16xf32, #tpu.memory_space<vmem_shared>>)
        tpu.yield
      }) : () -> ()
      %dma_wait3A_645 = arith.constant 384 : i32
      %dma_wait3A_646 = tpu.memref_slice %arg13[%dma_wait3A_645] : memref<640xi32, #tpu.memory_space<vmem>> -> memref<128xi32, #tpu.memory_space<vmem>>
      %dma_wait3A_647 = arith.constant 0 : i32
      %dma_wait3A_648 = arith.constant 0 : i32
      %dma_wait3A_649 = tpu.memref_slice %arg4[%dma_wait3A_647, %dma_wait3A_648] : memref<50000x16xf32, #tpu.memory_space<hbm>> -> memref<50000x16xf32, #tpu.memory_space<hbm>>
      tpu.wait_indirect_dma semaphore(%arg18 : memref<!tpu.dma_semaphore, #tpu.memory_space<semaphore_mem>>) src(%dma_wait3A_649 : memref<50000x16xf32, #tpu.memory_space<hbm>>) dst(%arg11 : memref<128x16xf32, #tpu.memory_space<vmem>>)
      %get3A_650 = arith.constant 384 : index
      %get3A_651 = tpu.vector_load %arg15[%get3A_650] {strides = array<i32>} : memref<640xf32, #tpu.memory_space<vmem>>, vector<16xf32>,
      %add3A_652 = arith.constant 0 : i32
      %add3A_653 = vector.broadcast %add3A_652 : i32 to vector<16xi32>
      %add3A_654 = arith.addi %iota3A, %add3A_653 : vector<16xi32>
      %max3A_655 = arith.constant 0.000000e+00 : f32
      %max3A_656 = vector.broadcast %max3A_655 : f32 to vector<16xf32>
      %max3A_657 = arith.maximumf %get3A_651, %max3A_656 : vector<16xf32>
      tpu.vector_store_idx %arg11[%add3A_654, %broadcast_in_dim3A_16], %max3A_657 : memref<128x16xf32, #tpu.memory_space<vmem>>[vector<16xi32>, vector<16xi32>], vector<16xf32>,
      %add3A_658 = arith.constant 1 : i32
      %add3A_659 = vector.broadcast %add3A_658 : i32 to vector<16xi32>
      %add3A_660 = arith.addi %broadcast_in_dim3A_16, %add3A_659 : vector<16xi32>
      %neg3A_661 = arith.constant 0.000000e+00 : f32
      %neg3A_662 = vector.broadcast %neg3A_661 : f32 to vector<16xf32>
      %neg3A_663 = arith.subf %neg3A_662, %get3A_651 : vector<16xf32>
      %max3A_664 = arith.constant 0.000000e+00 : f32
      %max3A_665 = vector.broadcast %max3A_664 : f32 to vector<16xf32>
      %max3A_666 = arith.maximumf %neg3A_663, %max3A_665 : vector<16xf32>
      tpu.vector_store_idx %arg11[%add3A_654, %add3A_660], %max3A_666 : memref<128x16xf32, #tpu.memory_space<vmem>>[vector<16xi32>, vector<16xi32>], vector<16xf32>,
      %get3A_667 = arith.constant 400 : index
      %get3A_668 = tpu.vector_load %arg15[%get3A_667] {strides = array<i32>} : memref<640xf32, #tpu.memory_space<vmem>>, vector<16xf32>,
      %add3A_669 = arith.constant 16 : i32
      %add3A_670 = vector.broadcast %add3A_669 : i32 to vector<16xi32>
      %add3A_671 = arith.addi %iota3A, %add3A_670 : vector<16xi32>
      %max3A_672 = arith.constant 0.000000e+00 : f32
      %max3A_673 = vector.broadcast %max3A_672 : f32 to vector<16xf32>
      %max3A_674 = arith.maximumf %get3A_668, %max3A_673 : vector<16xf32>
      tpu.vector_store_idx %arg11[%add3A_671, %broadcast_in_dim3A_16], %max3A_674 : memref<128x16xf32, #tpu.memory_space<vmem>>[vector<16xi32>, vector<16xi32>], vector<16xf32>,
      %add3A_675 = arith.constant 1 : i32
      %add3A_676 = vector.broadcast %add3A_675 : i32 to vector<16xi32>
      %add3A_677 = arith.addi %broadcast_in_dim3A_16, %add3A_676 : vector<16xi32>
      %neg3A_678 = arith.constant 0.000000e+00 : f32
      %neg3A_679 = vector.broadcast %neg3A_678 : f32 to vector<16xf32>
      %neg3A_680 = arith.subf %neg3A_679, %get3A_668 : vector<16xf32>
      %max3A_681 = arith.constant 0.000000e+00 : f32
      %max3A_682 = vector.broadcast %max3A_681 : f32 to vector<16xf32>
      %max3A_683 = arith.maximumf %neg3A_680, %max3A_682 : vector<16xf32>
      tpu.vector_store_idx %arg11[%add3A_671, %add3A_677], %max3A_683 : memref<128x16xf32, #tpu.memory_space<vmem>>[vector<16xi32>, vector<16xi32>], vector<16xf32>,
      %get3A_684 = arith.constant 416 : index
      %get3A_685 = tpu.vector_load %arg15[%get3A_684] {strides = array<i32>} : memref<640xf32, #tpu.memory_space<vmem>>, vector<16xf32>,
      %add3A_686 = arith.constant 32 : i32
      %add3A_687 = vector.broadcast %add3A_686 : i32 to vector<16xi32>
      %add3A_688 = arith.addi %iota3A, %add3A_687 : vector<16xi32>
      %max3A_689 = arith.constant 0.000000e+00 : f32
      %max3A_690 = vector.broadcast %max3A_689 : f32 to vector<16xf32>
      %max3A_691 = arith.maximumf %get3A_685, %max3A_690 : vector<16xf32>
      tpu.vector_store_idx %arg11[%add3A_688, %broadcast_in_dim3A_16], %max3A_691 : memref<128x16xf32, #tpu.memory_space<vmem>>[vector<16xi32>, vector<16xi32>], vector<16xf32>,
      %add3A_692 = arith.constant 1 : i32
      %add3A_693 = vector.broadcast %add3A_692 : i32 to vector<16xi32>
      %add3A_694 = arith.addi %broadcast_in_dim3A_16, %add3A_693 : vector<16xi32>
      %neg3A_695 = arith.constant 0.000000e+00 : f32
      %neg3A_696 = vector.broadcast %neg3A_695 : f32 to vector<16xf32>
      %neg3A_697 = arith.subf %neg3A_696, %get3A_685 : vector<16xf32>
      %max3A_698 = arith.constant 0.000000e+00 : f32
      %max3A_699 = vector.broadcast %max3A_698 : f32 to vector<16xf32>
      %max3A_700 = arith.maximumf %neg3A_697, %max3A_699 : vector<16xf32>
      tpu.vector_store_idx %arg11[%add3A_688, %add3A_694], %max3A_700 : memref<128x16xf32, #tpu.memory_space<vmem>>[vector<16xi32>, vector<16xi32>], vector<16xf32>,
      %get3A_701 = arith.constant 432 : index
      %get3A_702 = tpu.vector_load %arg15[%get3A_701] {strides = array<i32>} : memref<640xf32, #tpu.memory_space<vmem>>, vector<16xf32>,
      %add3A_703 = arith.constant 48 : i32
      %add3A_704 = vector.broadcast %add3A_703 : i32 to vector<16xi32>
      %add3A_705 = arith.addi %iota3A, %add3A_704 : vector<16xi32>
      %max3A_706 = arith.constant 0.000000e+00 : f32
      %max3A_707 = vector.broadcast %max3A_706 : f32 to vector<16xf32>
      %max3A_708 = arith.maximumf %get3A_702, %max3A_707 : vector<16xf32>
      tpu.vector_store_idx %arg11[%add3A_705, %broadcast_in_dim3A_16], %max3A_708 : memref<128x16xf32, #tpu.memory_space<vmem>>[vector<16xi32>, vector<16xi32>], vector<16xf32>,
      %add3A_709 = arith.constant 1 : i32
      %add3A_710 = vector.broadcast %add3A_709 : i32 to vector<16xi32>
      %add3A_711 = arith.addi %broadcast_in_dim3A_16, %add3A_710 : vector<16xi32>
      %neg3A_712 = arith.constant 0.000000e+00 : f32
      %neg3A_713 = vector.broadcast %neg3A_712 : f32 to vector<16xf32>
      %neg3A_714 = arith.subf %neg3A_713, %get3A_702 : vector<16xf32>
      %max3A_715 = arith.constant 0.000000e+00 : f32
      %max3A_716 = vector.broadcast %max3A_715 : f32 to vector<16xf32>
      %max3A_717 = arith.maximumf %neg3A_714, %max3A_716 : vector<16xf32>
      tpu.vector_store_idx %arg11[%add3A_705, %add3A_711], %max3A_717 : memref<128x16xf32, #tpu.memory_space<vmem>>[vector<16xi32>, vector<16xi32>], vector<16xf32>,
      %get3A_718 = arith.constant 448 : index
      %get3A_719 = tpu.vector_load %arg15[%get3A_718] {strides = array<i32>} : memref<640xf32, #tpu.memory_space<vmem>>, vector<16xf32>,
      %add3A_720 = arith.constant 64 : i32
      %add3A_721 = vector.broadcast %add3A_720 : i32 to vector<16xi32>
      %add3A_722 = arith.addi %iota3A, %add3A_721 : vector<16xi32>
      %max3A_723 = arith.constant 0.000000e+00 : f32
      %max3A_724 = vector.broadcast %max3A_723 : f32 to vector<16xf32>
      %max3A_725 = arith.maximumf %get3A_719, %max3A_724 : vector<16xf32>
      tpu.vector_store_idx %arg11[%add3A_722, %broadcast_in_dim3A_16], %max3A_725 : memref<128x16xf32, #tpu.memory_space<vmem>>[vector<16xi32>, vector<16xi32>], vector<16xf32>,
      %add3A_726 = arith.constant 1 : i32
      %add3A_727 = vector.broadcast %add3A_726 : i32 to vector<16xi32>
      %add3A_728 = arith.addi %broadcast_in_dim3A_16, %add3A_727 : vector<16xi32>
      %neg3A_729 = arith.constant 0.000000e+00 : f32
      %neg3A_730 = vector.broadcast %neg3A_729 : f32 to vector<16xf32>
      %neg3A_731 = arith.subf %neg3A_730, %get3A_719 : vector<16xf32>
      %max3A_732 = arith.constant 0.000000e+00 : f32
      %max3A_733 = vector.broadcast %max3A_732 : f32 to vector<16xf32>
      %max3A_734 = arith.maximumf %neg3A_731, %max3A_733 : vector<16xf32>
      tpu.vector_store_idx %arg11[%add3A_722, %add3A_728], %max3A_734 : memref<128x16xf32, #tpu.memory_space<vmem>>[vector<16xi32>, vector<16xi32>], vector<16xf32>,
      %get3A_735 = arith.constant 464 : index
      %get3A_736 = tpu.vector_load %arg15[%get3A_735] {strides = array<i32>} : memref<640xf32, #tpu.memory_space<vmem>>, vector<16xf32>,
      %add3A_737 = arith.constant 80 : i32
      %add3A_738 = vector.broadcast %add3A_737 : i32 to vector<16xi32>
      %add3A_739 = arith.addi %iota3A, %add3A_738 : vector<16xi32>
      %max3A_740 = arith.constant 0.000000e+00 : f32
      %max3A_741 = vector.broadcast %max3A_740 : f32 to vector<16xf32>
      %max3A_742 = arith.maximumf %get3A_736, %max3A_741 : vector<16xf32>
      tpu.vector_store_idx %arg11[%add3A_739, %broadcast_in_dim3A_16], %max3A_742 : memref<128x16xf32, #tpu.memory_space<vmem>>[vector<16xi32>, vector<16xi32>], vector<16xf32>,
      %add3A_743 = arith.constant 1 : i32
      %add3A_744 = vector.broadcast %add3A_743 : i32 to vector<16xi32>
      %add3A_745 = arith.addi %broadcast_in_dim3A_16, %add3A_744 : vector<16xi32>
      %neg3A_746 = arith.constant 0.000000e+00 : f32
      %neg3A_747 = vector.broadcast %neg3A_746 : f32 to vector<16xf32>
      %neg3A_748 = arith.subf %neg3A_747, %get3A_736 : vector<16xf32>
      %max3A_749 = arith.constant 0.000000e+00 : f32
      %max3A_750 = vector.broadcast %max3A_749 : f32 to vector<16xf32>
      %max3A_751 = arith.maximumf %neg3A_748, %max3A_750 : vector<16xf32>
      tpu.vector_store_idx %arg11[%add3A_739, %add3A_745], %max3A_751 : memref<128x16xf32, #tpu.memory_space<vmem>>[vector<16xi32>, vector<16xi32>], vector<16xf32>,
      %get3A_752 = arith.constant 480 : index
      %get3A_753 = tpu.vector_load %arg15[%get3A_752] {strides = array<i32>} : memref<640xf32, #tpu.memory_space<vmem>>, vector<16xf32>,
      %add3A_754 = arith.constant 96 : i32
      %add3A_755 = vector.broadcast %add3A_754 : i32 to vector<16xi32>
      %add3A_756 = arith.addi %iota3A, %add3A_755 : vector<16xi32>
      %max3A_757 = arith.constant 0.000000e+00 : f32
      %max3A_758 = vector.broadcast %max3A_757 : f32 to vector<16xf32>
      %max3A_759 = arith.maximumf %get3A_753, %max3A_758 : vector<16xf32>
      tpu.vector_store_idx %arg11[%add3A_756, %broadcast_in_dim3A_16], %max3A_759 : memref<128x16xf32, #tpu.memory_space<vmem>>[vector<16xi32>, vector<16xi32>], vector<16xf32>,
      %add3A_760 = arith.constant 1 : i32
      %add3A_761 = vector.broadcast %add3A_760 : i32 to vector<16xi32>
      %add3A_762 = arith.addi %broadcast_in_dim3A_16, %add3A_761 : vector<16xi32>
      %neg3A_763 = arith.constant 0.000000e+00 : f32
      %neg3A_764 = vector.broadcast %neg3A_763 : f32 to vector<16xf32>
      %neg3A_765 = arith.subf %neg3A_764, %get3A_753 : vector<16xf32>
      %max3A_766 = arith.constant 0.000000e+00 : f32
      %max3A_767 = vector.broadcast %max3A_766 : f32 to vector<16xf32>
      %max3A_768 = arith.maximumf %neg3A_765, %max3A_767 : vector<16xf32>
      tpu.vector_store_idx %arg11[%add3A_756, %add3A_762], %max3A_768 : memref<128x16xf32, #tpu.memory_space<vmem>>[vector<16xi32>, vector<16xi32>], vector<16xf32>,
      %get3A_769 = arith.constant 496 : index
      %get3A_770 = tpu.vector_load %arg15[%get3A_769] {strides = array<i32>} : memref<640xf32, #tpu.memory_space<vmem>>, vector<16xf32>,
      %add3A_771 = arith.constant 112 : i32
      %add3A_772 = vector.broadcast %add3A_771 : i32 to vector<16xi32>
      %add3A_773 = arith.addi %iota3A, %add3A_772 : vector<16xi32>
      %max3A_774 = arith.constant 0.000000e+00 : f32
      %max3A_775 = vector.broadcast %max3A_774 : f32 to vector<16xf32>
      %max3A_776 = arith.maximumf %get3A_770, %max3A_775 : vector<16xf32>
      tpu.vector_store_idx %arg11[%add3A_773, %broadcast_in_dim3A_16], %max3A_776 : memref<128x16xf32, #tpu.memory_space<vmem>>[vector<16xi32>, vector<16xi32>], vector<16xf32>,
      %add3A_777 = arith.constant 1 : i32
      %add3A_778 = vector.broadcast %add3A_777 : i32 to vector<16xi32>
      %add3A_779 = arith.addi %broadcast_in_dim3A_16, %add3A_778 : vector<16xi32>
      %neg3A_780 = arith.constant 0.000000e+00 : f32
      %neg3A_781 = vector.broadcast %neg3A_780 : f32 to vector<16xf32>
      %neg3A_782 = arith.subf %neg3A_781, %get3A_770 : vector<16xf32>
      %max3A_783 = arith.constant 0.000000e+00 : f32
      %max3A_784 = vector.broadcast %max3A_783 : f32 to vector<16xf32>
      %max3A_785 = arith.maximumf %neg3A_782, %max3A_784 : vector<16xf32>
      tpu.vector_store_idx %arg11[%add3A_773, %add3A_779], %max3A_785 : memref<128x16xf32, #tpu.memory_space<vmem>>[vector<16xi32>, vector<16xi32>], vector<16xf32>,
      %run_scoped3A_786 = arith.constant 3 : i32
      "tpu.region"() ({
        %run_scoped3A_930 = tpu.sem_alloc : memref<!tpu.dma_semaphore, #tpu.memory_space<semaphore_mem>>
        %dma_start3A_931 = arith.constant 0 : i32
        %dma_start3A_932 = tpu.memref_slice %arg14[%run_scoped3A_786, %dma_start3A_931] : memref<5x128xi32, #tpu.memory_space<vmem>> -> memref<1x128xi32, #tpu.memory_space<vmem>>
        %dma_start3A_933 = tpu.memref_squeeze %dma_start3A_932 : memref<1x128xi32, #tpu.memory_space<vmem>> -> memref<128xi32, #tpu.memory_space<vmem>>
        %dma_start3A_934 = arith.constant 0 : i32
        %dma_start3A_935 = arith.constant 0 : i32
        %dma_start3A_936 = tpu.memref_slice %arg7[%dma_start3A_934, %dma_start3A_935] : memref<50000x16xf32, #tpu.memory_space<vmem_shared>> -> memref<50000x16xf32, #tpu.memory_space<vmem_shared>>
        tpu.enqueue_indirect_dma source(%arg11 : memref<128x16xf32, #tpu.memory_space<vmem>>) target(%dma_start3A_936 : memref<50000x16xf32, #tpu.memory_space<vmem_shared>>) offsets(%dma_start3A_933 : memref<128xi32, #tpu.memory_space<vmem>>) semaphore(%run_scoped3A_930 : memref<!tpu.dma_semaphore, #tpu.memory_space<semaphore_mem>>) {add = true}
        %dma_wait3A_937 = arith.constant 0 : i32
        %dma_wait3A_938 = tpu.memref_slice %arg14[%run_scoped3A_786, %dma_wait3A_937] : memref<5x128xi32, #tpu.memory_space<vmem>> -> memref<1x128xi32, #tpu.memory_space<vmem>>
        %dma_wait3A_939 = tpu.memref_squeeze %dma_wait3A_938 : memref<1x128xi32, #tpu.memory_space<vmem>> -> memref<128xi32, #tpu.memory_space<vmem>>
        %dma_wait3A_940 = arith.constant 0 : i32
        %dma_wait3A_941 = arith.constant 0 : i32
        %dma_wait3A_942 = tpu.memref_slice %arg7[%dma_wait3A_940, %dma_wait3A_941] : memref<50000x16xf32, #tpu.memory_space<vmem_shared>> -> memref<50000x16xf32, #tpu.memory_space<vmem_shared>>
        tpu.wait_indirect_dma semaphore(%run_scoped3A_930 : memref<!tpu.dma_semaphore, #tpu.memory_space<semaphore_mem>>) src(%arg11 : memref<128x16xf32, #tpu.memory_space<vmem>>) dst(%dma_wait3A_942 : memref<50000x16xf32, #tpu.memory_space<vmem_shared>>)
        tpu.yield
      }) : () -> ()
      %dma_wait3A_787 = arith.constant 512 : i32
      %dma_wait3A_788 = tpu.memref_slice %arg13[%dma_wait3A_787] : memref<640xi32, #tpu.memory_space<vmem>> -> memref<128xi32, #tpu.memory_space<vmem>>
      %dma_wait3A_789 = arith.constant 0 : i32
      %dma_wait3A_790 = arith.constant 0 : i32
      %dma_wait3A_791 = tpu.memref_slice %arg4[%dma_wait3A_789, %dma_wait3A_790] : memref<50000x16xf32, #tpu.memory_space<hbm>> -> memref<50000x16xf32, #tpu.memory_space<hbm>>
      tpu.wait_indirect_dma semaphore(%arg18 : memref<!tpu.dma_semaphore, #tpu.memory_space<semaphore_mem>>) src(%dma_wait3A_791 : memref<50000x16xf32, #tpu.memory_space<hbm>>) dst(%arg12 : memref<128x16xf32, #tpu.memory_space<vmem>>)
      %get3A_792 = arith.constant 512 : index
      %get3A_793 = tpu.vector_load %arg15[%get3A_792] {strides = array<i32>} : memref<640xf32, #tpu.memory_space<vmem>>, vector<16xf32>,
      %add3A_794 = arith.constant 0 : i32
      %add3A_795 = vector.broadcast %add3A_794 : i32 to vector<16xi32>
      %add3A_796 = arith.addi %iota3A, %add3A_795 : vector<16xi32>
      %max3A_797 = arith.constant 0.000000e+00 : f32
      %max3A_798 = vector.broadcast %max3A_797 : f32 to vector<16xf32>
      %max3A_799 = arith.maximumf %get3A_793, %max3A_798 : vector<16xf32>
      tpu.vector_store_idx %arg12[%add3A_796, %broadcast_in_dim3A_16], %max3A_799 : memref<128x16xf32, #tpu.memory_space<vmem>>[vector<16xi32>, vector<16xi32>], vector<16xf32>,
      %add3A_800 = arith.constant 1 : i32
      %add3A_801 = vector.broadcast %add3A_800 : i32 to vector<16xi32>
      %add3A_802 = arith.addi %broadcast_in_dim3A_16, %add3A_801 : vector<16xi32>
      %neg3A_803 = arith.constant 0.000000e+00 : f32
      %neg3A_804 = vector.broadcast %neg3A_803 : f32 to vector<16xf32>
      %neg3A_805 = arith.subf %neg3A_804, %get3A_793 : vector<16xf32>
      %max3A_806 = arith.constant 0.000000e+00 : f32
      %max3A_807 = vector.broadcast %max3A_806 : f32 to vector<16xf32>
      %max3A_808 = arith.maximumf %neg3A_805, %max3A_807 : vector<16xf32>
      tpu.vector_store_idx %arg12[%add3A_796, %add3A_802], %max3A_808 : memref<128x16xf32, #tpu.memory_space<vmem>>[vector<16xi32>, vector<16xi32>], vector<16xf32>,
      %get3A_809 = arith.constant 528 : index
      %get3A_810 = tpu.vector_load %arg15[%get3A_809] {strides = array<i32>} : memref<640xf32, #tpu.memory_space<vmem>>, vector<16xf32>,
      %add3A_811 = arith.constant 16 : i32
      %add3A_812 = vector.broadcast %add3A_811 : i32 to vector<16xi32>
      %add3A_813 = arith.addi %iota3A, %add3A_812 : vector<16xi32>
      %max3A_814 = arith.constant 0.000000e+00 : f32
      %max3A_815 = vector.broadcast %max3A_814 : f32 to vector<16xf32>
      %max3A_816 = arith.maximumf %get3A_810, %max3A_815 : vector<16xf32>
      tpu.vector_store_idx %arg12[%add3A_813, %broadcast_in_dim3A_16], %max3A_816 : memref<128x16xf32, #tpu.memory_space<vmem>>[vector<16xi32>, vector<16xi32>], vector<16xf32>,
      %add3A_817 = arith.constant 1 : i32
      %add3A_818 = vector.broadcast %add3A_817 : i32 to vector<16xi32>
      %add3A_819 = arith.addi %broadcast_in_dim3A_16, %add3A_818 : vector<16xi32>
      %neg3A_820 = arith.constant 0.000000e+00 : f32
      %neg3A_821 = vector.broadcast %neg3A_820 : f32 to vector<16xf32>
      %neg3A_822 = arith.subf %neg3A_821, %get3A_810 : vector<16xf32>
      %max3A_823 = arith.constant 0.000000e+00 : f32
      %max3A_824 = vector.broadcast %max3A_823 : f32 to vector<16xf32>
      %max3A_825 = arith.maximumf %neg3A_822, %max3A_824 : vector<16xf32>
      tpu.vector_store_idx %arg12[%add3A_813, %add3A_819], %max3A_825 : memref<128x16xf32, #tpu.memory_space<vmem>>[vector<16xi32>, vector<16xi32>], vector<16xf32>,
      %get3A_826 = arith.constant 544 : index
      %get3A_827 = tpu.vector_load %arg15[%get3A_826] {strides = array<i32>} : memref<640xf32, #tpu.memory_space<vmem>>, vector<16xf32>,
      %add3A_828 = arith.constant 32 : i32
      %add3A_829 = vector.broadcast %add3A_828 : i32 to vector<16xi32>
      %add3A_830 = arith.addi %iota3A, %add3A_829 : vector<16xi32>
      %max3A_831 = arith.constant 0.000000e+00 : f32
      %max3A_832 = vector.broadcast %max3A_831 : f32 to vector<16xf32>
      %max3A_833 = arith.maximumf %get3A_827, %max3A_832 : vector<16xf32>
      tpu.vector_store_idx %arg12[%add3A_830, %broadcast_in_dim3A_16], %max3A_833 : memref<128x16xf32, #tpu.memory_space<vmem>>[vector<16xi32>, vector<16xi32>], vector<16xf32>,
      %add3A_834 = arith.constant 1 : i32
      %add3A_835 = vector.broadcast %add3A_834 : i32 to vector<16xi32>
      %add3A_836 = arith.addi %broadcast_in_dim3A_16, %add3A_835 : vector<16xi32>
      %neg3A_837 = arith.constant 0.000000e+00 : f32
      %neg3A_838 = vector.broadcast %neg3A_837 : f32 to vector<16xf32>
      %neg3A_839 = arith.subf %neg3A_838, %get3A_827 : vector<16xf32>
      %max3A_840 = arith.constant 0.000000e+00 : f32
      %max3A_841 = vector.broadcast %max3A_840 : f32 to vector<16xf32>
      %max3A_842 = arith.maximumf %neg3A_839, %max3A_841 : vector<16xf32>
      tpu.vector_store_idx %arg12[%add3A_830, %add3A_836], %max3A_842 : memref<128x16xf32, #tpu.memory_space<vmem>>[vector<16xi32>, vector<16xi32>], vector<16xf32>,
      %get3A_843 = arith.constant 560 : index
      %get3A_844 = tpu.vector_load %arg15[%get3A_843] {strides = array<i32>} : memref<640xf32, #tpu.memory_space<vmem>>, vector<16xf32>,
      %add3A_845 = arith.constant 48 : i32
      %add3A_846 = vector.broadcast %add3A_845 : i32 to vector<16xi32>
      %add3A_847 = arith.addi %iota3A, %add3A_846 : vector<16xi32>
      %max3A_848 = arith.constant 0.000000e+00 : f32
      %max3A_849 = vector.broadcast %max3A_848 : f32 to vector<16xf32>
      %max3A_850 = arith.maximumf %get3A_844, %max3A_849 : vector<16xf32>
      tpu.vector_store_idx %arg12[%add3A_847, %broadcast_in_dim3A_16], %max3A_850 : memref<128x16xf32, #tpu.memory_space<vmem>>[vector<16xi32>, vector<16xi32>], vector<16xf32>,
      %add3A_851 = arith.constant 1 : i32
      %add3A_852 = vector.broadcast %add3A_851 : i32 to vector<16xi32>
      %add3A_853 = arith.addi %broadcast_in_dim3A_16, %add3A_852 : vector<16xi32>
      %neg3A_854 = arith.constant 0.000000e+00 : f32
      %neg3A_855 = vector.broadcast %neg3A_854 : f32 to vector<16xf32>
      %neg3A_856 = arith.subf %neg3A_855, %get3A_844 : vector<16xf32>
      %max3A_857 = arith.constant 0.000000e+00 : f32
      %max3A_858 = vector.broadcast %max3A_857 : f32 to vector<16xf32>
      %max3A_859 = arith.maximumf %neg3A_856, %max3A_858 : vector<16xf32>
      tpu.vector_store_idx %arg12[%add3A_847, %add3A_853], %max3A_859 : memref<128x16xf32, #tpu.memory_space<vmem>>[vector<16xi32>, vector<16xi32>], vector<16xf32>,
      %get3A_860 = arith.constant 576 : index
      %get3A_861 = tpu.vector_load %arg15[%get3A_860] {strides = array<i32>} : memref<640xf32, #tpu.memory_space<vmem>>, vector<16xf32>,
      %add3A_862 = arith.constant 64 : i32
      %add3A_863 = vector.broadcast %add3A_862 : i32 to vector<16xi32>
      %add3A_864 = arith.addi %iota3A, %add3A_863 : vector<16xi32>
      %max3A_865 = arith.constant 0.000000e+00 : f32
      %max3A_866 = vector.broadcast %max3A_865 : f32 to vector<16xf32>
      %max3A_867 = arith.maximumf %get3A_861, %max3A_866 : vector<16xf32>
      tpu.vector_store_idx %arg12[%add3A_864, %broadcast_in_dim3A_16], %max3A_867 : memref<128x16xf32, #tpu.memory_space<vmem>>[vector<16xi32>, vector<16xi32>], vector<16xf32>,
      %add3A_868 = arith.constant 1 : i32
      %add3A_869 = vector.broadcast %add3A_868 : i32 to vector<16xi32>
      %add3A_870 = arith.addi %broadcast_in_dim3A_16, %add3A_869 : vector<16xi32>
      %neg3A_871 = arith.constant 0.000000e+00 : f32
      %neg3A_872 = vector.broadcast %neg3A_871 : f32 to vector<16xf32>
      %neg3A_873 = arith.subf %neg3A_872, %get3A_861 : vector<16xf32>
      %max3A_874 = arith.constant 0.000000e+00 : f32
      %max3A_875 = vector.broadcast %max3A_874 : f32 to vector<16xf32>
      %max3A_876 = arith.maximumf %neg3A_873, %max3A_875 : vector<16xf32>
      tpu.vector_store_idx %arg12[%add3A_864, %add3A_870], %max3A_876 : memref<128x16xf32, #tpu.memory_space<vmem>>[vector<16xi32>, vector<16xi32>], vector<16xf32>,
      %get3A_877 = arith.constant 592 : index
      %get3A_878 = tpu.vector_load %arg15[%get3A_877] {strides = array<i32>} : memref<640xf32, #tpu.memory_space<vmem>>, vector<16xf32>,
      %add3A_879 = arith.constant 80 : i32
      %add3A_880 = vector.broadcast %add3A_879 : i32 to vector<16xi32>
      %add3A_881 = arith.addi %iota3A, %add3A_880 : vector<16xi32>
      %max3A_882 = arith.constant 0.000000e+00 : f32
      %max3A_883 = vector.broadcast %max3A_882 : f32 to vector<16xf32>
      %max3A_884 = arith.maximumf %get3A_878, %max3A_883 : vector<16xf32>
      tpu.vector_store_idx %arg12[%add3A_881, %broadcast_in_dim3A_16], %max3A_884 : memref<128x16xf32, #tpu.memory_space<vmem>>[vector<16xi32>, vector<16xi32>], vector<16xf32>,
      %add3A_885 = arith.constant 1 : i32
      %add3A_886 = vector.broadcast %add3A_885 : i32 to vector<16xi32>
      %add3A_887 = arith.addi %broadcast_in_dim3A_16, %add3A_886 : vector<16xi32>
      %neg3A_888 = arith.constant 0.000000e+00 : f32
      %neg3A_889 = vector.broadcast %neg3A_888 : f32 to vector<16xf32>
      %neg3A_890 = arith.subf %neg3A_889, %get3A_878 : vector<16xf32>
      %max3A_891 = arith.constant 0.000000e+00 : f32
      %max3A_892 = vector.broadcast %max3A_891 : f32 to vector<16xf32>
      %max3A_893 = arith.maximumf %neg3A_890, %max3A_892 : vector<16xf32>
      tpu.vector_store_idx %arg12[%add3A_881, %add3A_887], %max3A_893 : memref<128x16xf32, #tpu.memory_space<vmem>>[vector<16xi32>, vector<16xi32>], vector<16xf32>,
      %get3A_894 = arith.constant 608 : index
      %get3A_895 = tpu.vector_load %arg15[%get3A_894] {strides = array<i32>} : memref<640xf32, #tpu.memory_space<vmem>>, vector<16xf32>,
      %add3A_896 = arith.constant 96 : i32
      %add3A_897 = vector.broadcast %add3A_896 : i32 to vector<16xi32>
      %add3A_898 = arith.addi %iota3A, %add3A_897 : vector<16xi32>
      %max3A_899 = arith.constant 0.000000e+00 : f32
      %max3A_900 = vector.broadcast %max3A_899 : f32 to vector<16xf32>
      %max3A_901 = arith.maximumf %get3A_895, %max3A_900 : vector<16xf32>
      tpu.vector_store_idx %arg12[%add3A_898, %broadcast_in_dim3A_16], %max3A_901 : memref<128x16xf32, #tpu.memory_space<vmem>>[vector<16xi32>, vector<16xi32>], vector<16xf32>,
      %add3A_902 = arith.constant 1 : i32
      %add3A_903 = vector.broadcast %add3A_902 : i32 to vector<16xi32>
      %add3A_904 = arith.addi %broadcast_in_dim3A_16, %add3A_903 : vector<16xi32>
      %neg3A_905 = arith.constant 0.000000e+00 : f32
      %neg3A_906 = vector.broadcast %neg3A_905 : f32 to vector<16xf32>
      %neg3A_907 = arith.subf %neg3A_906, %get3A_895 : vector<16xf32>
      %max3A_908 = arith.constant 0.000000e+00 : f32
      %max3A_909 = vector.broadcast %max3A_908 : f32 to vector<16xf32>
      %max3A_910 = arith.maximumf %neg3A_907, %max3A_909 : vector<16xf32>
      tpu.vector_store_idx %arg12[%add3A_898, %add3A_904], %max3A_910 : memref<128x16xf32, #tpu.memory_space<vmem>>[vector<16xi32>, vector<16xi32>], vector<16xf32>,
      %get3A_911 = arith.constant 624 : index
      %get3A_912 = tpu.vector_load %arg15[%get3A_911] {strides = array<i32>} : memref<640xf32, #tpu.memory_space<vmem>>, vector<16xf32>,
      %add3A_913 = arith.constant 112 : i32
      %add3A_914 = vector.broadcast %add3A_913 : i32 to vector<16xi32>
      %add3A_915 = arith.addi %iota3A, %add3A_914 : vector<16xi32>
      %max3A_916 = arith.constant 0.000000e+00 : f32
      %max3A_917 = vector.broadcast %max3A_916 : f32 to vector<16xf32>
      %max3A_918 = arith.maximumf %get3A_912, %max3A_917 : vector<16xf32>
      tpu.vector_store_idx %arg12[%add3A_915, %broadcast_in_dim3A_16], %max3A_918 : memref<128x16xf32, #tpu.memory_space<vmem>>[vector<16xi32>, vector<16xi32>], vector<16xf32>,
      %add3A_919 = arith.constant 1 : i32
      %add3A_920 = vector.broadcast %add3A_919 : i32 to vector<16xi32>
      %add3A_921 = arith.addi %broadcast_in_dim3A_16, %add3A_920 : vector<16xi32>
      %neg3A_922 = arith.constant 0.000000e+00 : f32
      %neg3A_923 = vector.broadcast %neg3A_922 : f32 to vector<16xf32>
      %neg3A_924 = arith.subf %neg3A_923, %get3A_912 : vector<16xf32>
      %max3A_925 = arith.constant 0.000000e+00 : f32
      %max3A_926 = vector.broadcast %max3A_925 : f32 to vector<16xf32>
      %max3A_927 = arith.maximumf %neg3A_924, %max3A_926 : vector<16xf32>
      tpu.vector_store_idx %arg12[%add3A_915, %add3A_921], %max3A_927 : memref<128x16xf32, #tpu.memory_space<vmem>>[vector<16xi32>, vector<16xi32>], vector<16xf32>,
      %run_scoped3A_928 = arith.constant 4 : i32
      "tpu.region"() ({
        %run_scoped3A_930 = tpu.sem_alloc : memref<!tpu.dma_semaphore, #tpu.memory_space<semaphore_mem>>
        %dma_start3A_931 = arith.constant 0 : i32
        %dma_start3A_932 = tpu.memref_slice %arg14[%run_scoped3A_928, %dma_start3A_931] : memref<5x128xi32, #tpu.memory_space<vmem>> -> memref<1x128xi32, #tpu.memory_space<vmem>>
        %dma_start3A_933 = tpu.memref_squeeze %dma_start3A_932 : memref<1x128xi32, #tpu.memory_space<vmem>> -> memref<128xi32, #tpu.memory_space<vmem>>
        %dma_start3A_934 = arith.constant 0 : i32
        %dma_start3A_935 = arith.constant 0 : i32
        %dma_start3A_936 = tpu.memref_slice %arg7[%dma_start3A_934, %dma_start3A_935] : memref<50000x16xf32, #tpu.memory_space<vmem_shared>> -> memref<50000x16xf32, #tpu.memory_space<vmem_shared>>
        tpu.enqueue_indirect_dma source(%arg12 : memref<128x16xf32, #tpu.memory_space<vmem>>) target(%dma_start3A_936 : memref<50000x16xf32, #tpu.memory_space<vmem_shared>>) offsets(%dma_start3A_933 : memref<128xi32, #tpu.memory_space<vmem>>) semaphore(%run_scoped3A_930 : memref<!tpu.dma_semaphore, #tpu.memory_space<semaphore_mem>>) {add = true}
        %dma_wait3A_937 = arith.constant 0 : i32
        %dma_wait3A_938 = tpu.memref_slice %arg14[%run_scoped3A_928, %dma_wait3A_937] : memref<5x128xi32, #tpu.memory_space<vmem>> -> memref<1x128xi32, #tpu.memory_space<vmem>>
        %dma_wait3A_939 = tpu.memref_squeeze %dma_wait3A_938 : memref<1x128xi32, #tpu.memory_space<vmem>> -> memref<128xi32, #tpu.memory_space<vmem>>
        %dma_wait3A_940 = arith.constant 0 : i32
        %dma_wait3A_941 = arith.constant 0 : i32
        %dma_wait3A_942 = tpu.memref_slice %arg7[%dma_wait3A_940, %dma_wait3A_941] : memref<50000x16xf32, #tpu.memory_space<vmem_shared>> -> memref<50000x16xf32, #tpu.memory_space<vmem_shared>>
        tpu.wait_indirect_dma semaphore(%run_scoped3A_930 : memref<!tpu.dma_semaphore, #tpu.memory_space<semaphore_mem>>) src(%arg12 : memref<128x16xf32, #tpu.memory_space<vmem>>) dst(%dma_wait3A_942 : memref<50000x16xf32, #tpu.memory_space<vmem_shared>>)
        tpu.yield
      }) : () -> ()
      %while3A_929 = arith.constant 0 : i32
      scf.yield %while3A_929 : i32
    }
    %barrier3A_36 = arith.constant 0 : index
    tpu.barrier barrier_id(%barrier3A_36)
    %while3A_37 = arith.constant 0 : i32
    %while3A_38 = arith.constant 0 : i32
    %while3A_39 = arith.subi %add3A_4, %while3A_37 : i32
    %while3A_40 = arith.addi %while3A_37, %while3A_39 : i32
    %while3A_41 = arith.constant 1 : i32
    %while3A_42 = arith.divsi %while3A_39, %while3A_41 : i32
    %while3A_43 = arith.muli %while3A_42, %while3A_41 : i32
    %while3A_44 = arith.addi %while3A_37, %while3A_43 : i32
    %while3A_45 = arith.constant 1 : i32
    %while3A_46 = scf.for %while3A_49 = %while3A_37 to %while3A_44 step %while3A_45 iter_args(%while3A_50 = %while3A_38) -> (i32)  : i32 {
      %mul3A_51 = arith.constant 16 : i32
      %mul3A_52 = arith.muli %mul3A_51, %while3A_49 : i32
      %add3A_53 = arith.addi %arg1, %mul3A_52 : i32
      %mul3A_54 = arith.constant 200 : i32
      %mul3A_55 = arith.muli %add3A_53, %mul3A_54 : i32
      "tpu.region"() ({
        %run_scoped3A = tpu.sem_alloc : memref<!tpu.dma_semaphore, #tpu.memory_space<semaphore_mem>>
        %dma_start3A = arith.constant 0 : i32
        %dma_start3A_57 = tpu.memref_slice %arg7[%mul3A_55, %dma_start3A] : memref<50000x16xf32, #tpu.memory_space<vmem_shared>> -> memref<200x16xf32, #tpu.memory_space<vmem_shared>>
        %dma_start3A_58 = arith.constant 0 : i32
        %dma_start3A_59 = tpu.memref_slice %arg7[%mul3A_55, %dma_start3A_58] : memref<50000x16xf32, #tpu.memory_space<vmem_shared>> -> memref<200x16xf32, #tpu.memory_space<vmem_shared>>
        tpu.enqueue_dma source(%dma_start3A_59 : memref<200x16xf32, #tpu.memory_space<vmem_shared>>) target(%arg16 : memref<200x16xf32, #tpu.memory_space<vmem>>) target_semaphore(%run_scoped3A : memref<!tpu.dma_semaphore, #tpu.memory_space<semaphore_mem>>)
        %dma_wait3A = arith.constant 0 : i32
        %dma_wait3A_60 = tpu.memref_slice %arg7[%mul3A_55, %dma_wait3A] : memref<50000x16xf32, #tpu.memory_space<vmem_shared>> -> memref<200x16xf32, #tpu.memory_space<vmem_shared>>
        %dma_wait3A_61 = arith.constant 0 : i32
        %dma_wait3A_62 = tpu.memref_slice %arg7[%mul3A_55, %dma_wait3A_61] : memref<50000x16xf32, #tpu.memory_space<vmem_shared>> -> memref<200x16xf32, #tpu.memory_space<vmem_shared>>
        tpu.wait_dma2 semaphore(%run_scoped3A : memref<!tpu.dma_semaphore, #tpu.memory_space<semaphore_mem>>) src(%dma_wait3A_62 : memref<200x16xf32, #tpu.memory_space<vmem_shared>>) dst(%arg16 : memref<200x16xf32, #tpu.memory_space<vmem>>)
        tpu.yield
      }) : () -> ()
      "tpu.region"() ({
        %run_scoped3A = tpu.sem_alloc : memref<!tpu.dma_semaphore, #tpu.memory_space<semaphore_mem>>
        %dma_start3A = arith.constant 0 : i32
        %dma_start3A_57 = tpu.memref_slice %arg6[%arg0, %mul3A_55, %dma_start3A] : memref<2x50000x16xf32, #tpu.memory_space<hbm>> -> memref<1x200x16xf32, #tpu.memory_space<hbm>>
        %dma_start3A_58 = tpu.memref_squeeze %dma_start3A_57 : memref<1x200x16xf32, #tpu.memory_space<hbm>> -> memref<200x16xf32, #tpu.memory_space<hbm>>
        %dma_start3A_59 = arith.constant 0 : i32
        %dma_start3A_60 = tpu.memref_slice %arg6[%arg0, %mul3A_55, %dma_start3A_59] : memref<2x50000x16xf32, #tpu.memory_space<hbm>> -> memref<1x200x16xf32, #tpu.memory_space<hbm>>
        %dma_start3A_61 = tpu.memref_squeeze %dma_start3A_60 : memref<1x200x16xf32, #tpu.memory_space<hbm>> -> memref<200x16xf32, #tpu.memory_space<hbm>>
        tpu.enqueue_dma source(%arg16 : memref<200x16xf32, #tpu.memory_space<vmem>>) target(%dma_start3A_61 : memref<200x16xf32, #tpu.memory_space<hbm>>) target_semaphore(%run_scoped3A : memref<!tpu.dma_semaphore, #tpu.memory_space<semaphore_mem>>)
        %dma_wait3A = arith.constant 0 : i32
        %dma_wait3A_62 = tpu.memref_slice %arg6[%arg0, %mul3A_55, %dma_wait3A] : memref<2x50000x16xf32, #tpu.memory_space<hbm>> -> memref<1x200x16xf32, #tpu.memory_space<hbm>>
        %dma_wait3A_63 = tpu.memref_squeeze %dma_wait3A_62 : memref<1x200x16xf32, #tpu.memory_space<hbm>> -> memref<200x16xf32, #tpu.memory_space<hbm>>
        %dma_wait3A_64 = arith.constant 0 : i32
        %dma_wait3A_65 = tpu.memref_slice %arg6[%arg0, %mul3A_55, %dma_wait3A_64] : memref<2x50000x16xf32, #tpu.memory_space<hbm>> -> memref<1x200x16xf32, #tpu.memory_space<hbm>>
        %dma_wait3A_66 = tpu.memref_squeeze %dma_wait3A_65 : memref<1x200x16xf32, #tpu.memory_space<hbm>> -> memref<200x16xf32, #tpu.memory_space<hbm>>
        tpu.wait_dma2 semaphore(%run_scoped3A : memref<!tpu.dma_semaphore, #tpu.memory_space<semaphore_mem>>) src(%arg16 : memref<200x16xf32, #tpu.memory_space<vmem>>) dst(%dma_wait3A_66 : memref<200x16xf32, #tpu.memory_space<hbm>>)
        tpu.yield
      }) : () -> ()
      %while3A_56 = arith.constant 0 : i32
      scf.yield %while3A_56 : i32
    }
    %while3A_47 = arith.constant 1 : i32
    %while3A_48 = scf.for %while3A_49 = %while3A_44 to %while3A_40 step %while3A_47 iter_args(%while3A_50 = %while3A_46) -> (i32)  : i32 {
      %mul3A_51 = arith.constant 16 : i32
      %mul3A_52 = arith.muli %mul3A_51, %while3A_49 : i32
      %add3A_53 = arith.addi %arg1, %mul3A_52 : i32
      %mul3A_54 = arith.constant 200 : i32
      %mul3A_55 = arith.muli %add3A_53, %mul3A_54 : i32
      "tpu.region"() ({
        %run_scoped3A = tpu.sem_alloc : memref<!tpu.dma_semaphore, #tpu.memory_space<semaphore_mem>>
        %dma_start3A = arith.constant 0 : i32
        %dma_start3A_57 = tpu.memref_slice %arg7[%mul3A_55, %dma_start3A] : memref<50000x16xf32, #tpu.memory_space<vmem_shared>> -> memref<200x16xf32, #tpu.memory_space<vmem_shared>>
        %dma_start3A_58 = arith.constant 0 : i32
        %dma_start3A_59 = tpu.memref_slice %arg7[%mul3A_55, %dma_start3A_58] : memref<50000x16xf32, #tpu.memory_space<vmem_shared>> -> memref<200x16xf32, #tpu.memory_space<vmem_shared>>
        tpu.enqueue_dma source(%dma_start3A_59 : memref<200x16xf32, #tpu.memory_space<vmem_shared>>) target(%arg16 : memref<200x16xf32, #tpu.memory_space<vmem>>) target_semaphore(%run_scoped3A : memref<!tpu.dma_semaphore, #tpu.memory_space<semaphore_mem>>)
        %dma_wait3A = arith.constant 0 : i32
        %dma_wait3A_60 = tpu.memref_slice %arg7[%mul3A_55, %dma_wait3A] : memref<50000x16xf32, #tpu.memory_space<vmem_shared>> -> memref<200x16xf32, #tpu.memory_space<vmem_shared>>
        %dma_wait3A_61 = arith.constant 0 : i32
        %dma_wait3A_62 = tpu.memref_slice %arg7[%mul3A_55, %dma_wait3A_61] : memref<50000x16xf32, #tpu.memory_space<vmem_shared>> -> memref<200x16xf32, #tpu.memory_space<vmem_shared>>
        tpu.wait_dma2 semaphore(%run_scoped3A : memref<!tpu.dma_semaphore, #tpu.memory_space<semaphore_mem>>) src(%dma_wait3A_62 : memref<200x16xf32, #tpu.memory_space<vmem_shared>>) dst(%arg16 : memref<200x16xf32, #tpu.memory_space<vmem>>)
        tpu.yield
      }) : () -> ()
      "tpu.region"() ({
        %run_scoped3A = tpu.sem_alloc : memref<!tpu.dma_semaphore, #tpu.memory_space<semaphore_mem>>
        %dma_start3A = arith.constant 0 : i32
        %dma_start3A_57 = tpu.memref_slice %arg6[%arg0, %mul3A_55, %dma_start3A] : memref<2x50000x16xf32, #tpu.memory_space<hbm>> -> memref<1x200x16xf32, #tpu.memory_space<hbm>>
        %dma_start3A_58 = tpu.memref_squeeze %dma_start3A_57 : memref<1x200x16xf32, #tpu.memory_space<hbm>> -> memref<200x16xf32, #tpu.memory_space<hbm>>
        %dma_start3A_59 = arith.constant 0 : i32
        %dma_start3A_60 = tpu.memref_slice %arg6[%arg0, %mul3A_55, %dma_start3A_59] : memref<2x50000x16xf32, #tpu.memory_space<hbm>> -> memref<1x200x16xf32, #tpu.memory_space<hbm>>
        %dma_start3A_61 = tpu.memref_squeeze %dma_start3A_60 : memref<1x200x16xf32, #tpu.memory_space<hbm>> -> memref<200x16xf32, #tpu.memory_space<hbm>>
        tpu.enqueue_dma source(%arg16 : memref<200x16xf32, #tpu.memory_space<vmem>>) target(%dma_start3A_61 : memref<200x16xf32, #tpu.memory_space<hbm>>) target_semaphore(%run_scoped3A : memref<!tpu.dma_semaphore, #tpu.memory_space<semaphore_mem>>)
        %dma_wait3A = arith.constant 0 : i32
        %dma_wait3A_62 = tpu.memref_slice %arg6[%arg0, %mul3A_55, %dma_wait3A] : memref<2x50000x16xf32, #tpu.memory_space<hbm>> -> memref<1x200x16xf32, #tpu.memory_space<hbm>>
        %dma_wait3A_63 = tpu.memref_squeeze %dma_wait3A_62 : memref<1x200x16xf32, #tpu.memory_space<hbm>> -> memref<200x16xf32, #tpu.memory_space<hbm>>
        %dma_wait3A_64 = arith.constant 0 : i32
        %dma_wait3A_65 = tpu.memref_slice %arg6[%arg0, %mul3A_55, %dma_wait3A_64] : memref<2x50000x16xf32, #tpu.memory_space<hbm>> -> memref<1x200x16xf32, #tpu.memory_space<hbm>>
        %dma_wait3A_66 = tpu.memref_squeeze %dma_wait3A_65 : memref<1x200x16xf32, #tpu.memory_space<hbm>> -> memref<200x16xf32, #tpu.memory_space<hbm>>
        tpu.wait_dma2 semaphore(%run_scoped3A : memref<!tpu.dma_semaphore, #tpu.memory_space<semaphore_mem>>) src(%arg16 : memref<200x16xf32, #tpu.memory_space<vmem>>) dst(%dma_wait3A_66 : memref<200x16xf32, #tpu.memory_space<hbm>>)
        tpu.yield
      }) : () -> ()
      %while3A_56 = arith.constant 0 : i32
      scf.yield %while3A_56 : i32
    }
    return
  }
}

#map = affine_map<(d0, d1) -> (0, 0)>
#map1 = affine_map<(d0, d1) -> (0, 0, 0)>
module attributes {stable_mosaic.version = 14 : i64} {
  func.func @_pass_b(%arg0: i32, %arg1: i32, %arg2: memref<2x800000xi32, #tpu.memory_space<hbm>>, %arg3: memref<2x50000x32xf32, #tpu.memory_space<hbm>>, %arg4: memref<200x32xf32, #tpu.memory_space<hbm>>, %arg5: memref<2x50000x32xf32, #tpu.memory_space<hbm>>, %arg6: memref<50000x32xf32, #tpu.memory_space<vmem_shared>>, %arg7: memref<128x32xf32, #tpu.memory_space<vmem>>, %arg8: memref<128x32xf32, #tpu.memory_space<vmem>>, %arg9: memref<128x32xf32, #tpu.memory_space<vmem>>, %arg10: memref<128x32xf32, #tpu.memory_space<vmem>>, %arg11: memref<128x32xf32, #tpu.memory_space<vmem>>, %arg12: memref<640xi32, #tpu.memory_space<vmem>>, %arg13: memref<5x128xi32, #tpu.memory_space<vmem>>, %arg14: memref<200x32xf32, #tpu.memory_space<vmem>>, %arg15: memref<!tpu.dma_semaphore, #tpu.memory_space<semaphore_mem>>, %arg16: memref<!tpu.dma_semaphore, #tpu.memory_space<semaphore_mem>>) attributes {dimension_semantics = [#tpu.dimension_semantics<core_parallel>, #tpu.dimension_semantics<subcore_parallel>], iteration_bounds = array<i64: 2, 16>, scalar_prefetch = 0 : i64, scratch_operands = 11 : i64, tpu.core_type = #tpu.core_type<sc_vector_subcore>, window_params = [{transform_indices = #map}, {transform_indices = #map1}, {transform_indices = #map}, {transform_indices = #map1}]} {
    %lt3A = arith.constant 10 : i32
    %lt3A_0 = arith.cmpi slt, %arg1, %lt3A : i32
    %jit3A = arith.constant 1 : i32
    %jit3A_1 = arith.constant 0 : i32
    %select_n3A = arith.select %lt3A_0, %jit3A, %jit3A_1 : i32
    %add3A = arith.constant 15 : i32
    %add3A_2 = arith.addi %add3A, %select_n3A : i32
    "tpu.region"() ({
      %run_scoped3A = tpu.sem_alloc : memref<!tpu.dma_semaphore, #tpu.memory_space<semaphore_mem>>
      tpu.enqueue_dma source(%arg4 : memref<200x32xf32, #tpu.memory_space<hbm>>) target(%arg14 : memref<200x32xf32, #tpu.memory_space<vmem>>) target_semaphore(%run_scoped3A : memref<!tpu.dma_semaphore, #tpu.memory_space<semaphore_mem>>)
      tpu.wait_dma2 semaphore(%run_scoped3A : memref<!tpu.dma_semaphore, #tpu.memory_space<semaphore_mem>>) src(%arg4 : memref<200x32xf32, #tpu.memory_space<hbm>>) dst(%arg14 : memref<200x32xf32, #tpu.memory_space<vmem>>)
      tpu.yield
    }) : () -> ()
    %while3A = arith.constant 0 : i32
    %while3A_3 = arith.constant 0 : i32
    %while3A_4 = arith.subi %add3A_2, %while3A : i32
    %while3A_5 = arith.addi %while3A, %while3A_4 : i32
    %while3A_6 = arith.constant 1 : i32
    %while3A_7 = arith.divsi %while3A_4, %while3A_6 : i32
    %while3A_8 = arith.muli %while3A_7, %while3A_6 : i32
    %while3A_9 = arith.addi %while3A, %while3A_8 : i32
    %while3A_10 = arith.constant 1 : i32
    %while3A_11 = scf.for %while3A_46 = %while3A to %while3A_9 step %while3A_10 iter_args(%while3A_47 = %while3A_3) -> (i32)  : i32 {
      %mul3A = arith.constant 16 : i32
      %mul3A_48 = arith.muli %mul3A, %while3A_46 : i32
      %add3A_49 = arith.addi %arg1, %mul3A_48 : i32
      %mul3A_50 = arith.constant 200 : i32
      %mul3A_51 = arith.muli %add3A_49, %mul3A_50 : i32
      "tpu.region"() ({
        %run_scoped3A = tpu.sem_alloc : memref<!tpu.dma_semaphore, #tpu.memory_space<semaphore_mem>>
        %dma_start3A = arith.constant 0 : i32
        %dma_start3A_53 = tpu.memref_slice %arg6[%mul3A_51, %dma_start3A] : memref<50000x32xf32, #tpu.memory_space<vmem_shared>> -> memref<200x32xf32, #tpu.memory_space<vmem_shared>>
        %dma_start3A_54 = arith.constant 0 : i32
        %dma_start3A_55 = tpu.memref_slice %arg6[%mul3A_51, %dma_start3A_54] : memref<50000x32xf32, #tpu.memory_space<vmem_shared>> -> memref<200x32xf32, #tpu.memory_space<vmem_shared>>
        tpu.enqueue_dma source(%arg14 : memref<200x32xf32, #tpu.memory_space<vmem>>) target(%dma_start3A_55 : memref<200x32xf32, #tpu.memory_space<vmem_shared>>) target_semaphore(%run_scoped3A : memref<!tpu.dma_semaphore, #tpu.memory_space<semaphore_mem>>)
        %dma_wait3A = arith.constant 0 : i32
        %dma_wait3A_56 = tpu.memref_slice %arg6[%mul3A_51, %dma_wait3A] : memref<50000x32xf32, #tpu.memory_space<vmem_shared>> -> memref<200x32xf32, #tpu.memory_space<vmem_shared>>
        %dma_wait3A_57 = arith.constant 0 : i32
        %dma_wait3A_58 = tpu.memref_slice %arg6[%mul3A_51, %dma_wait3A_57] : memref<50000x32xf32, #tpu.memory_space<vmem_shared>> -> memref<200x32xf32, #tpu.memory_space<vmem_shared>>
        tpu.wait_dma2 semaphore(%run_scoped3A : memref<!tpu.dma_semaphore, #tpu.memory_space<semaphore_mem>>) src(%arg14 : memref<200x32xf32, #tpu.memory_space<vmem>>) dst(%dma_wait3A_58 : memref<200x32xf32, #tpu.memory_space<vmem_shared>>)
        tpu.yield
      }) : () -> ()
      %while3A_52 = arith.constant 0 : i32
      scf.yield %while3A_52 : i32
    }
    %while3A_12 = arith.constant 1 : i32
    %while3A_13 = scf.for %while3A_46 = %while3A_9 to %while3A_5 step %while3A_12 iter_args(%while3A_47 = %while3A_11) -> (i32)  : i32 {
      %mul3A = arith.constant 16 : i32
      %mul3A_48 = arith.muli %mul3A, %while3A_46 : i32
      %add3A_49 = arith.addi %arg1, %mul3A_48 : i32
      %mul3A_50 = arith.constant 200 : i32
      %mul3A_51 = arith.muli %add3A_49, %mul3A_50 : i32
      "tpu.region"() ({
        %run_scoped3A = tpu.sem_alloc : memref<!tpu.dma_semaphore, #tpu.memory_space<semaphore_mem>>
        %dma_start3A = arith.constant 0 : i32
        %dma_start3A_53 = tpu.memref_slice %arg6[%mul3A_51, %dma_start3A] : memref<50000x32xf32, #tpu.memory_space<vmem_shared>> -> memref<200x32xf32, #tpu.memory_space<vmem_shared>>
        %dma_start3A_54 = arith.constant 0 : i32
        %dma_start3A_55 = tpu.memref_slice %arg6[%mul3A_51, %dma_start3A_54] : memref<50000x32xf32, #tpu.memory_space<vmem_shared>> -> memref<200x32xf32, #tpu.memory_space<vmem_shared>>
        tpu.enqueue_dma source(%arg14 : memref<200x32xf32, #tpu.memory_space<vmem>>) target(%dma_start3A_55 : memref<200x32xf32, #tpu.memory_space<vmem_shared>>) target_semaphore(%run_scoped3A : memref<!tpu.dma_semaphore, #tpu.memory_space<semaphore_mem>>)
        %dma_wait3A = arith.constant 0 : i32
        %dma_wait3A_56 = tpu.memref_slice %arg6[%mul3A_51, %dma_wait3A] : memref<50000x32xf32, #tpu.memory_space<vmem_shared>> -> memref<200x32xf32, #tpu.memory_space<vmem_shared>>
        %dma_wait3A_57 = arith.constant 0 : i32
        %dma_wait3A_58 = tpu.memref_slice %arg6[%mul3A_51, %dma_wait3A_57] : memref<50000x32xf32, #tpu.memory_space<vmem_shared>> -> memref<200x32xf32, #tpu.memory_space<vmem_shared>>
        tpu.wait_dma2 semaphore(%run_scoped3A : memref<!tpu.dma_semaphore, #tpu.memory_space<semaphore_mem>>) src(%arg14 : memref<200x32xf32, #tpu.memory_space<vmem>>) dst(%dma_wait3A_58 : memref<200x32xf32, #tpu.memory_space<vmem_shared>>)
        tpu.yield
      }) : () -> ()
      %while3A_52 = arith.constant 0 : i32
      scf.yield %while3A_52 : i32
    }
    %barrier3A = arith.constant 0 : index
    tpu.barrier barrier_id(%barrier3A)
    %lt3A_14 = arith.constant 2 : i32
    %lt3A_15 = arith.cmpi slt, %arg1, %lt3A_14 : i32
    %jit3A_16 = arith.constant 1 : i32
    %jit3A_17 = arith.constant 0 : i32
    %select_n3A_18 = arith.select %lt3A_15, %jit3A_16, %jit3A_17 : i32
    %add3A_19 = arith.constant 78 : i32
    %add3A_20 = arith.addi %add3A_19, %select_n3A_18 : i32
    %while3A_21 = arith.constant 0 : i32
    %while3A_22 = arith.constant 0 : i32
    %while3A_23 = arith.subi %add3A_20, %while3A_21 : i32
    %while3A_24 = arith.addi %while3A_21, %while3A_23 : i32
    %while3A_25 = arith.constant 1 : i32
    %while3A_26 = arith.divsi %while3A_23, %while3A_25 : i32
    %while3A_27 = arith.muli %while3A_26, %while3A_25 : i32
    %while3A_28 = arith.addi %while3A_21, %while3A_27 : i32
    %while3A_29 = arith.constant 1 : i32
    %while3A_30 = scf.for %while3A_46 = %while3A_21 to %while3A_28 step %while3A_29 iter_args(%while3A_47 = %while3A_22) -> (i32)  : i32 {
      %mul3A = arith.constant 16 : i32
      %mul3A_48 = arith.muli %mul3A, %while3A_46 : i32
      %add3A_49 = arith.addi %arg1, %mul3A_48 : i32
      %mul3A_50 = arith.constant 640 : i32
      %mul3A_51 = arith.muli %add3A_49, %mul3A_50 : i32
      %dma_start3A = arith.constant 0 : i32
      %dma_start3A_52 = tpu.memref_slice %arg2[%dma_start3A, %mul3A_51] : memref<2x800000xi32, #tpu.memory_space<hbm>> -> memref<1x640xi32, #tpu.memory_space<hbm>>
      %dma_start3A_53 = tpu.memref_squeeze %dma_start3A_52 : memref<1x640xi32, #tpu.memory_space<hbm>> -> memref<640xi32, #tpu.memory_space<hbm>>
      %dma_start3A_54 = tpu.memref_slice %arg2[%dma_start3A, %mul3A_51] : memref<2x800000xi32, #tpu.memory_space<hbm>> -> memref<1x640xi32, #tpu.memory_space<hbm>>
      %dma_start3A_55 = tpu.memref_squeeze %dma_start3A_54 : memref<1x640xi32, #tpu.memory_space<hbm>> -> memref<640xi32, #tpu.memory_space<hbm>>
      tpu.enqueue_dma source(%dma_start3A_55 : memref<640xi32, #tpu.memory_space<hbm>>) target(%arg12 : memref<640xi32, #tpu.memory_space<vmem>>) target_semaphore(%arg15 : memref<!tpu.dma_semaphore, #tpu.memory_space<semaphore_mem>>)
      %add3A_56 = arith.constant 0 : i32
      %add3A_57 = arith.addi %mul3A_51, %add3A_56 : i32
      %dma_start3A_58 = arith.constant 1 : i32
      %dma_start3A_59 = arith.constant 0 : i32
      %dma_start3A_60 = arith.constant 0 : i32
      %dma_start3A_61 = tpu.memref_slice %arg13[%dma_start3A_59, %dma_start3A_60] : memref<5x128xi32, #tpu.memory_space<vmem>> -> memref<1x128xi32, #tpu.memory_space<vmem>>
      %dma_start3A_62 = tpu.memref_squeeze %dma_start3A_61 : memref<1x128xi32, #tpu.memory_space<vmem>> -> memref<128xi32, #tpu.memory_space<vmem>>
      %dma_start3A_63 = tpu.memref_slice %arg2[%dma_start3A_58, %add3A_57] : memref<2x800000xi32, #tpu.memory_space<hbm>> -> memref<1x128xi32, #tpu.memory_space<hbm>>
      %dma_start3A_64 = tpu.memref_squeeze %dma_start3A_63 : memref<1x128xi32, #tpu.memory_space<hbm>> -> memref<128xi32, #tpu.memory_space<hbm>>
      %dma_start3A_65 = arith.constant 0 : i32
      %dma_start3A_66 = tpu.memref_slice %arg13[%dma_start3A_59, %dma_start3A_65] : memref<5x128xi32, #tpu.memory_space<vmem>> -> memref<1x128xi32, #tpu.memory_space<vmem>>
      %dma_start3A_67 = tpu.memref_squeeze %dma_start3A_66 : memref<1x128xi32, #tpu.memory_space<vmem>> -> memref<128xi32, #tpu.memory_space<vmem>>
      %dma_start3A_68 = tpu.memref_slice %arg2[%dma_start3A_58, %add3A_57] : memref<2x800000xi32, #tpu.memory_space<hbm>> -> memref<1x128xi32, #tpu.memory_space<hbm>>
      %dma_start3A_69 = tpu.memref_squeeze %dma_start3A_68 : memref<1x128xi32, #tpu.memory_space<hbm>> -> memref<128xi32, #tpu.memory_space<hbm>>
      tpu.enqueue_dma source(%dma_start3A_69 : memref<128xi32, #tpu.memory_space<hbm>>) target(%dma_start3A_67 : memref<128xi32, #tpu.memory_space<vmem>>) target_semaphore(%arg15 : memref<!tpu.dma_semaphore, #tpu.memory_space<semaphore_mem>>)
      %add3A_70 = arith.constant 128 : i32
      %add3A_71 = arith.addi %mul3A_51, %add3A_70 : i32
      %dma_start3A_72 = arith.constant 1 : i32
      %dma_start3A_73 = arith.constant 1 : i32
      %dma_start3A_74 = arith.constant 0 : i32
      %dma_start3A_75 = tpu.memref_slice %arg13[%dma_start3A_73, %dma_start3A_74] : memref<5x128xi32, #tpu.memory_space<vmem>> -> memref<1x128xi32, #tpu.memory_space<vmem>>
      %dma_start3A_76 = tpu.memref_squeeze %dma_start3A_75 : memref<1x128xi32, #tpu.memory_space<vmem>> -> memref<128xi32, #tpu.memory_space<vmem>>
      %dma_start3A_77 = tpu.memref_slice %arg2[%dma_start3A_72, %add3A_71] : memref<2x800000xi32, #tpu.memory_space<hbm>> -> memref<1x128xi32, #tpu.memory_space<hbm>>
      %dma_start3A_78 = tpu.memref_squeeze %dma_start3A_77 : memref<1x128xi32, #tpu.memory_space<hbm>> -> memref<128xi32, #tpu.memory_space<hbm>>
      %dma_start3A_79 = arith.constant 0 : i32
      %dma_start3A_80 = tpu.memref_slice %arg13[%dma_start3A_73, %dma_start3A_79] : memref<5x128xi32, #tpu.memory_space<vmem>> -> memref<1x128xi32, #tpu.memory_space<vmem>>
      %dma_start3A_81 = tpu.memref_squeeze %dma_start3A_80 : memref<1x128xi32, #tpu.memory_space<vmem>> -> memref<128xi32, #tpu.memory_space<vmem>>
      %dma_start3A_82 = tpu.memref_slice %arg2[%dma_start3A_72, %add3A_71] : memref<2x800000xi32, #tpu.memory_space<hbm>> -> memref<1x128xi32, #tpu.memory_space<hbm>>
      %dma_start3A_83 = tpu.memref_squeeze %dma_start3A_82 : memref<1x128xi32, #tpu.memory_space<hbm>> -> memref<128xi32, #tpu.memory_space<hbm>>
      tpu.enqueue_dma source(%dma_start3A_83 : memref<128xi32, #tpu.memory_space<hbm>>) target(%dma_start3A_81 : memref<128xi32, #tpu.memory_space<vmem>>) target_semaphore(%arg15 : memref<!tpu.dma_semaphore, #tpu.memory_space<semaphore_mem>>)
      %add3A_84 = arith.constant 256 : i32
      %add3A_85 = arith.addi %mul3A_51, %add3A_84 : i32
      %dma_start3A_86 = arith.constant 1 : i32
      %dma_start3A_87 = arith.constant 2 : i32
      %dma_start3A_88 = arith.constant 0 : i32
      %dma_start3A_89 = tpu.memref_slice %arg13[%dma_start3A_87, %dma_start3A_88] : memref<5x128xi32, #tpu.memory_space<vmem>> -> memref<1x128xi32, #tpu.memory_space<vmem>>
      %dma_start3A_90 = tpu.memref_squeeze %dma_start3A_89 : memref<1x128xi32, #tpu.memory_space<vmem>> -> memref<128xi32, #tpu.memory_space<vmem>>
      %dma_start3A_91 = tpu.memref_slice %arg2[%dma_start3A_86, %add3A_85] : memref<2x800000xi32, #tpu.memory_space<hbm>> -> memref<1x128xi32, #tpu.memory_space<hbm>>
      %dma_start3A_92 = tpu.memref_squeeze %dma_start3A_91 : memref<1x128xi32, #tpu.memory_space<hbm>> -> memref<128xi32, #tpu.memory_space<hbm>>
      %dma_start3A_93 = arith.constant 0 : i32
      %dma_start3A_94 = tpu.memref_slice %arg13[%dma_start3A_87, %dma_start3A_93] : memref<5x128xi32, #tpu.memory_space<vmem>> -> memref<1x128xi32, #tpu.memory_space<vmem>>
      %dma_start3A_95 = tpu.memref_squeeze %dma_start3A_94 : memref<1x128xi32, #tpu.memory_space<vmem>> -> memref<128xi32, #tpu.memory_space<vmem>>
      %dma_start3A_96 = tpu.memref_slice %arg2[%dma_start3A_86, %add3A_85] : memref<2x800000xi32, #tpu.memory_space<hbm>> -> memref<1x128xi32, #tpu.memory_space<hbm>>
      %dma_start3A_97 = tpu.memref_squeeze %dma_start3A_96 : memref<1x128xi32, #tpu.memory_space<hbm>> -> memref<128xi32, #tpu.memory_space<hbm>>
      tpu.enqueue_dma source(%dma_start3A_97 : memref<128xi32, #tpu.memory_space<hbm>>) target(%dma_start3A_95 : memref<128xi32, #tpu.memory_space<vmem>>) target_semaphore(%arg15 : memref<!tpu.dma_semaphore, #tpu.memory_space<semaphore_mem>>)
      %add3A_98 = arith.constant 384 : i32
      %add3A_99 = arith.addi %mul3A_51, %add3A_98 : i32
      %dma_start3A_100 = arith.constant 1 : i32
      %dma_start3A_101 = arith.constant 3 : i32
      %dma_start3A_102 = arith.constant 0 : i32
      %dma_start3A_103 = tpu.memref_slice %arg13[%dma_start3A_101, %dma_start3A_102] : memref<5x128xi32, #tpu.memory_space<vmem>> -> memref<1x128xi32, #tpu.memory_space<vmem>>
      %dma_start3A_104 = tpu.memref_squeeze %dma_start3A_103 : memref<1x128xi32, #tpu.memory_space<vmem>> -> memref<128xi32, #tpu.memory_space<vmem>>
      %dma_start3A_105 = tpu.memref_slice %arg2[%dma_start3A_100, %add3A_99] : memref<2x800000xi32, #tpu.memory_space<hbm>> -> memref<1x128xi32, #tpu.memory_space<hbm>>
      %dma_start3A_106 = tpu.memref_squeeze %dma_start3A_105 : memref<1x128xi32, #tpu.memory_space<hbm>> -> memref<128xi32, #tpu.memory_space<hbm>>
      %dma_start3A_107 = arith.constant 0 : i32
      %dma_start3A_108 = tpu.memref_slice %arg13[%dma_start3A_101, %dma_start3A_107] : memref<5x128xi32, #tpu.memory_space<vmem>> -> memref<1x128xi32, #tpu.memory_space<vmem>>
      %dma_start3A_109 = tpu.memref_squeeze %dma_start3A_108 : memref<1x128xi32, #tpu.memory_space<vmem>> -> memref<128xi32, #tpu.memory_space<vmem>>
      %dma_start3A_110 = tpu.memref_slice %arg2[%dma_start3A_100, %add3A_99] : memref<2x800000xi32, #tpu.memory_space<hbm>> -> memref<1x128xi32, #tpu.memory_space<hbm>>
      %dma_start3A_111 = tpu.memref_squeeze %dma_start3A_110 : memref<1x128xi32, #tpu.memory_space<hbm>> -> memref<128xi32, #tpu.memory_space<hbm>>
      tpu.enqueue_dma source(%dma_start3A_111 : memref<128xi32, #tpu.memory_space<hbm>>) target(%dma_start3A_109 : memref<128xi32, #tpu.memory_space<vmem>>) target_semaphore(%arg15 : memref<!tpu.dma_semaphore, #tpu.memory_space<semaphore_mem>>)
      %add3A_112 = arith.constant 512 : i32
      %add3A_113 = arith.addi %mul3A_51, %add3A_112 : i32
      %dma_start3A_114 = arith.constant 1 : i32
      %dma_start3A_115 = arith.constant 4 : i32
      %dma_start3A_116 = arith.constant 0 : i32
      %dma_start3A_117 = tpu.memref_slice %arg13[%dma_start3A_115, %dma_start3A_116] : memref<5x128xi32, #tpu.memory_space<vmem>> -> memref<1x128xi32, #tpu.memory_space<vmem>>
      %dma_start3A_118 = tpu.memref_squeeze %dma_start3A_117 : memref<1x128xi32, #tpu.memory_space<vmem>> -> memref<128xi32, #tpu.memory_space<vmem>>
      %dma_start3A_119 = tpu.memref_slice %arg2[%dma_start3A_114, %add3A_113] : memref<2x800000xi32, #tpu.memory_space<hbm>> -> memref<1x128xi32, #tpu.memory_space<hbm>>
      %dma_start3A_120 = tpu.memref_squeeze %dma_start3A_119 : memref<1x128xi32, #tpu.memory_space<hbm>> -> memref<128xi32, #tpu.memory_space<hbm>>
      %dma_start3A_121 = arith.constant 0 : i32
      %dma_start3A_122 = tpu.memref_slice %arg13[%dma_start3A_115, %dma_start3A_121] : memref<5x128xi32, #tpu.memory_space<vmem>> -> memref<1x128xi32, #tpu.memory_space<vmem>>
      %dma_start3A_123 = tpu.memref_squeeze %dma_start3A_122 : memref<1x128xi32, #tpu.memory_space<vmem>> -> memref<128xi32, #tpu.memory_space<vmem>>
      %dma_start3A_124 = tpu.memref_slice %arg2[%dma_start3A_114, %add3A_113] : memref<2x800000xi32, #tpu.memory_space<hbm>> -> memref<1x128xi32, #tpu.memory_space<hbm>>
      %dma_start3A_125 = tpu.memref_squeeze %dma_start3A_124 : memref<1x128xi32, #tpu.memory_space<hbm>> -> memref<128xi32, #tpu.memory_space<hbm>>
      tpu.enqueue_dma source(%dma_start3A_125 : memref<128xi32, #tpu.memory_space<hbm>>) target(%dma_start3A_123 : memref<128xi32, #tpu.memory_space<vmem>>) target_semaphore(%arg15 : memref<!tpu.dma_semaphore, #tpu.memory_space<semaphore_mem>>)
      %dma_wait3A = arith.constant 0 : i32
      %dma_wait3A_126 = tpu.memref_slice %arg2[%dma_wait3A, %mul3A_51] : memref<2x800000xi32, #tpu.memory_space<hbm>> -> memref<1x640xi32, #tpu.memory_space<hbm>>
      %dma_wait3A_127 = tpu.memref_squeeze %dma_wait3A_126 : memref<1x640xi32, #tpu.memory_space<hbm>> -> memref<640xi32, #tpu.memory_space<hbm>>
      %dma_wait3A_128 = tpu.memref_slice %arg2[%dma_wait3A, %mul3A_51] : memref<2x800000xi32, #tpu.memory_space<hbm>> -> memref<1x640xi32, #tpu.memory_space<hbm>>
      %dma_wait3A_129 = tpu.memref_squeeze %dma_wait3A_128 : memref<1x640xi32, #tpu.memory_space<hbm>> -> memref<640xi32, #tpu.memory_space<hbm>>
      tpu.wait_dma2 semaphore(%arg15 : memref<!tpu.dma_semaphore, #tpu.memory_space<semaphore_mem>>) src(%dma_wait3A_129 : memref<640xi32, #tpu.memory_space<hbm>>) dst(%arg12 : memref<640xi32, #tpu.memory_space<vmem>>)
      %dma_wait3A_130 = arith.constant 1 : i32
      %dma_wait3A_131 = arith.constant 0 : i32
      %dma_wait3A_132 = arith.constant 0 : i32
      %dma_wait3A_133 = tpu.memref_slice %arg13[%dma_wait3A_131, %dma_wait3A_132] : memref<5x128xi32, #tpu.memory_space<vmem>> -> memref<1x128xi32, #tpu.memory_space<vmem>>
      %dma_wait3A_134 = tpu.memref_squeeze %dma_wait3A_133 : memref<1x128xi32, #tpu.memory_space<vmem>> -> memref<128xi32, #tpu.memory_space<vmem>>
      %dma_wait3A_135 = tpu.memref_slice %arg2[%dma_wait3A_130, %add3A_57] : memref<2x800000xi32, #tpu.memory_space<hbm>> -> memref<1x128xi32, #tpu.memory_space<hbm>>
      %dma_wait3A_136 = tpu.memref_squeeze %dma_wait3A_135 : memref<1x128xi32, #tpu.memory_space<hbm>> -> memref<128xi32, #tpu.memory_space<hbm>>
      %dma_wait3A_137 = arith.constant 0 : i32
      %dma_wait3A_138 = tpu.memref_slice %arg13[%dma_wait3A_131, %dma_wait3A_137] : memref<5x128xi32, #tpu.memory_space<vmem>> -> memref<1x128xi32, #tpu.memory_space<vmem>>
      %dma_wait3A_139 = tpu.memref_squeeze %dma_wait3A_138 : memref<1x128xi32, #tpu.memory_space<vmem>> -> memref<128xi32, #tpu.memory_space<vmem>>
      %dma_wait3A_140 = tpu.memref_slice %arg2[%dma_wait3A_130, %add3A_57] : memref<2x800000xi32, #tpu.memory_space<hbm>> -> memref<1x128xi32, #tpu.memory_space<hbm>>
      %dma_wait3A_141 = tpu.memref_squeeze %dma_wait3A_140 : memref<1x128xi32, #tpu.memory_space<hbm>> -> memref<128xi32, #tpu.memory_space<hbm>>
      tpu.wait_dma2 semaphore(%arg15 : memref<!tpu.dma_semaphore, #tpu.memory_space<semaphore_mem>>) src(%dma_wait3A_141 : memref<128xi32, #tpu.memory_space<hbm>>) dst(%dma_wait3A_139 : memref<128xi32, #tpu.memory_space<vmem>>)
      %dma_wait3A_142 = arith.constant 1 : i32
      %dma_wait3A_143 = arith.constant 1 : i32
      %dma_wait3A_144 = arith.constant 0 : i32
      %dma_wait3A_145 = tpu.memref_slice %arg13[%dma_wait3A_143, %dma_wait3A_144] : memref<5x128xi32, #tpu.memory_space<vmem>> -> memref<1x128xi32, #tpu.memory_space<vmem>>
      %dma_wait3A_146 = tpu.memref_squeeze %dma_wait3A_145 : memref<1x128xi32, #tpu.memory_space<vmem>> -> memref<128xi32, #tpu.memory_space<vmem>>
      %dma_wait3A_147 = tpu.memref_slice %arg2[%dma_wait3A_142, %add3A_71] : memref<2x800000xi32, #tpu.memory_space<hbm>> -> memref<1x128xi32, #tpu.memory_space<hbm>>
      %dma_wait3A_148 = tpu.memref_squeeze %dma_wait3A_147 : memref<1x128xi32, #tpu.memory_space<hbm>> -> memref<128xi32, #tpu.memory_space<hbm>>
      %dma_wait3A_149 = arith.constant 0 : i32
      %dma_wait3A_150 = tpu.memref_slice %arg13[%dma_wait3A_143, %dma_wait3A_149] : memref<5x128xi32, #tpu.memory_space<vmem>> -> memref<1x128xi32, #tpu.memory_space<vmem>>
      %dma_wait3A_151 = tpu.memref_squeeze %dma_wait3A_150 : memref<1x128xi32, #tpu.memory_space<vmem>> -> memref<128xi32, #tpu.memory_space<vmem>>
      %dma_wait3A_152 = tpu.memref_slice %arg2[%dma_wait3A_142, %add3A_71] : memref<2x800000xi32, #tpu.memory_space<hbm>> -> memref<1x128xi32, #tpu.memory_space<hbm>>
      %dma_wait3A_153 = tpu.memref_squeeze %dma_wait3A_152 : memref<1x128xi32, #tpu.memory_space<hbm>> -> memref<128xi32, #tpu.memory_space<hbm>>
      tpu.wait_dma2 semaphore(%arg15 : memref<!tpu.dma_semaphore, #tpu.memory_space<semaphore_mem>>) src(%dma_wait3A_153 : memref<128xi32, #tpu.memory_space<hbm>>) dst(%dma_wait3A_151 : memref<128xi32, #tpu.memory_space<vmem>>)
      %dma_wait3A_154 = arith.constant 1 : i32
      %dma_wait3A_155 = arith.constant 2 : i32
      %dma_wait3A_156 = arith.constant 0 : i32
      %dma_wait3A_157 = tpu.memref_slice %arg13[%dma_wait3A_155, %dma_wait3A_156] : memref<5x128xi32, #tpu.memory_space<vmem>> -> memref<1x128xi32, #tpu.memory_space<vmem>>
      %dma_wait3A_158 = tpu.memref_squeeze %dma_wait3A_157 : memref<1x128xi32, #tpu.memory_space<vmem>> -> memref<128xi32, #tpu.memory_space<vmem>>
      %dma_wait3A_159 = tpu.memref_slice %arg2[%dma_wait3A_154, %add3A_85] : memref<2x800000xi32, #tpu.memory_space<hbm>> -> memref<1x128xi32, #tpu.memory_space<hbm>>
      %dma_wait3A_160 = tpu.memref_squeeze %dma_wait3A_159 : memref<1x128xi32, #tpu.memory_space<hbm>> -> memref<128xi32, #tpu.memory_space<hbm>>
      %dma_wait3A_161 = arith.constant 0 : i32
      %dma_wait3A_162 = tpu.memref_slice %arg13[%dma_wait3A_155, %dma_wait3A_161] : memref<5x128xi32, #tpu.memory_space<vmem>> -> memref<1x128xi32, #tpu.memory_space<vmem>>
      %dma_wait3A_163 = tpu.memref_squeeze %dma_wait3A_162 : memref<1x128xi32, #tpu.memory_space<vmem>> -> memref<128xi32, #tpu.memory_space<vmem>>
      %dma_wait3A_164 = tpu.memref_slice %arg2[%dma_wait3A_154, %add3A_85] : memref<2x800000xi32, #tpu.memory_space<hbm>> -> memref<1x128xi32, #tpu.memory_space<hbm>>
      %dma_wait3A_165 = tpu.memref_squeeze %dma_wait3A_164 : memref<1x128xi32, #tpu.memory_space<hbm>> -> memref<128xi32, #tpu.memory_space<hbm>>
      tpu.wait_dma2 semaphore(%arg15 : memref<!tpu.dma_semaphore, #tpu.memory_space<semaphore_mem>>) src(%dma_wait3A_165 : memref<128xi32, #tpu.memory_space<hbm>>) dst(%dma_wait3A_163 : memref<128xi32, #tpu.memory_space<vmem>>)
      %dma_wait3A_166 = arith.constant 1 : i32
      %dma_wait3A_167 = arith.constant 3 : i32
      %dma_wait3A_168 = arith.constant 0 : i32
      %dma_wait3A_169 = tpu.memref_slice %arg13[%dma_wait3A_167, %dma_wait3A_168] : memref<5x128xi32, #tpu.memory_space<vmem>> -> memref<1x128xi32, #tpu.memory_space<vmem>>
      %dma_wait3A_170 = tpu.memref_squeeze %dma_wait3A_169 : memref<1x128xi32, #tpu.memory_space<vmem>> -> memref<128xi32, #tpu.memory_space<vmem>>
      %dma_wait3A_171 = tpu.memref_slice %arg2[%dma_wait3A_166, %add3A_99] : memref<2x800000xi32, #tpu.memory_space<hbm>> -> memref<1x128xi32, #tpu.memory_space<hbm>>
      %dma_wait3A_172 = tpu.memref_squeeze %dma_wait3A_171 : memref<1x128xi32, #tpu.memory_space<hbm>> -> memref<128xi32, #tpu.memory_space<hbm>>
      %dma_wait3A_173 = arith.constant 0 : i32
      %dma_wait3A_174 = tpu.memref_slice %arg13[%dma_wait3A_167, %dma_wait3A_173] : memref<5x128xi32, #tpu.memory_space<vmem>> -> memref<1x128xi32, #tpu.memory_space<vmem>>
      %dma_wait3A_175 = tpu.memref_squeeze %dma_wait3A_174 : memref<1x128xi32, #tpu.memory_space<vmem>> -> memref<128xi32, #tpu.memory_space<vmem>>
      %dma_wait3A_176 = tpu.memref_slice %arg2[%dma_wait3A_166, %add3A_99] : memref<2x800000xi32, #tpu.memory_space<hbm>> -> memref<1x128xi32, #tpu.memory_space<hbm>>
      %dma_wait3A_177 = tpu.memref_squeeze %dma_wait3A_176 : memref<1x128xi32, #tpu.memory_space<hbm>> -> memref<128xi32, #tpu.memory_space<hbm>>
      tpu.wait_dma2 semaphore(%arg15 : memref<!tpu.dma_semaphore, #tpu.memory_space<semaphore_mem>>) src(%dma_wait3A_177 : memref<128xi32, #tpu.memory_space<hbm>>) dst(%dma_wait3A_175 : memref<128xi32, #tpu.memory_space<vmem>>)
      %dma_wait3A_178 = arith.constant 1 : i32
      %dma_wait3A_179 = arith.constant 4 : i32
      %dma_wait3A_180 = arith.constant 0 : i32
      %dma_wait3A_181 = tpu.memref_slice %arg13[%dma_wait3A_179, %dma_wait3A_180] : memref<5x128xi32, #tpu.memory_space<vmem>> -> memref<1x128xi32, #tpu.memory_space<vmem>>
      %dma_wait3A_182 = tpu.memref_squeeze %dma_wait3A_181 : memref<1x128xi32, #tpu.memory_space<vmem>> -> memref<128xi32, #tpu.memory_space<vmem>>
      %dma_wait3A_183 = tpu.memref_slice %arg2[%dma_wait3A_178, %add3A_113] : memref<2x800000xi32, #tpu.memory_space<hbm>> -> memref<1x128xi32, #tpu.memory_space<hbm>>
      %dma_wait3A_184 = tpu.memref_squeeze %dma_wait3A_183 : memref<1x128xi32, #tpu.memory_space<hbm>> -> memref<128xi32, #tpu.memory_space<hbm>>
      %dma_wait3A_185 = arith.constant 0 : i32
      %dma_wait3A_186 = tpu.memref_slice %arg13[%dma_wait3A_179, %dma_wait3A_185] : memref<5x128xi32, #tpu.memory_space<vmem>> -> memref<1x128xi32, #tpu.memory_space<vmem>>
      %dma_wait3A_187 = tpu.memref_squeeze %dma_wait3A_186 : memref<1x128xi32, #tpu.memory_space<vmem>> -> memref<128xi32, #tpu.memory_space<vmem>>
      %dma_wait3A_188 = tpu.memref_slice %arg2[%dma_wait3A_178, %add3A_113] : memref<2x800000xi32, #tpu.memory_space<hbm>> -> memref<1x128xi32, #tpu.memory_space<hbm>>
      %dma_wait3A_189 = tpu.memref_squeeze %dma_wait3A_188 : memref<1x128xi32, #tpu.memory_space<hbm>> -> memref<128xi32, #tpu.memory_space<hbm>>
      tpu.wait_dma2 semaphore(%arg15 : memref<!tpu.dma_semaphore, #tpu.memory_space<semaphore_mem>>) src(%dma_wait3A_189 : memref<128xi32, #tpu.memory_space<hbm>>) dst(%dma_wait3A_187 : memref<128xi32, #tpu.memory_space<vmem>>)
      %dma_start3A_190 = arith.constant 0 : i32
      %dma_start3A_191 = tpu.memref_slice %arg12[%dma_start3A_190] : memref<640xi32, #tpu.memory_space<vmem>> -> memref<128xi32, #tpu.memory_space<vmem>>
      %dma_start3A_192 = arith.constant 0 : i32
      %dma_start3A_193 = arith.constant 0 : i32
      %dma_start3A_194 = tpu.memref_slice %arg3[%arg0, %dma_start3A_192, %dma_start3A_193] : memref<2x50000x32xf32, #tpu.memory_space<hbm>> -> memref<1x50000x32xf32, #tpu.memory_space<hbm>>
      %dma_start3A_195 = tpu.memref_squeeze %dma_start3A_194 : memref<1x50000x32xf32, #tpu.memory_space<hbm>> -> memref<50000x32xf32, #tpu.memory_space<hbm>>
      %dma_start3A_196 = arith.constant 0 : i32
      %dma_start3A_197 = arith.constant 0 : i32
      %dma_start3A_198 = tpu.memref_slice %dma_start3A_195[%dma_start3A_196, %dma_start3A_197] : memref<50000x32xf32, #tpu.memory_space<hbm>> -> memref<50000x32xf32, #tpu.memory_space<hbm>>
      tpu.enqueue_indirect_dma source(%dma_start3A_198 : memref<50000x32xf32, #tpu.memory_space<hbm>>) target(%arg7 : memref<128x32xf32, #tpu.memory_space<vmem>>) offsets(%dma_start3A_191 : memref<128xi32, #tpu.memory_space<vmem>>) semaphore(%arg16 : memref<!tpu.dma_semaphore, #tpu.memory_space<semaphore_mem>>)
      %dma_start3A_199 = arith.constant 128 : i32
      %dma_start3A_200 = tpu.memref_slice %arg12[%dma_start3A_199] : memref<640xi32, #tpu.memory_space<vmem>> -> memref<128xi32, #tpu.memory_space<vmem>>
      %dma_start3A_201 = arith.constant 0 : i32
      %dma_start3A_202 = arith.constant 0 : i32
      %dma_start3A_203 = tpu.memref_slice %arg3[%arg0, %dma_start3A_201, %dma_start3A_202] : memref<2x50000x32xf32, #tpu.memory_space<hbm>> -> memref<1x50000x32xf32, #tpu.memory_space<hbm>>
      %dma_start3A_204 = tpu.memref_squeeze %dma_start3A_203 : memref<1x50000x32xf32, #tpu.memory_space<hbm>> -> memref<50000x32xf32, #tpu.memory_space<hbm>>
      %dma_start3A_205 = arith.constant 0 : i32
      %dma_start3A_206 = arith.constant 0 : i32
      %dma_start3A_207 = tpu.memref_slice %dma_start3A_204[%dma_start3A_205, %dma_start3A_206] : memref<50000x32xf32, #tpu.memory_space<hbm>> -> memref<50000x32xf32, #tpu.memory_space<hbm>>
      tpu.enqueue_indirect_dma source(%dma_start3A_207 : memref<50000x32xf32, #tpu.memory_space<hbm>>) target(%arg8 : memref<128x32xf32, #tpu.memory_space<vmem>>) offsets(%dma_start3A_200 : memref<128xi32, #tpu.memory_space<vmem>>) semaphore(%arg16 : memref<!tpu.dma_semaphore, #tpu.memory_space<semaphore_mem>>)
      %dma_start3A_208 = arith.constant 256 : i32
      %dma_start3A_209 = tpu.memref_slice %arg12[%dma_start3A_208] : memref<640xi32, #tpu.memory_space<vmem>> -> memref<128xi32, #tpu.memory_space<vmem>>
      %dma_start3A_210 = arith.constant 0 : i32
      %dma_start3A_211 = arith.constant 0 : i32
      %dma_start3A_212 = tpu.memref_slice %arg3[%arg0, %dma_start3A_210, %dma_start3A_211] : memref<2x50000x32xf32, #tpu.memory_space<hbm>> -> memref<1x50000x32xf32, #tpu.memory_space<hbm>>
      %dma_start3A_213 = tpu.memref_squeeze %dma_start3A_212 : memref<1x50000x32xf32, #tpu.memory_space<hbm>> -> memref<50000x32xf32, #tpu.memory_space<hbm>>
      %dma_start3A_214 = arith.constant 0 : i32
      %dma_start3A_215 = arith.constant 0 : i32
      %dma_start3A_216 = tpu.memref_slice %dma_start3A_213[%dma_start3A_214, %dma_start3A_215] : memref<50000x32xf32, #tpu.memory_space<hbm>> -> memref<50000x32xf32, #tpu.memory_space<hbm>>
      tpu.enqueue_indirect_dma source(%dma_start3A_216 : memref<50000x32xf32, #tpu.memory_space<hbm>>) target(%arg9 : memref<128x32xf32, #tpu.memory_space<vmem>>) offsets(%dma_start3A_209 : memref<128xi32, #tpu.memory_space<vmem>>) semaphore(%arg16 : memref<!tpu.dma_semaphore, #tpu.memory_space<semaphore_mem>>)
      %dma_start3A_217 = arith.constant 384 : i32
      %dma_start3A_218 = tpu.memref_slice %arg12[%dma_start3A_217] : memref<640xi32, #tpu.memory_space<vmem>> -> memref<128xi32, #tpu.memory_space<vmem>>
      %dma_start3A_219 = arith.constant 0 : i32
      %dma_start3A_220 = arith.constant 0 : i32
      %dma_start3A_221 = tpu.memref_slice %arg3[%arg0, %dma_start3A_219, %dma_start3A_220] : memref<2x50000x32xf32, #tpu.memory_space<hbm>> -> memref<1x50000x32xf32, #tpu.memory_space<hbm>>
      %dma_start3A_222 = tpu.memref_squeeze %dma_start3A_221 : memref<1x50000x32xf32, #tpu.memory_space<hbm>> -> memref<50000x32xf32, #tpu.memory_space<hbm>>
      %dma_start3A_223 = arith.constant 0 : i32
      %dma_start3A_224 = arith.constant 0 : i32
      %dma_start3A_225 = tpu.memref_slice %dma_start3A_222[%dma_start3A_223, %dma_start3A_224] : memref<50000x32xf32, #tpu.memory_space<hbm>> -> memref<50000x32xf32, #tpu.memory_space<hbm>>
      tpu.enqueue_indirect_dma source(%dma_start3A_225 : memref<50000x32xf32, #tpu.memory_space<hbm>>) target(%arg10 : memref<128x32xf32, #tpu.memory_space<vmem>>) offsets(%dma_start3A_218 : memref<128xi32, #tpu.memory_space<vmem>>) semaphore(%arg16 : memref<!tpu.dma_semaphore, #tpu.memory_space<semaphore_mem>>)
      %dma_start3A_226 = arith.constant 512 : i32
      %dma_start3A_227 = tpu.memref_slice %arg12[%dma_start3A_226] : memref<640xi32, #tpu.memory_space<vmem>> -> memref<128xi32, #tpu.memory_space<vmem>>
      %dma_start3A_228 = arith.constant 0 : i32
      %dma_start3A_229 = arith.constant 0 : i32
      %dma_start3A_230 = tpu.memref_slice %arg3[%arg0, %dma_start3A_228, %dma_start3A_229] : memref<2x50000x32xf32, #tpu.memory_space<hbm>> -> memref<1x50000x32xf32, #tpu.memory_space<hbm>>
      %dma_start3A_231 = tpu.memref_squeeze %dma_start3A_230 : memref<1x50000x32xf32, #tpu.memory_space<hbm>> -> memref<50000x32xf32, #tpu.memory_space<hbm>>
      %dma_start3A_232 = arith.constant 0 : i32
      %dma_start3A_233 = arith.constant 0 : i32
      %dma_start3A_234 = tpu.memref_slice %dma_start3A_231[%dma_start3A_232, %dma_start3A_233] : memref<50000x32xf32, #tpu.memory_space<hbm>> -> memref<50000x32xf32, #tpu.memory_space<hbm>>
      tpu.enqueue_indirect_dma source(%dma_start3A_234 : memref<50000x32xf32, #tpu.memory_space<hbm>>) target(%arg11 : memref<128x32xf32, #tpu.memory_space<vmem>>) offsets(%dma_start3A_227 : memref<128xi32, #tpu.memory_space<vmem>>) semaphore(%arg16 : memref<!tpu.dma_semaphore, #tpu.memory_space<semaphore_mem>>)
      %dma_wait3A_235 = arith.constant 0 : i32
      %dma_wait3A_236 = tpu.memref_slice %arg12[%dma_wait3A_235] : memref<640xi32, #tpu.memory_space<vmem>> -> memref<128xi32, #tpu.memory_space<vmem>>
      %dma_wait3A_237 = arith.constant 0 : i32
      %dma_wait3A_238 = arith.constant 0 : i32
      %dma_wait3A_239 = tpu.memref_slice %arg3[%arg0, %dma_wait3A_237, %dma_wait3A_238] : memref<2x50000x32xf32, #tpu.memory_space<hbm>> -> memref<1x50000x32xf32, #tpu.memory_space<hbm>>
      %dma_wait3A_240 = tpu.memref_squeeze %dma_wait3A_239 : memref<1x50000x32xf32, #tpu.memory_space<hbm>> -> memref<50000x32xf32, #tpu.memory_space<hbm>>
      %dma_wait3A_241 = arith.constant 0 : i32
      %dma_wait3A_242 = arith.constant 0 : i32
      %dma_wait3A_243 = tpu.memref_slice %dma_wait3A_240[%dma_wait3A_241, %dma_wait3A_242] : memref<50000x32xf32, #tpu.memory_space<hbm>> -> memref<50000x32xf32, #tpu.memory_space<hbm>>
      tpu.wait_indirect_dma semaphore(%arg16 : memref<!tpu.dma_semaphore, #tpu.memory_space<semaphore_mem>>) src(%dma_wait3A_243 : memref<50000x32xf32, #tpu.memory_space<hbm>>) dst(%arg7 : memref<128x32xf32, #tpu.memory_space<vmem>>)
      %run_scoped3A = arith.constant 0 : i32
      "tpu.region"() ({
        %run_scoped3A_285 = tpu.sem_alloc : memref<!tpu.dma_semaphore, #tpu.memory_space<semaphore_mem>>
        %dma_start3A_286 = arith.constant 0 : i32
        %dma_start3A_287 = tpu.memref_slice %arg13[%run_scoped3A, %dma_start3A_286] : memref<5x128xi32, #tpu.memory_space<vmem>> -> memref<1x128xi32, #tpu.memory_space<vmem>>
        %dma_start3A_288 = tpu.memref_squeeze %dma_start3A_287 : memref<1x128xi32, #tpu.memory_space<vmem>> -> memref<128xi32, #tpu.memory_space<vmem>>
        %dma_start3A_289 = arith.constant 0 : i32
        %dma_start3A_290 = arith.constant 0 : i32
        %dma_start3A_291 = tpu.memref_slice %arg6[%dma_start3A_289, %dma_start3A_290] : memref<50000x32xf32, #tpu.memory_space<vmem_shared>> -> memref<50000x32xf32, #tpu.memory_space<vmem_shared>>
        tpu.enqueue_indirect_dma source(%arg7 : memref<128x32xf32, #tpu.memory_space<vmem>>) target(%dma_start3A_291 : memref<50000x32xf32, #tpu.memory_space<vmem_shared>>) offsets(%dma_start3A_288 : memref<128xi32, #tpu.memory_space<vmem>>) semaphore(%run_scoped3A_285 : memref<!tpu.dma_semaphore, #tpu.memory_space<semaphore_mem>>) {add = true}
        %dma_wait3A_292 = arith.constant 0 : i32
        %dma_wait3A_293 = tpu.memref_slice %arg13[%run_scoped3A, %dma_wait3A_292] : memref<5x128xi32, #tpu.memory_space<vmem>> -> memref<1x128xi32, #tpu.memory_space<vmem>>
        %dma_wait3A_294 = tpu.memref_squeeze %dma_wait3A_293 : memref<1x128xi32, #tpu.memory_space<vmem>> -> memref<128xi32, #tpu.memory_space<vmem>>
        %dma_wait3A_295 = arith.constant 0 : i32
        %dma_wait3A_296 = arith.constant 0 : i32
        %dma_wait3A_297 = tpu.memref_slice %arg6[%dma_wait3A_295, %dma_wait3A_296] : memref<50000x32xf32, #tpu.memory_space<vmem_shared>> -> memref<50000x32xf32, #tpu.memory_space<vmem_shared>>
        tpu.wait_indirect_dma semaphore(%run_scoped3A_285 : memref<!tpu.dma_semaphore, #tpu.memory_space<semaphore_mem>>) src(%arg7 : memref<128x32xf32, #tpu.memory_space<vmem>>) dst(%dma_wait3A_297 : memref<50000x32xf32, #tpu.memory_space<vmem_shared>>)
        tpu.yield
      }) : () -> ()
      %dma_wait3A_244 = arith.constant 128 : i32
      %dma_wait3A_245 = tpu.memref_slice %arg12[%dma_wait3A_244] : memref<640xi32, #tpu.memory_space<vmem>> -> memref<128xi32, #tpu.memory_space<vmem>>
      %dma_wait3A_246 = arith.constant 0 : i32
      %dma_wait3A_247 = arith.constant 0 : i32
      %dma_wait3A_248 = tpu.memref_slice %arg3[%arg0, %dma_wait3A_246, %dma_wait3A_247] : memref<2x50000x32xf32, #tpu.memory_space<hbm>> -> memref<1x50000x32xf32, #tpu.memory_space<hbm>>
      %dma_wait3A_249 = tpu.memref_squeeze %dma_wait3A_248 : memref<1x50000x32xf32, #tpu.memory_space<hbm>> -> memref<50000x32xf32, #tpu.memory_space<hbm>>
      %dma_wait3A_250 = arith.constant 0 : i32
      %dma_wait3A_251 = arith.constant 0 : i32
      %dma_wait3A_252 = tpu.memref_slice %dma_wait3A_249[%dma_wait3A_250, %dma_wait3A_251] : memref<50000x32xf32, #tpu.memory_space<hbm>> -> memref<50000x32xf32, #tpu.memory_space<hbm>>
      tpu.wait_indirect_dma semaphore(%arg16 : memref<!tpu.dma_semaphore, #tpu.memory_space<semaphore_mem>>) src(%dma_wait3A_252 : memref<50000x32xf32, #tpu.memory_space<hbm>>) dst(%arg8 : memref<128x32xf32, #tpu.memory_space<vmem>>)
      %run_scoped3A_253 = arith.constant 1 : i32
      "tpu.region"() ({
        %run_scoped3A_285 = tpu.sem_alloc : memref<!tpu.dma_semaphore, #tpu.memory_space<semaphore_mem>>
        %dma_start3A_286 = arith.constant 0 : i32
        %dma_start3A_287 = tpu.memref_slice %arg13[%run_scoped3A_253, %dma_start3A_286] : memref<5x128xi32, #tpu.memory_space<vmem>> -> memref<1x128xi32, #tpu.memory_space<vmem>>
        %dma_start3A_288 = tpu.memref_squeeze %dma_start3A_287 : memref<1x128xi32, #tpu.memory_space<vmem>> -> memref<128xi32, #tpu.memory_space<vmem>>
        %dma_start3A_289 = arith.constant 0 : i32
        %dma_start3A_290 = arith.constant 0 : i32
        %dma_start3A_291 = tpu.memref_slice %arg6[%dma_start3A_289, %dma_start3A_290] : memref<50000x32xf32, #tpu.memory_space<vmem_shared>> -> memref<50000x32xf32, #tpu.memory_space<vmem_shared>>
        tpu.enqueue_indirect_dma source(%arg8 : memref<128x32xf32, #tpu.memory_space<vmem>>) target(%dma_start3A_291 : memref<50000x32xf32, #tpu.memory_space<vmem_shared>>) offsets(%dma_start3A_288 : memref<128xi32, #tpu.memory_space<vmem>>) semaphore(%run_scoped3A_285 : memref<!tpu.dma_semaphore, #tpu.memory_space<semaphore_mem>>) {add = true}
        %dma_wait3A_292 = arith.constant 0 : i32
        %dma_wait3A_293 = tpu.memref_slice %arg13[%run_scoped3A_253, %dma_wait3A_292] : memref<5x128xi32, #tpu.memory_space<vmem>> -> memref<1x128xi32, #tpu.memory_space<vmem>>
        %dma_wait3A_294 = tpu.memref_squeeze %dma_wait3A_293 : memref<1x128xi32, #tpu.memory_space<vmem>> -> memref<128xi32, #tpu.memory_space<vmem>>
        %dma_wait3A_295 = arith.constant 0 : i32
        %dma_wait3A_296 = arith.constant 0 : i32
        %dma_wait3A_297 = tpu.memref_slice %arg6[%dma_wait3A_295, %dma_wait3A_296] : memref<50000x32xf32, #tpu.memory_space<vmem_shared>> -> memref<50000x32xf32, #tpu.memory_space<vmem_shared>>
        tpu.wait_indirect_dma semaphore(%run_scoped3A_285 : memref<!tpu.dma_semaphore, #tpu.memory_space<semaphore_mem>>) src(%arg8 : memref<128x32xf32, #tpu.memory_space<vmem>>) dst(%dma_wait3A_297 : memref<50000x32xf32, #tpu.memory_space<vmem_shared>>)
        tpu.yield
      }) : () -> ()
      %dma_wait3A_254 = arith.constant 256 : i32
      %dma_wait3A_255 = tpu.memref_slice %arg12[%dma_wait3A_254] : memref<640xi32, #tpu.memory_space<vmem>> -> memref<128xi32, #tpu.memory_space<vmem>>
      %dma_wait3A_256 = arith.constant 0 : i32
      %dma_wait3A_257 = arith.constant 0 : i32
      %dma_wait3A_258 = tpu.memref_slice %arg3[%arg0, %dma_wait3A_256, %dma_wait3A_257] : memref<2x50000x32xf32, #tpu.memory_space<hbm>> -> memref<1x50000x32xf32, #tpu.memory_space<hbm>>
      %dma_wait3A_259 = tpu.memref_squeeze %dma_wait3A_258 : memref<1x50000x32xf32, #tpu.memory_space<hbm>> -> memref<50000x32xf32, #tpu.memory_space<hbm>>
      %dma_wait3A_260 = arith.constant 0 : i32
      %dma_wait3A_261 = arith.constant 0 : i32
      %dma_wait3A_262 = tpu.memref_slice %dma_wait3A_259[%dma_wait3A_260, %dma_wait3A_261] : memref<50000x32xf32, #tpu.memory_space<hbm>> -> memref<50000x32xf32, #tpu.memory_space<hbm>>
      tpu.wait_indirect_dma semaphore(%arg16 : memref<!tpu.dma_semaphore, #tpu.memory_space<semaphore_mem>>) src(%dma_wait3A_262 : memref<50000x32xf32, #tpu.memory_space<hbm>>) dst(%arg9 : memref<128x32xf32, #tpu.memory_space<vmem>>)
      %run_scoped3A_263 = arith.constant 2 : i32
      "tpu.region"() ({
        %run_scoped3A_285 = tpu.sem_alloc : memref<!tpu.dma_semaphore, #tpu.memory_space<semaphore_mem>>
        %dma_start3A_286 = arith.constant 0 : i32
        %dma_start3A_287 = tpu.memref_slice %arg13[%run_scoped3A_263, %dma_start3A_286] : memref<5x128xi32, #tpu.memory_space<vmem>> -> memref<1x128xi32, #tpu.memory_space<vmem>>
        %dma_start3A_288 = tpu.memref_squeeze %dma_start3A_287 : memref<1x128xi32, #tpu.memory_space<vmem>> -> memref<128xi32, #tpu.memory_space<vmem>>
        %dma_start3A_289 = arith.constant 0 : i32
        %dma_start3A_290 = arith.constant 0 : i32
        %dma_start3A_291 = tpu.memref_slice %arg6[%dma_start3A_289, %dma_start3A_290] : memref<50000x32xf32, #tpu.memory_space<vmem_shared>> -> memref<50000x32xf32, #tpu.memory_space<vmem_shared>>
        tpu.enqueue_indirect_dma source(%arg9 : memref<128x32xf32, #tpu.memory_space<vmem>>) target(%dma_start3A_291 : memref<50000x32xf32, #tpu.memory_space<vmem_shared>>) offsets(%dma_start3A_288 : memref<128xi32, #tpu.memory_space<vmem>>) semaphore(%run_scoped3A_285 : memref<!tpu.dma_semaphore, #tpu.memory_space<semaphore_mem>>) {add = true}
        %dma_wait3A_292 = arith.constant 0 : i32
        %dma_wait3A_293 = tpu.memref_slice %arg13[%run_scoped3A_263, %dma_wait3A_292] : memref<5x128xi32, #tpu.memory_space<vmem>> -> memref<1x128xi32, #tpu.memory_space<vmem>>
        %dma_wait3A_294 = tpu.memref_squeeze %dma_wait3A_293 : memref<1x128xi32, #tpu.memory_space<vmem>> -> memref<128xi32, #tpu.memory_space<vmem>>
        %dma_wait3A_295 = arith.constant 0 : i32
        %dma_wait3A_296 = arith.constant 0 : i32
        %dma_wait3A_297 = tpu.memref_slice %arg6[%dma_wait3A_295, %dma_wait3A_296] : memref<50000x32xf32, #tpu.memory_space<vmem_shared>> -> memref<50000x32xf32, #tpu.memory_space<vmem_shared>>
        tpu.wait_indirect_dma semaphore(%run_scoped3A_285 : memref<!tpu.dma_semaphore, #tpu.memory_space<semaphore_mem>>) src(%arg9 : memref<128x32xf32, #tpu.memory_space<vmem>>) dst(%dma_wait3A_297 : memref<50000x32xf32, #tpu.memory_space<vmem_shared>>)
        tpu.yield
      }) : () -> ()
      %dma_wait3A_264 = arith.constant 384 : i32
      %dma_wait3A_265 = tpu.memref_slice %arg12[%dma_wait3A_264] : memref<640xi32, #tpu.memory_space<vmem>> -> memref<128xi32, #tpu.memory_space<vmem>>
      %dma_wait3A_266 = arith.constant 0 : i32
      %dma_wait3A_267 = arith.constant 0 : i32
      %dma_wait3A_268 = tpu.memref_slice %arg3[%arg0, %dma_wait3A_266, %dma_wait3A_267] : memref<2x50000x32xf32, #tpu.memory_space<hbm>> -> memref<1x50000x32xf32, #tpu.memory_space<hbm>>
      %dma_wait3A_269 = tpu.memref_squeeze %dma_wait3A_268 : memref<1x50000x32xf32, #tpu.memory_space<hbm>> -> memref<50000x32xf32, #tpu.memory_space<hbm>>
      %dma_wait3A_270 = arith.constant 0 : i32
      %dma_wait3A_271 = arith.constant 0 : i32
      %dma_wait3A_272 = tpu.memref_slice %dma_wait3A_269[%dma_wait3A_270, %dma_wait3A_271] : memref<50000x32xf32, #tpu.memory_space<hbm>> -> memref<50000x32xf32, #tpu.memory_space<hbm>>
      tpu.wait_indirect_dma semaphore(%arg16 : memref<!tpu.dma_semaphore, #tpu.memory_space<semaphore_mem>>) src(%dma_wait3A_272 : memref<50000x32xf32, #tpu.memory_space<hbm>>) dst(%arg10 : memref<128x32xf32, #tpu.memory_space<vmem>>)
      %run_scoped3A_273 = arith.constant 3 : i32
      "tpu.region"() ({
        %run_scoped3A_285 = tpu.sem_alloc : memref<!tpu.dma_semaphore, #tpu.memory_space<semaphore_mem>>
        %dma_start3A_286 = arith.constant 0 : i32
        %dma_start3A_287 = tpu.memref_slice %arg13[%run_scoped3A_273, %dma_start3A_286] : memref<5x128xi32, #tpu.memory_space<vmem>> -> memref<1x128xi32, #tpu.memory_space<vmem>>
        %dma_start3A_288 = tpu.memref_squeeze %dma_start3A_287 : memref<1x128xi32, #tpu.memory_space<vmem>> -> memref<128xi32, #tpu.memory_space<vmem>>
        %dma_start3A_289 = arith.constant 0 : i32
        %dma_start3A_290 = arith.constant 0 : i32
        %dma_start3A_291 = tpu.memref_slice %arg6[%dma_start3A_289, %dma_start3A_290] : memref<50000x32xf32, #tpu.memory_space<vmem_shared>> -> memref<50000x32xf32, #tpu.memory_space<vmem_shared>>
        tpu.enqueue_indirect_dma source(%arg10 : memref<128x32xf32, #tpu.memory_space<vmem>>) target(%dma_start3A_291 : memref<50000x32xf32, #tpu.memory_space<vmem_shared>>) offsets(%dma_start3A_288 : memref<128xi32, #tpu.memory_space<vmem>>) semaphore(%run_scoped3A_285 : memref<!tpu.dma_semaphore, #tpu.memory_space<semaphore_mem>>) {add = true}
        %dma_wait3A_292 = arith.constant 0 : i32
        %dma_wait3A_293 = tpu.memref_slice %arg13[%run_scoped3A_273, %dma_wait3A_292] : memref<5x128xi32, #tpu.memory_space<vmem>> -> memref<1x128xi32, #tpu.memory_space<vmem>>
        %dma_wait3A_294 = tpu.memref_squeeze %dma_wait3A_293 : memref<1x128xi32, #tpu.memory_space<vmem>> -> memref<128xi32, #tpu.memory_space<vmem>>
        %dma_wait3A_295 = arith.constant 0 : i32
        %dma_wait3A_296 = arith.constant 0 : i32
        %dma_wait3A_297 = tpu.memref_slice %arg6[%dma_wait3A_295, %dma_wait3A_296] : memref<50000x32xf32, #tpu.memory_space<vmem_shared>> -> memref<50000x32xf32, #tpu.memory_space<vmem_shared>>
        tpu.wait_indirect_dma semaphore(%run_scoped3A_285 : memref<!tpu.dma_semaphore, #tpu.memory_space<semaphore_mem>>) src(%arg10 : memref<128x32xf32, #tpu.memory_space<vmem>>) dst(%dma_wait3A_297 : memref<50000x32xf32, #tpu.memory_space<vmem_shared>>)
        tpu.yield
      }) : () -> ()
      %dma_wait3A_274 = arith.constant 512 : i32
      %dma_wait3A_275 = tpu.memref_slice %arg12[%dma_wait3A_274] : memref<640xi32, #tpu.memory_space<vmem>> -> memref<128xi32, #tpu.memory_space<vmem>>
      %dma_wait3A_276 = arith.constant 0 : i32
      %dma_wait3A_277 = arith.constant 0 : i32
      %dma_wait3A_278 = tpu.memref_slice %arg3[%arg0, %dma_wait3A_276, %dma_wait3A_277] : memref<2x50000x32xf32, #tpu.memory_space<hbm>> -> memref<1x50000x32xf32, #tpu.memory_space<hbm>>
      %dma_wait3A_279 = tpu.memref_squeeze %dma_wait3A_278 : memref<1x50000x32xf32, #tpu.memory_space<hbm>> -> memref<50000x32xf32, #tpu.memory_space<hbm>>
      %dma_wait3A_280 = arith.constant 0 : i32
      %dma_wait3A_281 = arith.constant 0 : i32
      %dma_wait3A_282 = tpu.memref_slice %dma_wait3A_279[%dma_wait3A_280, %dma_wait3A_281] : memref<50000x32xf32, #tpu.memory_space<hbm>> -> memref<50000x32xf32, #tpu.memory_space<hbm>>
      tpu.wait_indirect_dma semaphore(%arg16 : memref<!tpu.dma_semaphore, #tpu.memory_space<semaphore_mem>>) src(%dma_wait3A_282 : memref<50000x32xf32, #tpu.memory_space<hbm>>) dst(%arg11 : memref<128x32xf32, #tpu.memory_space<vmem>>)
      %run_scoped3A_283 = arith.constant 4 : i32
      "tpu.region"() ({
        %run_scoped3A_285 = tpu.sem_alloc : memref<!tpu.dma_semaphore, #tpu.memory_space<semaphore_mem>>
        %dma_start3A_286 = arith.constant 0 : i32
        %dma_start3A_287 = tpu.memref_slice %arg13[%run_scoped3A_283, %dma_start3A_286] : memref<5x128xi32, #tpu.memory_space<vmem>> -> memref<1x128xi32, #tpu.memory_space<vmem>>
        %dma_start3A_288 = tpu.memref_squeeze %dma_start3A_287 : memref<1x128xi32, #tpu.memory_space<vmem>> -> memref<128xi32, #tpu.memory_space<vmem>>
        %dma_start3A_289 = arith.constant 0 : i32
        %dma_start3A_290 = arith.constant 0 : i32
        %dma_start3A_291 = tpu.memref_slice %arg6[%dma_start3A_289, %dma_start3A_290] : memref<50000x32xf32, #tpu.memory_space<vmem_shared>> -> memref<50000x32xf32, #tpu.memory_space<vmem_shared>>
        tpu.enqueue_indirect_dma source(%arg11 : memref<128x32xf32, #tpu.memory_space<vmem>>) target(%dma_start3A_291 : memref<50000x32xf32, #tpu.memory_space<vmem_shared>>) offsets(%dma_start3A_288 : memref<128xi32, #tpu.memory_space<vmem>>) semaphore(%run_scoped3A_285 : memref<!tpu.dma_semaphore, #tpu.memory_space<semaphore_mem>>) {add = true}
        %dma_wait3A_292 = arith.constant 0 : i32
        %dma_wait3A_293 = tpu.memref_slice %arg13[%run_scoped3A_283, %dma_wait3A_292] : memref<5x128xi32, #tpu.memory_space<vmem>> -> memref<1x128xi32, #tpu.memory_space<vmem>>
        %dma_wait3A_294 = tpu.memref_squeeze %dma_wait3A_293 : memref<1x128xi32, #tpu.memory_space<vmem>> -> memref<128xi32, #tpu.memory_space<vmem>>
        %dma_wait3A_295 = arith.constant 0 : i32
        %dma_wait3A_296 = arith.constant 0 : i32
        %dma_wait3A_297 = tpu.memref_slice %arg6[%dma_wait3A_295, %dma_wait3A_296] : memref<50000x32xf32, #tpu.memory_space<vmem_shared>> -> memref<50000x32xf32, #tpu.memory_space<vmem_shared>>
        tpu.wait_indirect_dma semaphore(%run_scoped3A_285 : memref<!tpu.dma_semaphore, #tpu.memory_space<semaphore_mem>>) src(%arg11 : memref<128x32xf32, #tpu.memory_space<vmem>>) dst(%dma_wait3A_297 : memref<50000x32xf32, #tpu.memory_space<vmem_shared>>)
        tpu.yield
      }) : () -> ()
      %while3A_284 = arith.constant 0 : i32
      scf.yield %while3A_284 : i32
    }
    %while3A_31 = arith.constant 1 : i32
    %while3A_32 = scf.for %while3A_46 = %while3A_28 to %while3A_24 step %while3A_31 iter_args(%while3A_47 = %while3A_30) -> (i32)  : i32 {
      %mul3A = arith.constant 16 : i32
      %mul3A_48 = arith.muli %mul3A, %while3A_46 : i32
      %add3A_49 = arith.addi %arg1, %mul3A_48 : i32
      %mul3A_50 = arith.constant 640 : i32
      %mul3A_51 = arith.muli %add3A_49, %mul3A_50 : i32
      %dma_start3A = arith.constant 0 : i32
      %dma_start3A_52 = tpu.memref_slice %arg2[%dma_start3A, %mul3A_51] : memref<2x800000xi32, #tpu.memory_space<hbm>> -> memref<1x640xi32, #tpu.memory_space<hbm>>
      %dma_start3A_53 = tpu.memref_squeeze %dma_start3A_52 : memref<1x640xi32, #tpu.memory_space<hbm>> -> memref<640xi32, #tpu.memory_space<hbm>>
      %dma_start3A_54 = tpu.memref_slice %arg2[%dma_start3A, %mul3A_51] : memref<2x800000xi32, #tpu.memory_space<hbm>> -> memref<1x640xi32, #tpu.memory_space<hbm>>
      %dma_start3A_55 = tpu.memref_squeeze %dma_start3A_54 : memref<1x640xi32, #tpu.memory_space<hbm>> -> memref<640xi32, #tpu.memory_space<hbm>>
      tpu.enqueue_dma source(%dma_start3A_55 : memref<640xi32, #tpu.memory_space<hbm>>) target(%arg12 : memref<640xi32, #tpu.memory_space<vmem>>) target_semaphore(%arg15 : memref<!tpu.dma_semaphore, #tpu.memory_space<semaphore_mem>>)
      %add3A_56 = arith.constant 0 : i32
      %add3A_57 = arith.addi %mul3A_51, %add3A_56 : i32
      %dma_start3A_58 = arith.constant 1 : i32
      %dma_start3A_59 = arith.constant 0 : i32
      %dma_start3A_60 = arith.constant 0 : i32
      %dma_start3A_61 = tpu.memref_slice %arg13[%dma_start3A_59, %dma_start3A_60] : memref<5x128xi32, #tpu.memory_space<vmem>> -> memref<1x128xi32, #tpu.memory_space<vmem>>
      %dma_start3A_62 = tpu.memref_squeeze %dma_start3A_61 : memref<1x128xi32, #tpu.memory_space<vmem>> -> memref<128xi32, #tpu.memory_space<vmem>>
      %dma_start3A_63 = tpu.memref_slice %arg2[%dma_start3A_58, %add3A_57] : memref<2x800000xi32, #tpu.memory_space<hbm>> -> memref<1x128xi32, #tpu.memory_space<hbm>>
      %dma_start3A_64 = tpu.memref_squeeze %dma_start3A_63 : memref<1x128xi32, #tpu.memory_space<hbm>> -> memref<128xi32, #tpu.memory_space<hbm>>
      %dma_start3A_65 = arith.constant 0 : i32
      %dma_start3A_66 = tpu.memref_slice %arg13[%dma_start3A_59, %dma_start3A_65] : memref<5x128xi32, #tpu.memory_space<vmem>> -> memref<1x128xi32, #tpu.memory_space<vmem>>
      %dma_start3A_67 = tpu.memref_squeeze %dma_start3A_66 : memref<1x128xi32, #tpu.memory_space<vmem>> -> memref<128xi32, #tpu.memory_space<vmem>>
      %dma_start3A_68 = tpu.memref_slice %arg2[%dma_start3A_58, %add3A_57] : memref<2x800000xi32, #tpu.memory_space<hbm>> -> memref<1x128xi32, #tpu.memory_space<hbm>>
      %dma_start3A_69 = tpu.memref_squeeze %dma_start3A_68 : memref<1x128xi32, #tpu.memory_space<hbm>> -> memref<128xi32, #tpu.memory_space<hbm>>
      tpu.enqueue_dma source(%dma_start3A_69 : memref<128xi32, #tpu.memory_space<hbm>>) target(%dma_start3A_67 : memref<128xi32, #tpu.memory_space<vmem>>) target_semaphore(%arg15 : memref<!tpu.dma_semaphore, #tpu.memory_space<semaphore_mem>>)
      %add3A_70 = arith.constant 128 : i32
      %add3A_71 = arith.addi %mul3A_51, %add3A_70 : i32
      %dma_start3A_72 = arith.constant 1 : i32
      %dma_start3A_73 = arith.constant 1 : i32
      %dma_start3A_74 = arith.constant 0 : i32
      %dma_start3A_75 = tpu.memref_slice %arg13[%dma_start3A_73, %dma_start3A_74] : memref<5x128xi32, #tpu.memory_space<vmem>> -> memref<1x128xi32, #tpu.memory_space<vmem>>
      %dma_start3A_76 = tpu.memref_squeeze %dma_start3A_75 : memref<1x128xi32, #tpu.memory_space<vmem>> -> memref<128xi32, #tpu.memory_space<vmem>>
      %dma_start3A_77 = tpu.memref_slice %arg2[%dma_start3A_72, %add3A_71] : memref<2x800000xi32, #tpu.memory_space<hbm>> -> memref<1x128xi32, #tpu.memory_space<hbm>>
      %dma_start3A_78 = tpu.memref_squeeze %dma_start3A_77 : memref<1x128xi32, #tpu.memory_space<hbm>> -> memref<128xi32, #tpu.memory_space<hbm>>
      %dma_start3A_79 = arith.constant 0 : i32
      %dma_start3A_80 = tpu.memref_slice %arg13[%dma_start3A_73, %dma_start3A_79] : memref<5x128xi32, #tpu.memory_space<vmem>> -> memref<1x128xi32, #tpu.memory_space<vmem>>
      %dma_start3A_81 = tpu.memref_squeeze %dma_start3A_80 : memref<1x128xi32, #tpu.memory_space<vmem>> -> memref<128xi32, #tpu.memory_space<vmem>>
      %dma_start3A_82 = tpu.memref_slice %arg2[%dma_start3A_72, %add3A_71] : memref<2x800000xi32, #tpu.memory_space<hbm>> -> memref<1x128xi32, #tpu.memory_space<hbm>>
      %dma_start3A_83 = tpu.memref_squeeze %dma_start3A_82 : memref<1x128xi32, #tpu.memory_space<hbm>> -> memref<128xi32, #tpu.memory_space<hbm>>
      tpu.enqueue_dma source(%dma_start3A_83 : memref<128xi32, #tpu.memory_space<hbm>>) target(%dma_start3A_81 : memref<128xi32, #tpu.memory_space<vmem>>) target_semaphore(%arg15 : memref<!tpu.dma_semaphore, #tpu.memory_space<semaphore_mem>>)
      %add3A_84 = arith.constant 256 : i32
      %add3A_85 = arith.addi %mul3A_51, %add3A_84 : i32
      %dma_start3A_86 = arith.constant 1 : i32
      %dma_start3A_87 = arith.constant 2 : i32
      %dma_start3A_88 = arith.constant 0 : i32
      %dma_start3A_89 = tpu.memref_slice %arg13[%dma_start3A_87, %dma_start3A_88] : memref<5x128xi32, #tpu.memory_space<vmem>> -> memref<1x128xi32, #tpu.memory_space<vmem>>
      %dma_start3A_90 = tpu.memref_squeeze %dma_start3A_89 : memref<1x128xi32, #tpu.memory_space<vmem>> -> memref<128xi32, #tpu.memory_space<vmem>>
      %dma_start3A_91 = tpu.memref_slice %arg2[%dma_start3A_86, %add3A_85] : memref<2x800000xi32, #tpu.memory_space<hbm>> -> memref<1x128xi32, #tpu.memory_space<hbm>>
      %dma_start3A_92 = tpu.memref_squeeze %dma_start3A_91 : memref<1x128xi32, #tpu.memory_space<hbm>> -> memref<128xi32, #tpu.memory_space<hbm>>
      %dma_start3A_93 = arith.constant 0 : i32
      %dma_start3A_94 = tpu.memref_slice %arg13[%dma_start3A_87, %dma_start3A_93] : memref<5x128xi32, #tpu.memory_space<vmem>> -> memref<1x128xi32, #tpu.memory_space<vmem>>
      %dma_start3A_95 = tpu.memref_squeeze %dma_start3A_94 : memref<1x128xi32, #tpu.memory_space<vmem>> -> memref<128xi32, #tpu.memory_space<vmem>>
      %dma_start3A_96 = tpu.memref_slice %arg2[%dma_start3A_86, %add3A_85] : memref<2x800000xi32, #tpu.memory_space<hbm>> -> memref<1x128xi32, #tpu.memory_space<hbm>>
      %dma_start3A_97 = tpu.memref_squeeze %dma_start3A_96 : memref<1x128xi32, #tpu.memory_space<hbm>> -> memref<128xi32, #tpu.memory_space<hbm>>
      tpu.enqueue_dma source(%dma_start3A_97 : memref<128xi32, #tpu.memory_space<hbm>>) target(%dma_start3A_95 : memref<128xi32, #tpu.memory_space<vmem>>) target_semaphore(%arg15 : memref<!tpu.dma_semaphore, #tpu.memory_space<semaphore_mem>>)
      %add3A_98 = arith.constant 384 : i32
      %add3A_99 = arith.addi %mul3A_51, %add3A_98 : i32
      %dma_start3A_100 = arith.constant 1 : i32
      %dma_start3A_101 = arith.constant 3 : i32
      %dma_start3A_102 = arith.constant 0 : i32
      %dma_start3A_103 = tpu.memref_slice %arg13[%dma_start3A_101, %dma_start3A_102] : memref<5x128xi32, #tpu.memory_space<vmem>> -> memref<1x128xi32, #tpu.memory_space<vmem>>
      %dma_start3A_104 = tpu.memref_squeeze %dma_start3A_103 : memref<1x128xi32, #tpu.memory_space<vmem>> -> memref<128xi32, #tpu.memory_space<vmem>>
      %dma_start3A_105 = tpu.memref_slice %arg2[%dma_start3A_100, %add3A_99] : memref<2x800000xi32, #tpu.memory_space<hbm>> -> memref<1x128xi32, #tpu.memory_space<hbm>>
      %dma_start3A_106 = tpu.memref_squeeze %dma_start3A_105 : memref<1x128xi32, #tpu.memory_space<hbm>> -> memref<128xi32, #tpu.memory_space<hbm>>
      %dma_start3A_107 = arith.constant 0 : i32
      %dma_start3A_108 = tpu.memref_slice %arg13[%dma_start3A_101, %dma_start3A_107] : memref<5x128xi32, #tpu.memory_space<vmem>> -> memref<1x128xi32, #tpu.memory_space<vmem>>
      %dma_start3A_109 = tpu.memref_squeeze %dma_start3A_108 : memref<1x128xi32, #tpu.memory_space<vmem>> -> memref<128xi32, #tpu.memory_space<vmem>>
      %dma_start3A_110 = tpu.memref_slice %arg2[%dma_start3A_100, %add3A_99] : memref<2x800000xi32, #tpu.memory_space<hbm>> -> memref<1x128xi32, #tpu.memory_space<hbm>>
      %dma_start3A_111 = tpu.memref_squeeze %dma_start3A_110 : memref<1x128xi32, #tpu.memory_space<hbm>> -> memref<128xi32, #tpu.memory_space<hbm>>
      tpu.enqueue_dma source(%dma_start3A_111 : memref<128xi32, #tpu.memory_space<hbm>>) target(%dma_start3A_109 : memref<128xi32, #tpu.memory_space<vmem>>) target_semaphore(%arg15 : memref<!tpu.dma_semaphore, #tpu.memory_space<semaphore_mem>>)
      %add3A_112 = arith.constant 512 : i32
      %add3A_113 = arith.addi %mul3A_51, %add3A_112 : i32
      %dma_start3A_114 = arith.constant 1 : i32
      %dma_start3A_115 = arith.constant 4 : i32
      %dma_start3A_116 = arith.constant 0 : i32
      %dma_start3A_117 = tpu.memref_slice %arg13[%dma_start3A_115, %dma_start3A_116] : memref<5x128xi32, #tpu.memory_space<vmem>> -> memref<1x128xi32, #tpu.memory_space<vmem>>
      %dma_start3A_118 = tpu.memref_squeeze %dma_start3A_117 : memref<1x128xi32, #tpu.memory_space<vmem>> -> memref<128xi32, #tpu.memory_space<vmem>>
      %dma_start3A_119 = tpu.memref_slice %arg2[%dma_start3A_114, %add3A_113] : memref<2x800000xi32, #tpu.memory_space<hbm>> -> memref<1x128xi32, #tpu.memory_space<hbm>>
      %dma_start3A_120 = tpu.memref_squeeze %dma_start3A_119 : memref<1x128xi32, #tpu.memory_space<hbm>> -> memref<128xi32, #tpu.memory_space<hbm>>
      %dma_start3A_121 = arith.constant 0 : i32
      %dma_start3A_122 = tpu.memref_slice %arg13[%dma_start3A_115, %dma_start3A_121] : memref<5x128xi32, #tpu.memory_space<vmem>> -> memref<1x128xi32, #tpu.memory_space<vmem>>
      %dma_start3A_123 = tpu.memref_squeeze %dma_start3A_122 : memref<1x128xi32, #tpu.memory_space<vmem>> -> memref<128xi32, #tpu.memory_space<vmem>>
      %dma_start3A_124 = tpu.memref_slice %arg2[%dma_start3A_114, %add3A_113] : memref<2x800000xi32, #tpu.memory_space<hbm>> -> memref<1x128xi32, #tpu.memory_space<hbm>>
      %dma_start3A_125 = tpu.memref_squeeze %dma_start3A_124 : memref<1x128xi32, #tpu.memory_space<hbm>> -> memref<128xi32, #tpu.memory_space<hbm>>
      tpu.enqueue_dma source(%dma_start3A_125 : memref<128xi32, #tpu.memory_space<hbm>>) target(%dma_start3A_123 : memref<128xi32, #tpu.memory_space<vmem>>) target_semaphore(%arg15 : memref<!tpu.dma_semaphore, #tpu.memory_space<semaphore_mem>>)
      %dma_wait3A = arith.constant 0 : i32
      %dma_wait3A_126 = tpu.memref_slice %arg2[%dma_wait3A, %mul3A_51] : memref<2x800000xi32, #tpu.memory_space<hbm>> -> memref<1x640xi32, #tpu.memory_space<hbm>>
      %dma_wait3A_127 = tpu.memref_squeeze %dma_wait3A_126 : memref<1x640xi32, #tpu.memory_space<hbm>> -> memref<640xi32, #tpu.memory_space<hbm>>
      %dma_wait3A_128 = tpu.memref_slice %arg2[%dma_wait3A, %mul3A_51] : memref<2x800000xi32, #tpu.memory_space<hbm>> -> memref<1x640xi32, #tpu.memory_space<hbm>>
      %dma_wait3A_129 = tpu.memref_squeeze %dma_wait3A_128 : memref<1x640xi32, #tpu.memory_space<hbm>> -> memref<640xi32, #tpu.memory_space<hbm>>
      tpu.wait_dma2 semaphore(%arg15 : memref<!tpu.dma_semaphore, #tpu.memory_space<semaphore_mem>>) src(%dma_wait3A_129 : memref<640xi32, #tpu.memory_space<hbm>>) dst(%arg12 : memref<640xi32, #tpu.memory_space<vmem>>)
      %dma_wait3A_130 = arith.constant 1 : i32
      %dma_wait3A_131 = arith.constant 0 : i32
      %dma_wait3A_132 = arith.constant 0 : i32
      %dma_wait3A_133 = tpu.memref_slice %arg13[%dma_wait3A_131, %dma_wait3A_132] : memref<5x128xi32, #tpu.memory_space<vmem>> -> memref<1x128xi32, #tpu.memory_space<vmem>>
      %dma_wait3A_134 = tpu.memref_squeeze %dma_wait3A_133 : memref<1x128xi32, #tpu.memory_space<vmem>> -> memref<128xi32, #tpu.memory_space<vmem>>
      %dma_wait3A_135 = tpu.memref_slice %arg2[%dma_wait3A_130, %add3A_57] : memref<2x800000xi32, #tpu.memory_space<hbm>> -> memref<1x128xi32, #tpu.memory_space<hbm>>
      %dma_wait3A_136 = tpu.memref_squeeze %dma_wait3A_135 : memref<1x128xi32, #tpu.memory_space<hbm>> -> memref<128xi32, #tpu.memory_space<hbm>>
      %dma_wait3A_137 = arith.constant 0 : i32
      %dma_wait3A_138 = tpu.memref_slice %arg13[%dma_wait3A_131, %dma_wait3A_137] : memref<5x128xi32, #tpu.memory_space<vmem>> -> memref<1x128xi32, #tpu.memory_space<vmem>>
      %dma_wait3A_139 = tpu.memref_squeeze %dma_wait3A_138 : memref<1x128xi32, #tpu.memory_space<vmem>> -> memref<128xi32, #tpu.memory_space<vmem>>
      %dma_wait3A_140 = tpu.memref_slice %arg2[%dma_wait3A_130, %add3A_57] : memref<2x800000xi32, #tpu.memory_space<hbm>> -> memref<1x128xi32, #tpu.memory_space<hbm>>
      %dma_wait3A_141 = tpu.memref_squeeze %dma_wait3A_140 : memref<1x128xi32, #tpu.memory_space<hbm>> -> memref<128xi32, #tpu.memory_space<hbm>>
      tpu.wait_dma2 semaphore(%arg15 : memref<!tpu.dma_semaphore, #tpu.memory_space<semaphore_mem>>) src(%dma_wait3A_141 : memref<128xi32, #tpu.memory_space<hbm>>) dst(%dma_wait3A_139 : memref<128xi32, #tpu.memory_space<vmem>>)
      %dma_wait3A_142 = arith.constant 1 : i32
      %dma_wait3A_143 = arith.constant 1 : i32
      %dma_wait3A_144 = arith.constant 0 : i32
      %dma_wait3A_145 = tpu.memref_slice %arg13[%dma_wait3A_143, %dma_wait3A_144] : memref<5x128xi32, #tpu.memory_space<vmem>> -> memref<1x128xi32, #tpu.memory_space<vmem>>
      %dma_wait3A_146 = tpu.memref_squeeze %dma_wait3A_145 : memref<1x128xi32, #tpu.memory_space<vmem>> -> memref<128xi32, #tpu.memory_space<vmem>>
      %dma_wait3A_147 = tpu.memref_slice %arg2[%dma_wait3A_142, %add3A_71] : memref<2x800000xi32, #tpu.memory_space<hbm>> -> memref<1x128xi32, #tpu.memory_space<hbm>>
      %dma_wait3A_148 = tpu.memref_squeeze %dma_wait3A_147 : memref<1x128xi32, #tpu.memory_space<hbm>> -> memref<128xi32, #tpu.memory_space<hbm>>
      %dma_wait3A_149 = arith.constant 0 : i32
      %dma_wait3A_150 = tpu.memref_slice %arg13[%dma_wait3A_143, %dma_wait3A_149] : memref<5x128xi32, #tpu.memory_space<vmem>> -> memref<1x128xi32, #tpu.memory_space<vmem>>
      %dma_wait3A_151 = tpu.memref_squeeze %dma_wait3A_150 : memref<1x128xi32, #tpu.memory_space<vmem>> -> memref<128xi32, #tpu.memory_space<vmem>>
      %dma_wait3A_152 = tpu.memref_slice %arg2[%dma_wait3A_142, %add3A_71] : memref<2x800000xi32, #tpu.memory_space<hbm>> -> memref<1x128xi32, #tpu.memory_space<hbm>>
      %dma_wait3A_153 = tpu.memref_squeeze %dma_wait3A_152 : memref<1x128xi32, #tpu.memory_space<hbm>> -> memref<128xi32, #tpu.memory_space<hbm>>
      tpu.wait_dma2 semaphore(%arg15 : memref<!tpu.dma_semaphore, #tpu.memory_space<semaphore_mem>>) src(%dma_wait3A_153 : memref<128xi32, #tpu.memory_space<hbm>>) dst(%dma_wait3A_151 : memref<128xi32, #tpu.memory_space<vmem>>)
      %dma_wait3A_154 = arith.constant 1 : i32
      %dma_wait3A_155 = arith.constant 2 : i32
      %dma_wait3A_156 = arith.constant 0 : i32
      %dma_wait3A_157 = tpu.memref_slice %arg13[%dma_wait3A_155, %dma_wait3A_156] : memref<5x128xi32, #tpu.memory_space<vmem>> -> memref<1x128xi32, #tpu.memory_space<vmem>>
      %dma_wait3A_158 = tpu.memref_squeeze %dma_wait3A_157 : memref<1x128xi32, #tpu.memory_space<vmem>> -> memref<128xi32, #tpu.memory_space<vmem>>
      %dma_wait3A_159 = tpu.memref_slice %arg2[%dma_wait3A_154, %add3A_85] : memref<2x800000xi32, #tpu.memory_space<hbm>> -> memref<1x128xi32, #tpu.memory_space<hbm>>
      %dma_wait3A_160 = tpu.memref_squeeze %dma_wait3A_159 : memref<1x128xi32, #tpu.memory_space<hbm>> -> memref<128xi32, #tpu.memory_space<hbm>>
      %dma_wait3A_161 = arith.constant 0 : i32
      %dma_wait3A_162 = tpu.memref_slice %arg13[%dma_wait3A_155, %dma_wait3A_161] : memref<5x128xi32, #tpu.memory_space<vmem>> -> memref<1x128xi32, #tpu.memory_space<vmem>>
      %dma_wait3A_163 = tpu.memref_squeeze %dma_wait3A_162 : memref<1x128xi32, #tpu.memory_space<vmem>> -> memref<128xi32, #tpu.memory_space<vmem>>
      %dma_wait3A_164 = tpu.memref_slice %arg2[%dma_wait3A_154, %add3A_85] : memref<2x800000xi32, #tpu.memory_space<hbm>> -> memref<1x128xi32, #tpu.memory_space<hbm>>
      %dma_wait3A_165 = tpu.memref_squeeze %dma_wait3A_164 : memref<1x128xi32, #tpu.memory_space<hbm>> -> memref<128xi32, #tpu.memory_space<hbm>>
      tpu.wait_dma2 semaphore(%arg15 : memref<!tpu.dma_semaphore, #tpu.memory_space<semaphore_mem>>) src(%dma_wait3A_165 : memref<128xi32, #tpu.memory_space<hbm>>) dst(%dma_wait3A_163 : memref<128xi32, #tpu.memory_space<vmem>>)
      %dma_wait3A_166 = arith.constant 1 : i32
      %dma_wait3A_167 = arith.constant 3 : i32
      %dma_wait3A_168 = arith.constant 0 : i32
      %dma_wait3A_169 = tpu.memref_slice %arg13[%dma_wait3A_167, %dma_wait3A_168] : memref<5x128xi32, #tpu.memory_space<vmem>> -> memref<1x128xi32, #tpu.memory_space<vmem>>
      %dma_wait3A_170 = tpu.memref_squeeze %dma_wait3A_169 : memref<1x128xi32, #tpu.memory_space<vmem>> -> memref<128xi32, #tpu.memory_space<vmem>>
      %dma_wait3A_171 = tpu.memref_slice %arg2[%dma_wait3A_166, %add3A_99] : memref<2x800000xi32, #tpu.memory_space<hbm>> -> memref<1x128xi32, #tpu.memory_space<hbm>>
      %dma_wait3A_172 = tpu.memref_squeeze %dma_wait3A_171 : memref<1x128xi32, #tpu.memory_space<hbm>> -> memref<128xi32, #tpu.memory_space<hbm>>
      %dma_wait3A_173 = arith.constant 0 : i32
      %dma_wait3A_174 = tpu.memref_slice %arg13[%dma_wait3A_167, %dma_wait3A_173] : memref<5x128xi32, #tpu.memory_space<vmem>> -> memref<1x128xi32, #tpu.memory_space<vmem>>
      %dma_wait3A_175 = tpu.memref_squeeze %dma_wait3A_174 : memref<1x128xi32, #tpu.memory_space<vmem>> -> memref<128xi32, #tpu.memory_space<vmem>>
      %dma_wait3A_176 = tpu.memref_slice %arg2[%dma_wait3A_166, %add3A_99] : memref<2x800000xi32, #tpu.memory_space<hbm>> -> memref<1x128xi32, #tpu.memory_space<hbm>>
      %dma_wait3A_177 = tpu.memref_squeeze %dma_wait3A_176 : memref<1x128xi32, #tpu.memory_space<hbm>> -> memref<128xi32, #tpu.memory_space<hbm>>
      tpu.wait_dma2 semaphore(%arg15 : memref<!tpu.dma_semaphore, #tpu.memory_space<semaphore_mem>>) src(%dma_wait3A_177 : memref<128xi32, #tpu.memory_space<hbm>>) dst(%dma_wait3A_175 : memref<128xi32, #tpu.memory_space<vmem>>)
      %dma_wait3A_178 = arith.constant 1 : i32
      %dma_wait3A_179 = arith.constant 4 : i32
      %dma_wait3A_180 = arith.constant 0 : i32
      %dma_wait3A_181 = tpu.memref_slice %arg13[%dma_wait3A_179, %dma_wait3A_180] : memref<5x128xi32, #tpu.memory_space<vmem>> -> memref<1x128xi32, #tpu.memory_space<vmem>>
      %dma_wait3A_182 = tpu.memref_squeeze %dma_wait3A_181 : memref<1x128xi32, #tpu.memory_space<vmem>> -> memref<128xi32, #tpu.memory_space<vmem>>
      %dma_wait3A_183 = tpu.memref_slice %arg2[%dma_wait3A_178, %add3A_113] : memref<2x800000xi32, #tpu.memory_space<hbm>> -> memref<1x128xi32, #tpu.memory_space<hbm>>
      %dma_wait3A_184 = tpu.memref_squeeze %dma_wait3A_183 : memref<1x128xi32, #tpu.memory_space<hbm>> -> memref<128xi32, #tpu.memory_space<hbm>>
      %dma_wait3A_185 = arith.constant 0 : i32
      %dma_wait3A_186 = tpu.memref_slice %arg13[%dma_wait3A_179, %dma_wait3A_185] : memref<5x128xi32, #tpu.memory_space<vmem>> -> memref<1x128xi32, #tpu.memory_space<vmem>>
      %dma_wait3A_187 = tpu.memref_squeeze %dma_wait3A_186 : memref<1x128xi32, #tpu.memory_space<vmem>> -> memref<128xi32, #tpu.memory_space<vmem>>
      %dma_wait3A_188 = tpu.memref_slice %arg2[%dma_wait3A_178, %add3A_113] : memref<2x800000xi32, #tpu.memory_space<hbm>> -> memref<1x128xi32, #tpu.memory_space<hbm>>
      %dma_wait3A_189 = tpu.memref_squeeze %dma_wait3A_188 : memref<1x128xi32, #tpu.memory_space<hbm>> -> memref<128xi32, #tpu.memory_space<hbm>>
      tpu.wait_dma2 semaphore(%arg15 : memref<!tpu.dma_semaphore, #tpu.memory_space<semaphore_mem>>) src(%dma_wait3A_189 : memref<128xi32, #tpu.memory_space<hbm>>) dst(%dma_wait3A_187 : memref<128xi32, #tpu.memory_space<vmem>>)
      %dma_start3A_190 = arith.constant 0 : i32
      %dma_start3A_191 = tpu.memref_slice %arg12[%dma_start3A_190] : memref<640xi32, #tpu.memory_space<vmem>> -> memref<128xi32, #tpu.memory_space<vmem>>
      %dma_start3A_192 = arith.constant 0 : i32
      %dma_start3A_193 = arith.constant 0 : i32
      %dma_start3A_194 = tpu.memref_slice %arg3[%arg0, %dma_start3A_192, %dma_start3A_193] : memref<2x50000x32xf32, #tpu.memory_space<hbm>> -> memref<1x50000x32xf32, #tpu.memory_space<hbm>>
      %dma_start3A_195 = tpu.memref_squeeze %dma_start3A_194 : memref<1x50000x32xf32, #tpu.memory_space<hbm>> -> memref<50000x32xf32, #tpu.memory_space<hbm>>
      %dma_start3A_196 = arith.constant 0 : i32
      %dma_start3A_197 = arith.constant 0 : i32
      %dma_start3A_198 = tpu.memref_slice %dma_start3A_195[%dma_start3A_196, %dma_start3A_197] : memref<50000x32xf32, #tpu.memory_space<hbm>> -> memref<50000x32xf32, #tpu.memory_space<hbm>>
      tpu.enqueue_indirect_dma source(%dma_start3A_198 : memref<50000x32xf32, #tpu.memory_space<hbm>>) target(%arg7 : memref<128x32xf32, #tpu.memory_space<vmem>>) offsets(%dma_start3A_191 : memref<128xi32, #tpu.memory_space<vmem>>) semaphore(%arg16 : memref<!tpu.dma_semaphore, #tpu.memory_space<semaphore_mem>>)
      %dma_start3A_199 = arith.constant 128 : i32
      %dma_start3A_200 = tpu.memref_slice %arg12[%dma_start3A_199] : memref<640xi32, #tpu.memory_space<vmem>> -> memref<128xi32, #tpu.memory_space<vmem>>
      %dma_start3A_201 = arith.constant 0 : i32
      %dma_start3A_202 = arith.constant 0 : i32
      %dma_start3A_203 = tpu.memref_slice %arg3[%arg0, %dma_start3A_201, %dma_start3A_202] : memref<2x50000x32xf32, #tpu.memory_space<hbm>> -> memref<1x50000x32xf32, #tpu.memory_space<hbm>>
      %dma_start3A_204 = tpu.memref_squeeze %dma_start3A_203 : memref<1x50000x32xf32, #tpu.memory_space<hbm>> -> memref<50000x32xf32, #tpu.memory_space<hbm>>
      %dma_start3A_205 = arith.constant 0 : i32
      %dma_start3A_206 = arith.constant 0 : i32
      %dma_start3A_207 = tpu.memref_slice %dma_start3A_204[%dma_start3A_205, %dma_start3A_206] : memref<50000x32xf32, #tpu.memory_space<hbm>> -> memref<50000x32xf32, #tpu.memory_space<hbm>>
      tpu.enqueue_indirect_dma source(%dma_start3A_207 : memref<50000x32xf32, #tpu.memory_space<hbm>>) target(%arg8 : memref<128x32xf32, #tpu.memory_space<vmem>>) offsets(%dma_start3A_200 : memref<128xi32, #tpu.memory_space<vmem>>) semaphore(%arg16 : memref<!tpu.dma_semaphore, #tpu.memory_space<semaphore_mem>>)
      %dma_start3A_208 = arith.constant 256 : i32
      %dma_start3A_209 = tpu.memref_slice %arg12[%dma_start3A_208] : memref<640xi32, #tpu.memory_space<vmem>> -> memref<128xi32, #tpu.memory_space<vmem>>
      %dma_start3A_210 = arith.constant 0 : i32
      %dma_start3A_211 = arith.constant 0 : i32
      %dma_start3A_212 = tpu.memref_slice %arg3[%arg0, %dma_start3A_210, %dma_start3A_211] : memref<2x50000x32xf32, #tpu.memory_space<hbm>> -> memref<1x50000x32xf32, #tpu.memory_space<hbm>>
      %dma_start3A_213 = tpu.memref_squeeze %dma_start3A_212 : memref<1x50000x32xf32, #tpu.memory_space<hbm>> -> memref<50000x32xf32, #tpu.memory_space<hbm>>
      %dma_start3A_214 = arith.constant 0 : i32
      %dma_start3A_215 = arith.constant 0 : i32
      %dma_start3A_216 = tpu.memref_slice %dma_start3A_213[%dma_start3A_214, %dma_start3A_215] : memref<50000x32xf32, #tpu.memory_space<hbm>> -> memref<50000x32xf32, #tpu.memory_space<hbm>>
      tpu.enqueue_indirect_dma source(%dma_start3A_216 : memref<50000x32xf32, #tpu.memory_space<hbm>>) target(%arg9 : memref<128x32xf32, #tpu.memory_space<vmem>>) offsets(%dma_start3A_209 : memref<128xi32, #tpu.memory_space<vmem>>) semaphore(%arg16 : memref<!tpu.dma_semaphore, #tpu.memory_space<semaphore_mem>>)
      %dma_start3A_217 = arith.constant 384 : i32
      %dma_start3A_218 = tpu.memref_slice %arg12[%dma_start3A_217] : memref<640xi32, #tpu.memory_space<vmem>> -> memref<128xi32, #tpu.memory_space<vmem>>
      %dma_start3A_219 = arith.constant 0 : i32
      %dma_start3A_220 = arith.constant 0 : i32
      %dma_start3A_221 = tpu.memref_slice %arg3[%arg0, %dma_start3A_219, %dma_start3A_220] : memref<2x50000x32xf32, #tpu.memory_space<hbm>> -> memref<1x50000x32xf32, #tpu.memory_space<hbm>>
      %dma_start3A_222 = tpu.memref_squeeze %dma_start3A_221 : memref<1x50000x32xf32, #tpu.memory_space<hbm>> -> memref<50000x32xf32, #tpu.memory_space<hbm>>
      %dma_start3A_223 = arith.constant 0 : i32
      %dma_start3A_224 = arith.constant 0 : i32
      %dma_start3A_225 = tpu.memref_slice %dma_start3A_222[%dma_start3A_223, %dma_start3A_224] : memref<50000x32xf32, #tpu.memory_space<hbm>> -> memref<50000x32xf32, #tpu.memory_space<hbm>>
      tpu.enqueue_indirect_dma source(%dma_start3A_225 : memref<50000x32xf32, #tpu.memory_space<hbm>>) target(%arg10 : memref<128x32xf32, #tpu.memory_space<vmem>>) offsets(%dma_start3A_218 : memref<128xi32, #tpu.memory_space<vmem>>) semaphore(%arg16 : memref<!tpu.dma_semaphore, #tpu.memory_space<semaphore_mem>>)
      %dma_start3A_226 = arith.constant 512 : i32
      %dma_start3A_227 = tpu.memref_slice %arg12[%dma_start3A_226] : memref<640xi32, #tpu.memory_space<vmem>> -> memref<128xi32, #tpu.memory_space<vmem>>
      %dma_start3A_228 = arith.constant 0 : i32
      %dma_start3A_229 = arith.constant 0 : i32
      %dma_start3A_230 = tpu.memref_slice %arg3[%arg0, %dma_start3A_228, %dma_start3A_229] : memref<2x50000x32xf32, #tpu.memory_space<hbm>> -> memref<1x50000x32xf32, #tpu.memory_space<hbm>>
      %dma_start3A_231 = tpu.memref_squeeze %dma_start3A_230 : memref<1x50000x32xf32, #tpu.memory_space<hbm>> -> memref<50000x32xf32, #tpu.memory_space<hbm>>
      %dma_start3A_232 = arith.constant 0 : i32
      %dma_start3A_233 = arith.constant 0 : i32
      %dma_start3A_234 = tpu.memref_slice %dma_start3A_231[%dma_start3A_232, %dma_start3A_233] : memref<50000x32xf32, #tpu.memory_space<hbm>> -> memref<50000x32xf32, #tpu.memory_space<hbm>>
      tpu.enqueue_indirect_dma source(%dma_start3A_234 : memref<50000x32xf32, #tpu.memory_space<hbm>>) target(%arg11 : memref<128x32xf32, #tpu.memory_space<vmem>>) offsets(%dma_start3A_227 : memref<128xi32, #tpu.memory_space<vmem>>) semaphore(%arg16 : memref<!tpu.dma_semaphore, #tpu.memory_space<semaphore_mem>>)
      %dma_wait3A_235 = arith.constant 0 : i32
      %dma_wait3A_236 = tpu.memref_slice %arg12[%dma_wait3A_235] : memref<640xi32, #tpu.memory_space<vmem>> -> memref<128xi32, #tpu.memory_space<vmem>>
      %dma_wait3A_237 = arith.constant 0 : i32
      %dma_wait3A_238 = arith.constant 0 : i32
      %dma_wait3A_239 = tpu.memref_slice %arg3[%arg0, %dma_wait3A_237, %dma_wait3A_238] : memref<2x50000x32xf32, #tpu.memory_space<hbm>> -> memref<1x50000x32xf32, #tpu.memory_space<hbm>>
      %dma_wait3A_240 = tpu.memref_squeeze %dma_wait3A_239 : memref<1x50000x32xf32, #tpu.memory_space<hbm>> -> memref<50000x32xf32, #tpu.memory_space<hbm>>
      %dma_wait3A_241 = arith.constant 0 : i32
      %dma_wait3A_242 = arith.constant 0 : i32
      %dma_wait3A_243 = tpu.memref_slice %dma_wait3A_240[%dma_wait3A_241, %dma_wait3A_242] : memref<50000x32xf32, #tpu.memory_space<hbm>> -> memref<50000x32xf32, #tpu.memory_space<hbm>>
      tpu.wait_indirect_dma semaphore(%arg16 : memref<!tpu.dma_semaphore, #tpu.memory_space<semaphore_mem>>) src(%dma_wait3A_243 : memref<50000x32xf32, #tpu.memory_space<hbm>>) dst(%arg7 : memref<128x32xf32, #tpu.memory_space<vmem>>)
      %run_scoped3A = arith.constant 0 : i32
      "tpu.region"() ({
        %run_scoped3A_285 = tpu.sem_alloc : memref<!tpu.dma_semaphore, #tpu.memory_space<semaphore_mem>>
        %dma_start3A_286 = arith.constant 0 : i32
        %dma_start3A_287 = tpu.memref_slice %arg13[%run_scoped3A, %dma_start3A_286] : memref<5x128xi32, #tpu.memory_space<vmem>> -> memref<1x128xi32, #tpu.memory_space<vmem>>
        %dma_start3A_288 = tpu.memref_squeeze %dma_start3A_287 : memref<1x128xi32, #tpu.memory_space<vmem>> -> memref<128xi32, #tpu.memory_space<vmem>>
        %dma_start3A_289 = arith.constant 0 : i32
        %dma_start3A_290 = arith.constant 0 : i32
        %dma_start3A_291 = tpu.memref_slice %arg6[%dma_start3A_289, %dma_start3A_290] : memref<50000x32xf32, #tpu.memory_space<vmem_shared>> -> memref<50000x32xf32, #tpu.memory_space<vmem_shared>>
        tpu.enqueue_indirect_dma source(%arg7 : memref<128x32xf32, #tpu.memory_space<vmem>>) target(%dma_start3A_291 : memref<50000x32xf32, #tpu.memory_space<vmem_shared>>) offsets(%dma_start3A_288 : memref<128xi32, #tpu.memory_space<vmem>>) semaphore(%run_scoped3A_285 : memref<!tpu.dma_semaphore, #tpu.memory_space<semaphore_mem>>) {add = true}
        %dma_wait3A_292 = arith.constant 0 : i32
        %dma_wait3A_293 = tpu.memref_slice %arg13[%run_scoped3A, %dma_wait3A_292] : memref<5x128xi32, #tpu.memory_space<vmem>> -> memref<1x128xi32, #tpu.memory_space<vmem>>
        %dma_wait3A_294 = tpu.memref_squeeze %dma_wait3A_293 : memref<1x128xi32, #tpu.memory_space<vmem>> -> memref<128xi32, #tpu.memory_space<vmem>>
        %dma_wait3A_295 = arith.constant 0 : i32
        %dma_wait3A_296 = arith.constant 0 : i32
        %dma_wait3A_297 = tpu.memref_slice %arg6[%dma_wait3A_295, %dma_wait3A_296] : memref<50000x32xf32, #tpu.memory_space<vmem_shared>> -> memref<50000x32xf32, #tpu.memory_space<vmem_shared>>
        tpu.wait_indirect_dma semaphore(%run_scoped3A_285 : memref<!tpu.dma_semaphore, #tpu.memory_space<semaphore_mem>>) src(%arg7 : memref<128x32xf32, #tpu.memory_space<vmem>>) dst(%dma_wait3A_297 : memref<50000x32xf32, #tpu.memory_space<vmem_shared>>)
        tpu.yield
      }) : () -> ()
      %dma_wait3A_244 = arith.constant 128 : i32
      %dma_wait3A_245 = tpu.memref_slice %arg12[%dma_wait3A_244] : memref<640xi32, #tpu.memory_space<vmem>> -> memref<128xi32, #tpu.memory_space<vmem>>
      %dma_wait3A_246 = arith.constant 0 : i32
      %dma_wait3A_247 = arith.constant 0 : i32
      %dma_wait3A_248 = tpu.memref_slice %arg3[%arg0, %dma_wait3A_246, %dma_wait3A_247] : memref<2x50000x32xf32, #tpu.memory_space<hbm>> -> memref<1x50000x32xf32, #tpu.memory_space<hbm>>
      %dma_wait3A_249 = tpu.memref_squeeze %dma_wait3A_248 : memref<1x50000x32xf32, #tpu.memory_space<hbm>> -> memref<50000x32xf32, #tpu.memory_space<hbm>>
      %dma_wait3A_250 = arith.constant 0 : i32
      %dma_wait3A_251 = arith.constant 0 : i32
      %dma_wait3A_252 = tpu.memref_slice %dma_wait3A_249[%dma_wait3A_250, %dma_wait3A_251] : memref<50000x32xf32, #tpu.memory_space<hbm>> -> memref<50000x32xf32, #tpu.memory_space<hbm>>
      tpu.wait_indirect_dma semaphore(%arg16 : memref<!tpu.dma_semaphore, #tpu.memory_space<semaphore_mem>>) src(%dma_wait3A_252 : memref<50000x32xf32, #tpu.memory_space<hbm>>) dst(%arg8 : memref<128x32xf32, #tpu.memory_space<vmem>>)
      %run_scoped3A_253 = arith.constant 1 : i32
      "tpu.region"() ({
        %run_scoped3A_285 = tpu.sem_alloc : memref<!tpu.dma_semaphore, #tpu.memory_space<semaphore_mem>>
        %dma_start3A_286 = arith.constant 0 : i32
        %dma_start3A_287 = tpu.memref_slice %arg13[%run_scoped3A_253, %dma_start3A_286] : memref<5x128xi32, #tpu.memory_space<vmem>> -> memref<1x128xi32, #tpu.memory_space<vmem>>
        %dma_start3A_288 = tpu.memref_squeeze %dma_start3A_287 : memref<1x128xi32, #tpu.memory_space<vmem>> -> memref<128xi32, #tpu.memory_space<vmem>>
        %dma_start3A_289 = arith.constant 0 : i32
        %dma_start3A_290 = arith.constant 0 : i32
        %dma_start3A_291 = tpu.memref_slice %arg6[%dma_start3A_289, %dma_start3A_290] : memref<50000x32xf32, #tpu.memory_space<vmem_shared>> -> memref<50000x32xf32, #tpu.memory_space<vmem_shared>>
        tpu.enqueue_indirect_dma source(%arg8 : memref<128x32xf32, #tpu.memory_space<vmem>>) target(%dma_start3A_291 : memref<50000x32xf32, #tpu.memory_space<vmem_shared>>) offsets(%dma_start3A_288 : memref<128xi32, #tpu.memory_space<vmem>>) semaphore(%run_scoped3A_285 : memref<!tpu.dma_semaphore, #tpu.memory_space<semaphore_mem>>) {add = true}
        %dma_wait3A_292 = arith.constant 0 : i32
        %dma_wait3A_293 = tpu.memref_slice %arg13[%run_scoped3A_253, %dma_wait3A_292] : memref<5x128xi32, #tpu.memory_space<vmem>> -> memref<1x128xi32, #tpu.memory_space<vmem>>
        %dma_wait3A_294 = tpu.memref_squeeze %dma_wait3A_293 : memref<1x128xi32, #tpu.memory_space<vmem>> -> memref<128xi32, #tpu.memory_space<vmem>>
        %dma_wait3A_295 = arith.constant 0 : i32
        %dma_wait3A_296 = arith.constant 0 : i32
        %dma_wait3A_297 = tpu.memref_slice %arg6[%dma_wait3A_295, %dma_wait3A_296] : memref<50000x32xf32, #tpu.memory_space<vmem_shared>> -> memref<50000x32xf32, #tpu.memory_space<vmem_shared>>
        tpu.wait_indirect_dma semaphore(%run_scoped3A_285 : memref<!tpu.dma_semaphore, #tpu.memory_space<semaphore_mem>>) src(%arg8 : memref<128x32xf32, #tpu.memory_space<vmem>>) dst(%dma_wait3A_297 : memref<50000x32xf32, #tpu.memory_space<vmem_shared>>)
        tpu.yield
      }) : () -> ()
      %dma_wait3A_254 = arith.constant 256 : i32
      %dma_wait3A_255 = tpu.memref_slice %arg12[%dma_wait3A_254] : memref<640xi32, #tpu.memory_space<vmem>> -> memref<128xi32, #tpu.memory_space<vmem>>
      %dma_wait3A_256 = arith.constant 0 : i32
      %dma_wait3A_257 = arith.constant 0 : i32
      %dma_wait3A_258 = tpu.memref_slice %arg3[%arg0, %dma_wait3A_256, %dma_wait3A_257] : memref<2x50000x32xf32, #tpu.memory_space<hbm>> -> memref<1x50000x32xf32, #tpu.memory_space<hbm>>
      %dma_wait3A_259 = tpu.memref_squeeze %dma_wait3A_258 : memref<1x50000x32xf32, #tpu.memory_space<hbm>> -> memref<50000x32xf32, #tpu.memory_space<hbm>>
      %dma_wait3A_260 = arith.constant 0 : i32
      %dma_wait3A_261 = arith.constant 0 : i32
      %dma_wait3A_262 = tpu.memref_slice %dma_wait3A_259[%dma_wait3A_260, %dma_wait3A_261] : memref<50000x32xf32, #tpu.memory_space<hbm>> -> memref<50000x32xf32, #tpu.memory_space<hbm>>
      tpu.wait_indirect_dma semaphore(%arg16 : memref<!tpu.dma_semaphore, #tpu.memory_space<semaphore_mem>>) src(%dma_wait3A_262 : memref<50000x32xf32, #tpu.memory_space<hbm>>) dst(%arg9 : memref<128x32xf32, #tpu.memory_space<vmem>>)
      %run_scoped3A_263 = arith.constant 2 : i32
      "tpu.region"() ({
        %run_scoped3A_285 = tpu.sem_alloc : memref<!tpu.dma_semaphore, #tpu.memory_space<semaphore_mem>>
        %dma_start3A_286 = arith.constant 0 : i32
        %dma_start3A_287 = tpu.memref_slice %arg13[%run_scoped3A_263, %dma_start3A_286] : memref<5x128xi32, #tpu.memory_space<vmem>> -> memref<1x128xi32, #tpu.memory_space<vmem>>
        %dma_start3A_288 = tpu.memref_squeeze %dma_start3A_287 : memref<1x128xi32, #tpu.memory_space<vmem>> -> memref<128xi32, #tpu.memory_space<vmem>>
        %dma_start3A_289 = arith.constant 0 : i32
        %dma_start3A_290 = arith.constant 0 : i32
        %dma_start3A_291 = tpu.memref_slice %arg6[%dma_start3A_289, %dma_start3A_290] : memref<50000x32xf32, #tpu.memory_space<vmem_shared>> -> memref<50000x32xf32, #tpu.memory_space<vmem_shared>>
        tpu.enqueue_indirect_dma source(%arg9 : memref<128x32xf32, #tpu.memory_space<vmem>>) target(%dma_start3A_291 : memref<50000x32xf32, #tpu.memory_space<vmem_shared>>) offsets(%dma_start3A_288 : memref<128xi32, #tpu.memory_space<vmem>>) semaphore(%run_scoped3A_285 : memref<!tpu.dma_semaphore, #tpu.memory_space<semaphore_mem>>) {add = true}
        %dma_wait3A_292 = arith.constant 0 : i32
        %dma_wait3A_293 = tpu.memref_slice %arg13[%run_scoped3A_263, %dma_wait3A_292] : memref<5x128xi32, #tpu.memory_space<vmem>> -> memref<1x128xi32, #tpu.memory_space<vmem>>
        %dma_wait3A_294 = tpu.memref_squeeze %dma_wait3A_293 : memref<1x128xi32, #tpu.memory_space<vmem>> -> memref<128xi32, #tpu.memory_space<vmem>>
        %dma_wait3A_295 = arith.constant 0 : i32
        %dma_wait3A_296 = arith.constant 0 : i32
        %dma_wait3A_297 = tpu.memref_slice %arg6[%dma_wait3A_295, %dma_wait3A_296] : memref<50000x32xf32, #tpu.memory_space<vmem_shared>> -> memref<50000x32xf32, #tpu.memory_space<vmem_shared>>
        tpu.wait_indirect_dma semaphore(%run_scoped3A_285 : memref<!tpu.dma_semaphore, #tpu.memory_space<semaphore_mem>>) src(%arg9 : memref<128x32xf32, #tpu.memory_space<vmem>>) dst(%dma_wait3A_297 : memref<50000x32xf32, #tpu.memory_space<vmem_shared>>)
        tpu.yield
      }) : () -> ()
      %dma_wait3A_264 = arith.constant 384 : i32
      %dma_wait3A_265 = tpu.memref_slice %arg12[%dma_wait3A_264] : memref<640xi32, #tpu.memory_space<vmem>> -> memref<128xi32, #tpu.memory_space<vmem>>
      %dma_wait3A_266 = arith.constant 0 : i32
      %dma_wait3A_267 = arith.constant 0 : i32
      %dma_wait3A_268 = tpu.memref_slice %arg3[%arg0, %dma_wait3A_266, %dma_wait3A_267] : memref<2x50000x32xf32, #tpu.memory_space<hbm>> -> memref<1x50000x32xf32, #tpu.memory_space<hbm>>
      %dma_wait3A_269 = tpu.memref_squeeze %dma_wait3A_268 : memref<1x50000x32xf32, #tpu.memory_space<hbm>> -> memref<50000x32xf32, #tpu.memory_space<hbm>>
      %dma_wait3A_270 = arith.constant 0 : i32
      %dma_wait3A_271 = arith.constant 0 : i32
      %dma_wait3A_272 = tpu.memref_slice %dma_wait3A_269[%dma_wait3A_270, %dma_wait3A_271] : memref<50000x32xf32, #tpu.memory_space<hbm>> -> memref<50000x32xf32, #tpu.memory_space<hbm>>
      tpu.wait_indirect_dma semaphore(%arg16 : memref<!tpu.dma_semaphore, #tpu.memory_space<semaphore_mem>>) src(%dma_wait3A_272 : memref<50000x32xf32, #tpu.memory_space<hbm>>) dst(%arg10 : memref<128x32xf32, #tpu.memory_space<vmem>>)
      %run_scoped3A_273 = arith.constant 3 : i32
      "tpu.region"() ({
        %run_scoped3A_285 = tpu.sem_alloc : memref<!tpu.dma_semaphore, #tpu.memory_space<semaphore_mem>>
        %dma_start3A_286 = arith.constant 0 : i32
        %dma_start3A_287 = tpu.memref_slice %arg13[%run_scoped3A_273, %dma_start3A_286] : memref<5x128xi32, #tpu.memory_space<vmem>> -> memref<1x128xi32, #tpu.memory_space<vmem>>
        %dma_start3A_288 = tpu.memref_squeeze %dma_start3A_287 : memref<1x128xi32, #tpu.memory_space<vmem>> -> memref<128xi32, #tpu.memory_space<vmem>>
        %dma_start3A_289 = arith.constant 0 : i32
        %dma_start3A_290 = arith.constant 0 : i32
        %dma_start3A_291 = tpu.memref_slice %arg6[%dma_start3A_289, %dma_start3A_290] : memref<50000x32xf32, #tpu.memory_space<vmem_shared>> -> memref<50000x32xf32, #tpu.memory_space<vmem_shared>>
        tpu.enqueue_indirect_dma source(%arg10 : memref<128x32xf32, #tpu.memory_space<vmem>>) target(%dma_start3A_291 : memref<50000x32xf32, #tpu.memory_space<vmem_shared>>) offsets(%dma_start3A_288 : memref<128xi32, #tpu.memory_space<vmem>>) semaphore(%run_scoped3A_285 : memref<!tpu.dma_semaphore, #tpu.memory_space<semaphore_mem>>) {add = true}
        %dma_wait3A_292 = arith.constant 0 : i32
        %dma_wait3A_293 = tpu.memref_slice %arg13[%run_scoped3A_273, %dma_wait3A_292] : memref<5x128xi32, #tpu.memory_space<vmem>> -> memref<1x128xi32, #tpu.memory_space<vmem>>
        %dma_wait3A_294 = tpu.memref_squeeze %dma_wait3A_293 : memref<1x128xi32, #tpu.memory_space<vmem>> -> memref<128xi32, #tpu.memory_space<vmem>>
        %dma_wait3A_295 = arith.constant 0 : i32
        %dma_wait3A_296 = arith.constant 0 : i32
        %dma_wait3A_297 = tpu.memref_slice %arg6[%dma_wait3A_295, %dma_wait3A_296] : memref<50000x32xf32, #tpu.memory_space<vmem_shared>> -> memref<50000x32xf32, #tpu.memory_space<vmem_shared>>
        tpu.wait_indirect_dma semaphore(%run_scoped3A_285 : memref<!tpu.dma_semaphore, #tpu.memory_space<semaphore_mem>>) src(%arg10 : memref<128x32xf32, #tpu.memory_space<vmem>>) dst(%dma_wait3A_297 : memref<50000x32xf32, #tpu.memory_space<vmem_shared>>)
        tpu.yield
      }) : () -> ()
      %dma_wait3A_274 = arith.constant 512 : i32
      %dma_wait3A_275 = tpu.memref_slice %arg12[%dma_wait3A_274] : memref<640xi32, #tpu.memory_space<vmem>> -> memref<128xi32, #tpu.memory_space<vmem>>
      %dma_wait3A_276 = arith.constant 0 : i32
      %dma_wait3A_277 = arith.constant 0 : i32
      %dma_wait3A_278 = tpu.memref_slice %arg3[%arg0, %dma_wait3A_276, %dma_wait3A_277] : memref<2x50000x32xf32, #tpu.memory_space<hbm>> -> memref<1x50000x32xf32, #tpu.memory_space<hbm>>
      %dma_wait3A_279 = tpu.memref_squeeze %dma_wait3A_278 : memref<1x50000x32xf32, #tpu.memory_space<hbm>> -> memref<50000x32xf32, #tpu.memory_space<hbm>>
      %dma_wait3A_280 = arith.constant 0 : i32
      %dma_wait3A_281 = arith.constant 0 : i32
      %dma_wait3A_282 = tpu.memref_slice %dma_wait3A_279[%dma_wait3A_280, %dma_wait3A_281] : memref<50000x32xf32, #tpu.memory_space<hbm>> -> memref<50000x32xf32, #tpu.memory_space<hbm>>
      tpu.wait_indirect_dma semaphore(%arg16 : memref<!tpu.dma_semaphore, #tpu.memory_space<semaphore_mem>>) src(%dma_wait3A_282 : memref<50000x32xf32, #tpu.memory_space<hbm>>) dst(%arg11 : memref<128x32xf32, #tpu.memory_space<vmem>>)
      %run_scoped3A_283 = arith.constant 4 : i32
      "tpu.region"() ({
        %run_scoped3A_285 = tpu.sem_alloc : memref<!tpu.dma_semaphore, #tpu.memory_space<semaphore_mem>>
        %dma_start3A_286 = arith.constant 0 : i32
        %dma_start3A_287 = tpu.memref_slice %arg13[%run_scoped3A_283, %dma_start3A_286] : memref<5x128xi32, #tpu.memory_space<vmem>> -> memref<1x128xi32, #tpu.memory_space<vmem>>
        %dma_start3A_288 = tpu.memref_squeeze %dma_start3A_287 : memref<1x128xi32, #tpu.memory_space<vmem>> -> memref<128xi32, #tpu.memory_space<vmem>>
        %dma_start3A_289 = arith.constant 0 : i32
        %dma_start3A_290 = arith.constant 0 : i32
        %dma_start3A_291 = tpu.memref_slice %arg6[%dma_start3A_289, %dma_start3A_290] : memref<50000x32xf32, #tpu.memory_space<vmem_shared>> -> memref<50000x32xf32, #tpu.memory_space<vmem_shared>>
        tpu.enqueue_indirect_dma source(%arg11 : memref<128x32xf32, #tpu.memory_space<vmem>>) target(%dma_start3A_291 : memref<50000x32xf32, #tpu.memory_space<vmem_shared>>) offsets(%dma_start3A_288 : memref<128xi32, #tpu.memory_space<vmem>>) semaphore(%run_scoped3A_285 : memref<!tpu.dma_semaphore, #tpu.memory_space<semaphore_mem>>) {add = true}
        %dma_wait3A_292 = arith.constant 0 : i32
        %dma_wait3A_293 = tpu.memref_slice %arg13[%run_scoped3A_283, %dma_wait3A_292] : memref<5x128xi32, #tpu.memory_space<vmem>> -> memref<1x128xi32, #tpu.memory_space<vmem>>
        %dma_wait3A_294 = tpu.memref_squeeze %dma_wait3A_293 : memref<1x128xi32, #tpu.memory_space<vmem>> -> memref<128xi32, #tpu.memory_space<vmem>>
        %dma_wait3A_295 = arith.constant 0 : i32
        %dma_wait3A_296 = arith.constant 0 : i32
        %dma_wait3A_297 = tpu.memref_slice %arg6[%dma_wait3A_295, %dma_wait3A_296] : memref<50000x32xf32, #tpu.memory_space<vmem_shared>> -> memref<50000x32xf32, #tpu.memory_space<vmem_shared>>
        tpu.wait_indirect_dma semaphore(%run_scoped3A_285 : memref<!tpu.dma_semaphore, #tpu.memory_space<semaphore_mem>>) src(%arg11 : memref<128x32xf32, #tpu.memory_space<vmem>>) dst(%dma_wait3A_297 : memref<50000x32xf32, #tpu.memory_space<vmem_shared>>)
        tpu.yield
      }) : () -> ()
      %while3A_284 = arith.constant 0 : i32
      scf.yield %while3A_284 : i32
    }
    %barrier3A_33 = arith.constant 0 : index
    tpu.barrier barrier_id(%barrier3A_33)
    %while3A_34 = arith.constant 0 : i32
    %while3A_35 = arith.constant 0 : i32
    %while3A_36 = arith.subi %add3A_2, %while3A_34 : i32
    %while3A_37 = arith.addi %while3A_34, %while3A_36 : i32
    %while3A_38 = arith.constant 1 : i32
    %while3A_39 = arith.divsi %while3A_36, %while3A_38 : i32
    %while3A_40 = arith.muli %while3A_39, %while3A_38 : i32
    %while3A_41 = arith.addi %while3A_34, %while3A_40 : i32
    %while3A_42 = arith.constant 1 : i32
    %while3A_43 = scf.for %while3A_46 = %while3A_34 to %while3A_41 step %while3A_42 iter_args(%while3A_47 = %while3A_35) -> (i32)  : i32 {
      %mul3A = arith.constant 16 : i32
      %mul3A_48 = arith.muli %mul3A, %while3A_46 : i32
      %add3A_49 = arith.addi %arg1, %mul3A_48 : i32
      %mul3A_50 = arith.constant 200 : i32
      %mul3A_51 = arith.muli %add3A_49, %mul3A_50 : i32
      "tpu.region"() ({
        %run_scoped3A = tpu.sem_alloc : memref<!tpu.dma_semaphore, #tpu.memory_space<semaphore_mem>>
        %dma_start3A = arith.constant 0 : i32
        %dma_start3A_53 = tpu.memref_slice %arg6[%mul3A_51, %dma_start3A] : memref<50000x32xf32, #tpu.memory_space<vmem_shared>> -> memref<200x32xf32, #tpu.memory_space<vmem_shared>>
        %dma_start3A_54 = arith.constant 0 : i32
        %dma_start3A_55 = tpu.memref_slice %arg6[%mul3A_51, %dma_start3A_54] : memref<50000x32xf32, #tpu.memory_space<vmem_shared>> -> memref<200x32xf32, #tpu.memory_space<vmem_shared>>
        tpu.enqueue_dma source(%dma_start3A_55 : memref<200x32xf32, #tpu.memory_space<vmem_shared>>) target(%arg14 : memref<200x32xf32, #tpu.memory_space<vmem>>) target_semaphore(%run_scoped3A : memref<!tpu.dma_semaphore, #tpu.memory_space<semaphore_mem>>)
        %dma_wait3A = arith.constant 0 : i32
        %dma_wait3A_56 = tpu.memref_slice %arg6[%mul3A_51, %dma_wait3A] : memref<50000x32xf32, #tpu.memory_space<vmem_shared>> -> memref<200x32xf32, #tpu.memory_space<vmem_shared>>
        %dma_wait3A_57 = arith.constant 0 : i32
        %dma_wait3A_58 = tpu.memref_slice %arg6[%mul3A_51, %dma_wait3A_57] : memref<50000x32xf32, #tpu.memory_space<vmem_shared>> -> memref<200x32xf32, #tpu.memory_space<vmem_shared>>
        tpu.wait_dma2 semaphore(%run_scoped3A : memref<!tpu.dma_semaphore, #tpu.memory_space<semaphore_mem>>) src(%dma_wait3A_58 : memref<200x32xf32, #tpu.memory_space<vmem_shared>>) dst(%arg14 : memref<200x32xf32, #tpu.memory_space<vmem>>)
        tpu.yield
      }) : () -> ()
      "tpu.region"() ({
        %run_scoped3A = tpu.sem_alloc : memref<!tpu.dma_semaphore, #tpu.memory_space<semaphore_mem>>
        %dma_start3A = arith.constant 0 : i32
        %dma_start3A_53 = tpu.memref_slice %arg5[%arg0, %mul3A_51, %dma_start3A] : memref<2x50000x32xf32, #tpu.memory_space<hbm>> -> memref<1x200x32xf32, #tpu.memory_space<hbm>>
        %dma_start3A_54 = tpu.memref_squeeze %dma_start3A_53 : memref<1x200x32xf32, #tpu.memory_space<hbm>> -> memref<200x32xf32, #tpu.memory_space<hbm>>
        %dma_start3A_55 = arith.constant 0 : i32
        %dma_start3A_56 = tpu.memref_slice %arg5[%arg0, %mul3A_51, %dma_start3A_55] : memref<2x50000x32xf32, #tpu.memory_space<hbm>> -> memref<1x200x32xf32, #tpu.memory_space<hbm>>
        %dma_start3A_57 = tpu.memref_squeeze %dma_start3A_56 : memref<1x200x32xf32, #tpu.memory_space<hbm>> -> memref<200x32xf32, #tpu.memory_space<hbm>>
        tpu.enqueue_dma source(%arg14 : memref<200x32xf32, #tpu.memory_space<vmem>>) target(%dma_start3A_57 : memref<200x32xf32, #tpu.memory_space<hbm>>) target_semaphore(%run_scoped3A : memref<!tpu.dma_semaphore, #tpu.memory_space<semaphore_mem>>)
        %dma_wait3A = arith.constant 0 : i32
        %dma_wait3A_58 = tpu.memref_slice %arg5[%arg0, %mul3A_51, %dma_wait3A] : memref<2x50000x32xf32, #tpu.memory_space<hbm>> -> memref<1x200x32xf32, #tpu.memory_space<hbm>>
        %dma_wait3A_59 = tpu.memref_squeeze %dma_wait3A_58 : memref<1x200x32xf32, #tpu.memory_space<hbm>> -> memref<200x32xf32, #tpu.memory_space<hbm>>
        %dma_wait3A_60 = arith.constant 0 : i32
        %dma_wait3A_61 = tpu.memref_slice %arg5[%arg0, %mul3A_51, %dma_wait3A_60] : memref<2x50000x32xf32, #tpu.memory_space<hbm>> -> memref<1x200x32xf32, #tpu.memory_space<hbm>>
        %dma_wait3A_62 = tpu.memref_squeeze %dma_wait3A_61 : memref<1x200x32xf32, #tpu.memory_space<hbm>> -> memref<200x32xf32, #tpu.memory_space<hbm>>
        tpu.wait_dma2 semaphore(%run_scoped3A : memref<!tpu.dma_semaphore, #tpu.memory_space<semaphore_mem>>) src(%arg14 : memref<200x32xf32, #tpu.memory_space<vmem>>) dst(%dma_wait3A_62 : memref<200x32xf32, #tpu.memory_space<hbm>>)
        tpu.yield
      }) : () -> ()
      %while3A_52 = arith.constant 0 : i32
      scf.yield %while3A_52 : i32
    }
    %while3A_44 = arith.constant 1 : i32
    %while3A_45 = scf.for %while3A_46 = %while3A_41 to %while3A_37 step %while3A_44 iter_args(%while3A_47 = %while3A_43) -> (i32)  : i32 {
      %mul3A = arith.constant 16 : i32
      %mul3A_48 = arith.muli %mul3A, %while3A_46 : i32
      %add3A_49 = arith.addi %arg1, %mul3A_48 : i32
      %mul3A_50 = arith.constant 200 : i32
      %mul3A_51 = arith.muli %add3A_49, %mul3A_50 : i32
      "tpu.region"() ({
        %run_scoped3A = tpu.sem_alloc : memref<!tpu.dma_semaphore, #tpu.memory_space<semaphore_mem>>
        %dma_start3A = arith.constant 0 : i32
        %dma_start3A_53 = tpu.memref_slice %arg6[%mul3A_51, %dma_start3A] : memref<50000x32xf32, #tpu.memory_space<vmem_shared>> -> memref<200x32xf32, #tpu.memory_space<vmem_shared>>
        %dma_start3A_54 = arith.constant 0 : i32
        %dma_start3A_55 = tpu.memref_slice %arg6[%mul3A_51, %dma_start3A_54] : memref<50000x32xf32, #tpu.memory_space<vmem_shared>> -> memref<200x32xf32, #tpu.memory_space<vmem_shared>>
        tpu.enqueue_dma source(%dma_start3A_55 : memref<200x32xf32, #tpu.memory_space<vmem_shared>>) target(%arg14 : memref<200x32xf32, #tpu.memory_space<vmem>>) target_semaphore(%run_scoped3A : memref<!tpu.dma_semaphore, #tpu.memory_space<semaphore_mem>>)
        %dma_wait3A = arith.constant 0 : i32
        %dma_wait3A_56 = tpu.memref_slice %arg6[%mul3A_51, %dma_wait3A] : memref<50000x32xf32, #tpu.memory_space<vmem_shared>> -> memref<200x32xf32, #tpu.memory_space<vmem_shared>>
        %dma_wait3A_57 = arith.constant 0 : i32
        %dma_wait3A_58 = tpu.memref_slice %arg6[%mul3A_51, %dma_wait3A_57] : memref<50000x32xf32, #tpu.memory_space<vmem_shared>> -> memref<200x32xf32, #tpu.memory_space<vmem_shared>>
        tpu.wait_dma2 semaphore(%run_scoped3A : memref<!tpu.dma_semaphore, #tpu.memory_space<semaphore_mem>>) src(%dma_wait3A_58 : memref<200x32xf32, #tpu.memory_space<vmem_shared>>) dst(%arg14 : memref<200x32xf32, #tpu.memory_space<vmem>>)
        tpu.yield
      }) : () -> ()
      "tpu.region"() ({
        %run_scoped3A = tpu.sem_alloc : memref<!tpu.dma_semaphore, #tpu.memory_space<semaphore_mem>>
        %dma_start3A = arith.constant 0 : i32
        %dma_start3A_53 = tpu.memref_slice %arg5[%arg0, %mul3A_51, %dma_start3A] : memref<2x50000x32xf32, #tpu.memory_space<hbm>> -> memref<1x200x32xf32, #tpu.memory_space<hbm>>
        %dma_start3A_54 = tpu.memref_squeeze %dma_start3A_53 : memref<1x200x32xf32, #tpu.memory_space<hbm>> -> memref<200x32xf32, #tpu.memory_space<hbm>>
        %dma_start3A_55 = arith.constant 0 : i32
        %dma_start3A_56 = tpu.memref_slice %arg5[%arg0, %mul3A_51, %dma_start3A_55] : memref<2x50000x32xf32, #tpu.memory_space<hbm>> -> memref<1x200x32xf32, #tpu.memory_space<hbm>>
        %dma_start3A_57 = tpu.memref_squeeze %dma_start3A_56 : memref<1x200x32xf32, #tpu.memory_space<hbm>> -> memref<200x32xf32, #tpu.memory_space<hbm>>
        tpu.enqueue_dma source(%arg14 : memref<200x32xf32, #tpu.memory_space<vmem>>) target(%dma_start3A_57 : memref<200x32xf32, #tpu.memory_space<hbm>>) target_semaphore(%run_scoped3A : memref<!tpu.dma_semaphore, #tpu.memory_space<semaphore_mem>>)
        %dma_wait3A = arith.constant 0 : i32
        %dma_wait3A_58 = tpu.memref_slice %arg5[%arg0, %mul3A_51, %dma_wait3A] : memref<2x50000x32xf32, #tpu.memory_space<hbm>> -> memref<1x200x32xf32, #tpu.memory_space<hbm>>
        %dma_wait3A_59 = tpu.memref_squeeze %dma_wait3A_58 : memref<1x200x32xf32, #tpu.memory_space<hbm>> -> memref<200x32xf32, #tpu.memory_space<hbm>>
        %dma_wait3A_60 = arith.constant 0 : i32
        %dma_wait3A_61 = tpu.memref_slice %arg5[%arg0, %mul3A_51, %dma_wait3A_60] : memref<2x50000x32xf32, #tpu.memory_space<hbm>> -> memref<1x200x32xf32, #tpu.memory_space<hbm>>
        %dma_wait3A_62 = tpu.memref_squeeze %dma_wait3A_61 : memref<1x200x32xf32, #tpu.memory_space<hbm>> -> memref<200x32xf32, #tpu.memory_space<hbm>>
        tpu.wait_dma2 semaphore(%run_scoped3A : memref<!tpu.dma_semaphore, #tpu.memory_space<semaphore_mem>>) src(%arg14 : memref<200x32xf32, #tpu.memory_space<vmem>>) dst(%dma_wait3A_62 : memref<200x32xf32, #tpu.memory_space<hbm>>)
        tpu.yield
      }) : () -> ()
      %while3A_52 = arith.constant 0 : i32
      scf.yield %while3A_52 : i32
    }
    return
  }
}

module attributes {stable_mosaic.version = 14 : i64} {
  func.func @_k1_body(%arg0: memref<2x6250x128xf32, #tpu.memory_space<vmem>>, %arg1: memref<6250x128xf32, #tpu.memory_space<vmem>>, %arg2: memref<2x128x256xf32, #tpu.memory_space<vmem>>, %arg3: memref<2x128x256xf32, #tpu.memory_space<vmem>>, %arg4: memref<1x512xf32, #tpu.memory_space<vmem>>, %arg5: memref<6250x256xf32, #tpu.memory_space<vmem>>, %arg6: memref<6250x256xf32, #tpu.memory_space<vmem>>) attributes {dimension_semantics = [], scalar_prefetch = 0 : i64, scratch_operands = 0 : i64, tpu.core_type = #tpu.core_type<tc>} {
    %get3A = arith.constant 0 : index
    %get3A_0 = arith.constant 0 : index
    %get3A_1 = arith.constant 0 : index
    %get3A_2 = vector.load %arg0[%get3A, %get3A_0, %get3A_1] : memref<2x6250x128xf32, #tpu.memory_space<vmem>>, vector<1x6250x128xf32>
    %get3A_3 = vector.shape_cast %get3A_2 : vector<1x6250x128xf32> to vector<6250x128xf32>
    %get3A_4 = arith.constant 1 : index
    %get3A_5 = arith.constant 0 : index
    %get3A_6 = arith.constant 0 : index
    %get3A_7 = vector.load %arg0[%get3A_4, %get3A_5, %get3A_6] : memref<2x6250x128xf32, #tpu.memory_space<vmem>>, vector<1x6250x128xf32>
    %get3A_8 = vector.shape_cast %get3A_7 : vector<1x6250x128xf32> to vector<6250x128xf32>
    %add3A = arith.addf %get3A_3, %get3A_8 : vector<6250x128xf32>
    %get3A_9 = arith.constant 0 : index
    %get3A_10 = arith.constant 0 : index
    %get3A_11 = vector.load %arg1[%get3A_9, %get3A_10] : memref<6250x128xf32, #tpu.memory_space<vmem>>, vector<6250x128xf32>
    %get3A_12 = arith.constant 0 : index
    %get3A_13 = arith.constant 0 : index
    %get3A_14 = arith.constant 0 : index
    %get3A_15 = vector.load %arg2[%get3A_12, %get3A_13, %get3A_14] : memref<2x128x256xf32, #tpu.memory_space<vmem>>, vector<1x128x256xf32>
    %get3A_16 = vector.shape_cast %get3A_15 : vector<1x128x256xf32> to vector<128x256xf32>
    %dot_general3A = arith.constant dense<0.000000e+00> : vector<6250x256xf32>
    %dot_general3A_17 = tpu.matmul %get3A_11, %get3A_16, %dot_general3A {dimension_numbers = #tpu.dot_dimension_numbers<[1], [0], [0], [1], [0, 0, 1, 1], [], []>, transpose_lhs_hint = false} : vector<6250x128xf32>, vector<128x256xf32>, vector<6250x256xf32> -> vector<6250x256xf32>
    %get3A_18 = arith.constant 0 : index
    %get3A_19 = arith.constant 0 : index
    %get3A_20 = arith.constant 0 : index
    %get3A_21 = vector.load %arg3[%get3A_18, %get3A_19, %get3A_20] : memref<2x128x256xf32, #tpu.memory_space<vmem>>, vector<1x128x256xf32>
    %get3A_22 = vector.shape_cast %get3A_21 : vector<1x128x256xf32> to vector<128x256xf32>
    %dot_general3A_23 = arith.constant dense<0.000000e+00> : vector<6250x256xf32>
    %dot_general3A_24 = tpu.matmul %add3A, %get3A_22, %dot_general3A_23 {dimension_numbers = #tpu.dot_dimension_numbers<[1], [0], [0], [1], [0, 0, 1, 1], [], []>, transpose_lhs_hint = false} : vector<6250x128xf32>, vector<128x256xf32>, vector<6250x256xf32> -> vector<6250x256xf32>
    %add3A_25 = arith.addf %dot_general3A_17, %dot_general3A_24 : vector<6250x256xf32>
    %get3A_26 = arith.constant 0 : index
    %get3A_27 = arith.constant 0 : index
    %get3A_28 = vector.load %arg4[%get3A_26, %get3A_27] : memref<1x512xf32, #tpu.memory_space<vmem>>, vector<1x256xf32>
    %add3A_29 = vector.broadcast %get3A_28 : vector<1x256xf32> to vector<6250x256xf32>
    %add3A_30 = arith.addf %add3A_25, %add3A_29 : vector<6250x256xf32>
    %get3A_31 = arith.constant 1 : index
    %get3A_32 = arith.constant 0 : index
    %get3A_33 = arith.constant 0 : index
    %get3A_34 = vector.load %arg2[%get3A_31, %get3A_32, %get3A_33] : memref<2x128x256xf32, #tpu.memory_space<vmem>>, vector<1x128x256xf32>
    %get3A_35 = vector.shape_cast %get3A_34 : vector<1x128x256xf32> to vector<128x256xf32>
    %dot_general3A_36 = arith.constant dense<0.000000e+00> : vector<6250x256xf32>
    %dot_general3A_37 = tpu.matmul %get3A_11, %get3A_35, %dot_general3A_36 {dimension_numbers = #tpu.dot_dimension_numbers<[1], [0], [0], [1], [0, 0, 1, 1], [], []>, transpose_lhs_hint = false} : vector<6250x128xf32>, vector<128x256xf32>, vector<6250x256xf32> -> vector<6250x256xf32>
    %get3A_38 = arith.constant 1 : index
    %get3A_39 = arith.constant 0 : index
    %get3A_40 = arith.constant 0 : index
    %get3A_41 = vector.load %arg3[%get3A_38, %get3A_39, %get3A_40] : memref<2x128x256xf32, #tpu.memory_space<vmem>>, vector<1x128x256xf32>
    %get3A_42 = vector.shape_cast %get3A_41 : vector<1x128x256xf32> to vector<128x256xf32>
    %dot_general3A_43 = arith.constant dense<0.000000e+00> : vector<6250x256xf32>
    %dot_general3A_44 = tpu.matmul %add3A, %get3A_42, %dot_general3A_43 {dimension_numbers = #tpu.dot_dimension_numbers<[1], [0], [0], [1], [0, 0, 1, 1], [], []>, transpose_lhs_hint = false} : vector<6250x128xf32>, vector<128x256xf32>, vector<6250x256xf32> -> vector<6250x256xf32>
    %add3A_45 = arith.addf %dot_general3A_37, %dot_general3A_44 : vector<6250x256xf32>
    %get3A_46 = arith.constant 0 : index
    %get3A_47 = arith.constant 256 : index
    %get3A_48 = vector.load %arg4[%get3A_46, %get3A_47] : memref<1x512xf32, #tpu.memory_space<vmem>>, vector<1x256xf32>
    %add3A_49 = vector.broadcast %get3A_48 : vector<1x256xf32> to vector<6250x256xf32>
    %add3A_50 = arith.addf %add3A_45, %add3A_49 : vector<6250x256xf32>
    %max3A = arith.constant 0.000000e+00 : f32
    %max3A_51 = vector.broadcast %max3A : f32 to vector<6250x256xf32>
    %max3A_52 = arith.maximumf %add3A_30, %max3A_51 : vector<6250x256xf32>
    %swap3A = arith.constant 0 : index
    %swap3A_53 = arith.constant 0 : index
    %swap3A_54 = vector.load %arg5[%swap3A, %swap3A_53] : memref<6250x256xf32, #tpu.memory_space<vmem>>, vector<6250x256xf32>
    tpu.vector_store %arg5[%swap3A, %swap3A_53], %max3A_52 {strides = array<i32>} : memref<6250x256xf32, #tpu.memory_space<vmem>>, vector<6250x256xf32>,
    %max3A_55 = arith.constant 0.000000e+00 : f32
    %max3A_56 = vector.broadcast %max3A_55 : f32 to vector<6250x256xf32>
    %max3A_57 = arith.maximumf %add3A_50, %max3A_56 : vector<6250x256xf32>
    %swap3A_58 = arith.constant 0 : index
    %swap3A_59 = arith.constant 0 : index
    %swap3A_60 = vector.load %arg6[%swap3A_58, %swap3A_59] : memref<6250x256xf32, #tpu.memory_space<vmem>>, vector<6250x256xf32>
    tpu.vector_store %arg6[%swap3A_58, %swap3A_59], %max3A_57 {strides = array<i32>} : memref<6250x256xf32, #tpu.memory_space<vmem>>, vector<6250x256xf32>,
    return
  }
}

module attributes {stable_mosaic.version = 14 : i64} {
  func.func @_k2a_body(%arg0: memref<50x1xi32, #tpu.memory_space<smem>>, %arg1: memref<6250x128xf32, #tpu.memory_space<vmem>>, %arg2: memref<2x6250x128xf32, #tpu.memory_space<vmem>>, %arg3: memref<2x6250x256xf32, #tpu.memory_space<vmem>>, %arg4: memref<128x512xf32, #tpu.memory_space<vmem>>, %arg5: memref<128x512xf32, #tpu.memory_space<vmem>>, %arg6: memref<2x256x512xf32, #tpu.memory_space<vmem>>, %arg7: memref<1x512xf32, #tpu.memory_space<vmem>>, %arg8: memref<50x512xf32, #tpu.memory_space<vmem>>, %arg9: memref<50x512xf32, #tpu.memory_space<vmem>>, %arg10: memref<6250x512xf32, #tpu.memory_space<vmem>>) attributes {dimension_semantics = [], scalar_prefetch = 0 : i64, scratch_operands = 1 : i64, tpu.core_type = #tpu.core_type<tc>} {
    %get3A = arith.constant 0 : index
    %get3A_0 = arith.constant 0 : index
    %get3A_1 = arith.constant 0 : index
    %get3A_2 = vector.load %arg2[%get3A, %get3A_0, %get3A_1] : memref<2x6250x128xf32, #tpu.memory_space<vmem>>, vector<1x6250x128xf32>
    %get3A_3 = vector.shape_cast %get3A_2 : vector<1x6250x128xf32> to vector<6250x128xf32>
    %get3A_4 = arith.constant 1 : index
    %get3A_5 = arith.constant 0 : index
    %get3A_6 = arith.constant 0 : index
    %get3A_7 = vector.load %arg2[%get3A_4, %get3A_5, %get3A_6] : memref<2x6250x128xf32, #tpu.memory_space<vmem>>, vector<1x6250x128xf32>
    %get3A_8 = vector.shape_cast %get3A_7 : vector<1x6250x128xf32> to vector<6250x128xf32>
    %add3A = arith.addf %get3A_3, %get3A_8 : vector<6250x128xf32>
    %get3A_9 = arith.constant 0 : index
    %get3A_10 = arith.constant 0 : index
    %get3A_11 = vector.load %arg1[%get3A_9, %get3A_10] : memref<6250x128xf32, #tpu.memory_space<vmem>>, vector<6250x128xf32>
    %get3A_12 = arith.constant 0 : index
    %get3A_13 = arith.constant 0 : index
    %get3A_14 = vector.load %arg4[%get3A_12, %get3A_13] : memref<128x512xf32, #tpu.memory_space<vmem>>, vector<128x512xf32>
    %dot_general3A = arith.constant dense<0.000000e+00> : vector<6250x512xf32>
    %dot_general3A_15 = tpu.matmul %get3A_11, %get3A_14, %dot_general3A {dimension_numbers = #tpu.dot_dimension_numbers<[1], [0], [0], [1], [0, 0, 1, 1], [], []>, transpose_lhs_hint = false} : vector<6250x128xf32>, vector<128x512xf32>, vector<6250x512xf32> -> vector<6250x512xf32>
    %get3A_16 = arith.constant 0 : index
    %get3A_17 = arith.constant 0 : index
    %get3A_18 = vector.load %arg5[%get3A_16, %get3A_17] : memref<128x512xf32, #tpu.memory_space<vmem>>, vector<128x512xf32>
    %dot_general3A_19 = arith.constant dense<0.000000e+00> : vector<6250x512xf32>
    %dot_general3A_20 = tpu.matmul %add3A, %get3A_18, %dot_general3A_19 {dimension_numbers = #tpu.dot_dimension_numbers<[1], [0], [0], [1], [0, 0, 1, 1], [], []>, transpose_lhs_hint = false} : vector<6250x128xf32>, vector<128x512xf32>, vector<6250x512xf32> -> vector<6250x512xf32>
    %add3A_21 = arith.addf %dot_general3A_15, %dot_general3A_20 : vector<6250x512xf32>
    %get3A_22 = arith.constant 0 : index
    %get3A_23 = arith.constant 0 : index
    %get3A_24 = arith.constant 0 : index
    %get3A_25 = vector.load %arg3[%get3A_22, %get3A_23, %get3A_24] : memref<2x6250x256xf32, #tpu.memory_space<vmem>>, vector<1x6250x256xf32>
    %get3A_26 = vector.shape_cast %get3A_25 : vector<1x6250x256xf32> to vector<6250x256xf32>
    %get3A_27 = arith.constant 0 : index
    %get3A_28 = arith.constant 0 : index
    %get3A_29 = arith.constant 0 : index
    %get3A_30 = vector.load %arg6[%get3A_27, %get3A_28, %get3A_29] : memref<2x256x512xf32, #tpu.memory_space<vmem>>, vector<1x256x512xf32>
    %get3A_31 = vector.shape_cast %get3A_30 : vector<1x256x512xf32> to vector<256x512xf32>
    %dot_general3A_32 = arith.constant dense<0.000000e+00> : vector<6250x512xf32>
    %dot_general3A_33 = tpu.matmul %get3A_26, %get3A_31, %dot_general3A_32 {dimension_numbers = #tpu.dot_dimension_numbers<[1], [0], [0], [1], [0, 0, 1, 1], [], []>, transpose_lhs_hint = false} : vector<6250x256xf32>, vector<256x512xf32>, vector<6250x512xf32> -> vector<6250x512xf32>
    %add3A_34 = arith.addf %add3A_21, %dot_general3A_33 : vector<6250x512xf32>
    %get3A_35 = arith.constant 1 : index
    %get3A_36 = arith.constant 0 : index
    %get3A_37 = arith.constant 0 : index
    %get3A_38 = vector.load %arg3[%get3A_35, %get3A_36, %get3A_37] : memref<2x6250x256xf32, #tpu.memory_space<vmem>>, vector<1x6250x256xf32>
    %get3A_39 = vector.shape_cast %get3A_38 : vector<1x6250x256xf32> to vector<6250x256xf32>
    %get3A_40 = arith.constant 1 : index
    %get3A_41 = arith.constant 0 : index
    %get3A_42 = arith.constant 0 : index
    %get3A_43 = vector.load %arg6[%get3A_40, %get3A_41, %get3A_42] : memref<2x256x512xf32, #tpu.memory_space<vmem>>, vector<1x256x512xf32>
    %get3A_44 = vector.shape_cast %get3A_43 : vector<1x256x512xf32> to vector<256x512xf32>
    %dot_general3A_45 = arith.constant dense<0.000000e+00> : vector<6250x512xf32>
    %dot_general3A_46 = tpu.matmul %get3A_39, %get3A_44, %dot_general3A_45 {dimension_numbers = #tpu.dot_dimension_numbers<[1], [0], [0], [1], [0, 0, 1, 1], [], []>, transpose_lhs_hint = false} : vector<6250x256xf32>, vector<256x512xf32>, vector<6250x512xf32> -> vector<6250x512xf32>
    %add3A_47 = arith.addf %add3A_34, %dot_general3A_46 : vector<6250x512xf32>
    %get3A_48 = arith.constant 0 : index
    %get3A_49 = arith.constant 0 : index
    %get3A_50 = vector.load %arg7[%get3A_48, %get3A_49] : memref<1x512xf32, #tpu.memory_space<vmem>>, vector<1x512xf32>
    %add3A_51 = vector.broadcast %get3A_50 : vector<1x512xf32> to vector<6250x512xf32>
    %add3A_52 = arith.addf %add3A_47, %add3A_51 : vector<6250x512xf32>
    %max3A = arith.constant 0.000000e+00 : f32
    %max3A_53 = vector.broadcast %max3A : f32 to vector<6250x512xf32>
    %max3A_54 = arith.maximumf %add3A_52, %max3A_53 : vector<6250x512xf32>
    %swap3A = arith.constant 0 : index
    %swap3A_55 = arith.constant 0 : index
    %swap3A_56 = vector.load %arg10[%swap3A, %swap3A_55] : memref<6250x512xf32, #tpu.memory_space<vmem>>, vector<6250x512xf32>
    tpu.vector_store %arg10[%swap3A, %swap3A_55], %max3A_54 {strides = array<i32>} : memref<6250x512xf32, #tpu.memory_space<vmem>>, vector<6250x512xf32>,
    %slice3A = vector.extract_strided_slice %max3A_54 {offsets = [0, 0], sizes = [125, 512], strides = [1, 1]} : vector<6250x512xf32> to vector<125x512xf32>
    %reduce_sum3A = arith.constant dense<0.000000e+00> : vector<512xf32>
    %reduce_sum3A_57 = vector.multi_reduction <add>, %slice3A, %reduce_sum3A [0] : vector<125x512xf32> to vector<512xf32>
    %broadcast_in_dim3A = vector.shape_cast %reduce_sum3A_57 : vector<512xf32> to vector<1x512xf32>
    %slice3A_58 = vector.extract_strided_slice %max3A_54 {offsets = [125, 0], sizes = [125, 512], strides = [1, 1]} : vector<6250x512xf32> to vector<125x512xf32>
    %reduce_sum3A_59 = arith.constant dense<0.000000e+00> : vector<512xf32>
    %reduce_sum3A_60 = vector.multi_reduction <add>, %slice3A_58, %reduce_sum3A_59 [0] : vector<125x512xf32> to vector<512xf32>
    %broadcast_in_dim3A_61 = vector.shape_cast %reduce_sum3A_60 : vector<512xf32> to vector<1x512xf32>
    %slice3A_62 = vector.extract_strided_slice %max3A_54 {offsets = [250, 0], sizes = [125, 512], strides = [1, 1]} : vector<6250x512xf32> to vector<125x512xf32>
    %reduce_sum3A_63 = arith.constant dense<0.000000e+00> : vector<512xf32>
    %reduce_sum3A_64 = vector.multi_reduction <add>, %slice3A_62, %reduce_sum3A_63 [0] : vector<125x512xf32> to vector<512xf32>
    %broadcast_in_dim3A_65 = vector.shape_cast %reduce_sum3A_64 : vector<512xf32> to vector<1x512xf32>
    %slice3A_66 = vector.extract_strided_slice %max3A_54 {offsets = [375, 0], sizes = [125, 512], strides = [1, 1]} : vector<6250x512xf32> to vector<125x512xf32>
    %reduce_sum3A_67 = arith.constant dense<0.000000e+00> : vector<512xf32>
    %reduce_sum3A_68 = vector.multi_reduction <add>, %slice3A_66, %reduce_sum3A_67 [0] : vector<125x512xf32> to vector<512xf32>
    %broadcast_in_dim3A_69 = vector.shape_cast %reduce_sum3A_68 : vector<512xf32> to vector<1x512xf32>
    %slice3A_70 = vector.extract_strided_slice %max3A_54 {offsets = [500, 0], sizes = [125, 512], strides = [1, 1]} : vector<6250x512xf32> to vector<125x512xf32>
    %reduce_sum3A_71 = arith.constant dense<0.000000e+00> : vector<512xf32>
    %reduce_sum3A_72 = vector.multi_reduction <add>, %slice3A_70, %reduce_sum3A_71 [0] : vector<125x512xf32> to vector<512xf32>
    %broadcast_in_dim3A_73 = vector.shape_cast %reduce_sum3A_72 : vector<512xf32> to vector<1x512xf32>
    %slice3A_74 = vector.extract_strided_slice %max3A_54 {offsets = [625, 0], sizes = [125, 512], strides = [1, 1]} : vector<6250x512xf32> to vector<125x512xf32>
    %reduce_sum3A_75 = arith.constant dense<0.000000e+00> : vector<512xf32>
    %reduce_sum3A_76 = vector.multi_reduction <add>, %slice3A_74, %reduce_sum3A_75 [0] : vector<125x512xf32> to vector<512xf32>
    %broadcast_in_dim3A_77 = vector.shape_cast %reduce_sum3A_76 : vector<512xf32> to vector<1x512xf32>
    %slice3A_78 = vector.extract_strided_slice %max3A_54 {offsets = [750, 0], sizes = [125, 512], strides = [1, 1]} : vector<6250x512xf32> to vector<125x512xf32>
    %reduce_sum3A_79 = arith.constant dense<0.000000e+00> : vector<512xf32>
    %reduce_sum3A_80 = vector.multi_reduction <add>, %slice3A_78, %reduce_sum3A_79 [0] : vector<125x512xf32> to vector<512xf32>
    %broadcast_in_dim3A_81 = vector.shape_cast %reduce_sum3A_80 : vector<512xf32> to vector<1x512xf32>
    %slice3A_82 = vector.extract_strided_slice %max3A_54 {offsets = [875, 0], sizes = [125, 512], strides = [1, 1]} : vector<6250x512xf32> to vector<125x512xf32>
    %reduce_sum3A_83 = arith.constant dense<0.000000e+00> : vector<512xf32>
    %reduce_sum3A_84 = vector.multi_reduction <add>, %slice3A_82, %reduce_sum3A_83 [0] : vector<125x512xf32> to vector<512xf32>
    %broadcast_in_dim3A_85 = vector.shape_cast %reduce_sum3A_84 : vector<512xf32> to vector<1x512xf32>
    %slice3A_86 = vector.extract_strided_slice %max3A_54 {offsets = [1000, 0], sizes = [125, 512], strides = [1, 1]} : vector<6250x512xf32> to vector<125x512xf32>
    %reduce_sum3A_87 = arith.constant dense<0.000000e+00> : vector<512xf32>
    %reduce_sum3A_88 = vector.multi_reduction <add>, %slice3A_86, %reduce_sum3A_87 [0] : vector<125x512xf32> to vector<512xf32>
    %broadcast_in_dim3A_89 = vector.shape_cast %reduce_sum3A_88 : vector<512xf32> to vector<1x512xf32>
    %slice3A_90 = vector.extract_strided_slice %max3A_54 {offsets = [1125, 0], sizes = [125, 512], strides = [1, 1]} : vector<6250x512xf32> to vector<125x512xf32>
    %reduce_sum3A_91 = arith.constant dense<0.000000e+00> : vector<512xf32>
    %reduce_sum3A_92 = vector.multi_reduction <add>, %slice3A_90, %reduce_sum3A_91 [0] : vector<125x512xf32> to vector<512xf32>
    %broadcast_in_dim3A_93 = vector.shape_cast %reduce_sum3A_92 : vector<512xf32> to vector<1x512xf32>
    %slice3A_94 = vector.extract_strided_slice %max3A_54 {offsets = [1250, 0], sizes = [125, 512], strides = [1, 1]} : vector<6250x512xf32> to vector<125x512xf32>
    %reduce_sum3A_95 = arith.constant dense<0.000000e+00> : vector<512xf32>
    %reduce_sum3A_96 = vector.multi_reduction <add>, %slice3A_94, %reduce_sum3A_95 [0] : vector<125x512xf32> to vector<512xf32>
    %broadcast_in_dim3A_97 = vector.shape_cast %reduce_sum3A_96 : vector<512xf32> to vector<1x512xf32>
    %slice3A_98 = vector.extract_strided_slice %max3A_54 {offsets = [1375, 0], sizes = [125, 512], strides = [1, 1]} : vector<6250x512xf32> to vector<125x512xf32>
    %reduce_sum3A_99 = arith.constant dense<0.000000e+00> : vector<512xf32>
    %reduce_sum3A_100 = vector.multi_reduction <add>, %slice3A_98, %reduce_sum3A_99 [0] : vector<125x512xf32> to vector<512xf32>
    %broadcast_in_dim3A_101 = vector.shape_cast %reduce_sum3A_100 : vector<512xf32> to vector<1x512xf32>
    %slice3A_102 = vector.extract_strided_slice %max3A_54 {offsets = [1500, 0], sizes = [125, 512], strides = [1, 1]} : vector<6250x512xf32> to vector<125x512xf32>
    %reduce_sum3A_103 = arith.constant dense<0.000000e+00> : vector<512xf32>
    %reduce_sum3A_104 = vector.multi_reduction <add>, %slice3A_102, %reduce_sum3A_103 [0] : vector<125x512xf32> to vector<512xf32>
    %broadcast_in_dim3A_105 = vector.shape_cast %reduce_sum3A_104 : vector<512xf32> to vector<1x512xf32>
    %slice3A_106 = vector.extract_strided_slice %max3A_54 {offsets = [1625, 0], sizes = [125, 512], strides = [1, 1]} : vector<6250x512xf32> to vector<125x512xf32>
    %reduce_sum3A_107 = arith.constant dense<0.000000e+00> : vector<512xf32>
    %reduce_sum3A_108 = vector.multi_reduction <add>, %slice3A_106, %reduce_sum3A_107 [0] : vector<125x512xf32> to vector<512xf32>
    %broadcast_in_dim3A_109 = vector.shape_cast %reduce_sum3A_108 : vector<512xf32> to vector<1x512xf32>
    %slice3A_110 = vector.extract_strided_slice %max3A_54 {offsets = [1750, 0], sizes = [125, 512], strides = [1, 1]} : vector<6250x512xf32> to vector<125x512xf32>
    %reduce_sum3A_111 = arith.constant dense<0.000000e+00> : vector<512xf32>
    %reduce_sum3A_112 = vector.multi_reduction <add>, %slice3A_110, %reduce_sum3A_111 [0] : vector<125x512xf32> to vector<512xf32>
    %broadcast_in_dim3A_113 = vector.shape_cast %reduce_sum3A_112 : vector<512xf32> to vector<1x512xf32>
    %slice3A_114 = vector.extract_strided_slice %max3A_54 {offsets = [1875, 0], sizes = [125, 512], strides = [1, 1]} : vector<6250x512xf32> to vector<125x512xf32>
    %reduce_sum3A_115 = arith.constant dense<0.000000e+00> : vector<512xf32>
    %reduce_sum3A_116 = vector.multi_reduction <add>, %slice3A_114, %reduce_sum3A_115 [0] : vector<125x512xf32> to vector<512xf32>
    %broadcast_in_dim3A_117 = vector.shape_cast %reduce_sum3A_116 : vector<512xf32> to vector<1x512xf32>
    %slice3A_118 = vector.extract_strided_slice %max3A_54 {offsets = [2000, 0], sizes = [125, 512], strides = [1, 1]} : vector<6250x512xf32> to vector<125x512xf32>
    %reduce_sum3A_119 = arith.constant dense<0.000000e+00> : vector<512xf32>
    %reduce_sum3A_120 = vector.multi_reduction <add>, %slice3A_118, %reduce_sum3A_119 [0] : vector<125x512xf32> to vector<512xf32>
    %broadcast_in_dim3A_121 = vector.shape_cast %reduce_sum3A_120 : vector<512xf32> to vector<1x512xf32>
    %slice3A_122 = vector.extract_strided_slice %max3A_54 {offsets = [2125, 0], sizes = [125, 512], strides = [1, 1]} : vector<6250x512xf32> to vector<125x512xf32>
    %reduce_sum3A_123 = arith.constant dense<0.000000e+00> : vector<512xf32>
    %reduce_sum3A_124 = vector.multi_reduction <add>, %slice3A_122, %reduce_sum3A_123 [0] : vector<125x512xf32> to vector<512xf32>
    %broadcast_in_dim3A_125 = vector.shape_cast %reduce_sum3A_124 : vector<512xf32> to vector<1x512xf32>
    %slice3A_126 = vector.extract_strided_slice %max3A_54 {offsets = [2250, 0], sizes = [125, 512], strides = [1, 1]} : vector<6250x512xf32> to vector<125x512xf32>
    %reduce_sum3A_127 = arith.constant dense<0.000000e+00> : vector<512xf32>
    %reduce_sum3A_128 = vector.multi_reduction <add>, %slice3A_126, %reduce_sum3A_127 [0] : vector<125x512xf32> to vector<512xf32>
    %broadcast_in_dim3A_129 = vector.shape_cast %reduce_sum3A_128 : vector<512xf32> to vector<1x512xf32>
    %slice3A_130 = vector.extract_strided_slice %max3A_54 {offsets = [2375, 0], sizes = [125, 512], strides = [1, 1]} : vector<6250x512xf32> to vector<125x512xf32>
    %reduce_sum3A_131 = arith.constant dense<0.000000e+00> : vector<512xf32>
    %reduce_sum3A_132 = vector.multi_reduction <add>, %slice3A_130, %reduce_sum3A_131 [0] : vector<125x512xf32> to vector<512xf32>
    %broadcast_in_dim3A_133 = vector.shape_cast %reduce_sum3A_132 : vector<512xf32> to vector<1x512xf32>
    %slice3A_134 = vector.extract_strided_slice %max3A_54 {offsets = [2500, 0], sizes = [125, 512], strides = [1, 1]} : vector<6250x512xf32> to vector<125x512xf32>
    %reduce_sum3A_135 = arith.constant dense<0.000000e+00> : vector<512xf32>
    %reduce_sum3A_136 = vector.multi_reduction <add>, %slice3A_134, %reduce_sum3A_135 [0] : vector<125x512xf32> to vector<512xf32>
    %broadcast_in_dim3A_137 = vector.shape_cast %reduce_sum3A_136 : vector<512xf32> to vector<1x512xf32>
    %slice3A_138 = vector.extract_strided_slice %max3A_54 {offsets = [2625, 0], sizes = [125, 512], strides = [1, 1]} : vector<6250x512xf32> to vector<125x512xf32>
    %reduce_sum3A_139 = arith.constant dense<0.000000e+00> : vector<512xf32>
    %reduce_sum3A_140 = vector.multi_reduction <add>, %slice3A_138, %reduce_sum3A_139 [0] : vector<125x512xf32> to vector<512xf32>
    %broadcast_in_dim3A_141 = vector.shape_cast %reduce_sum3A_140 : vector<512xf32> to vector<1x512xf32>
    %slice3A_142 = vector.extract_strided_slice %max3A_54 {offsets = [2750, 0], sizes = [125, 512], strides = [1, 1]} : vector<6250x512xf32> to vector<125x512xf32>
    %reduce_sum3A_143 = arith.constant dense<0.000000e+00> : vector<512xf32>
    %reduce_sum3A_144 = vector.multi_reduction <add>, %slice3A_142, %reduce_sum3A_143 [0] : vector<125x512xf32> to vector<512xf32>
    %broadcast_in_dim3A_145 = vector.shape_cast %reduce_sum3A_144 : vector<512xf32> to vector<1x512xf32>
    %slice3A_146 = vector.extract_strided_slice %max3A_54 {offsets = [2875, 0], sizes = [125, 512], strides = [1, 1]} : vector<6250x512xf32> to vector<125x512xf32>
    %reduce_sum3A_147 = arith.constant dense<0.000000e+00> : vector<512xf32>
    %reduce_sum3A_148 = vector.multi_reduction <add>, %slice3A_146, %reduce_sum3A_147 [0] : vector<125x512xf32> to vector<512xf32>
    %broadcast_in_dim3A_149 = vector.shape_cast %reduce_sum3A_148 : vector<512xf32> to vector<1x512xf32>
    %slice3A_150 = vector.extract_strided_slice %max3A_54 {offsets = [3000, 0], sizes = [125, 512], strides = [1, 1]} : vector<6250x512xf32> to vector<125x512xf32>
    %reduce_sum3A_151 = arith.constant dense<0.000000e+00> : vector<512xf32>
    %reduce_sum3A_152 = vector.multi_reduction <add>, %slice3A_150, %reduce_sum3A_151 [0] : vector<125x512xf32> to vector<512xf32>
    %broadcast_in_dim3A_153 = vector.shape_cast %reduce_sum3A_152 : vector<512xf32> to vector<1x512xf32>
    %slice3A_154 = vector.extract_strided_slice %max3A_54 {offsets = [3125, 0], sizes = [125, 512], strides = [1, 1]} : vector<6250x512xf32> to vector<125x512xf32>
    %reduce_sum3A_155 = arith.constant dense<0.000000e+00> : vector<512xf32>
    %reduce_sum3A_156 = vector.multi_reduction <add>, %slice3A_154, %reduce_sum3A_155 [0] : vector<125x512xf32> to vector<512xf32>
    %broadcast_in_dim3A_157 = vector.shape_cast %reduce_sum3A_156 : vector<512xf32> to vector<1x512xf32>
    %slice3A_158 = vector.extract_strided_slice %max3A_54 {offsets = [3250, 0], sizes = [125, 512], strides = [1, 1]} : vector<6250x512xf32> to vector<125x512xf32>
    %reduce_sum3A_159 = arith.constant dense<0.000000e+00> : vector<512xf32>
    %reduce_sum3A_160 = vector.multi_reduction <add>, %slice3A_158, %reduce_sum3A_159 [0] : vector<125x512xf32> to vector<512xf32>
    %broadcast_in_dim3A_161 = vector.shape_cast %reduce_sum3A_160 : vector<512xf32> to vector<1x512xf32>
    %slice3A_162 = vector.extract_strided_slice %max3A_54 {offsets = [3375, 0], sizes = [125, 512], strides = [1, 1]} : vector<6250x512xf32> to vector<125x512xf32>
    %reduce_sum3A_163 = arith.constant dense<0.000000e+00> : vector<512xf32>
    %reduce_sum3A_164 = vector.multi_reduction <add>, %slice3A_162, %reduce_sum3A_163 [0] : vector<125x512xf32> to vector<512xf32>
    %broadcast_in_dim3A_165 = vector.shape_cast %reduce_sum3A_164 : vector<512xf32> to vector<1x512xf32>
    %slice3A_166 = vector.extract_strided_slice %max3A_54 {offsets = [3500, 0], sizes = [125, 512], strides = [1, 1]} : vector<6250x512xf32> to vector<125x512xf32>
    %reduce_sum3A_167 = arith.constant dense<0.000000e+00> : vector<512xf32>
    %reduce_sum3A_168 = vector.multi_reduction <add>, %slice3A_166, %reduce_sum3A_167 [0] : vector<125x512xf32> to vector<512xf32>
    %broadcast_in_dim3A_169 = vector.shape_cast %reduce_sum3A_168 : vector<512xf32> to vector<1x512xf32>
    %slice3A_170 = vector.extract_strided_slice %max3A_54 {offsets = [3625, 0], sizes = [125, 512], strides = [1, 1]} : vector<6250x512xf32> to vector<125x512xf32>
    %reduce_sum3A_171 = arith.constant dense<0.000000e+00> : vector<512xf32>
    %reduce_sum3A_172 = vector.multi_reduction <add>, %slice3A_170, %reduce_sum3A_171 [0] : vector<125x512xf32> to vector<512xf32>
    %broadcast_in_dim3A_173 = vector.shape_cast %reduce_sum3A_172 : vector<512xf32> to vector<1x512xf32>
    %slice3A_174 = vector.extract_strided_slice %max3A_54 {offsets = [3750, 0], sizes = [125, 512], strides = [1, 1]} : vector<6250x512xf32> to vector<125x512xf32>
    %reduce_sum3A_175 = arith.constant dense<0.000000e+00> : vector<512xf32>
    %reduce_sum3A_176 = vector.multi_reduction <add>, %slice3A_174, %reduce_sum3A_175 [0] : vector<125x512xf32> to vector<512xf32>
    %broadcast_in_dim3A_177 = vector.shape_cast %reduce_sum3A_176 : vector<512xf32> to vector<1x512xf32>
    %slice3A_178 = vector.extract_strided_slice %max3A_54 {offsets = [3875, 0], sizes = [125, 512], strides = [1, 1]} : vector<6250x512xf32> to vector<125x512xf32>
    %reduce_sum3A_179 = arith.constant dense<0.000000e+00> : vector<512xf32>
    %reduce_sum3A_180 = vector.multi_reduction <add>, %slice3A_178, %reduce_sum3A_179 [0] : vector<125x512xf32> to vector<512xf32>
    %broadcast_in_dim3A_181 = vector.shape_cast %reduce_sum3A_180 : vector<512xf32> to vector<1x512xf32>
    %slice3A_182 = vector.extract_strided_slice %max3A_54 {offsets = [4000, 0], sizes = [125, 512], strides = [1, 1]} : vector<6250x512xf32> to vector<125x512xf32>
    %reduce_sum3A_183 = arith.constant dense<0.000000e+00> : vector<512xf32>
    %reduce_sum3A_184 = vector.multi_reduction <add>, %slice3A_182, %reduce_sum3A_183 [0] : vector<125x512xf32> to vector<512xf32>
    %broadcast_in_dim3A_185 = vector.shape_cast %reduce_sum3A_184 : vector<512xf32> to vector<1x512xf32>
    %slice3A_186 = vector.extract_strided_slice %max3A_54 {offsets = [4125, 0], sizes = [125, 512], strides = [1, 1]} : vector<6250x512xf32> to vector<125x512xf32>
    %reduce_sum3A_187 = arith.constant dense<0.000000e+00> : vector<512xf32>
    %reduce_sum3A_188 = vector.multi_reduction <add>, %slice3A_186, %reduce_sum3A_187 [0] : vector<125x512xf32> to vector<512xf32>
    %broadcast_in_dim3A_189 = vector.shape_cast %reduce_sum3A_188 : vector<512xf32> to vector<1x512xf32>
    %slice3A_190 = vector.extract_strided_slice %max3A_54 {offsets = [4250, 0], sizes = [125, 512], strides = [1, 1]} : vector<6250x512xf32> to vector<125x512xf32>
    %reduce_sum3A_191 = arith.constant dense<0.000000e+00> : vector<512xf32>
    %reduce_sum3A_192 = vector.multi_reduction <add>, %slice3A_190, %reduce_sum3A_191 [0] : vector<125x512xf32> to vector<512xf32>
    %broadcast_in_dim3A_193 = vector.shape_cast %reduce_sum3A_192 : vector<512xf32> to vector<1x512xf32>
    %slice3A_194 = vector.extract_strided_slice %max3A_54 {offsets = [4375, 0], sizes = [125, 512], strides = [1, 1]} : vector<6250x512xf32> to vector<125x512xf32>
    %reduce_sum3A_195 = arith.constant dense<0.000000e+00> : vector<512xf32>
    %reduce_sum3A_196 = vector.multi_reduction <add>, %slice3A_194, %reduce_sum3A_195 [0] : vector<125x512xf32> to vector<512xf32>
    %broadcast_in_dim3A_197 = vector.shape_cast %reduce_sum3A_196 : vector<512xf32> to vector<1x512xf32>
    %slice3A_198 = vector.extract_strided_slice %max3A_54 {offsets = [4500, 0], sizes = [125, 512], strides = [1, 1]} : vector<6250x512xf32> to vector<125x512xf32>
    %reduce_sum3A_199 = arith.constant dense<0.000000e+00> : vector<512xf32>
    %reduce_sum3A_200 = vector.multi_reduction <add>, %slice3A_198, %reduce_sum3A_199 [0] : vector<125x512xf32> to vector<512xf32>
    %broadcast_in_dim3A_201 = vector.shape_cast %reduce_sum3A_200 : vector<512xf32> to vector<1x512xf32>
    %slice3A_202 = vector.extract_strided_slice %max3A_54 {offsets = [4625, 0], sizes = [125, 512], strides = [1, 1]} : vector<6250x512xf32> to vector<125x512xf32>
    %reduce_sum3A_203 = arith.constant dense<0.000000e+00> : vector<512xf32>
    %reduce_sum3A_204 = vector.multi_reduction <add>, %slice3A_202, %reduce_sum3A_203 [0] : vector<125x512xf32> to vector<512xf32>
    %broadcast_in_dim3A_205 = vector.shape_cast %reduce_sum3A_204 : vector<512xf32> to vector<1x512xf32>
    %slice3A_206 = vector.extract_strided_slice %max3A_54 {offsets = [4750, 0], sizes = [125, 512], strides = [1, 1]} : vector<6250x512xf32> to vector<125x512xf32>
    %reduce_sum3A_207 = arith.constant dense<0.000000e+00> : vector<512xf32>
    %reduce_sum3A_208 = vector.multi_reduction <add>, %slice3A_206, %reduce_sum3A_207 [0] : vector<125x512xf32> to vector<512xf32>
    %broadcast_in_dim3A_209 = vector.shape_cast %reduce_sum3A_208 : vector<512xf32> to vector<1x512xf32>
    %slice3A_210 = vector.extract_strided_slice %max3A_54 {offsets = [4875, 0], sizes = [125, 512], strides = [1, 1]} : vector<6250x512xf32> to vector<125x512xf32>
    %reduce_sum3A_211 = arith.constant dense<0.000000e+00> : vector<512xf32>
    %reduce_sum3A_212 = vector.multi_reduction <add>, %slice3A_210, %reduce_sum3A_211 [0] : vector<125x512xf32> to vector<512xf32>
    %broadcast_in_dim3A_213 = vector.shape_cast %reduce_sum3A_212 : vector<512xf32> to vector<1x512xf32>
    %slice3A_214 = vector.extract_strided_slice %max3A_54 {offsets = [5000, 0], sizes = [125, 512], strides = [1, 1]} : vector<6250x512xf32> to vector<125x512xf32>
    %reduce_sum3A_215 = arith.constant dense<0.000000e+00> : vector<512xf32>
    %reduce_sum3A_216 = vector.multi_reduction <add>, %slice3A_214, %reduce_sum3A_215 [0] : vector<125x512xf32> to vector<512xf32>
    %broadcast_in_dim3A_217 = vector.shape_cast %reduce_sum3A_216 : vector<512xf32> to vector<1x512xf32>
    %slice3A_218 = vector.extract_strided_slice %max3A_54 {offsets = [5125, 0], sizes = [125, 512], strides = [1, 1]} : vector<6250x512xf32> to vector<125x512xf32>
    %reduce_sum3A_219 = arith.constant dense<0.000000e+00> : vector<512xf32>
    %reduce_sum3A_220 = vector.multi_reduction <add>, %slice3A_218, %reduce_sum3A_219 [0] : vector<125x512xf32> to vector<512xf32>
    %broadcast_in_dim3A_221 = vector.shape_cast %reduce_sum3A_220 : vector<512xf32> to vector<1x512xf32>
    %slice3A_222 = vector.extract_strided_slice %max3A_54 {offsets = [5250, 0], sizes = [125, 512], strides = [1, 1]} : vector<6250x512xf32> to vector<125x512xf32>
    %reduce_sum3A_223 = arith.constant dense<0.000000e+00> : vector<512xf32>
    %reduce_sum3A_224 = vector.multi_reduction <add>, %slice3A_222, %reduce_sum3A_223 [0] : vector<125x512xf32> to vector<512xf32>
    %broadcast_in_dim3A_225 = vector.shape_cast %reduce_sum3A_224 : vector<512xf32> to vector<1x512xf32>
    %slice3A_226 = vector.extract_strided_slice %max3A_54 {offsets = [5375, 0], sizes = [125, 512], strides = [1, 1]} : vector<6250x512xf32> to vector<125x512xf32>
    %reduce_sum3A_227 = arith.constant dense<0.000000e+00> : vector<512xf32>
    %reduce_sum3A_228 = vector.multi_reduction <add>, %slice3A_226, %reduce_sum3A_227 [0] : vector<125x512xf32> to vector<512xf32>
    %broadcast_in_dim3A_229 = vector.shape_cast %reduce_sum3A_228 : vector<512xf32> to vector<1x512xf32>
    %slice3A_230 = vector.extract_strided_slice %max3A_54 {offsets = [5500, 0], sizes = [125, 512], strides = [1, 1]} : vector<6250x512xf32> to vector<125x512xf32>
    %reduce_sum3A_231 = arith.constant dense<0.000000e+00> : vector<512xf32>
    %reduce_sum3A_232 = vector.multi_reduction <add>, %slice3A_230, %reduce_sum3A_231 [0] : vector<125x512xf32> to vector<512xf32>
    %broadcast_in_dim3A_233 = vector.shape_cast %reduce_sum3A_232 : vector<512xf32> to vector<1x512xf32>
    %slice3A_234 = vector.extract_strided_slice %max3A_54 {offsets = [5625, 0], sizes = [125, 512], strides = [1, 1]} : vector<6250x512xf32> to vector<125x512xf32>
    %reduce_sum3A_235 = arith.constant dense<0.000000e+00> : vector<512xf32>
    %reduce_sum3A_236 = vector.multi_reduction <add>, %slice3A_234, %reduce_sum3A_235 [0] : vector<125x512xf32> to vector<512xf32>
    %broadcast_in_dim3A_237 = vector.shape_cast %reduce_sum3A_236 : vector<512xf32> to vector<1x512xf32>
    %slice3A_238 = vector.extract_strided_slice %max3A_54 {offsets = [5750, 0], sizes = [125, 512], strides = [1, 1]} : vector<6250x512xf32> to vector<125x512xf32>
    %reduce_sum3A_239 = arith.constant dense<0.000000e+00> : vector<512xf32>
    %reduce_sum3A_240 = vector.multi_reduction <add>, %slice3A_238, %reduce_sum3A_239 [0] : vector<125x512xf32> to vector<512xf32>
    %broadcast_in_dim3A_241 = vector.shape_cast %reduce_sum3A_240 : vector<512xf32> to vector<1x512xf32>
    %slice3A_242 = vector.extract_strided_slice %max3A_54 {offsets = [5875, 0], sizes = [125, 512], strides = [1, 1]} : vector<6250x512xf32> to vector<125x512xf32>
    %reduce_sum3A_243 = arith.constant dense<0.000000e+00> : vector<512xf32>
    %reduce_sum3A_244 = vector.multi_reduction <add>, %slice3A_242, %reduce_sum3A_243 [0] : vector<125x512xf32> to vector<512xf32>
    %broadcast_in_dim3A_245 = vector.shape_cast %reduce_sum3A_244 : vector<512xf32> to vector<1x512xf32>
    %slice3A_246 = vector.extract_strided_slice %max3A_54 {offsets = [6000, 0], sizes = [125, 512], strides = [1, 1]} : vector<6250x512xf32> to vector<125x512xf32>
    %reduce_sum3A_247 = arith.constant dense<0.000000e+00> : vector<512xf32>
    %reduce_sum3A_248 = vector.multi_reduction <add>, %slice3A_246, %reduce_sum3A_247 [0] : vector<125x512xf32> to vector<512xf32>
    %broadcast_in_dim3A_249 = vector.shape_cast %reduce_sum3A_248 : vector<512xf32> to vector<1x512xf32>
    %slice3A_250 = vector.extract_strided_slice %max3A_54 {offsets = [6125, 0], sizes = [125, 512], strides = [1, 1]} : vector<6250x512xf32> to vector<125x512xf32>
    %reduce_sum3A_251 = arith.constant dense<0.000000e+00> : vector<512xf32>
    %reduce_sum3A_252 = vector.multi_reduction <add>, %slice3A_250, %reduce_sum3A_251 [0] : vector<125x512xf32> to vector<512xf32>
    %broadcast_in_dim3A_253 = vector.shape_cast %reduce_sum3A_252 : vector<512xf32> to vector<1x512xf32>
    %concatenate3A = tpu.concatenate %broadcast_in_dim3A, %broadcast_in_dim3A_61, %broadcast_in_dim3A_65, %broadcast_in_dim3A_69, %broadcast_in_dim3A_73, %broadcast_in_dim3A_77, %broadcast_in_dim3A_81, %broadcast_in_dim3A_85, %broadcast_in_dim3A_89, %broadcast_in_dim3A_93, %broadcast_in_dim3A_97, %broadcast_in_dim3A_101, %broadcast_in_dim3A_105, %broadcast_in_dim3A_109, %broadcast_in_dim3A_113, %broadcast_in_dim3A_117, %broadcast_in_dim3A_121, %broadcast_in_dim3A_125, %broadcast_in_dim3A_129, %broadcast_in_dim3A_133, %broadcast_in_dim3A_137, %broadcast_in_dim3A_141, %broadcast_in_dim3A_145, %broadcast_in_dim3A_149, %broadcast_in_dim3A_153, %broadcast_in_dim3A_157, %broadcast_in_dim3A_161, %broadcast_in_dim3A_165, %broadcast_in_dim3A_169, %broadcast_in_dim3A_173, %broadcast_in_dim3A_177, %broadcast_in_dim3A_181, %broadcast_in_dim3A_185, %broadcast_in_dim3A_189, %broadcast_in_dim3A_193, %broadcast_in_dim3A_197, %broadcast_in_dim3A_201, %broadcast_in_dim3A_205, %broadcast_in_dim3A_209, %broadcast_in_dim3A_213, %broadcast_in_dim3A_217, %broadcast_in_dim3A_221, %broadcast_in_dim3A_225, %broadcast_in_dim3A_229, %broadcast_in_dim3A_233, %broadcast_in_dim3A_237, %broadcast_in_dim3A_241, %broadcast_in_dim3A_245, %broadcast_in_dim3A_249, %broadcast_in_dim3A_253 in 0 : vector<1x512xf32>, vector<1x512xf32>, vector<1x512xf32>, vector<1x512xf32>, vector<1x512xf32>, vector<1x512xf32>, vector<1x512xf32>, vector<1x512xf32>, vector<1x512xf32>, vector<1x512xf32>, vector<1x512xf32>, vector<1x512xf32>, vector<1x512xf32>, vector<1x512xf32>, vector<1x512xf32>, vector<1x512xf32>, vector<1x512xf32>, vector<1x512xf32>, vector<1x512xf32>, vector<1x512xf32>, vector<1x512xf32>, vector<1x512xf32>, vector<1x512xf32>, vector<1x512xf32>, vector<1x512xf32>, vector<1x512xf32>, vector<1x512xf32>, vector<1x512xf32>, vector<1x512xf32>, vector<1x512xf32>, vector<1x512xf32>, vector<1x512xf32>, vector<1x512xf32>, vector<1x512xf32>, vector<1x512xf32>, vector<1x512xf32>, vector<1x512xf32>, vector<1x512xf32>, vector<1x512xf32>, vector<1x512xf32>, vector<1x512xf32>, vector<1x512xf32>, vector<1x512xf32>, vector<1x512xf32>, vector<1x512xf32>, vector<1x512xf32>, vector<1x512xf32>, vector<1x512xf32>, vector<1x512xf32>, vector<1x512xf32> -> vector<50x512xf32>
    %swap3A_254 = arith.constant 0 : index
    %swap3A_255 = arith.constant 0 : index
    %swap3A_256 = vector.load %arg8[%swap3A_254, %swap3A_255] : memref<50x512xf32, #tpu.memory_space<vmem>>, vector<50x512xf32>
    tpu.vector_store %arg8[%swap3A_254, %swap3A_255], %concatenate3A {strides = array<i32>} : memref<50x512xf32, #tpu.memory_space<vmem>>, vector<50x512xf32>,
    %get3A_257 = arith.constant 0 : index
    %get3A_258 = arith.constant 0 : index
    %get3A_259 = memref.load %arg0[%get3A_257, %get3A_258] : memref<50x1xi32, #tpu.memory_space<smem>>
    %jit3A = arith.constant 8 : i32
    %div3A = arith.divsi %get3A_259, %jit3A : i32
    %sign3A = arith.constant 0 : i32
    %sign3A_260 = arith.cmpi sgt, %get3A_259, %sign3A : i32
    %sign3A_261 = arith.extui %sign3A_260 : i1 to i32
    %sign3A_262 = arith.constant 0 : i32
    %sign3A_263 = arith.cmpi slt, %get3A_259, %sign3A_262 : i32
    %sign3A_264 = arith.extui %sign3A_263 : i1 to i32
    %sign3A_265 = arith.subi %sign3A_261, %sign3A_264 : i32
    %sign3A_266 = arith.constant 0 : i32
    %sign3A_267 = arith.cmpi sgt, %jit3A, %sign3A_266 : i32
    %sign3A_268 = arith.extui %sign3A_267 : i1 to i32
    %sign3A_269 = arith.constant 0 : i32
    %sign3A_270 = arith.cmpi slt, %jit3A, %sign3A_269 : i32
    %sign3A_271 = arith.extui %sign3A_270 : i1 to i32
    %sign3A_272 = arith.subi %sign3A_268, %sign3A_271 : i32
    %ne3A = arith.cmpi ne, %sign3A_265, %sign3A_272 : i32
    %rem3A = arith.remsi %get3A_259, %jit3A : i32
    %ne3A_273 = arith.constant 0 : i32
    %ne3A_274 = arith.cmpi ne, %rem3A, %ne3A_273 : i32
    %and3A = arith.andi %ne3A, %ne3A_274 : i1
    %sub3A = arith.constant 1 : i32
    %sub3A_275 = arith.subi %div3A, %sub3A : i32
    %select_n3A = arith.select %and3A, %sub3A_275, %div3A : i32
    %add3A_276 = arith.constant 0 : i32
    %add3A_277 = arith.addi %add3A_276, %select_n3A : i32
    %get3A_278 = arith.index_cast %add3A_277 : i32 to index
    %get3A_279 = arith.constant 0 : index
    %get3A_280 = vector.load %arg10[%get3A_278, %get3A_279] : memref<6250x512xf32, #tpu.memory_space<vmem>>, vector<1x512xf32>
    %get3A_281 = arith.constant 1 : index
    %get3A_282 = arith.constant 0 : index
    %get3A_283 = memref.load %arg0[%get3A_281, %get3A_282] : memref<50x1xi32, #tpu.memory_space<smem>>
    %jit3A_284 = arith.constant 8 : i32
    %div3A_285 = arith.divsi %get3A_283, %jit3A_284 : i32
    %sign3A_286 = arith.constant 0 : i32
    %sign3A_287 = arith.cmpi sgt, %get3A_283, %sign3A_286 : i32
    %sign3A_288 = arith.extui %sign3A_287 : i1 to i32
    %sign3A_289 = arith.constant 0 : i32
    %sign3A_290 = arith.cmpi slt, %get3A_283, %sign3A_289 : i32
    %sign3A_291 = arith.extui %sign3A_290 : i1 to i32
    %sign3A_292 = arith.subi %sign3A_288, %sign3A_291 : i32
    %sign3A_293 = arith.constant 0 : i32
    %sign3A_294 = arith.cmpi sgt, %jit3A_284, %sign3A_293 : i32
    %sign3A_295 = arith.extui %sign3A_294 : i1 to i32
    %sign3A_296 = arith.constant 0 : i32
    %sign3A_297 = arith.cmpi slt, %jit3A_284, %sign3A_296 : i32
    %sign3A_298 = arith.extui %sign3A_297 : i1 to i32
    %sign3A_299 = arith.subi %sign3A_295, %sign3A_298 : i32
    %ne3A_300 = arith.cmpi ne, %sign3A_292, %sign3A_299 : i32
    %rem3A_301 = arith.remsi %get3A_283, %jit3A_284 : i32
    %ne3A_302 = arith.constant 0 : i32
    %ne3A_303 = arith.cmpi ne, %rem3A_301, %ne3A_302 : i32
    %and3A_304 = arith.andi %ne3A_300, %ne3A_303 : i1
    %sub3A_305 = arith.constant 1 : i32
    %sub3A_306 = arith.subi %div3A_285, %sub3A_305 : i32
    %select_n3A_307 = arith.select %and3A_304, %sub3A_306, %div3A_285 : i32
    %add3A_308 = arith.constant 125 : i32
    %add3A_309 = arith.addi %add3A_308, %select_n3A_307 : i32
    %get3A_310 = arith.index_cast %add3A_309 : i32 to index
    %get3A_311 = arith.constant 0 : index
    %get3A_312 = vector.load %arg10[%get3A_310, %get3A_311] : memref<6250x512xf32, #tpu.memory_space<vmem>>, vector<1x512xf32>
    %get3A_313 = arith.constant 2 : index
    %get3A_314 = arith.constant 0 : index
    %get3A_315 = memref.load %arg0[%get3A_313, %get3A_314] : memref<50x1xi32, #tpu.memory_space<smem>>
    %jit3A_316 = arith.constant 8 : i32
    %div3A_317 = arith.divsi %get3A_315, %jit3A_316 : i32
    %sign3A_318 = arith.constant 0 : i32
    %sign3A_319 = arith.cmpi sgt, %get3A_315, %sign3A_318 : i32
    %sign3A_320 = arith.extui %sign3A_319 : i1 to i32
    %sign3A_321 = arith.constant 0 : i32
    %sign3A_322 = arith.cmpi slt, %get3A_315, %sign3A_321 : i32
    %sign3A_323 = arith.extui %sign3A_322 : i1 to i32
    %sign3A_324 = arith.subi %sign3A_320, %sign3A_323 : i32
    %sign3A_325 = arith.constant 0 : i32
    %sign3A_326 = arith.cmpi sgt, %jit3A_316, %sign3A_325 : i32
    %sign3A_327 = arith.extui %sign3A_326 : i1 to i32
    %sign3A_328 = arith.constant 0 : i32
    %sign3A_329 = arith.cmpi slt, %jit3A_316, %sign3A_328 : i32
    %sign3A_330 = arith.extui %sign3A_329 : i1 to i32
    %sign3A_331 = arith.subi %sign3A_327, %sign3A_330 : i32
    %ne3A_332 = arith.cmpi ne, %sign3A_324, %sign3A_331 : i32
    %rem3A_333 = arith.remsi %get3A_315, %jit3A_316 : i32
    %ne3A_334 = arith.constant 0 : i32
    %ne3A_335 = arith.cmpi ne, %rem3A_333, %ne3A_334 : i32
    %and3A_336 = arith.andi %ne3A_332, %ne3A_335 : i1
    %sub3A_337 = arith.constant 1 : i32
    %sub3A_338 = arith.subi %div3A_317, %sub3A_337 : i32
    %select_n3A_339 = arith.select %and3A_336, %sub3A_338, %div3A_317 : i32
    %add3A_340 = arith.constant 250 : i32
    %add3A_341 = arith.addi %add3A_340, %select_n3A_339 : i32
    %get3A_342 = arith.index_cast %add3A_341 : i32 to index
    %get3A_343 = arith.constant 0 : index
    %get3A_344 = vector.load %arg10[%get3A_342, %get3A_343] : memref<6250x512xf32, #tpu.memory_space<vmem>>, vector<1x512xf32>
    %get3A_345 = arith.constant 3 : index
    %get3A_346 = arith.constant 0 : index
    %get3A_347 = memref.load %arg0[%get3A_345, %get3A_346] : memref<50x1xi32, #tpu.memory_space<smem>>
    %jit3A_348 = arith.constant 8 : i32
    %div3A_349 = arith.divsi %get3A_347, %jit3A_348 : i32
    %sign3A_350 = arith.constant 0 : i32
    %sign3A_351 = arith.cmpi sgt, %get3A_347, %sign3A_350 : i32
    %sign3A_352 = arith.extui %sign3A_351 : i1 to i32
    %sign3A_353 = arith.constant 0 : i32
    %sign3A_354 = arith.cmpi slt, %get3A_347, %sign3A_353 : i32
    %sign3A_355 = arith.extui %sign3A_354 : i1 to i32
    %sign3A_356 = arith.subi %sign3A_352, %sign3A_355 : i32
    %sign3A_357 = arith.constant 0 : i32
    %sign3A_358 = arith.cmpi sgt, %jit3A_348, %sign3A_357 : i32
    %sign3A_359 = arith.extui %sign3A_358 : i1 to i32
    %sign3A_360 = arith.constant 0 : i32
    %sign3A_361 = arith.cmpi slt, %jit3A_348, %sign3A_360 : i32
    %sign3A_362 = arith.extui %sign3A_361 : i1 to i32
    %sign3A_363 = arith.subi %sign3A_359, %sign3A_362 : i32
    %ne3A_364 = arith.cmpi ne, %sign3A_356, %sign3A_363 : i32
    %rem3A_365 = arith.remsi %get3A_347, %jit3A_348 : i32
    %ne3A_366 = arith.constant 0 : i32
    %ne3A_367 = arith.cmpi ne, %rem3A_365, %ne3A_366 : i32
    %and3A_368 = arith.andi %ne3A_364, %ne3A_367 : i1
    %sub3A_369 = arith.constant 1 : i32
    %sub3A_370 = arith.subi %div3A_349, %sub3A_369 : i32
    %select_n3A_371 = arith.select %and3A_368, %sub3A_370, %div3A_349 : i32
    %add3A_372 = arith.constant 375 : i32
    %add3A_373 = arith.addi %add3A_372, %select_n3A_371 : i32
    %get3A_374 = arith.index_cast %add3A_373 : i32 to index
    %get3A_375 = arith.constant 0 : index
    %get3A_376 = vector.load %arg10[%get3A_374, %get3A_375] : memref<6250x512xf32, #tpu.memory_space<vmem>>, vector<1x512xf32>
    %get3A_377 = arith.constant 4 : index
    %get3A_378 = arith.constant 0 : index
    %get3A_379 = memref.load %arg0[%get3A_377, %get3A_378] : memref<50x1xi32, #tpu.memory_space<smem>>
    %jit3A_380 = arith.constant 8 : i32
    %div3A_381 = arith.divsi %get3A_379, %jit3A_380 : i32
    %sign3A_382 = arith.constant 0 : i32
    %sign3A_383 = arith.cmpi sgt, %get3A_379, %sign3A_382 : i32
    %sign3A_384 = arith.extui %sign3A_383 : i1 to i32
    %sign3A_385 = arith.constant 0 : i32
    %sign3A_386 = arith.cmpi slt, %get3A_379, %sign3A_385 : i32
    %sign3A_387 = arith.extui %sign3A_386 : i1 to i32
    %sign3A_388 = arith.subi %sign3A_384, %sign3A_387 : i32
    %sign3A_389 = arith.constant 0 : i32
    %sign3A_390 = arith.cmpi sgt, %jit3A_380, %sign3A_389 : i32
    %sign3A_391 = arith.extui %sign3A_390 : i1 to i32
    %sign3A_392 = arith.constant 0 : i32
    %sign3A_393 = arith.cmpi slt, %jit3A_380, %sign3A_392 : i32
    %sign3A_394 = arith.extui %sign3A_393 : i1 to i32
    %sign3A_395 = arith.subi %sign3A_391, %sign3A_394 : i32
    %ne3A_396 = arith.cmpi ne, %sign3A_388, %sign3A_395 : i32
    %rem3A_397 = arith.remsi %get3A_379, %jit3A_380 : i32
    %ne3A_398 = arith.constant 0 : i32
    %ne3A_399 = arith.cmpi ne, %rem3A_397, %ne3A_398 : i32
    %and3A_400 = arith.andi %ne3A_396, %ne3A_399 : i1
    %sub3A_401 = arith.constant 1 : i32
    %sub3A_402 = arith.subi %div3A_381, %sub3A_401 : i32
    %select_n3A_403 = arith.select %and3A_400, %sub3A_402, %div3A_381 : i32
    %add3A_404 = arith.constant 500 : i32
    %add3A_405 = arith.addi %add3A_404, %select_n3A_403 : i32
    %get3A_406 = arith.index_cast %add3A_405 : i32 to index
    %get3A_407 = arith.constant 0 : index
    %get3A_408 = vector.load %arg10[%get3A_406, %get3A_407] : memref<6250x512xf32, #tpu.memory_space<vmem>>, vector<1x512xf32>
    %get3A_409 = arith.constant 5 : index
    %get3A_410 = arith.constant 0 : index
    %get3A_411 = memref.load %arg0[%get3A_409, %get3A_410] : memref<50x1xi32, #tpu.memory_space<smem>>
    %jit3A_412 = arith.constant 8 : i32
    %div3A_413 = arith.divsi %get3A_411, %jit3A_412 : i32
    %sign3A_414 = arith.constant 0 : i32
    %sign3A_415 = arith.cmpi sgt, %get3A_411, %sign3A_414 : i32
    %sign3A_416 = arith.extui %sign3A_415 : i1 to i32
    %sign3A_417 = arith.constant 0 : i32
    %sign3A_418 = arith.cmpi slt, %get3A_411, %sign3A_417 : i32
    %sign3A_419 = arith.extui %sign3A_418 : i1 to i32
    %sign3A_420 = arith.subi %sign3A_416, %sign3A_419 : i32
    %sign3A_421 = arith.constant 0 : i32
    %sign3A_422 = arith.cmpi sgt, %jit3A_412, %sign3A_421 : i32
    %sign3A_423 = arith.extui %sign3A_422 : i1 to i32
    %sign3A_424 = arith.constant 0 : i32
    %sign3A_425 = arith.cmpi slt, %jit3A_412, %sign3A_424 : i32
    %sign3A_426 = arith.extui %sign3A_425 : i1 to i32
    %sign3A_427 = arith.subi %sign3A_423, %sign3A_426 : i32
    %ne3A_428 = arith.cmpi ne, %sign3A_420, %sign3A_427 : i32
    %rem3A_429 = arith.remsi %get3A_411, %jit3A_412 : i32
    %ne3A_430 = arith.constant 0 : i32
    %ne3A_431 = arith.cmpi ne, %rem3A_429, %ne3A_430 : i32
    %and3A_432 = arith.andi %ne3A_428, %ne3A_431 : i1
    %sub3A_433 = arith.constant 1 : i32
    %sub3A_434 = arith.subi %div3A_413, %sub3A_433 : i32
    %select_n3A_435 = arith.select %and3A_432, %sub3A_434, %div3A_413 : i32
    %add3A_436 = arith.constant 625 : i32
    %add3A_437 = arith.addi %add3A_436, %select_n3A_435 : i32
    %get3A_438 = arith.index_cast %add3A_437 : i32 to index
    %get3A_439 = arith.constant 0 : index
    %get3A_440 = vector.load %arg10[%get3A_438, %get3A_439] : memref<6250x512xf32, #tpu.memory_space<vmem>>, vector<1x512xf32>
    %get3A_441 = arith.constant 6 : index
    %get3A_442 = arith.constant 0 : index
    %get3A_443 = memref.load %arg0[%get3A_441, %get3A_442] : memref<50x1xi32, #tpu.memory_space<smem>>
    %jit3A_444 = arith.constant 8 : i32
    %div3A_445 = arith.divsi %get3A_443, %jit3A_444 : i32
    %sign3A_446 = arith.constant 0 : i32
    %sign3A_447 = arith.cmpi sgt, %get3A_443, %sign3A_446 : i32
    %sign3A_448 = arith.extui %sign3A_447 : i1 to i32
    %sign3A_449 = arith.constant 0 : i32
    %sign3A_450 = arith.cmpi slt, %get3A_443, %sign3A_449 : i32
    %sign3A_451 = arith.extui %sign3A_450 : i1 to i32
    %sign3A_452 = arith.subi %sign3A_448, %sign3A_451 : i32
    %sign3A_453 = arith.constant 0 : i32
    %sign3A_454 = arith.cmpi sgt, %jit3A_444, %sign3A_453 : i32
    %sign3A_455 = arith.extui %sign3A_454 : i1 to i32
    %sign3A_456 = arith.constant 0 : i32
    %sign3A_457 = arith.cmpi slt, %jit3A_444, %sign3A_456 : i32
    %sign3A_458 = arith.extui %sign3A_457 : i1 to i32
    %sign3A_459 = arith.subi %sign3A_455, %sign3A_458 : i32
    %ne3A_460 = arith.cmpi ne, %sign3A_452, %sign3A_459 : i32
    %rem3A_461 = arith.remsi %get3A_443, %jit3A_444 : i32
    %ne3A_462 = arith.constant 0 : i32
    %ne3A_463 = arith.cmpi ne, %rem3A_461, %ne3A_462 : i32
    %and3A_464 = arith.andi %ne3A_460, %ne3A_463 : i1
    %sub3A_465 = arith.constant 1 : i32
    %sub3A_466 = arith.subi %div3A_445, %sub3A_465 : i32
    %select_n3A_467 = arith.select %and3A_464, %sub3A_466, %div3A_445 : i32
    %add3A_468 = arith.constant 750 : i32
    %add3A_469 = arith.addi %add3A_468, %select_n3A_467 : i32
    %get3A_470 = arith.index_cast %add3A_469 : i32 to index
    %get3A_471 = arith.constant 0 : index
    %get3A_472 = vector.load %arg10[%get3A_470, %get3A_471] : memref<6250x512xf32, #tpu.memory_space<vmem>>, vector<1x512xf32>
    %get3A_473 = arith.constant 7 : index
    %get3A_474 = arith.constant 0 : index
    %get3A_475 = memref.load %arg0[%get3A_473, %get3A_474] : memref<50x1xi32, #tpu.memory_space<smem>>
    %jit3A_476 = arith.constant 8 : i32
    %div3A_477 = arith.divsi %get3A_475, %jit3A_476 : i32
    %sign3A_478 = arith.constant 0 : i32
    %sign3A_479 = arith.cmpi sgt, %get3A_475, %sign3A_478 : i32
    %sign3A_480 = arith.extui %sign3A_479 : i1 to i32
    %sign3A_481 = arith.constant 0 : i32
    %sign3A_482 = arith.cmpi slt, %get3A_475, %sign3A_481 : i32
    %sign3A_483 = arith.extui %sign3A_482 : i1 to i32
    %sign3A_484 = arith.subi %sign3A_480, %sign3A_483 : i32
    %sign3A_485 = arith.constant 0 : i32
    %sign3A_486 = arith.cmpi sgt, %jit3A_476, %sign3A_485 : i32
    %sign3A_487 = arith.extui %sign3A_486 : i1 to i32
    %sign3A_488 = arith.constant 0 : i32
    %sign3A_489 = arith.cmpi slt, %jit3A_476, %sign3A_488 : i32
    %sign3A_490 = arith.extui %sign3A_489 : i1 to i32
    %sign3A_491 = arith.subi %sign3A_487, %sign3A_490 : i32
    %ne3A_492 = arith.cmpi ne, %sign3A_484, %sign3A_491 : i32
    %rem3A_493 = arith.remsi %get3A_475, %jit3A_476 : i32
    %ne3A_494 = arith.constant 0 : i32
    %ne3A_495 = arith.cmpi ne, %rem3A_493, %ne3A_494 : i32
    %and3A_496 = arith.andi %ne3A_492, %ne3A_495 : i1
    %sub3A_497 = arith.constant 1 : i32
    %sub3A_498 = arith.subi %div3A_477, %sub3A_497 : i32
    %select_n3A_499 = arith.select %and3A_496, %sub3A_498, %div3A_477 : i32
    %add3A_500 = arith.constant 875 : i32
    %add3A_501 = arith.addi %add3A_500, %select_n3A_499 : i32
    %get3A_502 = arith.index_cast %add3A_501 : i32 to index
    %get3A_503 = arith.constant 0 : index
    %get3A_504 = vector.load %arg10[%get3A_502, %get3A_503] : memref<6250x512xf32, #tpu.memory_space<vmem>>, vector<1x512xf32>
    %get3A_505 = arith.constant 8 : index
    %get3A_506 = arith.constant 0 : index
    %get3A_507 = memref.load %arg0[%get3A_505, %get3A_506] : memref<50x1xi32, #tpu.memory_space<smem>>
    %jit3A_508 = arith.constant 8 : i32
    %div3A_509 = arith.divsi %get3A_507, %jit3A_508 : i32
    %sign3A_510 = arith.constant 0 : i32
    %sign3A_511 = arith.cmpi sgt, %get3A_507, %sign3A_510 : i32
    %sign3A_512 = arith.extui %sign3A_511 : i1 to i32
    %sign3A_513 = arith.constant 0 : i32
    %sign3A_514 = arith.cmpi slt, %get3A_507, %sign3A_513 : i32
    %sign3A_515 = arith.extui %sign3A_514 : i1 to i32
    %sign3A_516 = arith.subi %sign3A_512, %sign3A_515 : i32
    %sign3A_517 = arith.constant 0 : i32
    %sign3A_518 = arith.cmpi sgt, %jit3A_508, %sign3A_517 : i32
    %sign3A_519 = arith.extui %sign3A_518 : i1 to i32
    %sign3A_520 = arith.constant 0 : i32
    %sign3A_521 = arith.cmpi slt, %jit3A_508, %sign3A_520 : i32
    %sign3A_522 = arith.extui %sign3A_521 : i1 to i32
    %sign3A_523 = arith.subi %sign3A_519, %sign3A_522 : i32
    %ne3A_524 = arith.cmpi ne, %sign3A_516, %sign3A_523 : i32
    %rem3A_525 = arith.remsi %get3A_507, %jit3A_508 : i32
    %ne3A_526 = arith.constant 0 : i32
    %ne3A_527 = arith.cmpi ne, %rem3A_525, %ne3A_526 : i32
    %and3A_528 = arith.andi %ne3A_524, %ne3A_527 : i1
    %sub3A_529 = arith.constant 1 : i32
    %sub3A_530 = arith.subi %div3A_509, %sub3A_529 : i32
    %select_n3A_531 = arith.select %and3A_528, %sub3A_530, %div3A_509 : i32
    %add3A_532 = arith.constant 1000 : i32
    %add3A_533 = arith.addi %add3A_532, %select_n3A_531 : i32
    %get3A_534 = arith.index_cast %add3A_533 : i32 to index
    %get3A_535 = arith.constant 0 : index
    %get3A_536 = vector.load %arg10[%get3A_534, %get3A_535] : memref<6250x512xf32, #tpu.memory_space<vmem>>, vector<1x512xf32>
    %get3A_537 = arith.constant 9 : index
    %get3A_538 = arith.constant 0 : index
    %get3A_539 = memref.load %arg0[%get3A_537, %get3A_538] : memref<50x1xi32, #tpu.memory_space<smem>>
    %jit3A_540 = arith.constant 8 : i32
    %div3A_541 = arith.divsi %get3A_539, %jit3A_540 : i32
    %sign3A_542 = arith.constant 0 : i32
    %sign3A_543 = arith.cmpi sgt, %get3A_539, %sign3A_542 : i32
    %sign3A_544 = arith.extui %sign3A_543 : i1 to i32
    %sign3A_545 = arith.constant 0 : i32
    %sign3A_546 = arith.cmpi slt, %get3A_539, %sign3A_545 : i32
    %sign3A_547 = arith.extui %sign3A_546 : i1 to i32
    %sign3A_548 = arith.subi %sign3A_544, %sign3A_547 : i32
    %sign3A_549 = arith.constant 0 : i32
    %sign3A_550 = arith.cmpi sgt, %jit3A_540, %sign3A_549 : i32
    %sign3A_551 = arith.extui %sign3A_550 : i1 to i32
    %sign3A_552 = arith.constant 0 : i32
    %sign3A_553 = arith.cmpi slt, %jit3A_540, %sign3A_552 : i32
    %sign3A_554 = arith.extui %sign3A_553 : i1 to i32
    %sign3A_555 = arith.subi %sign3A_551, %sign3A_554 : i32
    %ne3A_556 = arith.cmpi ne, %sign3A_548, %sign3A_555 : i32
    %rem3A_557 = arith.remsi %get3A_539, %jit3A_540 : i32
    %ne3A_558 = arith.constant 0 : i32
    %ne3A_559 = arith.cmpi ne, %rem3A_557, %ne3A_558 : i32
    %and3A_560 = arith.andi %ne3A_556, %ne3A_559 : i1
    %sub3A_561 = arith.constant 1 : i32
    %sub3A_562 = arith.subi %div3A_541, %sub3A_561 : i32
    %select_n3A_563 = arith.select %and3A_560, %sub3A_562, %div3A_541 : i32
    %add3A_564 = arith.constant 1125 : i32
    %add3A_565 = arith.addi %add3A_564, %select_n3A_563 : i32
    %get3A_566 = arith.index_cast %add3A_565 : i32 to index
    %get3A_567 = arith.constant 0 : index
    %get3A_568 = vector.load %arg10[%get3A_566, %get3A_567] : memref<6250x512xf32, #tpu.memory_space<vmem>>, vector<1x512xf32>
    %get3A_569 = arith.constant 10 : index
    %get3A_570 = arith.constant 0 : index
    %get3A_571 = memref.load %arg0[%get3A_569, %get3A_570] : memref<50x1xi32, #tpu.memory_space<smem>>
    %jit3A_572 = arith.constant 8 : i32
    %div3A_573 = arith.divsi %get3A_571, %jit3A_572 : i32
    %sign3A_574 = arith.constant 0 : i32
    %sign3A_575 = arith.cmpi sgt, %get3A_571, %sign3A_574 : i32
    %sign3A_576 = arith.extui %sign3A_575 : i1 to i32
    %sign3A_577 = arith.constant 0 : i32
    %sign3A_578 = arith.cmpi slt, %get3A_571, %sign3A_577 : i32
    %sign3A_579 = arith.extui %sign3A_578 : i1 to i32
    %sign3A_580 = arith.subi %sign3A_576, %sign3A_579 : i32
    %sign3A_581 = arith.constant 0 : i32
    %sign3A_582 = arith.cmpi sgt, %jit3A_572, %sign3A_581 : i32
    %sign3A_583 = arith.extui %sign3A_582 : i1 to i32
    %sign3A_584 = arith.constant 0 : i32
    %sign3A_585 = arith.cmpi slt, %jit3A_572, %sign3A_584 : i32
    %sign3A_586 = arith.extui %sign3A_585 : i1 to i32
    %sign3A_587 = arith.subi %sign3A_583, %sign3A_586 : i32
    %ne3A_588 = arith.cmpi ne, %sign3A_580, %sign3A_587 : i32
    %rem3A_589 = arith.remsi %get3A_571, %jit3A_572 : i32
    %ne3A_590 = arith.constant 0 : i32
    %ne3A_591 = arith.cmpi ne, %rem3A_589, %ne3A_590 : i32
    %and3A_592 = arith.andi %ne3A_588, %ne3A_591 : i1
    %sub3A_593 = arith.constant 1 : i32
    %sub3A_594 = arith.subi %div3A_573, %sub3A_593 : i32
    %select_n3A_595 = arith.select %and3A_592, %sub3A_594, %div3A_573 : i32
    %add3A_596 = arith.constant 1250 : i32
    %add3A_597 = arith.addi %add3A_596, %select_n3A_595 : i32
    %get3A_598 = arith.index_cast %add3A_597 : i32 to index
    %get3A_599 = arith.constant 0 : index
    %get3A_600 = vector.load %arg10[%get3A_598, %get3A_599] : memref<6250x512xf32, #tpu.memory_space<vmem>>, vector<1x512xf32>
    %get3A_601 = arith.constant 11 : index
    %get3A_602 = arith.constant 0 : index
    %get3A_603 = memref.load %arg0[%get3A_601, %get3A_602] : memref<50x1xi32, #tpu.memory_space<smem>>
    %jit3A_604 = arith.constant 8 : i32
    %div3A_605 = arith.divsi %get3A_603, %jit3A_604 : i32
    %sign3A_606 = arith.constant 0 : i32
    %sign3A_607 = arith.cmpi sgt, %get3A_603, %sign3A_606 : i32
    %sign3A_608 = arith.extui %sign3A_607 : i1 to i32
    %sign3A_609 = arith.constant 0 : i32
    %sign3A_610 = arith.cmpi slt, %get3A_603, %sign3A_609 : i32
    %sign3A_611 = arith.extui %sign3A_610 : i1 to i32
    %sign3A_612 = arith.subi %sign3A_608, %sign3A_611 : i32
    %sign3A_613 = arith.constant 0 : i32
    %sign3A_614 = arith.cmpi sgt, %jit3A_604, %sign3A_613 : i32
    %sign3A_615 = arith.extui %sign3A_614 : i1 to i32
    %sign3A_616 = arith.constant 0 : i32
    %sign3A_617 = arith.cmpi slt, %jit3A_604, %sign3A_616 : i32
    %sign3A_618 = arith.extui %sign3A_617 : i1 to i32
    %sign3A_619 = arith.subi %sign3A_615, %sign3A_618 : i32
    %ne3A_620 = arith.cmpi ne, %sign3A_612, %sign3A_619 : i32
    %rem3A_621 = arith.remsi %get3A_603, %jit3A_604 : i32
    %ne3A_622 = arith.constant 0 : i32
    %ne3A_623 = arith.cmpi ne, %rem3A_621, %ne3A_622 : i32
    %and3A_624 = arith.andi %ne3A_620, %ne3A_623 : i1
    %sub3A_625 = arith.constant 1 : i32
    %sub3A_626 = arith.subi %div3A_605, %sub3A_625 : i32
    %select_n3A_627 = arith.select %and3A_624, %sub3A_626, %div3A_605 : i32
    %add3A_628 = arith.constant 1375 : i32
    %add3A_629 = arith.addi %add3A_628, %select_n3A_627 : i32
    %get3A_630 = arith.index_cast %add3A_629 : i32 to index
    %get3A_631 = arith.constant 0 : index
    %get3A_632 = vector.load %arg10[%get3A_630, %get3A_631] : memref<6250x512xf32, #tpu.memory_space<vmem>>, vector<1x512xf32>
    %get3A_633 = arith.constant 12 : index
    %get3A_634 = arith.constant 0 : index
    %get3A_635 = memref.load %arg0[%get3A_633, %get3A_634] : memref<50x1xi32, #tpu.memory_space<smem>>
    %jit3A_636 = arith.constant 8 : i32
    %div3A_637 = arith.divsi %get3A_635, %jit3A_636 : i32
    %sign3A_638 = arith.constant 0 : i32
    %sign3A_639 = arith.cmpi sgt, %get3A_635, %sign3A_638 : i32
    %sign3A_640 = arith.extui %sign3A_639 : i1 to i32
    %sign3A_641 = arith.constant 0 : i32
    %sign3A_642 = arith.cmpi slt, %get3A_635, %sign3A_641 : i32
    %sign3A_643 = arith.extui %sign3A_642 : i1 to i32
    %sign3A_644 = arith.subi %sign3A_640, %sign3A_643 : i32
    %sign3A_645 = arith.constant 0 : i32
    %sign3A_646 = arith.cmpi sgt, %jit3A_636, %sign3A_645 : i32
    %sign3A_647 = arith.extui %sign3A_646 : i1 to i32
    %sign3A_648 = arith.constant 0 : i32
    %sign3A_649 = arith.cmpi slt, %jit3A_636, %sign3A_648 : i32
    %sign3A_650 = arith.extui %sign3A_649 : i1 to i32
    %sign3A_651 = arith.subi %sign3A_647, %sign3A_650 : i32
    %ne3A_652 = arith.cmpi ne, %sign3A_644, %sign3A_651 : i32
    %rem3A_653 = arith.remsi %get3A_635, %jit3A_636 : i32
    %ne3A_654 = arith.constant 0 : i32
    %ne3A_655 = arith.cmpi ne, %rem3A_653, %ne3A_654 : i32
    %and3A_656 = arith.andi %ne3A_652, %ne3A_655 : i1
    %sub3A_657 = arith.constant 1 : i32
    %sub3A_658 = arith.subi %div3A_637, %sub3A_657 : i32
    %select_n3A_659 = arith.select %and3A_656, %sub3A_658, %div3A_637 : i32
    %add3A_660 = arith.constant 1500 : i32
    %add3A_661 = arith.addi %add3A_660, %select_n3A_659 : i32
    %get3A_662 = arith.index_cast %add3A_661 : i32 to index
    %get3A_663 = arith.constant 0 : index
    %get3A_664 = vector.load %arg10[%get3A_662, %get3A_663] : memref<6250x512xf32, #tpu.memory_space<vmem>>, vector<1x512xf32>
    %get3A_665 = arith.constant 13 : index
    %get3A_666 = arith.constant 0 : index
    %get3A_667 = memref.load %arg0[%get3A_665, %get3A_666] : memref<50x1xi32, #tpu.memory_space<smem>>
    %jit3A_668 = arith.constant 8 : i32
    %div3A_669 = arith.divsi %get3A_667, %jit3A_668 : i32
    %sign3A_670 = arith.constant 0 : i32
    %sign3A_671 = arith.cmpi sgt, %get3A_667, %sign3A_670 : i32
    %sign3A_672 = arith.extui %sign3A_671 : i1 to i32
    %sign3A_673 = arith.constant 0 : i32
    %sign3A_674 = arith.cmpi slt, %get3A_667, %sign3A_673 : i32
    %sign3A_675 = arith.extui %sign3A_674 : i1 to i32
    %sign3A_676 = arith.subi %sign3A_672, %sign3A_675 : i32
    %sign3A_677 = arith.constant 0 : i32
    %sign3A_678 = arith.cmpi sgt, %jit3A_668, %sign3A_677 : i32
    %sign3A_679 = arith.extui %sign3A_678 : i1 to i32
    %sign3A_680 = arith.constant 0 : i32
    %sign3A_681 = arith.cmpi slt, %jit3A_668, %sign3A_680 : i32
    %sign3A_682 = arith.extui %sign3A_681 : i1 to i32
    %sign3A_683 = arith.subi %sign3A_679, %sign3A_682 : i32
    %ne3A_684 = arith.cmpi ne, %sign3A_676, %sign3A_683 : i32
    %rem3A_685 = arith.remsi %get3A_667, %jit3A_668 : i32
    %ne3A_686 = arith.constant 0 : i32
    %ne3A_687 = arith.cmpi ne, %rem3A_685, %ne3A_686 : i32
    %and3A_688 = arith.andi %ne3A_684, %ne3A_687 : i1
    %sub3A_689 = arith.constant 1 : i32
    %sub3A_690 = arith.subi %div3A_669, %sub3A_689 : i32
    %select_n3A_691 = arith.select %and3A_688, %sub3A_690, %div3A_669 : i32
    %add3A_692 = arith.constant 1625 : i32
    %add3A_693 = arith.addi %add3A_692, %select_n3A_691 : i32
    %get3A_694 = arith.index_cast %add3A_693 : i32 to index
    %get3A_695 = arith.constant 0 : index
    %get3A_696 = vector.load %arg10[%get3A_694, %get3A_695] : memref<6250x512xf32, #tpu.memory_space<vmem>>, vector<1x512xf32>
    %get3A_697 = arith.constant 14 : index
    %get3A_698 = arith.constant 0 : index
    %get3A_699 = memref.load %arg0[%get3A_697, %get3A_698] : memref<50x1xi32, #tpu.memory_space<smem>>
    %jit3A_700 = arith.constant 8 : i32
    %div3A_701 = arith.divsi %get3A_699, %jit3A_700 : i32
    %sign3A_702 = arith.constant 0 : i32
    %sign3A_703 = arith.cmpi sgt, %get3A_699, %sign3A_702 : i32
    %sign3A_704 = arith.extui %sign3A_703 : i1 to i32
    %sign3A_705 = arith.constant 0 : i32
    %sign3A_706 = arith.cmpi slt, %get3A_699, %sign3A_705 : i32
    %sign3A_707 = arith.extui %sign3A_706 : i1 to i32
    %sign3A_708 = arith.subi %sign3A_704, %sign3A_707 : i32
    %sign3A_709 = arith.constant 0 : i32
    %sign3A_710 = arith.cmpi sgt, %jit3A_700, %sign3A_709 : i32
    %sign3A_711 = arith.extui %sign3A_710 : i1 to i32
    %sign3A_712 = arith.constant 0 : i32
    %sign3A_713 = arith.cmpi slt, %jit3A_700, %sign3A_712 : i32
    %sign3A_714 = arith.extui %sign3A_713 : i1 to i32
    %sign3A_715 = arith.subi %sign3A_711, %sign3A_714 : i32
    %ne3A_716 = arith.cmpi ne, %sign3A_708, %sign3A_715 : i32
    %rem3A_717 = arith.remsi %get3A_699, %jit3A_700 : i32
    %ne3A_718 = arith.constant 0 : i32
    %ne3A_719 = arith.cmpi ne, %rem3A_717, %ne3A_718 : i32
    %and3A_720 = arith.andi %ne3A_716, %ne3A_719 : i1
    %sub3A_721 = arith.constant 1 : i32
    %sub3A_722 = arith.subi %div3A_701, %sub3A_721 : i32
    %select_n3A_723 = arith.select %and3A_720, %sub3A_722, %div3A_701 : i32
    %add3A_724 = arith.constant 1750 : i32
    %add3A_725 = arith.addi %add3A_724, %select_n3A_723 : i32
    %get3A_726 = arith.index_cast %add3A_725 : i32 to index
    %get3A_727 = arith.constant 0 : index
    %get3A_728 = vector.load %arg10[%get3A_726, %get3A_727] : memref<6250x512xf32, #tpu.memory_space<vmem>>, vector<1x512xf32>
    %get3A_729 = arith.constant 15 : index
    %get3A_730 = arith.constant 0 : index
    %get3A_731 = memref.load %arg0[%get3A_729, %get3A_730] : memref<50x1xi32, #tpu.memory_space<smem>>
    %jit3A_732 = arith.constant 8 : i32
    %div3A_733 = arith.divsi %get3A_731, %jit3A_732 : i32
    %sign3A_734 = arith.constant 0 : i32
    %sign3A_735 = arith.cmpi sgt, %get3A_731, %sign3A_734 : i32
    %sign3A_736 = arith.extui %sign3A_735 : i1 to i32
    %sign3A_737 = arith.constant 0 : i32
    %sign3A_738 = arith.cmpi slt, %get3A_731, %sign3A_737 : i32
    %sign3A_739 = arith.extui %sign3A_738 : i1 to i32
    %sign3A_740 = arith.subi %sign3A_736, %sign3A_739 : i32
    %sign3A_741 = arith.constant 0 : i32
    %sign3A_742 = arith.cmpi sgt, %jit3A_732, %sign3A_741 : i32
    %sign3A_743 = arith.extui %sign3A_742 : i1 to i32
    %sign3A_744 = arith.constant 0 : i32
    %sign3A_745 = arith.cmpi slt, %jit3A_732, %sign3A_744 : i32
    %sign3A_746 = arith.extui %sign3A_745 : i1 to i32
    %sign3A_747 = arith.subi %sign3A_743, %sign3A_746 : i32
    %ne3A_748 = arith.cmpi ne, %sign3A_740, %sign3A_747 : i32
    %rem3A_749 = arith.remsi %get3A_731, %jit3A_732 : i32
    %ne3A_750 = arith.constant 0 : i32
    %ne3A_751 = arith.cmpi ne, %rem3A_749, %ne3A_750 : i32
    %and3A_752 = arith.andi %ne3A_748, %ne3A_751 : i1
    %sub3A_753 = arith.constant 1 : i32
    %sub3A_754 = arith.subi %div3A_733, %sub3A_753 : i32
    %select_n3A_755 = arith.select %and3A_752, %sub3A_754, %div3A_733 : i32
    %add3A_756 = arith.constant 1875 : i32
    %add3A_757 = arith.addi %add3A_756, %select_n3A_755 : i32
    %get3A_758 = arith.index_cast %add3A_757 : i32 to index
    %get3A_759 = arith.constant 0 : index
    %get3A_760 = vector.load %arg10[%get3A_758, %get3A_759] : memref<6250x512xf32, #tpu.memory_space<vmem>>, vector<1x512xf32>
    %get3A_761 = arith.constant 16 : index
    %get3A_762 = arith.constant 0 : index
    %get3A_763 = memref.load %arg0[%get3A_761, %get3A_762] : memref<50x1xi32, #tpu.memory_space<smem>>
    %jit3A_764 = arith.constant 8 : i32
    %div3A_765 = arith.divsi %get3A_763, %jit3A_764 : i32
    %sign3A_766 = arith.constant 0 : i32
    %sign3A_767 = arith.cmpi sgt, %get3A_763, %sign3A_766 : i32
    %sign3A_768 = arith.extui %sign3A_767 : i1 to i32
    %sign3A_769 = arith.constant 0 : i32
    %sign3A_770 = arith.cmpi slt, %get3A_763, %sign3A_769 : i32
    %sign3A_771 = arith.extui %sign3A_770 : i1 to i32
    %sign3A_772 = arith.subi %sign3A_768, %sign3A_771 : i32
    %sign3A_773 = arith.constant 0 : i32
    %sign3A_774 = arith.cmpi sgt, %jit3A_764, %sign3A_773 : i32
    %sign3A_775 = arith.extui %sign3A_774 : i1 to i32
    %sign3A_776 = arith.constant 0 : i32
    %sign3A_777 = arith.cmpi slt, %jit3A_764, %sign3A_776 : i32
    %sign3A_778 = arith.extui %sign3A_777 : i1 to i32
    %sign3A_779 = arith.subi %sign3A_775, %sign3A_778 : i32
    %ne3A_780 = arith.cmpi ne, %sign3A_772, %sign3A_779 : i32
    %rem3A_781 = arith.remsi %get3A_763, %jit3A_764 : i32
    %ne3A_782 = arith.constant 0 : i32
    %ne3A_783 = arith.cmpi ne, %rem3A_781, %ne3A_782 : i32
    %and3A_784 = arith.andi %ne3A_780, %ne3A_783 : i1
    %sub3A_785 = arith.constant 1 : i32
    %sub3A_786 = arith.subi %div3A_765, %sub3A_785 : i32
    %select_n3A_787 = arith.select %and3A_784, %sub3A_786, %div3A_765 : i32
    %add3A_788 = arith.constant 2000 : i32
    %add3A_789 = arith.addi %add3A_788, %select_n3A_787 : i32
    %get3A_790 = arith.index_cast %add3A_789 : i32 to index
    %get3A_791 = arith.constant 0 : index
    %get3A_792 = vector.load %arg10[%get3A_790, %get3A_791] : memref<6250x512xf32, #tpu.memory_space<vmem>>, vector<1x512xf32>
    %get3A_793 = arith.constant 17 : index
    %get3A_794 = arith.constant 0 : index
    %get3A_795 = memref.load %arg0[%get3A_793, %get3A_794] : memref<50x1xi32, #tpu.memory_space<smem>>
    %jit3A_796 = arith.constant 8 : i32
    %div3A_797 = arith.divsi %get3A_795, %jit3A_796 : i32
    %sign3A_798 = arith.constant 0 : i32
    %sign3A_799 = arith.cmpi sgt, %get3A_795, %sign3A_798 : i32
    %sign3A_800 = arith.extui %sign3A_799 : i1 to i32
    %sign3A_801 = arith.constant 0 : i32
    %sign3A_802 = arith.cmpi slt, %get3A_795, %sign3A_801 : i32
    %sign3A_803 = arith.extui %sign3A_802 : i1 to i32
    %sign3A_804 = arith.subi %sign3A_800, %sign3A_803 : i32
    %sign3A_805 = arith.constant 0 : i32
    %sign3A_806 = arith.cmpi sgt, %jit3A_796, %sign3A_805 : i32
    %sign3A_807 = arith.extui %sign3A_806 : i1 to i32
    %sign3A_808 = arith.constant 0 : i32
    %sign3A_809 = arith.cmpi slt, %jit3A_796, %sign3A_808 : i32
    %sign3A_810 = arith.extui %sign3A_809 : i1 to i32
    %sign3A_811 = arith.subi %sign3A_807, %sign3A_810 : i32
    %ne3A_812 = arith.cmpi ne, %sign3A_804, %sign3A_811 : i32
    %rem3A_813 = arith.remsi %get3A_795, %jit3A_796 : i32
    %ne3A_814 = arith.constant 0 : i32
    %ne3A_815 = arith.cmpi ne, %rem3A_813, %ne3A_814 : i32
    %and3A_816 = arith.andi %ne3A_812, %ne3A_815 : i1
    %sub3A_817 = arith.constant 1 : i32
    %sub3A_818 = arith.subi %div3A_797, %sub3A_817 : i32
    %select_n3A_819 = arith.select %and3A_816, %sub3A_818, %div3A_797 : i32
    %add3A_820 = arith.constant 2125 : i32
    %add3A_821 = arith.addi %add3A_820, %select_n3A_819 : i32
    %get3A_822 = arith.index_cast %add3A_821 : i32 to index
    %get3A_823 = arith.constant 0 : index
    %get3A_824 = vector.load %arg10[%get3A_822, %get3A_823] : memref<6250x512xf32, #tpu.memory_space<vmem>>, vector<1x512xf32>
    %get3A_825 = arith.constant 18 : index
    %get3A_826 = arith.constant 0 : index
    %get3A_827 = memref.load %arg0[%get3A_825, %get3A_826] : memref<50x1xi32, #tpu.memory_space<smem>>
    %jit3A_828 = arith.constant 8 : i32
    %div3A_829 = arith.divsi %get3A_827, %jit3A_828 : i32
    %sign3A_830 = arith.constant 0 : i32
    %sign3A_831 = arith.cmpi sgt, %get3A_827, %sign3A_830 : i32
    %sign3A_832 = arith.extui %sign3A_831 : i1 to i32
    %sign3A_833 = arith.constant 0 : i32
    %sign3A_834 = arith.cmpi slt, %get3A_827, %sign3A_833 : i32
    %sign3A_835 = arith.extui %sign3A_834 : i1 to i32
    %sign3A_836 = arith.subi %sign3A_832, %sign3A_835 : i32
    %sign3A_837 = arith.constant 0 : i32
    %sign3A_838 = arith.cmpi sgt, %jit3A_828, %sign3A_837 : i32
    %sign3A_839 = arith.extui %sign3A_838 : i1 to i32
    %sign3A_840 = arith.constant 0 : i32
    %sign3A_841 = arith.cmpi slt, %jit3A_828, %sign3A_840 : i32
    %sign3A_842 = arith.extui %sign3A_841 : i1 to i32
    %sign3A_843 = arith.subi %sign3A_839, %sign3A_842 : i32
    %ne3A_844 = arith.cmpi ne, %sign3A_836, %sign3A_843 : i32
    %rem3A_845 = arith.remsi %get3A_827, %jit3A_828 : i32
    %ne3A_846 = arith.constant 0 : i32
    %ne3A_847 = arith.cmpi ne, %rem3A_845, %ne3A_846 : i32
    %and3A_848 = arith.andi %ne3A_844, %ne3A_847 : i1
    %sub3A_849 = arith.constant 1 : i32
    %sub3A_850 = arith.subi %div3A_829, %sub3A_849 : i32
    %select_n3A_851 = arith.select %and3A_848, %sub3A_850, %div3A_829 : i32
    %add3A_852 = arith.constant 2250 : i32
    %add3A_853 = arith.addi %add3A_852, %select_n3A_851 : i32
    %get3A_854 = arith.index_cast %add3A_853 : i32 to index
    %get3A_855 = arith.constant 0 : index
    %get3A_856 = vector.load %arg10[%get3A_854, %get3A_855] : memref<6250x512xf32, #tpu.memory_space<vmem>>, vector<1x512xf32>
    %get3A_857 = arith.constant 19 : index
    %get3A_858 = arith.constant 0 : index
    %get3A_859 = memref.load %arg0[%get3A_857, %get3A_858] : memref<50x1xi32, #tpu.memory_space<smem>>
    %jit3A_860 = arith.constant 8 : i32
    %div3A_861 = arith.divsi %get3A_859, %jit3A_860 : i32
    %sign3A_862 = arith.constant 0 : i32
    %sign3A_863 = arith.cmpi sgt, %get3A_859, %sign3A_862 : i32
    %sign3A_864 = arith.extui %sign3A_863 : i1 to i32
    %sign3A_865 = arith.constant 0 : i32
    %sign3A_866 = arith.cmpi slt, %get3A_859, %sign3A_865 : i32
    %sign3A_867 = arith.extui %sign3A_866 : i1 to i32
    %sign3A_868 = arith.subi %sign3A_864, %sign3A_867 : i32
    %sign3A_869 = arith.constant 0 : i32
    %sign3A_870 = arith.cmpi sgt, %jit3A_860, %sign3A_869 : i32
    %sign3A_871 = arith.extui %sign3A_870 : i1 to i32
    %sign3A_872 = arith.constant 0 : i32
    %sign3A_873 = arith.cmpi slt, %jit3A_860, %sign3A_872 : i32
    %sign3A_874 = arith.extui %sign3A_873 : i1 to i32
    %sign3A_875 = arith.subi %sign3A_871, %sign3A_874 : i32
    %ne3A_876 = arith.cmpi ne, %sign3A_868, %sign3A_875 : i32
    %rem3A_877 = arith.remsi %get3A_859, %jit3A_860 : i32
    %ne3A_878 = arith.constant 0 : i32
    %ne3A_879 = arith.cmpi ne, %rem3A_877, %ne3A_878 : i32
    %and3A_880 = arith.andi %ne3A_876, %ne3A_879 : i1
    %sub3A_881 = arith.constant 1 : i32
    %sub3A_882 = arith.subi %div3A_861, %sub3A_881 : i32
    %select_n3A_883 = arith.select %and3A_880, %sub3A_882, %div3A_861 : i32
    %add3A_884 = arith.constant 2375 : i32
    %add3A_885 = arith.addi %add3A_884, %select_n3A_883 : i32
    %get3A_886 = arith.index_cast %add3A_885 : i32 to index
    %get3A_887 = arith.constant 0 : index
    %get3A_888 = vector.load %arg10[%get3A_886, %get3A_887] : memref<6250x512xf32, #tpu.memory_space<vmem>>, vector<1x512xf32>
    %get3A_889 = arith.constant 20 : index
    %get3A_890 = arith.constant 0 : index
    %get3A_891 = memref.load %arg0[%get3A_889, %get3A_890] : memref<50x1xi32, #tpu.memory_space<smem>>
    %jit3A_892 = arith.constant 8 : i32
    %div3A_893 = arith.divsi %get3A_891, %jit3A_892 : i32
    %sign3A_894 = arith.constant 0 : i32
    %sign3A_895 = arith.cmpi sgt, %get3A_891, %sign3A_894 : i32
    %sign3A_896 = arith.extui %sign3A_895 : i1 to i32
    %sign3A_897 = arith.constant 0 : i32
    %sign3A_898 = arith.cmpi slt, %get3A_891, %sign3A_897 : i32
    %sign3A_899 = arith.extui %sign3A_898 : i1 to i32
    %sign3A_900 = arith.subi %sign3A_896, %sign3A_899 : i32
    %sign3A_901 = arith.constant 0 : i32
    %sign3A_902 = arith.cmpi sgt, %jit3A_892, %sign3A_901 : i32
    %sign3A_903 = arith.extui %sign3A_902 : i1 to i32
    %sign3A_904 = arith.constant 0 : i32
    %sign3A_905 = arith.cmpi slt, %jit3A_892, %sign3A_904 : i32
    %sign3A_906 = arith.extui %sign3A_905 : i1 to i32
    %sign3A_907 = arith.subi %sign3A_903, %sign3A_906 : i32
    %ne3A_908 = arith.cmpi ne, %sign3A_900, %sign3A_907 : i32
    %rem3A_909 = arith.remsi %get3A_891, %jit3A_892 : i32
    %ne3A_910 = arith.constant 0 : i32
    %ne3A_911 = arith.cmpi ne, %rem3A_909, %ne3A_910 : i32
    %and3A_912 = arith.andi %ne3A_908, %ne3A_911 : i1
    %sub3A_913 = arith.constant 1 : i32
    %sub3A_914 = arith.subi %div3A_893, %sub3A_913 : i32
    %select_n3A_915 = arith.select %and3A_912, %sub3A_914, %div3A_893 : i32
    %add3A_916 = arith.constant 2500 : i32
    %add3A_917 = arith.addi %add3A_916, %select_n3A_915 : i32
    %get3A_918 = arith.index_cast %add3A_917 : i32 to index
    %get3A_919 = arith.constant 0 : index
    %get3A_920 = vector.load %arg10[%get3A_918, %get3A_919] : memref<6250x512xf32, #tpu.memory_space<vmem>>, vector<1x512xf32>
    %get3A_921 = arith.constant 21 : index
    %get3A_922 = arith.constant 0 : index
    %get3A_923 = memref.load %arg0[%get3A_921, %get3A_922] : memref<50x1xi32, #tpu.memory_space<smem>>
    %jit3A_924 = arith.constant 8 : i32
    %div3A_925 = arith.divsi %get3A_923, %jit3A_924 : i32
    %sign3A_926 = arith.constant 0 : i32
    %sign3A_927 = arith.cmpi sgt, %get3A_923, %sign3A_926 : i32
    %sign3A_928 = arith.extui %sign3A_927 : i1 to i32
    %sign3A_929 = arith.constant 0 : i32
    %sign3A_930 = arith.cmpi slt, %get3A_923, %sign3A_929 : i32
    %sign3A_931 = arith.extui %sign3A_930 : i1 to i32
    %sign3A_932 = arith.subi %sign3A_928, %sign3A_931 : i32
    %sign3A_933 = arith.constant 0 : i32
    %sign3A_934 = arith.cmpi sgt, %jit3A_924, %sign3A_933 : i32
    %sign3A_935 = arith.extui %sign3A_934 : i1 to i32
    %sign3A_936 = arith.constant 0 : i32
    %sign3A_937 = arith.cmpi slt, %jit3A_924, %sign3A_936 : i32
    %sign3A_938 = arith.extui %sign3A_937 : i1 to i32
    %sign3A_939 = arith.subi %sign3A_935, %sign3A_938 : i32
    %ne3A_940 = arith.cmpi ne, %sign3A_932, %sign3A_939 : i32
    %rem3A_941 = arith.remsi %get3A_923, %jit3A_924 : i32
    %ne3A_942 = arith.constant 0 : i32
    %ne3A_943 = arith.cmpi ne, %rem3A_941, %ne3A_942 : i32
    %and3A_944 = arith.andi %ne3A_940, %ne3A_943 : i1
    %sub3A_945 = arith.constant 1 : i32
    %sub3A_946 = arith.subi %div3A_925, %sub3A_945 : i32
    %select_n3A_947 = arith.select %and3A_944, %sub3A_946, %div3A_925 : i32
    %add3A_948 = arith.constant 2625 : i32
    %add3A_949 = arith.addi %add3A_948, %select_n3A_947 : i32
    %get3A_950 = arith.index_cast %add3A_949 : i32 to index
    %get3A_951 = arith.constant 0 : index
    %get3A_952 = vector.load %arg10[%get3A_950, %get3A_951] : memref<6250x512xf32, #tpu.memory_space<vmem>>, vector<1x512xf32>
    %get3A_953 = arith.constant 22 : index
    %get3A_954 = arith.constant 0 : index
    %get3A_955 = memref.load %arg0[%get3A_953, %get3A_954] : memref<50x1xi32, #tpu.memory_space<smem>>
    %jit3A_956 = arith.constant 8 : i32
    %div3A_957 = arith.divsi %get3A_955, %jit3A_956 : i32
    %sign3A_958 = arith.constant 0 : i32
    %sign3A_959 = arith.cmpi sgt, %get3A_955, %sign3A_958 : i32
    %sign3A_960 = arith.extui %sign3A_959 : i1 to i32
    %sign3A_961 = arith.constant 0 : i32
    %sign3A_962 = arith.cmpi slt, %get3A_955, %sign3A_961 : i32
    %sign3A_963 = arith.extui %sign3A_962 : i1 to i32
    %sign3A_964 = arith.subi %sign3A_960, %sign3A_963 : i32
    %sign3A_965 = arith.constant 0 : i32
    %sign3A_966 = arith.cmpi sgt, %jit3A_956, %sign3A_965 : i32
    %sign3A_967 = arith.extui %sign3A_966 : i1 to i32
    %sign3A_968 = arith.constant 0 : i32
    %sign3A_969 = arith.cmpi slt, %jit3A_956, %sign3A_968 : i32
    %sign3A_970 = arith.extui %sign3A_969 : i1 to i32
    %sign3A_971 = arith.subi %sign3A_967, %sign3A_970 : i32
    %ne3A_972 = arith.cmpi ne, %sign3A_964, %sign3A_971 : i32
    %rem3A_973 = arith.remsi %get3A_955, %jit3A_956 : i32
    %ne3A_974 = arith.constant 0 : i32
    %ne3A_975 = arith.cmpi ne, %rem3A_973, %ne3A_974 : i32
    %and3A_976 = arith.andi %ne3A_972, %ne3A_975 : i1
    %sub3A_977 = arith.constant 1 : i32
    %sub3A_978 = arith.subi %div3A_957, %sub3A_977 : i32
    %select_n3A_979 = arith.select %and3A_976, %sub3A_978, %div3A_957 : i32
    %add3A_980 = arith.constant 2750 : i32
    %add3A_981 = arith.addi %add3A_980, %select_n3A_979 : i32
    %get3A_982 = arith.index_cast %add3A_981 : i32 to index
    %get3A_983 = arith.constant 0 : index
    %get3A_984 = vector.load %arg10[%get3A_982, %get3A_983] : memref<6250x512xf32, #tpu.memory_space<vmem>>, vector<1x512xf32>
    %get3A_985 = arith.constant 23 : index
    %get3A_986 = arith.constant 0 : index
    %get3A_987 = memref.load %arg0[%get3A_985, %get3A_986] : memref<50x1xi32, #tpu.memory_space<smem>>
    %jit3A_988 = arith.constant 8 : i32
    %div3A_989 = arith.divsi %get3A_987, %jit3A_988 : i32
    %sign3A_990 = arith.constant 0 : i32
    %sign3A_991 = arith.cmpi sgt, %get3A_987, %sign3A_990 : i32
    %sign3A_992 = arith.extui %sign3A_991 : i1 to i32
    %sign3A_993 = arith.constant 0 : i32
    %sign3A_994 = arith.cmpi slt, %get3A_987, %sign3A_993 : i32
    %sign3A_995 = arith.extui %sign3A_994 : i1 to i32
    %sign3A_996 = arith.subi %sign3A_992, %sign3A_995 : i32
    %sign3A_997 = arith.constant 0 : i32
    %sign3A_998 = arith.cmpi sgt, %jit3A_988, %sign3A_997 : i32
    %sign3A_999 = arith.extui %sign3A_998 : i1 to i32
    %sign3A_1000 = arith.constant 0 : i32
    %sign3A_1001 = arith.cmpi slt, %jit3A_988, %sign3A_1000 : i32
    %sign3A_1002 = arith.extui %sign3A_1001 : i1 to i32
    %sign3A_1003 = arith.subi %sign3A_999, %sign3A_1002 : i32
    %ne3A_1004 = arith.cmpi ne, %sign3A_996, %sign3A_1003 : i32
    %rem3A_1005 = arith.remsi %get3A_987, %jit3A_988 : i32
    %ne3A_1006 = arith.constant 0 : i32
    %ne3A_1007 = arith.cmpi ne, %rem3A_1005, %ne3A_1006 : i32
    %and3A_1008 = arith.andi %ne3A_1004, %ne3A_1007 : i1
    %sub3A_1009 = arith.constant 1 : i32
    %sub3A_1010 = arith.subi %div3A_989, %sub3A_1009 : i32
    %select_n3A_1011 = arith.select %and3A_1008, %sub3A_1010, %div3A_989 : i32
    %add3A_1012 = arith.constant 2875 : i32
    %add3A_1013 = arith.addi %add3A_1012, %select_n3A_1011 : i32
    %get3A_1014 = arith.index_cast %add3A_1013 : i32 to index
    %get3A_1015 = arith.constant 0 : index
    %get3A_1016 = vector.load %arg10[%get3A_1014, %get3A_1015] : memref<6250x512xf32, #tpu.memory_space<vmem>>, vector<1x512xf32>
    %get3A_1017 = arith.constant 24 : index
    %get3A_1018 = arith.constant 0 : index
    %get3A_1019 = memref.load %arg0[%get3A_1017, %get3A_1018] : memref<50x1xi32, #tpu.memory_space<smem>>
    %jit3A_1020 = arith.constant 8 : i32
    %div3A_1021 = arith.divsi %get3A_1019, %jit3A_1020 : i32
    %sign3A_1022 = arith.constant 0 : i32
    %sign3A_1023 = arith.cmpi sgt, %get3A_1019, %sign3A_1022 : i32
    %sign3A_1024 = arith.extui %sign3A_1023 : i1 to i32
    %sign3A_1025 = arith.constant 0 : i32
    %sign3A_1026 = arith.cmpi slt, %get3A_1019, %sign3A_1025 : i32
    %sign3A_1027 = arith.extui %sign3A_1026 : i1 to i32
    %sign3A_1028 = arith.subi %sign3A_1024, %sign3A_1027 : i32
    %sign3A_1029 = arith.constant 0 : i32
    %sign3A_1030 = arith.cmpi sgt, %jit3A_1020, %sign3A_1029 : i32
    %sign3A_1031 = arith.extui %sign3A_1030 : i1 to i32
    %sign3A_1032 = arith.constant 0 : i32
    %sign3A_1033 = arith.cmpi slt, %jit3A_1020, %sign3A_1032 : i32
    %sign3A_1034 = arith.extui %sign3A_1033 : i1 to i32
    %sign3A_1035 = arith.subi %sign3A_1031, %sign3A_1034 : i32
    %ne3A_1036 = arith.cmpi ne, %sign3A_1028, %sign3A_1035 : i32
    %rem3A_1037 = arith.remsi %get3A_1019, %jit3A_1020 : i32
    %ne3A_1038 = arith.constant 0 : i32
    %ne3A_1039 = arith.cmpi ne, %rem3A_1037, %ne3A_1038 : i32
    %and3A_1040 = arith.andi %ne3A_1036, %ne3A_1039 : i1
    %sub3A_1041 = arith.constant 1 : i32
    %sub3A_1042 = arith.subi %div3A_1021, %sub3A_1041 : i32
    %select_n3A_1043 = arith.select %and3A_1040, %sub3A_1042, %div3A_1021 : i32
    %add3A_1044 = arith.constant 3000 : i32
    %add3A_1045 = arith.addi %add3A_1044, %select_n3A_1043 : i32
    %get3A_1046 = arith.index_cast %add3A_1045 : i32 to index
    %get3A_1047 = arith.constant 0 : index
    %get3A_1048 = vector.load %arg10[%get3A_1046, %get3A_1047] : memref<6250x512xf32, #tpu.memory_space<vmem>>, vector<1x512xf32>
    %get3A_1049 = arith.constant 25 : index
    %get3A_1050 = arith.constant 0 : index
    %get3A_1051 = memref.load %arg0[%get3A_1049, %get3A_1050] : memref<50x1xi32, #tpu.memory_space<smem>>
    %jit3A_1052 = arith.constant 8 : i32
    %div3A_1053 = arith.divsi %get3A_1051, %jit3A_1052 : i32
    %sign3A_1054 = arith.constant 0 : i32
    %sign3A_1055 = arith.cmpi sgt, %get3A_1051, %sign3A_1054 : i32
    %sign3A_1056 = arith.extui %sign3A_1055 : i1 to i32
    %sign3A_1057 = arith.constant 0 : i32
    %sign3A_1058 = arith.cmpi slt, %get3A_1051, %sign3A_1057 : i32
    %sign3A_1059 = arith.extui %sign3A_1058 : i1 to i32
    %sign3A_1060 = arith.subi %sign3A_1056, %sign3A_1059 : i32
    %sign3A_1061 = arith.constant 0 : i32
    %sign3A_1062 = arith.cmpi sgt, %jit3A_1052, %sign3A_1061 : i32
    %sign3A_1063 = arith.extui %sign3A_1062 : i1 to i32
    %sign3A_1064 = arith.constant 0 : i32
    %sign3A_1065 = arith.cmpi slt, %jit3A_1052, %sign3A_1064 : i32
    %sign3A_1066 = arith.extui %sign3A_1065 : i1 to i32
    %sign3A_1067 = arith.subi %sign3A_1063, %sign3A_1066 : i32
    %ne3A_1068 = arith.cmpi ne, %sign3A_1060, %sign3A_1067 : i32
    %rem3A_1069 = arith.remsi %get3A_1051, %jit3A_1052 : i32
    %ne3A_1070 = arith.constant 0 : i32
    %ne3A_1071 = arith.cmpi ne, %rem3A_1069, %ne3A_1070 : i32
    %and3A_1072 = arith.andi %ne3A_1068, %ne3A_1071 : i1
    %sub3A_1073 = arith.constant 1 : i32
    %sub3A_1074 = arith.subi %div3A_1053, %sub3A_1073 : i32
    %select_n3A_1075 = arith.select %and3A_1072, %sub3A_1074, %div3A_1053 : i32
    %add3A_1076 = arith.constant 3125 : i32
    %add3A_1077 = arith.addi %add3A_1076, %select_n3A_1075 : i32
    %get3A_1078 = arith.index_cast %add3A_1077 : i32 to index
    %get3A_1079 = arith.constant 0 : index
    %get3A_1080 = vector.load %arg10[%get3A_1078, %get3A_1079] : memref<6250x512xf32, #tpu.memory_space<vmem>>, vector<1x512xf32>
    %get3A_1081 = arith.constant 26 : index
    %get3A_1082 = arith.constant 0 : index
    %get3A_1083 = memref.load %arg0[%get3A_1081, %get3A_1082] : memref<50x1xi32, #tpu.memory_space<smem>>
    %jit3A_1084 = arith.constant 8 : i32
    %div3A_1085 = arith.divsi %get3A_1083, %jit3A_1084 : i32
    %sign3A_1086 = arith.constant 0 : i32
    %sign3A_1087 = arith.cmpi sgt, %get3A_1083, %sign3A_1086 : i32
    %sign3A_1088 = arith.extui %sign3A_1087 : i1 to i32
    %sign3A_1089 = arith.constant 0 : i32
    %sign3A_1090 = arith.cmpi slt, %get3A_1083, %sign3A_1089 : i32
    %sign3A_1091 = arith.extui %sign3A_1090 : i1 to i32
    %sign3A_1092 = arith.subi %sign3A_1088, %sign3A_1091 : i32
    %sign3A_1093 = arith.constant 0 : i32
    %sign3A_1094 = arith.cmpi sgt, %jit3A_1084, %sign3A_1093 : i32
    %sign3A_1095 = arith.extui %sign3A_1094 : i1 to i32
    %sign3A_1096 = arith.constant 0 : i32
    %sign3A_1097 = arith.cmpi slt, %jit3A_1084, %sign3A_1096 : i32
    %sign3A_1098 = arith.extui %sign3A_1097 : i1 to i32
    %sign3A_1099 = arith.subi %sign3A_1095, %sign3A_1098 : i32
    %ne3A_1100 = arith.cmpi ne, %sign3A_1092, %sign3A_1099 : i32
    %rem3A_1101 = arith.remsi %get3A_1083, %jit3A_1084 : i32
    %ne3A_1102 = arith.constant 0 : i32
    %ne3A_1103 = arith.cmpi ne, %rem3A_1101, %ne3A_1102 : i32
    %and3A_1104 = arith.andi %ne3A_1100, %ne3A_1103 : i1
    %sub3A_1105 = arith.constant 1 : i32
    %sub3A_1106 = arith.subi %div3A_1085, %sub3A_1105 : i32
    %select_n3A_1107 = arith.select %and3A_1104, %sub3A_1106, %div3A_1085 : i32
    %add3A_1108 = arith.constant 3250 : i32
    %add3A_1109 = arith.addi %add3A_1108, %select_n3A_1107 : i32
    %get3A_1110 = arith.index_cast %add3A_1109 : i32 to index
    %get3A_1111 = arith.constant 0 : index
    %get3A_1112 = vector.load %arg10[%get3A_1110, %get3A_1111] : memref<6250x512xf32, #tpu.memory_space<vmem>>, vector<1x512xf32>
    %get3A_1113 = arith.constant 27 : index
    %get3A_1114 = arith.constant 0 : index
    %get3A_1115 = memref.load %arg0[%get3A_1113, %get3A_1114] : memref<50x1xi32, #tpu.memory_space<smem>>
    %jit3A_1116 = arith.constant 8 : i32
    %div3A_1117 = arith.divsi %get3A_1115, %jit3A_1116 : i32
    %sign3A_1118 = arith.constant 0 : i32
    %sign3A_1119 = arith.cmpi sgt, %get3A_1115, %sign3A_1118 : i32
    %sign3A_1120 = arith.extui %sign3A_1119 : i1 to i32
    %sign3A_1121 = arith.constant 0 : i32
    %sign3A_1122 = arith.cmpi slt, %get3A_1115, %sign3A_1121 : i32
    %sign3A_1123 = arith.extui %sign3A_1122 : i1 to i32
    %sign3A_1124 = arith.subi %sign3A_1120, %sign3A_1123 : i32
    %sign3A_1125 = arith.constant 0 : i32
    %sign3A_1126 = arith.cmpi sgt, %jit3A_1116, %sign3A_1125 : i32
    %sign3A_1127 = arith.extui %sign3A_1126 : i1 to i32
    %sign3A_1128 = arith.constant 0 : i32
    %sign3A_1129 = arith.cmpi slt, %jit3A_1116, %sign3A_1128 : i32
    %sign3A_1130 = arith.extui %sign3A_1129 : i1 to i32
    %sign3A_1131 = arith.subi %sign3A_1127, %sign3A_1130 : i32
    %ne3A_1132 = arith.cmpi ne, %sign3A_1124, %sign3A_1131 : i32
    %rem3A_1133 = arith.remsi %get3A_1115, %jit3A_1116 : i32
    %ne3A_1134 = arith.constant 0 : i32
    %ne3A_1135 = arith.cmpi ne, %rem3A_1133, %ne3A_1134 : i32
    %and3A_1136 = arith.andi %ne3A_1132, %ne3A_1135 : i1
    %sub3A_1137 = arith.constant 1 : i32
    %sub3A_1138 = arith.subi %div3A_1117, %sub3A_1137 : i32
    %select_n3A_1139 = arith.select %and3A_1136, %sub3A_1138, %div3A_1117 : i32
    %add3A_1140 = arith.constant 3375 : i32
    %add3A_1141 = arith.addi %add3A_1140, %select_n3A_1139 : i32
    %get3A_1142 = arith.index_cast %add3A_1141 : i32 to index
    %get3A_1143 = arith.constant 0 : index
    %get3A_1144 = vector.load %arg10[%get3A_1142, %get3A_1143] : memref<6250x512xf32, #tpu.memory_space<vmem>>, vector<1x512xf32>
    %get3A_1145 = arith.constant 28 : index
    %get3A_1146 = arith.constant 0 : index
    %get3A_1147 = memref.load %arg0[%get3A_1145, %get3A_1146] : memref<50x1xi32, #tpu.memory_space<smem>>
    %jit3A_1148 = arith.constant 8 : i32
    %div3A_1149 = arith.divsi %get3A_1147, %jit3A_1148 : i32
    %sign3A_1150 = arith.constant 0 : i32
    %sign3A_1151 = arith.cmpi sgt, %get3A_1147, %sign3A_1150 : i32
    %sign3A_1152 = arith.extui %sign3A_1151 : i1 to i32
    %sign3A_1153 = arith.constant 0 : i32
    %sign3A_1154 = arith.cmpi slt, %get3A_1147, %sign3A_1153 : i32
    %sign3A_1155 = arith.extui %sign3A_1154 : i1 to i32
    %sign3A_1156 = arith.subi %sign3A_1152, %sign3A_1155 : i32
    %sign3A_1157 = arith.constant 0 : i32
    %sign3A_1158 = arith.cmpi sgt, %jit3A_1148, %sign3A_1157 : i32
    %sign3A_1159 = arith.extui %sign3A_1158 : i1 to i32
    %sign3A_1160 = arith.constant 0 : i32
    %sign3A_1161 = arith.cmpi slt, %jit3A_1148, %sign3A_1160 : i32
    %sign3A_1162 = arith.extui %sign3A_1161 : i1 to i32
    %sign3A_1163 = arith.subi %sign3A_1159, %sign3A_1162 : i32
    %ne3A_1164 = arith.cmpi ne, %sign3A_1156, %sign3A_1163 : i32
    %rem3A_1165 = arith.remsi %get3A_1147, %jit3A_1148 : i32
    %ne3A_1166 = arith.constant 0 : i32
    %ne3A_1167 = arith.cmpi ne, %rem3A_1165, %ne3A_1166 : i32
    %and3A_1168 = arith.andi %ne3A_1164, %ne3A_1167 : i1
    %sub3A_1169 = arith.constant 1 : i32
    %sub3A_1170 = arith.subi %div3A_1149, %sub3A_1169 : i32
    %select_n3A_1171 = arith.select %and3A_1168, %sub3A_1170, %div3A_1149 : i32
    %add3A_1172 = arith.constant 3500 : i32
    %add3A_1173 = arith.addi %add3A_1172, %select_n3A_1171 : i32
    %get3A_1174 = arith.index_cast %add3A_1173 : i32 to index
    %get3A_1175 = arith.constant 0 : index
    %get3A_1176 = vector.load %arg10[%get3A_1174, %get3A_1175] : memref<6250x512xf32, #tpu.memory_space<vmem>>, vector<1x512xf32>
    %get3A_1177 = arith.constant 29 : index
    %get3A_1178 = arith.constant 0 : index
    %get3A_1179 = memref.load %arg0[%get3A_1177, %get3A_1178] : memref<50x1xi32, #tpu.memory_space<smem>>
    %jit3A_1180 = arith.constant 8 : i32
    %div3A_1181 = arith.divsi %get3A_1179, %jit3A_1180 : i32
    %sign3A_1182 = arith.constant 0 : i32
    %sign3A_1183 = arith.cmpi sgt, %get3A_1179, %sign3A_1182 : i32
    %sign3A_1184 = arith.extui %sign3A_1183 : i1 to i32
    %sign3A_1185 = arith.constant 0 : i32
    %sign3A_1186 = arith.cmpi slt, %get3A_1179, %sign3A_1185 : i32
    %sign3A_1187 = arith.extui %sign3A_1186 : i1 to i32
    %sign3A_1188 = arith.subi %sign3A_1184, %sign3A_1187 : i32
    %sign3A_1189 = arith.constant 0 : i32
    %sign3A_1190 = arith.cmpi sgt, %jit3A_1180, %sign3A_1189 : i32
    %sign3A_1191 = arith.extui %sign3A_1190 : i1 to i32
    %sign3A_1192 = arith.constant 0 : i32
    %sign3A_1193 = arith.cmpi slt, %jit3A_1180, %sign3A_1192 : i32
    %sign3A_1194 = arith.extui %sign3A_1193 : i1 to i32
    %sign3A_1195 = arith.subi %sign3A_1191, %sign3A_1194 : i32
    %ne3A_1196 = arith.cmpi ne, %sign3A_1188, %sign3A_1195 : i32
    %rem3A_1197 = arith.remsi %get3A_1179, %jit3A_1180 : i32
    %ne3A_1198 = arith.constant 0 : i32
    %ne3A_1199 = arith.cmpi ne, %rem3A_1197, %ne3A_1198 : i32
    %and3A_1200 = arith.andi %ne3A_1196, %ne3A_1199 : i1
    %sub3A_1201 = arith.constant 1 : i32
    %sub3A_1202 = arith.subi %div3A_1181, %sub3A_1201 : i32
    %select_n3A_1203 = arith.select %and3A_1200, %sub3A_1202, %div3A_1181 : i32
    %add3A_1204 = arith.constant 3625 : i32
    %add3A_1205 = arith.addi %add3A_1204, %select_n3A_1203 : i32
    %get3A_1206 = arith.index_cast %add3A_1205 : i32 to index
    %get3A_1207 = arith.constant 0 : index
    %get3A_1208 = vector.load %arg10[%get3A_1206, %get3A_1207] : memref<6250x512xf32, #tpu.memory_space<vmem>>, vector<1x512xf32>
    %get3A_1209 = arith.constant 30 : index
    %get3A_1210 = arith.constant 0 : index
    %get3A_1211 = memref.load %arg0[%get3A_1209, %get3A_1210] : memref<50x1xi32, #tpu.memory_space<smem>>
    %jit3A_1212 = arith.constant 8 : i32
    %div3A_1213 = arith.divsi %get3A_1211, %jit3A_1212 : i32
    %sign3A_1214 = arith.constant 0 : i32
    %sign3A_1215 = arith.cmpi sgt, %get3A_1211, %sign3A_1214 : i32
    %sign3A_1216 = arith.extui %sign3A_1215 : i1 to i32
    %sign3A_1217 = arith.constant 0 : i32
    %sign3A_1218 = arith.cmpi slt, %get3A_1211, %sign3A_1217 : i32
    %sign3A_1219 = arith.extui %sign3A_1218 : i1 to i32
    %sign3A_1220 = arith.subi %sign3A_1216, %sign3A_1219 : i32
    %sign3A_1221 = arith.constant 0 : i32
    %sign3A_1222 = arith.cmpi sgt, %jit3A_1212, %sign3A_1221 : i32
    %sign3A_1223 = arith.extui %sign3A_1222 : i1 to i32
    %sign3A_1224 = arith.constant 0 : i32
    %sign3A_1225 = arith.cmpi slt, %jit3A_1212, %sign3A_1224 : i32
    %sign3A_1226 = arith.extui %sign3A_1225 : i1 to i32
    %sign3A_1227 = arith.subi %sign3A_1223, %sign3A_1226 : i32
    %ne3A_1228 = arith.cmpi ne, %sign3A_1220, %sign3A_1227 : i32
    %rem3A_1229 = arith.remsi %get3A_1211, %jit3A_1212 : i32
    %ne3A_1230 = arith.constant 0 : i32
    %ne3A_1231 = arith.cmpi ne, %rem3A_1229, %ne3A_1230 : i32
    %and3A_1232 = arith.andi %ne3A_1228, %ne3A_1231 : i1
    %sub3A_1233 = arith.constant 1 : i32
    %sub3A_1234 = arith.subi %div3A_1213, %sub3A_1233 : i32
    %select_n3A_1235 = arith.select %and3A_1232, %sub3A_1234, %div3A_1213 : i32
    %add3A_1236 = arith.constant 3750 : i32
    %add3A_1237 = arith.addi %add3A_1236, %select_n3A_1235 : i32
    %get3A_1238 = arith.index_cast %add3A_1237 : i32 to index
    %get3A_1239 = arith.constant 0 : index
    %get3A_1240 = vector.load %arg10[%get3A_1238, %get3A_1239] : memref<6250x512xf32, #tpu.memory_space<vmem>>, vector<1x512xf32>
    %get3A_1241 = arith.constant 31 : index
    %get3A_1242 = arith.constant 0 : index
    %get3A_1243 = memref.load %arg0[%get3A_1241, %get3A_1242] : memref<50x1xi32, #tpu.memory_space<smem>>
    %jit3A_1244 = arith.constant 8 : i32
    %div3A_1245 = arith.divsi %get3A_1243, %jit3A_1244 : i32
    %sign3A_1246 = arith.constant 0 : i32
    %sign3A_1247 = arith.cmpi sgt, %get3A_1243, %sign3A_1246 : i32
    %sign3A_1248 = arith.extui %sign3A_1247 : i1 to i32
    %sign3A_1249 = arith.constant 0 : i32
    %sign3A_1250 = arith.cmpi slt, %get3A_1243, %sign3A_1249 : i32
    %sign3A_1251 = arith.extui %sign3A_1250 : i1 to i32
    %sign3A_1252 = arith.subi %sign3A_1248, %sign3A_1251 : i32
    %sign3A_1253 = arith.constant 0 : i32
    %sign3A_1254 = arith.cmpi sgt, %jit3A_1244, %sign3A_1253 : i32
    %sign3A_1255 = arith.extui %sign3A_1254 : i1 to i32
    %sign3A_1256 = arith.constant 0 : i32
    %sign3A_1257 = arith.cmpi slt, %jit3A_1244, %sign3A_1256 : i32
    %sign3A_1258 = arith.extui %sign3A_1257 : i1 to i32
    %sign3A_1259 = arith.subi %sign3A_1255, %sign3A_1258 : i32
    %ne3A_1260 = arith.cmpi ne, %sign3A_1252, %sign3A_1259 : i32
    %rem3A_1261 = arith.remsi %get3A_1243, %jit3A_1244 : i32
    %ne3A_1262 = arith.constant 0 : i32
    %ne3A_1263 = arith.cmpi ne, %rem3A_1261, %ne3A_1262 : i32
    %and3A_1264 = arith.andi %ne3A_1260, %ne3A_1263 : i1
    %sub3A_1265 = arith.constant 1 : i32
    %sub3A_1266 = arith.subi %div3A_1245, %sub3A_1265 : i32
    %select_n3A_1267 = arith.select %and3A_1264, %sub3A_1266, %div3A_1245 : i32
    %add3A_1268 = arith.constant 3875 : i32
    %add3A_1269 = arith.addi %add3A_1268, %select_n3A_1267 : i32
    %get3A_1270 = arith.index_cast %add3A_1269 : i32 to index
    %get3A_1271 = arith.constant 0 : index
    %get3A_1272 = vector.load %arg10[%get3A_1270, %get3A_1271] : memref<6250x512xf32, #tpu.memory_space<vmem>>, vector<1x512xf32>
    %get3A_1273 = arith.constant 32 : index
    %get3A_1274 = arith.constant 0 : index
    %get3A_1275 = memref.load %arg0[%get3A_1273, %get3A_1274] : memref<50x1xi32, #tpu.memory_space<smem>>
    %jit3A_1276 = arith.constant 8 : i32
    %div3A_1277 = arith.divsi %get3A_1275, %jit3A_1276 : i32
    %sign3A_1278 = arith.constant 0 : i32
    %sign3A_1279 = arith.cmpi sgt, %get3A_1275, %sign3A_1278 : i32
    %sign3A_1280 = arith.extui %sign3A_1279 : i1 to i32
    %sign3A_1281 = arith.constant 0 : i32
    %sign3A_1282 = arith.cmpi slt, %get3A_1275, %sign3A_1281 : i32
    %sign3A_1283 = arith.extui %sign3A_1282 : i1 to i32
    %sign3A_1284 = arith.subi %sign3A_1280, %sign3A_1283 : i32
    %sign3A_1285 = arith.constant 0 : i32
    %sign3A_1286 = arith.cmpi sgt, %jit3A_1276, %sign3A_1285 : i32
    %sign3A_1287 = arith.extui %sign3A_1286 : i1 to i32
    %sign3A_1288 = arith.constant 0 : i32
    %sign3A_1289 = arith.cmpi slt, %jit3A_1276, %sign3A_1288 : i32
    %sign3A_1290 = arith.extui %sign3A_1289 : i1 to i32
    %sign3A_1291 = arith.subi %sign3A_1287, %sign3A_1290 : i32
    %ne3A_1292 = arith.cmpi ne, %sign3A_1284, %sign3A_1291 : i32
    %rem3A_1293 = arith.remsi %get3A_1275, %jit3A_1276 : i32
    %ne3A_1294 = arith.constant 0 : i32
    %ne3A_1295 = arith.cmpi ne, %rem3A_1293, %ne3A_1294 : i32
    %and3A_1296 = arith.andi %ne3A_1292, %ne3A_1295 : i1
    %sub3A_1297 = arith.constant 1 : i32
    %sub3A_1298 = arith.subi %div3A_1277, %sub3A_1297 : i32
    %select_n3A_1299 = arith.select %and3A_1296, %sub3A_1298, %div3A_1277 : i32
    %add3A_1300 = arith.constant 4000 : i32
    %add3A_1301 = arith.addi %add3A_1300, %select_n3A_1299 : i32
    %get3A_1302 = arith.index_cast %add3A_1301 : i32 to index
    %get3A_1303 = arith.constant 0 : index
    %get3A_1304 = vector.load %arg10[%get3A_1302, %get3A_1303] : memref<6250x512xf32, #tpu.memory_space<vmem>>, vector<1x512xf32>
    %get3A_1305 = arith.constant 33 : index
    %get3A_1306 = arith.constant 0 : index
    %get3A_1307 = memref.load %arg0[%get3A_1305, %get3A_1306] : memref<50x1xi32, #tpu.memory_space<smem>>
    %jit3A_1308 = arith.constant 8 : i32
    %div3A_1309 = arith.divsi %get3A_1307, %jit3A_1308 : i32
    %sign3A_1310 = arith.constant 0 : i32
    %sign3A_1311 = arith.cmpi sgt, %get3A_1307, %sign3A_1310 : i32
    %sign3A_1312 = arith.extui %sign3A_1311 : i1 to i32
    %sign3A_1313 = arith.constant 0 : i32
    %sign3A_1314 = arith.cmpi slt, %get3A_1307, %sign3A_1313 : i32
    %sign3A_1315 = arith.extui %sign3A_1314 : i1 to i32
    %sign3A_1316 = arith.subi %sign3A_1312, %sign3A_1315 : i32
    %sign3A_1317 = arith.constant 0 : i32
    %sign3A_1318 = arith.cmpi sgt, %jit3A_1308, %sign3A_1317 : i32
    %sign3A_1319 = arith.extui %sign3A_1318 : i1 to i32
    %sign3A_1320 = arith.constant 0 : i32
    %sign3A_1321 = arith.cmpi slt, %jit3A_1308, %sign3A_1320 : i32
    %sign3A_1322 = arith.extui %sign3A_1321 : i1 to i32
    %sign3A_1323 = arith.subi %sign3A_1319, %sign3A_1322 : i32
    %ne3A_1324 = arith.cmpi ne, %sign3A_1316, %sign3A_1323 : i32
    %rem3A_1325 = arith.remsi %get3A_1307, %jit3A_1308 : i32
    %ne3A_1326 = arith.constant 0 : i32
    %ne3A_1327 = arith.cmpi ne, %rem3A_1325, %ne3A_1326 : i32
    %and3A_1328 = arith.andi %ne3A_1324, %ne3A_1327 : i1
    %sub3A_1329 = arith.constant 1 : i32
    %sub3A_1330 = arith.subi %div3A_1309, %sub3A_1329 : i32
    %select_n3A_1331 = arith.select %and3A_1328, %sub3A_1330, %div3A_1309 : i32
    %add3A_1332 = arith.constant 4125 : i32
    %add3A_1333 = arith.addi %add3A_1332, %select_n3A_1331 : i32
    %get3A_1334 = arith.index_cast %add3A_1333 : i32 to index
    %get3A_1335 = arith.constant 0 : index
    %get3A_1336 = vector.load %arg10[%get3A_1334, %get3A_1335] : memref<6250x512xf32, #tpu.memory_space<vmem>>, vector<1x512xf32>
    %get3A_1337 = arith.constant 34 : index
    %get3A_1338 = arith.constant 0 : index
    %get3A_1339 = memref.load %arg0[%get3A_1337, %get3A_1338] : memref<50x1xi32, #tpu.memory_space<smem>>
    %jit3A_1340 = arith.constant 8 : i32
    %div3A_1341 = arith.divsi %get3A_1339, %jit3A_1340 : i32
    %sign3A_1342 = arith.constant 0 : i32
    %sign3A_1343 = arith.cmpi sgt, %get3A_1339, %sign3A_1342 : i32
    %sign3A_1344 = arith.extui %sign3A_1343 : i1 to i32
    %sign3A_1345 = arith.constant 0 : i32
    %sign3A_1346 = arith.cmpi slt, %get3A_1339, %sign3A_1345 : i32
    %sign3A_1347 = arith.extui %sign3A_1346 : i1 to i32
    %sign3A_1348 = arith.subi %sign3A_1344, %sign3A_1347 : i32
    %sign3A_1349 = arith.constant 0 : i32
    %sign3A_1350 = arith.cmpi sgt, %jit3A_1340, %sign3A_1349 : i32
    %sign3A_1351 = arith.extui %sign3A_1350 : i1 to i32
    %sign3A_1352 = arith.constant 0 : i32
    %sign3A_1353 = arith.cmpi slt, %jit3A_1340, %sign3A_1352 : i32
    %sign3A_1354 = arith.extui %sign3A_1353 : i1 to i32
    %sign3A_1355 = arith.subi %sign3A_1351, %sign3A_1354 : i32
    %ne3A_1356 = arith.cmpi ne, %sign3A_1348, %sign3A_1355 : i32
    %rem3A_1357 = arith.remsi %get3A_1339, %jit3A_1340 : i32
    %ne3A_1358 = arith.constant 0 : i32
    %ne3A_1359 = arith.cmpi ne, %rem3A_1357, %ne3A_1358 : i32
    %and3A_1360 = arith.andi %ne3A_1356, %ne3A_1359 : i1
    %sub3A_1361 = arith.constant 1 : i32
    %sub3A_1362 = arith.subi %div3A_1341, %sub3A_1361 : i32
    %select_n3A_1363 = arith.select %and3A_1360, %sub3A_1362, %div3A_1341 : i32
    %add3A_1364 = arith.constant 4250 : i32
    %add3A_1365 = arith.addi %add3A_1364, %select_n3A_1363 : i32
    %get3A_1366 = arith.index_cast %add3A_1365 : i32 to index
    %get3A_1367 = arith.constant 0 : index
    %get3A_1368 = vector.load %arg10[%get3A_1366, %get3A_1367] : memref<6250x512xf32, #tpu.memory_space<vmem>>, vector<1x512xf32>
    %get3A_1369 = arith.constant 35 : index
    %get3A_1370 = arith.constant 0 : index
    %get3A_1371 = memref.load %arg0[%get3A_1369, %get3A_1370] : memref<50x1xi32, #tpu.memory_space<smem>>
    %jit3A_1372 = arith.constant 8 : i32
    %div3A_1373 = arith.divsi %get3A_1371, %jit3A_1372 : i32
    %sign3A_1374 = arith.constant 0 : i32
    %sign3A_1375 = arith.cmpi sgt, %get3A_1371, %sign3A_1374 : i32
    %sign3A_1376 = arith.extui %sign3A_1375 : i1 to i32
    %sign3A_1377 = arith.constant 0 : i32
    %sign3A_1378 = arith.cmpi slt, %get3A_1371, %sign3A_1377 : i32
    %sign3A_1379 = arith.extui %sign3A_1378 : i1 to i32
    %sign3A_1380 = arith.subi %sign3A_1376, %sign3A_1379 : i32
    %sign3A_1381 = arith.constant 0 : i32
    %sign3A_1382 = arith.cmpi sgt, %jit3A_1372, %sign3A_1381 : i32
    %sign3A_1383 = arith.extui %sign3A_1382 : i1 to i32
    %sign3A_1384 = arith.constant 0 : i32
    %sign3A_1385 = arith.cmpi slt, %jit3A_1372, %sign3A_1384 : i32
    %sign3A_1386 = arith.extui %sign3A_1385 : i1 to i32
    %sign3A_1387 = arith.subi %sign3A_1383, %sign3A_1386 : i32
    %ne3A_1388 = arith.cmpi ne, %sign3A_1380, %sign3A_1387 : i32
    %rem3A_1389 = arith.remsi %get3A_1371, %jit3A_1372 : i32
    %ne3A_1390 = arith.constant 0 : i32
    %ne3A_1391 = arith.cmpi ne, %rem3A_1389, %ne3A_1390 : i32
    %and3A_1392 = arith.andi %ne3A_1388, %ne3A_1391 : i1
    %sub3A_1393 = arith.constant 1 : i32
    %sub3A_1394 = arith.subi %div3A_1373, %sub3A_1393 : i32
    %select_n3A_1395 = arith.select %and3A_1392, %sub3A_1394, %div3A_1373 : i32
    %add3A_1396 = arith.constant 4375 : i32
    %add3A_1397 = arith.addi %add3A_1396, %select_n3A_1395 : i32
    %get3A_1398 = arith.index_cast %add3A_1397 : i32 to index
    %get3A_1399 = arith.constant 0 : index
    %get3A_1400 = vector.load %arg10[%get3A_1398, %get3A_1399] : memref<6250x512xf32, #tpu.memory_space<vmem>>, vector<1x512xf32>
    %get3A_1401 = arith.constant 36 : index
    %get3A_1402 = arith.constant 0 : index
    %get3A_1403 = memref.load %arg0[%get3A_1401, %get3A_1402] : memref<50x1xi32, #tpu.memory_space<smem>>
    %jit3A_1404 = arith.constant 8 : i32
    %div3A_1405 = arith.divsi %get3A_1403, %jit3A_1404 : i32
    %sign3A_1406 = arith.constant 0 : i32
    %sign3A_1407 = arith.cmpi sgt, %get3A_1403, %sign3A_1406 : i32
    %sign3A_1408 = arith.extui %sign3A_1407 : i1 to i32
    %sign3A_1409 = arith.constant 0 : i32
    %sign3A_1410 = arith.cmpi slt, %get3A_1403, %sign3A_1409 : i32
    %sign3A_1411 = arith.extui %sign3A_1410 : i1 to i32
    %sign3A_1412 = arith.subi %sign3A_1408, %sign3A_1411 : i32
    %sign3A_1413 = arith.constant 0 : i32
    %sign3A_1414 = arith.cmpi sgt, %jit3A_1404, %sign3A_1413 : i32
    %sign3A_1415 = arith.extui %sign3A_1414 : i1 to i32
    %sign3A_1416 = arith.constant 0 : i32
    %sign3A_1417 = arith.cmpi slt, %jit3A_1404, %sign3A_1416 : i32
    %sign3A_1418 = arith.extui %sign3A_1417 : i1 to i32
    %sign3A_1419 = arith.subi %sign3A_1415, %sign3A_1418 : i32
    %ne3A_1420 = arith.cmpi ne, %sign3A_1412, %sign3A_1419 : i32
    %rem3A_1421 = arith.remsi %get3A_1403, %jit3A_1404 : i32
    %ne3A_1422 = arith.constant 0 : i32
    %ne3A_1423 = arith.cmpi ne, %rem3A_1421, %ne3A_1422 : i32
    %and3A_1424 = arith.andi %ne3A_1420, %ne3A_1423 : i1
    %sub3A_1425 = arith.constant 1 : i32
    %sub3A_1426 = arith.subi %div3A_1405, %sub3A_1425 : i32
    %select_n3A_1427 = arith.select %and3A_1424, %sub3A_1426, %div3A_1405 : i32
    %add3A_1428 = arith.constant 4500 : i32
    %add3A_1429 = arith.addi %add3A_1428, %select_n3A_1427 : i32
    %get3A_1430 = arith.index_cast %add3A_1429 : i32 to index
    %get3A_1431 = arith.constant 0 : index
    %get3A_1432 = vector.load %arg10[%get3A_1430, %get3A_1431] : memref<6250x512xf32, #tpu.memory_space<vmem>>, vector<1x512xf32>
    %get3A_1433 = arith.constant 37 : index
    %get3A_1434 = arith.constant 0 : index
    %get3A_1435 = memref.load %arg0[%get3A_1433, %get3A_1434] : memref<50x1xi32, #tpu.memory_space<smem>>
    %jit3A_1436 = arith.constant 8 : i32
    %div3A_1437 = arith.divsi %get3A_1435, %jit3A_1436 : i32
    %sign3A_1438 = arith.constant 0 : i32
    %sign3A_1439 = arith.cmpi sgt, %get3A_1435, %sign3A_1438 : i32
    %sign3A_1440 = arith.extui %sign3A_1439 : i1 to i32
    %sign3A_1441 = arith.constant 0 : i32
    %sign3A_1442 = arith.cmpi slt, %get3A_1435, %sign3A_1441 : i32
    %sign3A_1443 = arith.extui %sign3A_1442 : i1 to i32
    %sign3A_1444 = arith.subi %sign3A_1440, %sign3A_1443 : i32
    %sign3A_1445 = arith.constant 0 : i32
    %sign3A_1446 = arith.cmpi sgt, %jit3A_1436, %sign3A_1445 : i32
    %sign3A_1447 = arith.extui %sign3A_1446 : i1 to i32
    %sign3A_1448 = arith.constant 0 : i32
    %sign3A_1449 = arith.cmpi slt, %jit3A_1436, %sign3A_1448 : i32
    %sign3A_1450 = arith.extui %sign3A_1449 : i1 to i32
    %sign3A_1451 = arith.subi %sign3A_1447, %sign3A_1450 : i32
    %ne3A_1452 = arith.cmpi ne, %sign3A_1444, %sign3A_1451 : i32
    %rem3A_1453 = arith.remsi %get3A_1435, %jit3A_1436 : i32
    %ne3A_1454 = arith.constant 0 : i32
    %ne3A_1455 = arith.cmpi ne, %rem3A_1453, %ne3A_1454 : i32
    %and3A_1456 = arith.andi %ne3A_1452, %ne3A_1455 : i1
    %sub3A_1457 = arith.constant 1 : i32
    %sub3A_1458 = arith.subi %div3A_1437, %sub3A_1457 : i32
    %select_n3A_1459 = arith.select %and3A_1456, %sub3A_1458, %div3A_1437 : i32
    %add3A_1460 = arith.constant 4625 : i32
    %add3A_1461 = arith.addi %add3A_1460, %select_n3A_1459 : i32
    %get3A_1462 = arith.index_cast %add3A_1461 : i32 to index
    %get3A_1463 = arith.constant 0 : index
    %get3A_1464 = vector.load %arg10[%get3A_1462, %get3A_1463] : memref<6250x512xf32, #tpu.memory_space<vmem>>, vector<1x512xf32>
    %get3A_1465 = arith.constant 38 : index
    %get3A_1466 = arith.constant 0 : index
    %get3A_1467 = memref.load %arg0[%get3A_1465, %get3A_1466] : memref<50x1xi32, #tpu.memory_space<smem>>
    %jit3A_1468 = arith.constant 8 : i32
    %div3A_1469 = arith.divsi %get3A_1467, %jit3A_1468 : i32
    %sign3A_1470 = arith.constant 0 : i32
    %sign3A_1471 = arith.cmpi sgt, %get3A_1467, %sign3A_1470 : i32
    %sign3A_1472 = arith.extui %sign3A_1471 : i1 to i32
    %sign3A_1473 = arith.constant 0 : i32
    %sign3A_1474 = arith.cmpi slt, %get3A_1467, %sign3A_1473 : i32
    %sign3A_1475 = arith.extui %sign3A_1474 : i1 to i32
    %sign3A_1476 = arith.subi %sign3A_1472, %sign3A_1475 : i32
    %sign3A_1477 = arith.constant 0 : i32
    %sign3A_1478 = arith.cmpi sgt, %jit3A_1468, %sign3A_1477 : i32
    %sign3A_1479 = arith.extui %sign3A_1478 : i1 to i32
    %sign3A_1480 = arith.constant 0 : i32
    %sign3A_1481 = arith.cmpi slt, %jit3A_1468, %sign3A_1480 : i32
    %sign3A_1482 = arith.extui %sign3A_1481 : i1 to i32
    %sign3A_1483 = arith.subi %sign3A_1479, %sign3A_1482 : i32
    %ne3A_1484 = arith.cmpi ne, %sign3A_1476, %sign3A_1483 : i32
    %rem3A_1485 = arith.remsi %get3A_1467, %jit3A_1468 : i32
    %ne3A_1486 = arith.constant 0 : i32
    %ne3A_1487 = arith.cmpi ne, %rem3A_1485, %ne3A_1486 : i32
    %and3A_1488 = arith.andi %ne3A_1484, %ne3A_1487 : i1
    %sub3A_1489 = arith.constant 1 : i32
    %sub3A_1490 = arith.subi %div3A_1469, %sub3A_1489 : i32
    %select_n3A_1491 = arith.select %and3A_1488, %sub3A_1490, %div3A_1469 : i32
    %add3A_1492 = arith.constant 4750 : i32
    %add3A_1493 = arith.addi %add3A_1492, %select_n3A_1491 : i32
    %get3A_1494 = arith.index_cast %add3A_1493 : i32 to index
    %get3A_1495 = arith.constant 0 : index
    %get3A_1496 = vector.load %arg10[%get3A_1494, %get3A_1495] : memref<6250x512xf32, #tpu.memory_space<vmem>>, vector<1x512xf32>
    %get3A_1497 = arith.constant 39 : index
    %get3A_1498 = arith.constant 0 : index
    %get3A_1499 = memref.load %arg0[%get3A_1497, %get3A_1498] : memref<50x1xi32, #tpu.memory_space<smem>>
    %jit3A_1500 = arith.constant 8 : i32
    %div3A_1501 = arith.divsi %get3A_1499, %jit3A_1500 : i32
    %sign3A_1502 = arith.constant 0 : i32
    %sign3A_1503 = arith.cmpi sgt, %get3A_1499, %sign3A_1502 : i32
    %sign3A_1504 = arith.extui %sign3A_1503 : i1 to i32
    %sign3A_1505 = arith.constant 0 : i32
    %sign3A_1506 = arith.cmpi slt, %get3A_1499, %sign3A_1505 : i32
    %sign3A_1507 = arith.extui %sign3A_1506 : i1 to i32
    %sign3A_1508 = arith.subi %sign3A_1504, %sign3A_1507 : i32
    %sign3A_1509 = arith.constant 0 : i32
    %sign3A_1510 = arith.cmpi sgt, %jit3A_1500, %sign3A_1509 : i32
    %sign3A_1511 = arith.extui %sign3A_1510 : i1 to i32
    %sign3A_1512 = arith.constant 0 : i32
    %sign3A_1513 = arith.cmpi slt, %jit3A_1500, %sign3A_1512 : i32
    %sign3A_1514 = arith.extui %sign3A_1513 : i1 to i32
    %sign3A_1515 = arith.subi %sign3A_1511, %sign3A_1514 : i32
    %ne3A_1516 = arith.cmpi ne, %sign3A_1508, %sign3A_1515 : i32
    %rem3A_1517 = arith.remsi %get3A_1499, %jit3A_1500 : i32
    %ne3A_1518 = arith.constant 0 : i32
    %ne3A_1519 = arith.cmpi ne, %rem3A_1517, %ne3A_1518 : i32
    %and3A_1520 = arith.andi %ne3A_1516, %ne3A_1519 : i1
    %sub3A_1521 = arith.constant 1 : i32
    %sub3A_1522 = arith.subi %div3A_1501, %sub3A_1521 : i32
    %select_n3A_1523 = arith.select %and3A_1520, %sub3A_1522, %div3A_1501 : i32
    %add3A_1524 = arith.constant 4875 : i32
    %add3A_1525 = arith.addi %add3A_1524, %select_n3A_1523 : i32
    %get3A_1526 = arith.index_cast %add3A_1525 : i32 to index
    %get3A_1527 = arith.constant 0 : index
    %get3A_1528 = vector.load %arg10[%get3A_1526, %get3A_1527] : memref<6250x512xf32, #tpu.memory_space<vmem>>, vector<1x512xf32>
    %get3A_1529 = arith.constant 40 : index
    %get3A_1530 = arith.constant 0 : index
    %get3A_1531 = memref.load %arg0[%get3A_1529, %get3A_1530] : memref<50x1xi32, #tpu.memory_space<smem>>
    %jit3A_1532 = arith.constant 8 : i32
    %div3A_1533 = arith.divsi %get3A_1531, %jit3A_1532 : i32
    %sign3A_1534 = arith.constant 0 : i32
    %sign3A_1535 = arith.cmpi sgt, %get3A_1531, %sign3A_1534 : i32
    %sign3A_1536 = arith.extui %sign3A_1535 : i1 to i32
    %sign3A_1537 = arith.constant 0 : i32
    %sign3A_1538 = arith.cmpi slt, %get3A_1531, %sign3A_1537 : i32
    %sign3A_1539 = arith.extui %sign3A_1538 : i1 to i32
    %sign3A_1540 = arith.subi %sign3A_1536, %sign3A_1539 : i32
    %sign3A_1541 = arith.constant 0 : i32
    %sign3A_1542 = arith.cmpi sgt, %jit3A_1532, %sign3A_1541 : i32
    %sign3A_1543 = arith.extui %sign3A_1542 : i1 to i32
    %sign3A_1544 = arith.constant 0 : i32
    %sign3A_1545 = arith.cmpi slt, %jit3A_1532, %sign3A_1544 : i32
    %sign3A_1546 = arith.extui %sign3A_1545 : i1 to i32
    %sign3A_1547 = arith.subi %sign3A_1543, %sign3A_1546 : i32
    %ne3A_1548 = arith.cmpi ne, %sign3A_1540, %sign3A_1547 : i32
    %rem3A_1549 = arith.remsi %get3A_1531, %jit3A_1532 : i32
    %ne3A_1550 = arith.constant 0 : i32
    %ne3A_1551 = arith.cmpi ne, %rem3A_1549, %ne3A_1550 : i32
    %and3A_1552 = arith.andi %ne3A_1548, %ne3A_1551 : i1
    %sub3A_1553 = arith.constant 1 : i32
    %sub3A_1554 = arith.subi %div3A_1533, %sub3A_1553 : i32
    %select_n3A_1555 = arith.select %and3A_1552, %sub3A_1554, %div3A_1533 : i32
    %add3A_1556 = arith.constant 5000 : i32
    %add3A_1557 = arith.addi %add3A_1556, %select_n3A_1555 : i32
    %get3A_1558 = arith.index_cast %add3A_1557 : i32 to index
    %get3A_1559 = arith.constant 0 : index
    %get3A_1560 = vector.load %arg10[%get3A_1558, %get3A_1559] : memref<6250x512xf32, #tpu.memory_space<vmem>>, vector<1x512xf32>
    %get3A_1561 = arith.constant 41 : index
    %get3A_1562 = arith.constant 0 : index
    %get3A_1563 = memref.load %arg0[%get3A_1561, %get3A_1562] : memref<50x1xi32, #tpu.memory_space<smem>>
    %jit3A_1564 = arith.constant 8 : i32
    %div3A_1565 = arith.divsi %get3A_1563, %jit3A_1564 : i32
    %sign3A_1566 = arith.constant 0 : i32
    %sign3A_1567 = arith.cmpi sgt, %get3A_1563, %sign3A_1566 : i32
    %sign3A_1568 = arith.extui %sign3A_1567 : i1 to i32
    %sign3A_1569 = arith.constant 0 : i32
    %sign3A_1570 = arith.cmpi slt, %get3A_1563, %sign3A_1569 : i32
    %sign3A_1571 = arith.extui %sign3A_1570 : i1 to i32
    %sign3A_1572 = arith.subi %sign3A_1568, %sign3A_1571 : i32
    %sign3A_1573 = arith.constant 0 : i32
    %sign3A_1574 = arith.cmpi sgt, %jit3A_1564, %sign3A_1573 : i32
    %sign3A_1575 = arith.extui %sign3A_1574 : i1 to i32
    %sign3A_1576 = arith.constant 0 : i32
    %sign3A_1577 = arith.cmpi slt, %jit3A_1564, %sign3A_1576 : i32
    %sign3A_1578 = arith.extui %sign3A_1577 : i1 to i32
    %sign3A_1579 = arith.subi %sign3A_1575, %sign3A_1578 : i32
    %ne3A_1580 = arith.cmpi ne, %sign3A_1572, %sign3A_1579 : i32
    %rem3A_1581 = arith.remsi %get3A_1563, %jit3A_1564 : i32
    %ne3A_1582 = arith.constant 0 : i32
    %ne3A_1583 = arith.cmpi ne, %rem3A_1581, %ne3A_1582 : i32
    %and3A_1584 = arith.andi %ne3A_1580, %ne3A_1583 : i1
    %sub3A_1585 = arith.constant 1 : i32
    %sub3A_1586 = arith.subi %div3A_1565, %sub3A_1585 : i32
    %select_n3A_1587 = arith.select %and3A_1584, %sub3A_1586, %div3A_1565 : i32
    %add3A_1588 = arith.constant 5125 : i32
    %add3A_1589 = arith.addi %add3A_1588, %select_n3A_1587 : i32
    %get3A_1590 = arith.index_cast %add3A_1589 : i32 to index
    %get3A_1591 = arith.constant 0 : index
    %get3A_1592 = vector.load %arg10[%get3A_1590, %get3A_1591] : memref<6250x512xf32, #tpu.memory_space<vmem>>, vector<1x512xf32>
    %get3A_1593 = arith.constant 42 : index
    %get3A_1594 = arith.constant 0 : index
    %get3A_1595 = memref.load %arg0[%get3A_1593, %get3A_1594] : memref<50x1xi32, #tpu.memory_space<smem>>
    %jit3A_1596 = arith.constant 8 : i32
    %div3A_1597 = arith.divsi %get3A_1595, %jit3A_1596 : i32
    %sign3A_1598 = arith.constant 0 : i32
    %sign3A_1599 = arith.cmpi sgt, %get3A_1595, %sign3A_1598 : i32
    %sign3A_1600 = arith.extui %sign3A_1599 : i1 to i32
    %sign3A_1601 = arith.constant 0 : i32
    %sign3A_1602 = arith.cmpi slt, %get3A_1595, %sign3A_1601 : i32
    %sign3A_1603 = arith.extui %sign3A_1602 : i1 to i32
    %sign3A_1604 = arith.subi %sign3A_1600, %sign3A_1603 : i32
    %sign3A_1605 = arith.constant 0 : i32
    %sign3A_1606 = arith.cmpi sgt, %jit3A_1596, %sign3A_1605 : i32
    %sign3A_1607 = arith.extui %sign3A_1606 : i1 to i32
    %sign3A_1608 = arith.constant 0 : i32
    %sign3A_1609 = arith.cmpi slt, %jit3A_1596, %sign3A_1608 : i32
    %sign3A_1610 = arith.extui %sign3A_1609 : i1 to i32
    %sign3A_1611 = arith.subi %sign3A_1607, %sign3A_1610 : i32
    %ne3A_1612 = arith.cmpi ne, %sign3A_1604, %sign3A_1611 : i32
    %rem3A_1613 = arith.remsi %get3A_1595, %jit3A_1596 : i32
    %ne3A_1614 = arith.constant 0 : i32
    %ne3A_1615 = arith.cmpi ne, %rem3A_1613, %ne3A_1614 : i32
    %and3A_1616 = arith.andi %ne3A_1612, %ne3A_1615 : i1
    %sub3A_1617 = arith.constant 1 : i32
    %sub3A_1618 = arith.subi %div3A_1597, %sub3A_1617 : i32
    %select_n3A_1619 = arith.select %and3A_1616, %sub3A_1618, %div3A_1597 : i32
    %add3A_1620 = arith.constant 5250 : i32
    %add3A_1621 = arith.addi %add3A_1620, %select_n3A_1619 : i32
    %get3A_1622 = arith.index_cast %add3A_1621 : i32 to index
    %get3A_1623 = arith.constant 0 : index
    %get3A_1624 = vector.load %arg10[%get3A_1622, %get3A_1623] : memref<6250x512xf32, #tpu.memory_space<vmem>>, vector<1x512xf32>
    %get3A_1625 = arith.constant 43 : index
    %get3A_1626 = arith.constant 0 : index
    %get3A_1627 = memref.load %arg0[%get3A_1625, %get3A_1626] : memref<50x1xi32, #tpu.memory_space<smem>>
    %jit3A_1628 = arith.constant 8 : i32
    %div3A_1629 = arith.divsi %get3A_1627, %jit3A_1628 : i32
    %sign3A_1630 = arith.constant 0 : i32
    %sign3A_1631 = arith.cmpi sgt, %get3A_1627, %sign3A_1630 : i32
    %sign3A_1632 = arith.extui %sign3A_1631 : i1 to i32
    %sign3A_1633 = arith.constant 0 : i32
    %sign3A_1634 = arith.cmpi slt, %get3A_1627, %sign3A_1633 : i32
    %sign3A_1635 = arith.extui %sign3A_1634 : i1 to i32
    %sign3A_1636 = arith.subi %sign3A_1632, %sign3A_1635 : i32
    %sign3A_1637 = arith.constant 0 : i32
    %sign3A_1638 = arith.cmpi sgt, %jit3A_1628, %sign3A_1637 : i32
    %sign3A_1639 = arith.extui %sign3A_1638 : i1 to i32
    %sign3A_1640 = arith.constant 0 : i32
    %sign3A_1641 = arith.cmpi slt, %jit3A_1628, %sign3A_1640 : i32
    %sign3A_1642 = arith.extui %sign3A_1641 : i1 to i32
    %sign3A_1643 = arith.subi %sign3A_1639, %sign3A_1642 : i32
    %ne3A_1644 = arith.cmpi ne, %sign3A_1636, %sign3A_1643 : i32
    %rem3A_1645 = arith.remsi %get3A_1627, %jit3A_1628 : i32
    %ne3A_1646 = arith.constant 0 : i32
    %ne3A_1647 = arith.cmpi ne, %rem3A_1645, %ne3A_1646 : i32
    %and3A_1648 = arith.andi %ne3A_1644, %ne3A_1647 : i1
    %sub3A_1649 = arith.constant 1 : i32
    %sub3A_1650 = arith.subi %div3A_1629, %sub3A_1649 : i32
    %select_n3A_1651 = arith.select %and3A_1648, %sub3A_1650, %div3A_1629 : i32
    %add3A_1652 = arith.constant 5375 : i32
    %add3A_1653 = arith.addi %add3A_1652, %select_n3A_1651 : i32
    %get3A_1654 = arith.index_cast %add3A_1653 : i32 to index
    %get3A_1655 = arith.constant 0 : index
    %get3A_1656 = vector.load %arg10[%get3A_1654, %get3A_1655] : memref<6250x512xf32, #tpu.memory_space<vmem>>, vector<1x512xf32>
    %get3A_1657 = arith.constant 44 : index
    %get3A_1658 = arith.constant 0 : index
    %get3A_1659 = memref.load %arg0[%get3A_1657, %get3A_1658] : memref<50x1xi32, #tpu.memory_space<smem>>
    %jit3A_1660 = arith.constant 8 : i32
    %div3A_1661 = arith.divsi %get3A_1659, %jit3A_1660 : i32
    %sign3A_1662 = arith.constant 0 : i32
    %sign3A_1663 = arith.cmpi sgt, %get3A_1659, %sign3A_1662 : i32
    %sign3A_1664 = arith.extui %sign3A_1663 : i1 to i32
    %sign3A_1665 = arith.constant 0 : i32
    %sign3A_1666 = arith.cmpi slt, %get3A_1659, %sign3A_1665 : i32
    %sign3A_1667 = arith.extui %sign3A_1666 : i1 to i32
    %sign3A_1668 = arith.subi %sign3A_1664, %sign3A_1667 : i32
    %sign3A_1669 = arith.constant 0 : i32
    %sign3A_1670 = arith.cmpi sgt, %jit3A_1660, %sign3A_1669 : i32
    %sign3A_1671 = arith.extui %sign3A_1670 : i1 to i32
    %sign3A_1672 = arith.constant 0 : i32
    %sign3A_1673 = arith.cmpi slt, %jit3A_1660, %sign3A_1672 : i32
    %sign3A_1674 = arith.extui %sign3A_1673 : i1 to i32
    %sign3A_1675 = arith.subi %sign3A_1671, %sign3A_1674 : i32
    %ne3A_1676 = arith.cmpi ne, %sign3A_1668, %sign3A_1675 : i32
    %rem3A_1677 = arith.remsi %get3A_1659, %jit3A_1660 : i32
    %ne3A_1678 = arith.constant 0 : i32
    %ne3A_1679 = arith.cmpi ne, %rem3A_1677, %ne3A_1678 : i32
    %and3A_1680 = arith.andi %ne3A_1676, %ne3A_1679 : i1
    %sub3A_1681 = arith.constant 1 : i32
    %sub3A_1682 = arith.subi %div3A_1661, %sub3A_1681 : i32
    %select_n3A_1683 = arith.select %and3A_1680, %sub3A_1682, %div3A_1661 : i32
    %add3A_1684 = arith.constant 5500 : i32
    %add3A_1685 = arith.addi %add3A_1684, %select_n3A_1683 : i32
    %get3A_1686 = arith.index_cast %add3A_1685 : i32 to index
    %get3A_1687 = arith.constant 0 : index
    %get3A_1688 = vector.load %arg10[%get3A_1686, %get3A_1687] : memref<6250x512xf32, #tpu.memory_space<vmem>>, vector<1x512xf32>
    %get3A_1689 = arith.constant 45 : index
    %get3A_1690 = arith.constant 0 : index
    %get3A_1691 = memref.load %arg0[%get3A_1689, %get3A_1690] : memref<50x1xi32, #tpu.memory_space<smem>>
    %jit3A_1692 = arith.constant 8 : i32
    %div3A_1693 = arith.divsi %get3A_1691, %jit3A_1692 : i32
    %sign3A_1694 = arith.constant 0 : i32
    %sign3A_1695 = arith.cmpi sgt, %get3A_1691, %sign3A_1694 : i32
    %sign3A_1696 = arith.extui %sign3A_1695 : i1 to i32
    %sign3A_1697 = arith.constant 0 : i32
    %sign3A_1698 = arith.cmpi slt, %get3A_1691, %sign3A_1697 : i32
    %sign3A_1699 = arith.extui %sign3A_1698 : i1 to i32
    %sign3A_1700 = arith.subi %sign3A_1696, %sign3A_1699 : i32
    %sign3A_1701 = arith.constant 0 : i32
    %sign3A_1702 = arith.cmpi sgt, %jit3A_1692, %sign3A_1701 : i32
    %sign3A_1703 = arith.extui %sign3A_1702 : i1 to i32
    %sign3A_1704 = arith.constant 0 : i32
    %sign3A_1705 = arith.cmpi slt, %jit3A_1692, %sign3A_1704 : i32
    %sign3A_1706 = arith.extui %sign3A_1705 : i1 to i32
    %sign3A_1707 = arith.subi %sign3A_1703, %sign3A_1706 : i32
    %ne3A_1708 = arith.cmpi ne, %sign3A_1700, %sign3A_1707 : i32
    %rem3A_1709 = arith.remsi %get3A_1691, %jit3A_1692 : i32
    %ne3A_1710 = arith.constant 0 : i32
    %ne3A_1711 = arith.cmpi ne, %rem3A_1709, %ne3A_1710 : i32
    %and3A_1712 = arith.andi %ne3A_1708, %ne3A_1711 : i1
    %sub3A_1713 = arith.constant 1 : i32
    %sub3A_1714 = arith.subi %div3A_1693, %sub3A_1713 : i32
    %select_n3A_1715 = arith.select %and3A_1712, %sub3A_1714, %div3A_1693 : i32
    %add3A_1716 = arith.constant 5625 : i32
    %add3A_1717 = arith.addi %add3A_1716, %select_n3A_1715 : i32
    %get3A_1718 = arith.index_cast %add3A_1717 : i32 to index
    %get3A_1719 = arith.constant 0 : index
    %get3A_1720 = vector.load %arg10[%get3A_1718, %get3A_1719] : memref<6250x512xf32, #tpu.memory_space<vmem>>, vector<1x512xf32>
    %get3A_1721 = arith.constant 46 : index
    %get3A_1722 = arith.constant 0 : index
    %get3A_1723 = memref.load %arg0[%get3A_1721, %get3A_1722] : memref<50x1xi32, #tpu.memory_space<smem>>
    %jit3A_1724 = arith.constant 8 : i32
    %div3A_1725 = arith.divsi %get3A_1723, %jit3A_1724 : i32
    %sign3A_1726 = arith.constant 0 : i32
    %sign3A_1727 = arith.cmpi sgt, %get3A_1723, %sign3A_1726 : i32
    %sign3A_1728 = arith.extui %sign3A_1727 : i1 to i32
    %sign3A_1729 = arith.constant 0 : i32
    %sign3A_1730 = arith.cmpi slt, %get3A_1723, %sign3A_1729 : i32
    %sign3A_1731 = arith.extui %sign3A_1730 : i1 to i32
    %sign3A_1732 = arith.subi %sign3A_1728, %sign3A_1731 : i32
    %sign3A_1733 = arith.constant 0 : i32
    %sign3A_1734 = arith.cmpi sgt, %jit3A_1724, %sign3A_1733 : i32
    %sign3A_1735 = arith.extui %sign3A_1734 : i1 to i32
    %sign3A_1736 = arith.constant 0 : i32
    %sign3A_1737 = arith.cmpi slt, %jit3A_1724, %sign3A_1736 : i32
    %sign3A_1738 = arith.extui %sign3A_1737 : i1 to i32
    %sign3A_1739 = arith.subi %sign3A_1735, %sign3A_1738 : i32
    %ne3A_1740 = arith.cmpi ne, %sign3A_1732, %sign3A_1739 : i32
    %rem3A_1741 = arith.remsi %get3A_1723, %jit3A_1724 : i32
    %ne3A_1742 = arith.constant 0 : i32
    %ne3A_1743 = arith.cmpi ne, %rem3A_1741, %ne3A_1742 : i32
    %and3A_1744 = arith.andi %ne3A_1740, %ne3A_1743 : i1
    %sub3A_1745 = arith.constant 1 : i32
    %sub3A_1746 = arith.subi %div3A_1725, %sub3A_1745 : i32
    %select_n3A_1747 = arith.select %and3A_1744, %sub3A_1746, %div3A_1725 : i32
    %add3A_1748 = arith.constant 5750 : i32
    %add3A_1749 = arith.addi %add3A_1748, %select_n3A_1747 : i32
    %get3A_1750 = arith.index_cast %add3A_1749 : i32 to index
    %get3A_1751 = arith.constant 0 : index
    %get3A_1752 = vector.load %arg10[%get3A_1750, %get3A_1751] : memref<6250x512xf32, #tpu.memory_space<vmem>>, vector<1x512xf32>
    %get3A_1753 = arith.constant 47 : index
    %get3A_1754 = arith.constant 0 : index
    %get3A_1755 = memref.load %arg0[%get3A_1753, %get3A_1754] : memref<50x1xi32, #tpu.memory_space<smem>>
    %jit3A_1756 = arith.constant 8 : i32
    %div3A_1757 = arith.divsi %get3A_1755, %jit3A_1756 : i32
    %sign3A_1758 = arith.constant 0 : i32
    %sign3A_1759 = arith.cmpi sgt, %get3A_1755, %sign3A_1758 : i32
    %sign3A_1760 = arith.extui %sign3A_1759 : i1 to i32
    %sign3A_1761 = arith.constant 0 : i32
    %sign3A_1762 = arith.cmpi slt, %get3A_1755, %sign3A_1761 : i32
    %sign3A_1763 = arith.extui %sign3A_1762 : i1 to i32
    %sign3A_1764 = arith.subi %sign3A_1760, %sign3A_1763 : i32
    %sign3A_1765 = arith.constant 0 : i32
    %sign3A_1766 = arith.cmpi sgt, %jit3A_1756, %sign3A_1765 : i32
    %sign3A_1767 = arith.extui %sign3A_1766 : i1 to i32
    %sign3A_1768 = arith.constant 0 : i32
    %sign3A_1769 = arith.cmpi slt, %jit3A_1756, %sign3A_1768 : i32
    %sign3A_1770 = arith.extui %sign3A_1769 : i1 to i32
    %sign3A_1771 = arith.subi %sign3A_1767, %sign3A_1770 : i32
    %ne3A_1772 = arith.cmpi ne, %sign3A_1764, %sign3A_1771 : i32
    %rem3A_1773 = arith.remsi %get3A_1755, %jit3A_1756 : i32
    %ne3A_1774 = arith.constant 0 : i32
    %ne3A_1775 = arith.cmpi ne, %rem3A_1773, %ne3A_1774 : i32
    %and3A_1776 = arith.andi %ne3A_1772, %ne3A_1775 : i1
    %sub3A_1777 = arith.constant 1 : i32
    %sub3A_1778 = arith.subi %div3A_1757, %sub3A_1777 : i32
    %select_n3A_1779 = arith.select %and3A_1776, %sub3A_1778, %div3A_1757 : i32
    %add3A_1780 = arith.constant 5875 : i32
    %add3A_1781 = arith.addi %add3A_1780, %select_n3A_1779 : i32
    %get3A_1782 = arith.index_cast %add3A_1781 : i32 to index
    %get3A_1783 = arith.constant 0 : index
    %get3A_1784 = vector.load %arg10[%get3A_1782, %get3A_1783] : memref<6250x512xf32, #tpu.memory_space<vmem>>, vector<1x512xf32>
    %get3A_1785 = arith.constant 48 : index
    %get3A_1786 = arith.constant 0 : index
    %get3A_1787 = memref.load %arg0[%get3A_1785, %get3A_1786] : memref<50x1xi32, #tpu.memory_space<smem>>
    %jit3A_1788 = arith.constant 8 : i32
    %div3A_1789 = arith.divsi %get3A_1787, %jit3A_1788 : i32
    %sign3A_1790 = arith.constant 0 : i32
    %sign3A_1791 = arith.cmpi sgt, %get3A_1787, %sign3A_1790 : i32
    %sign3A_1792 = arith.extui %sign3A_1791 : i1 to i32
    %sign3A_1793 = arith.constant 0 : i32
    %sign3A_1794 = arith.cmpi slt, %get3A_1787, %sign3A_1793 : i32
    %sign3A_1795 = arith.extui %sign3A_1794 : i1 to i32
    %sign3A_1796 = arith.subi %sign3A_1792, %sign3A_1795 : i32
    %sign3A_1797 = arith.constant 0 : i32
    %sign3A_1798 = arith.cmpi sgt, %jit3A_1788, %sign3A_1797 : i32
    %sign3A_1799 = arith.extui %sign3A_1798 : i1 to i32
    %sign3A_1800 = arith.constant 0 : i32
    %sign3A_1801 = arith.cmpi slt, %jit3A_1788, %sign3A_1800 : i32
    %sign3A_1802 = arith.extui %sign3A_1801 : i1 to i32
    %sign3A_1803 = arith.subi %sign3A_1799, %sign3A_1802 : i32
    %ne3A_1804 = arith.cmpi ne, %sign3A_1796, %sign3A_1803 : i32
    %rem3A_1805 = arith.remsi %get3A_1787, %jit3A_1788 : i32
    %ne3A_1806 = arith.constant 0 : i32
    %ne3A_1807 = arith.cmpi ne, %rem3A_1805, %ne3A_1806 : i32
    %and3A_1808 = arith.andi %ne3A_1804, %ne3A_1807 : i1
    %sub3A_1809 = arith.constant 1 : i32
    %sub3A_1810 = arith.subi %div3A_1789, %sub3A_1809 : i32
    %select_n3A_1811 = arith.select %and3A_1808, %sub3A_1810, %div3A_1789 : i32
    %add3A_1812 = arith.constant 6000 : i32
    %add3A_1813 = arith.addi %add3A_1812, %select_n3A_1811 : i32
    %get3A_1814 = arith.index_cast %add3A_1813 : i32 to index
    %get3A_1815 = arith.constant 0 : index
    %get3A_1816 = vector.load %arg10[%get3A_1814, %get3A_1815] : memref<6250x512xf32, #tpu.memory_space<vmem>>, vector<1x512xf32>
    %get3A_1817 = arith.constant 49 : index
    %get3A_1818 = arith.constant 0 : index
    %get3A_1819 = memref.load %arg0[%get3A_1817, %get3A_1818] : memref<50x1xi32, #tpu.memory_space<smem>>
    %jit3A_1820 = arith.constant 8 : i32
    %div3A_1821 = arith.divsi %get3A_1819, %jit3A_1820 : i32
    %sign3A_1822 = arith.constant 0 : i32
    %sign3A_1823 = arith.cmpi sgt, %get3A_1819, %sign3A_1822 : i32
    %sign3A_1824 = arith.extui %sign3A_1823 : i1 to i32
    %sign3A_1825 = arith.constant 0 : i32
    %sign3A_1826 = arith.cmpi slt, %get3A_1819, %sign3A_1825 : i32
    %sign3A_1827 = arith.extui %sign3A_1826 : i1 to i32
    %sign3A_1828 = arith.subi %sign3A_1824, %sign3A_1827 : i32
    %sign3A_1829 = arith.constant 0 : i32
    %sign3A_1830 = arith.cmpi sgt, %jit3A_1820, %sign3A_1829 : i32
    %sign3A_1831 = arith.extui %sign3A_1830 : i1 to i32
    %sign3A_1832 = arith.constant 0 : i32
    %sign3A_1833 = arith.cmpi slt, %jit3A_1820, %sign3A_1832 : i32
    %sign3A_1834 = arith.extui %sign3A_1833 : i1 to i32
    %sign3A_1835 = arith.subi %sign3A_1831, %sign3A_1834 : i32
    %ne3A_1836 = arith.cmpi ne, %sign3A_1828, %sign3A_1835 : i32
    %rem3A_1837 = arith.remsi %get3A_1819, %jit3A_1820 : i32
    %ne3A_1838 = arith.constant 0 : i32
    %ne3A_1839 = arith.cmpi ne, %rem3A_1837, %ne3A_1838 : i32
    %and3A_1840 = arith.andi %ne3A_1836, %ne3A_1839 : i1
    %sub3A_1841 = arith.constant 1 : i32
    %sub3A_1842 = arith.subi %div3A_1821, %sub3A_1841 : i32
    %select_n3A_1843 = arith.select %and3A_1840, %sub3A_1842, %div3A_1821 : i32
    %add3A_1844 = arith.constant 6125 : i32
    %add3A_1845 = arith.addi %add3A_1844, %select_n3A_1843 : i32
    %get3A_1846 = arith.index_cast %add3A_1845 : i32 to index
    %get3A_1847 = arith.constant 0 : index
    %get3A_1848 = vector.load %arg10[%get3A_1846, %get3A_1847] : memref<6250x512xf32, #tpu.memory_space<vmem>>, vector<1x512xf32>
    %concatenate3A_1849 = tpu.concatenate %get3A_280, %get3A_312, %get3A_344, %get3A_376, %get3A_408, %get3A_440, %get3A_472, %get3A_504, %get3A_536, %get3A_568, %get3A_600, %get3A_632, %get3A_664, %get3A_696, %get3A_728, %get3A_760, %get3A_792, %get3A_824, %get3A_856, %get3A_888, %get3A_920, %get3A_952, %get3A_984, %get3A_1016, %get3A_1048, %get3A_1080, %get3A_1112, %get3A_1144, %get3A_1176, %get3A_1208, %get3A_1240, %get3A_1272, %get3A_1304, %get3A_1336, %get3A_1368, %get3A_1400, %get3A_1432, %get3A_1464, %get3A_1496, %get3A_1528, %get3A_1560, %get3A_1592, %get3A_1624, %get3A_1656, %get3A_1688, %get3A_1720, %get3A_1752, %get3A_1784, %get3A_1816, %get3A_1848 in 0 : vector<1x512xf32>, vector<1x512xf32>, vector<1x512xf32>, vector<1x512xf32>, vector<1x512xf32>, vector<1x512xf32>, vector<1x512xf32>, vector<1x512xf32>, vector<1x512xf32>, vector<1x512xf32>, vector<1x512xf32>, vector<1x512xf32>, vector<1x512xf32>, vector<1x512xf32>, vector<1x512xf32>, vector<1x512xf32>, vector<1x512xf32>, vector<1x512xf32>, vector<1x512xf32>, vector<1x512xf32>, vector<1x512xf32>, vector<1x512xf32>, vector<1x512xf32>, vector<1x512xf32>, vector<1x512xf32>, vector<1x512xf32>, vector<1x512xf32>, vector<1x512xf32>, vector<1x512xf32>, vector<1x512xf32>, vector<1x512xf32>, vector<1x512xf32>, vector<1x512xf32>, vector<1x512xf32>, vector<1x512xf32>, vector<1x512xf32>, vector<1x512xf32>, vector<1x512xf32>, vector<1x512xf32>, vector<1x512xf32>, vector<1x512xf32>, vector<1x512xf32>, vector<1x512xf32>, vector<1x512xf32>, vector<1x512xf32>, vector<1x512xf32>, vector<1x512xf32>, vector<1x512xf32>, vector<1x512xf32>, vector<1x512xf32> -> vector<50x512xf32>
    %swap3A_1850 = arith.constant 0 : index
    %swap3A_1851 = arith.constant 0 : index
    %swap3A_1852 = vector.load %arg9[%swap3A_1850, %swap3A_1851] : memref<50x512xf32, #tpu.memory_space<vmem>>, vector<50x512xf32>
    tpu.vector_store %arg9[%swap3A_1850, %swap3A_1851], %concatenate3A_1849 {strides = array<i32>} : memref<50x512xf32, #tpu.memory_space<vmem>>, vector<50x512xf32>,
    return
  }
}

module attributes {stable_mosaic.version = 14 : i64} {
  func.func @_k2b_body(%arg0: memref<50x512xf32, #tpu.memory_space<vmem>>, %arg1: memref<50x512xf32, #tpu.memory_space<vmem>>, %arg2: memref<50x1xi32, #tpu.memory_space<vmem>>, %arg3: memref<50x1xf32, #tpu.memory_space<vmem>>, %arg4: memref<50x1xf32, #tpu.memory_space<vmem>>, %arg5: memref<128x1xf32, #tpu.memory_space<vmem>>, %arg6: memref<1x1xf32, #tpu.memory_space<vmem>>, %arg7: memref<64x64xf32, #tpu.memory_space<vmem>>, %arg8: memref<1x64xf32, #tpu.memory_space<vmem>>, %arg9: memref<64x64xf32, #tpu.memory_space<vmem>>, %arg10: memref<1x64xf32, #tpu.memory_space<vmem>>, %arg11: memref<1x64xf32, #tpu.memory_space<vmem>>, %arg12: memref<1x64xf32, #tpu.memory_space<vmem>>, %arg13: memref<1x64xf32, #tpu.memory_space<vmem>>, %arg14: memref<1x64xf32, #tpu.memory_space<vmem>>, %arg15: memref<50x1xf32, #tpu.memory_space<vmem>>) attributes {dimension_semantics = [], scalar_prefetch = 0 : i64, scratch_operands = 0 : i64, tpu.core_type = #tpu.core_type<tc>} {
    %get3A = arith.constant 0 : index
    %get3A_0 = arith.constant 0 : index
    %get3A_1 = vector.load %arg0[%get3A, %get3A_0] : memref<50x512xf32, #tpu.memory_space<vmem>>, vector<50x512xf32>
    %get3A_2 = arith.constant 0 : index
    %get3A_3 = arith.constant 0 : index
    %get3A_4 = vector.load %arg1[%get3A_2, %get3A_3] : memref<50x512xf32, #tpu.memory_space<vmem>>, vector<50x512xf32>
    %get3A_5 = arith.constant 0 : index
    %get3A_6 = arith.constant 0 : index
    %get3A_7 = vector.load %arg7[%get3A_5, %get3A_6] : memref<64x64xf32, #tpu.memory_space<vmem>>, vector<64x64xf32>
    %concatenate3A = tpu.concatenate %get3A_7, %get3A_7, %get3A_7, %get3A_7, %get3A_7, %get3A_7, %get3A_7, %get3A_7 in 0 : vector<64x64xf32>, vector<64x64xf32>, vector<64x64xf32>, vector<64x64xf32>, vector<64x64xf32>, vector<64x64xf32>, vector<64x64xf32>, vector<64x64xf32> -> vector<512x64xf32>
    %dot_general3A = arith.constant dense<0.000000e+00> : vector<50x64xf32>
    %dot_general3A_8 = tpu.matmul %get3A_1, %concatenate3A, %dot_general3A {dimension_numbers = #tpu.dot_dimension_numbers<[1], [0], [0], [1], [0, 0, 1, 1], [], []>, transpose_lhs_hint = false} : vector<50x512xf32>, vector<512x64xf32>, vector<50x64xf32> -> vector<50x64xf32>
    %get3A_9 = arith.constant 0 : index
    %get3A_10 = arith.constant 0 : index
    %get3A_11 = vector.load %arg8[%get3A_9, %get3A_10] : memref<1x64xf32, #tpu.memory_space<vmem>>, vector<1x64xf32>
    %add3A = vector.broadcast %get3A_11 : vector<1x64xf32> to vector<50x64xf32>
    %add3A_12 = arith.addf %dot_general3A_8, %add3A : vector<50x64xf32>
    %broadcast_in_dim3A = arith.constant 0.000000e+00 : f32
    %broadcast_in_dim3A_13 = vector.broadcast %broadcast_in_dim3A : f32 to vector<50x64xf32>
    %get3A_14 = arith.constant 0 : index
    %get3A_15 = arith.constant 0 : index
    %get3A_16 = vector.load %arg2[%get3A_14, %get3A_15] : memref<50x1xi32, #tpu.memory_space<vmem>>, vector<50x1xi32>
    %eq3A = arith.constant 0 : i32
    %eq3A_17 = vector.broadcast %eq3A : i32 to vector<50x1xi32>
    %eq3A_18 = arith.cmpi eq, %get3A_16, %eq3A_17 : vector<50x1xi32>
    %slice3A = vector.extract_strided_slice %get3A_4 {offsets = [0, 0], sizes = [50, 64], strides = [1, 1]} : vector<50x512xf32> to vector<50x64xf32>
    %jit3A = arith.constant 0.000000e+00 : f32
    %broadcast_in_dim3A_19 = vector.shape_cast %eq3A_18 : vector<50x1xi1> to vector<50x1xi1>
    %broadcast_in_dim3A_20 = vector.broadcast %broadcast_in_dim3A_19 : vector<50x1xi1> to vector<50x64xi1>
    %broadcast_in_dim3A_21 = vector.broadcast %jit3A : f32 to vector<50x64xf32>
    %select_n3A = arith.select %broadcast_in_dim3A_20, %slice3A, %broadcast_in_dim3A_21 : vector<50x64xi1>, vector<50x64xf32>
    %add3A_22 = arith.addf %broadcast_in_dim3A_13, %select_n3A : vector<50x64xf32>
    %get3A_23 = arith.constant 0 : index
    %get3A_24 = arith.constant 0 : index
    %get3A_25 = vector.load %arg2[%get3A_23, %get3A_24] : memref<50x1xi32, #tpu.memory_space<vmem>>, vector<50x1xi32>
    %eq3A_26 = arith.constant 1 : i32
    %eq3A_27 = vector.broadcast %eq3A_26 : i32 to vector<50x1xi32>
    %eq3A_28 = arith.cmpi eq, %get3A_25, %eq3A_27 : vector<50x1xi32>
    %slice3A_29 = vector.extract_strided_slice %get3A_4 {offsets = [0, 64], sizes = [50, 64], strides = [1, 1]} : vector<50x512xf32> to vector<50x64xf32>
    %jit3A_30 = arith.constant 0.000000e+00 : f32
    %broadcast_in_dim3A_31 = vector.shape_cast %eq3A_28 : vector<50x1xi1> to vector<50x1xi1>
    %broadcast_in_dim3A_32 = vector.broadcast %broadcast_in_dim3A_31 : vector<50x1xi1> to vector<50x64xi1>
    %broadcast_in_dim3A_33 = vector.broadcast %jit3A_30 : f32 to vector<50x64xf32>
    %select_n3A_34 = arith.select %broadcast_in_dim3A_32, %slice3A_29, %broadcast_in_dim3A_33 : vector<50x64xi1>, vector<50x64xf32>
    %add3A_35 = arith.addf %add3A_22, %select_n3A_34 : vector<50x64xf32>
    %get3A_36 = arith.constant 0 : index
    %get3A_37 = arith.constant 0 : index
    %get3A_38 = vector.load %arg2[%get3A_36, %get3A_37] : memref<50x1xi32, #tpu.memory_space<vmem>>, vector<50x1xi32>
    %eq3A_39 = arith.constant 2 : i32
    %eq3A_40 = vector.broadcast %eq3A_39 : i32 to vector<50x1xi32>
    %eq3A_41 = arith.cmpi eq, %get3A_38, %eq3A_40 : vector<50x1xi32>
    %slice3A_42 = vector.extract_strided_slice %get3A_4 {offsets = [0, 128], sizes = [50, 64], strides = [1, 1]} : vector<50x512xf32> to vector<50x64xf32>
    %jit3A_43 = arith.constant 0.000000e+00 : f32
    %broadcast_in_dim3A_44 = vector.shape_cast %eq3A_41 : vector<50x1xi1> to vector<50x1xi1>
    %broadcast_in_dim3A_45 = vector.broadcast %broadcast_in_dim3A_44 : vector<50x1xi1> to vector<50x64xi1>
    %broadcast_in_dim3A_46 = vector.broadcast %jit3A_43 : f32 to vector<50x64xf32>
    %select_n3A_47 = arith.select %broadcast_in_dim3A_45, %slice3A_42, %broadcast_in_dim3A_46 : vector<50x64xi1>, vector<50x64xf32>
    %add3A_48 = arith.addf %add3A_35, %select_n3A_47 : vector<50x64xf32>
    %get3A_49 = arith.constant 0 : index
    %get3A_50 = arith.constant 0 : index
    %get3A_51 = vector.load %arg2[%get3A_49, %get3A_50] : memref<50x1xi32, #tpu.memory_space<vmem>>, vector<50x1xi32>
    %eq3A_52 = arith.constant 3 : i32
    %eq3A_53 = vector.broadcast %eq3A_52 : i32 to vector<50x1xi32>
    %eq3A_54 = arith.cmpi eq, %get3A_51, %eq3A_53 : vector<50x1xi32>
    %slice3A_55 = vector.extract_strided_slice %get3A_4 {offsets = [0, 192], sizes = [50, 64], strides = [1, 1]} : vector<50x512xf32> to vector<50x64xf32>
    %jit3A_56 = arith.constant 0.000000e+00 : f32
    %broadcast_in_dim3A_57 = vector.shape_cast %eq3A_54 : vector<50x1xi1> to vector<50x1xi1>
    %broadcast_in_dim3A_58 = vector.broadcast %broadcast_in_dim3A_57 : vector<50x1xi1> to vector<50x64xi1>
    %broadcast_in_dim3A_59 = vector.broadcast %jit3A_56 : f32 to vector<50x64xf32>
    %select_n3A_60 = arith.select %broadcast_in_dim3A_58, %slice3A_55, %broadcast_in_dim3A_59 : vector<50x64xi1>, vector<50x64xf32>
    %add3A_61 = arith.addf %add3A_48, %select_n3A_60 : vector<50x64xf32>
    %get3A_62 = arith.constant 0 : index
    %get3A_63 = arith.constant 0 : index
    %get3A_64 = vector.load %arg2[%get3A_62, %get3A_63] : memref<50x1xi32, #tpu.memory_space<vmem>>, vector<50x1xi32>
    %eq3A_65 = arith.constant 4 : i32
    %eq3A_66 = vector.broadcast %eq3A_65 : i32 to vector<50x1xi32>
    %eq3A_67 = arith.cmpi eq, %get3A_64, %eq3A_66 : vector<50x1xi32>
    %slice3A_68 = vector.extract_strided_slice %get3A_4 {offsets = [0, 256], sizes = [50, 64], strides = [1, 1]} : vector<50x512xf32> to vector<50x64xf32>
    %jit3A_69 = arith.constant 0.000000e+00 : f32
    %broadcast_in_dim3A_70 = vector.shape_cast %eq3A_67 : vector<50x1xi1> to vector<50x1xi1>
    %broadcast_in_dim3A_71 = vector.broadcast %broadcast_in_dim3A_70 : vector<50x1xi1> to vector<50x64xi1>
    %broadcast_in_dim3A_72 = vector.broadcast %jit3A_69 : f32 to vector<50x64xf32>
    %select_n3A_73 = arith.select %broadcast_in_dim3A_71, %slice3A_68, %broadcast_in_dim3A_72 : vector<50x64xi1>, vector<50x64xf32>
    %add3A_74 = arith.addf %add3A_61, %select_n3A_73 : vector<50x64xf32>
    %get3A_75 = arith.constant 0 : index
    %get3A_76 = arith.constant 0 : index
    %get3A_77 = vector.load %arg2[%get3A_75, %get3A_76] : memref<50x1xi32, #tpu.memory_space<vmem>>, vector<50x1xi32>
    %eq3A_78 = arith.constant 5 : i32
    %eq3A_79 = vector.broadcast %eq3A_78 : i32 to vector<50x1xi32>
    %eq3A_80 = arith.cmpi eq, %get3A_77, %eq3A_79 : vector<50x1xi32>
    %slice3A_81 = vector.extract_strided_slice %get3A_4 {offsets = [0, 320], sizes = [50, 64], strides = [1, 1]} : vector<50x512xf32> to vector<50x64xf32>
    %jit3A_82 = arith.constant 0.000000e+00 : f32
    %broadcast_in_dim3A_83 = vector.shape_cast %eq3A_80 : vector<50x1xi1> to vector<50x1xi1>
    %broadcast_in_dim3A_84 = vector.broadcast %broadcast_in_dim3A_83 : vector<50x1xi1> to vector<50x64xi1>
    %broadcast_in_dim3A_85 = vector.broadcast %jit3A_82 : f32 to vector<50x64xf32>
    %select_n3A_86 = arith.select %broadcast_in_dim3A_84, %slice3A_81, %broadcast_in_dim3A_85 : vector<50x64xi1>, vector<50x64xf32>
    %add3A_87 = arith.addf %add3A_74, %select_n3A_86 : vector<50x64xf32>
    %get3A_88 = arith.constant 0 : index
    %get3A_89 = arith.constant 0 : index
    %get3A_90 = vector.load %arg2[%get3A_88, %get3A_89] : memref<50x1xi32, #tpu.memory_space<vmem>>, vector<50x1xi32>
    %eq3A_91 = arith.constant 6 : i32
    %eq3A_92 = vector.broadcast %eq3A_91 : i32 to vector<50x1xi32>
    %eq3A_93 = arith.cmpi eq, %get3A_90, %eq3A_92 : vector<50x1xi32>
    %slice3A_94 = vector.extract_strided_slice %get3A_4 {offsets = [0, 384], sizes = [50, 64], strides = [1, 1]} : vector<50x512xf32> to vector<50x64xf32>
    %jit3A_95 = arith.constant 0.000000e+00 : f32
    %broadcast_in_dim3A_96 = vector.shape_cast %eq3A_93 : vector<50x1xi1> to vector<50x1xi1>
    %broadcast_in_dim3A_97 = vector.broadcast %broadcast_in_dim3A_96 : vector<50x1xi1> to vector<50x64xi1>
    %broadcast_in_dim3A_98 = vector.broadcast %jit3A_95 : f32 to vector<50x64xf32>
    %select_n3A_99 = arith.select %broadcast_in_dim3A_97, %slice3A_94, %broadcast_in_dim3A_98 : vector<50x64xi1>, vector<50x64xf32>
    %add3A_100 = arith.addf %add3A_87, %select_n3A_99 : vector<50x64xf32>
    %get3A_101 = arith.constant 0 : index
    %get3A_102 = arith.constant 0 : index
    %get3A_103 = vector.load %arg2[%get3A_101, %get3A_102] : memref<50x1xi32, #tpu.memory_space<vmem>>, vector<50x1xi32>
    %eq3A_104 = arith.constant 7 : i32
    %eq3A_105 = vector.broadcast %eq3A_104 : i32 to vector<50x1xi32>
    %eq3A_106 = arith.cmpi eq, %get3A_103, %eq3A_105 : vector<50x1xi32>
    %slice3A_107 = vector.extract_strided_slice %get3A_4 {offsets = [0, 448], sizes = [50, 64], strides = [1, 1]} : vector<50x512xf32> to vector<50x64xf32>
    %jit3A_108 = arith.constant 0.000000e+00 : f32
    %broadcast_in_dim3A_109 = vector.shape_cast %eq3A_106 : vector<50x1xi1> to vector<50x1xi1>
    %broadcast_in_dim3A_110 = vector.broadcast %broadcast_in_dim3A_109 : vector<50x1xi1> to vector<50x64xi1>
    %broadcast_in_dim3A_111 = vector.broadcast %jit3A_108 : f32 to vector<50x64xf32>
    %select_n3A_112 = arith.select %broadcast_in_dim3A_110, %slice3A_107, %broadcast_in_dim3A_111 : vector<50x64xi1>, vector<50x64xf32>
    %add3A_113 = arith.addf %add3A_100, %select_n3A_112 : vector<50x64xf32>
    %get3A_114 = arith.constant 0 : index
    %get3A_115 = arith.constant 0 : index
    %get3A_116 = vector.load %arg9[%get3A_114, %get3A_115] : memref<64x64xf32, #tpu.memory_space<vmem>>, vector<64x64xf32>
    %dot_general3A_117 = arith.constant dense<0.000000e+00> : vector<50x64xf32>
    %dot_general3A_118 = tpu.matmul %add3A_113, %get3A_116, %dot_general3A_117 {dimension_numbers = #tpu.dot_dimension_numbers<[1], [0], [0], [1], [0, 0, 1, 1], [], []>, transpose_lhs_hint = false} : vector<50x64xf32>, vector<64x64xf32>, vector<50x64xf32> -> vector<50x64xf32>
    %get3A_119 = arith.constant 0 : index
    %get3A_120 = arith.constant 0 : index
    %get3A_121 = vector.load %arg10[%get3A_119, %get3A_120] : memref<1x64xf32, #tpu.memory_space<vmem>>, vector<1x64xf32>
    %add3A_122 = vector.broadcast %get3A_121 : vector<1x64xf32> to vector<50x64xf32>
    %add3A_123 = arith.addf %dot_general3A_118, %add3A_122 : vector<50x64xf32>
    %get3A_124 = arith.constant 0 : index
    %get3A_125 = arith.constant 0 : index
    %get3A_126 = vector.load %arg4[%get3A_124, %get3A_125] : memref<50x1xf32, #tpu.memory_space<vmem>>, vector<50x1xf32>
    %get3A_127 = arith.constant 0 : index
    %get3A_128 = arith.constant 0 : index
    %get3A_129 = vector.load %arg11[%get3A_127, %get3A_128] : memref<1x64xf32, #tpu.memory_space<vmem>>, vector<1x64xf32>
    %mul3A = vector.broadcast %get3A_126 : vector<50x1xf32> to vector<50x64xf32>
    %mul3A_130 = vector.broadcast %get3A_129 : vector<1x64xf32> to vector<50x64xf32>
    %mul3A_131 = arith.mulf %mul3A, %mul3A_130 : vector<50x64xf32>
    %add3A_132 = arith.addf %add3A_123, %mul3A_131 : vector<50x64xf32>
    %get3A_133 = arith.constant 0 : index
    %get3A_134 = arith.constant 0 : index
    %get3A_135 = vector.load %arg12[%get3A_133, %get3A_134] : memref<1x64xf32, #tpu.memory_space<vmem>>, vector<1x64xf32>
    %add3A_136 = vector.broadcast %get3A_135 : vector<1x64xf32> to vector<50x64xf32>
    %add3A_137 = arith.addf %add3A_132, %add3A_136 : vector<50x64xf32>
    %get3A_138 = arith.constant 0 : index
    %get3A_139 = arith.constant 0 : index
    %get3A_140 = vector.load %arg3[%get3A_138, %get3A_139] : memref<50x1xf32, #tpu.memory_space<vmem>>, vector<50x1xf32>
    %get3A_141 = arith.constant 0 : index
    %get3A_142 = arith.constant 0 : index
    %get3A_143 = vector.load %arg13[%get3A_141, %get3A_142] : memref<1x64xf32, #tpu.memory_space<vmem>>, vector<1x64xf32>
    %mul3A_144 = vector.broadcast %get3A_140 : vector<50x1xf32> to vector<50x64xf32>
    %mul3A_145 = vector.broadcast %get3A_143 : vector<1x64xf32> to vector<50x64xf32>
    %mul3A_146 = arith.mulf %mul3A_144, %mul3A_145 : vector<50x64xf32>
    %add3A_147 = arith.addf %add3A_137, %mul3A_146 : vector<50x64xf32>
    %get3A_148 = arith.constant 0 : index
    %get3A_149 = arith.constant 0 : index
    %get3A_150 = vector.load %arg14[%get3A_148, %get3A_149] : memref<1x64xf32, #tpu.memory_space<vmem>>, vector<1x64xf32>
    %add3A_151 = vector.broadcast %get3A_150 : vector<1x64xf32> to vector<50x64xf32>
    %add3A_152 = arith.addf %add3A_147, %add3A_151 : vector<50x64xf32>
    %concatenate3A_153 = tpu.concatenate %add3A_12, %add3A_152 in 1 : vector<50x64xf32>, vector<50x64xf32> -> vector<50x128xf32>
    %max3A = arith.constant 0.000000e+00 : f32
    %max3A_154 = vector.broadcast %max3A : f32 to vector<50x128xf32>
    %max3A_155 = arith.maximumf %concatenate3A_153, %max3A_154 : vector<50x128xf32>
    %get3A_156 = arith.constant 0 : index
    %get3A_157 = arith.constant 0 : index
    %get3A_158 = vector.load %arg5[%get3A_156, %get3A_157] : memref<128x1xf32, #tpu.memory_space<vmem>>, vector<128x1xf32>
    %dot_general3A_159 = arith.constant dense<0.000000e+00> : vector<50x1xf32>
    %dot_general3A_160 = tpu.matmul %max3A_155, %get3A_158, %dot_general3A_159 {dimension_numbers = #tpu.dot_dimension_numbers<[1], [0], [0], [1], [0, 0, 1, 1], [], []>, transpose_lhs_hint = false} : vector<50x128xf32>, vector<128x1xf32>, vector<50x1xf32> -> vector<50x1xf32>
    %get3A_161 = arith.constant 0 : index
    %get3A_162 = arith.constant 0 : index
    %get3A_163 = vector.load %arg6[%get3A_161, %get3A_162] : memref<1x1xf32, #tpu.memory_space<vmem>>, vector<1x1xf32>
    %add3A_164 = vector.broadcast %get3A_163 : vector<1x1xf32> to vector<50x1xf32>
    %add3A_165 = arith.addf %dot_general3A_160, %add3A_164 : vector<50x1xf32>
    %swap3A = arith.constant 0 : index
    %swap3A_166 = arith.constant 0 : index
    %swap3A_167 = vector.load %arg15[%swap3A, %swap3A_166] : memref<50x1xf32, #tpu.memory_space<vmem>>, vector<50x1xf32>
    tpu.vector_store %arg15[%swap3A, %swap3A_166], %add3A_165 {strides = array<i32>} : memref<50x1xf32, #tpu.memory_space<vmem>>, vector<50x1xf32>,
    return
  }
}

</mosaic_0001>

<sc_bundles>
// kernel: kernel.10.cloned.1.call-start
scs
__scs_entry_jumppad:
0x0: {  	(pc) =	sbr.rel $0x88, $3  }
0x1: {  	(tag) =	ssettag $0x0;
	lr =	simm.s32 $0x1  }
0x2: {  	[smem:$0x3F87] =	sst lr;
	_ =	strace $0xD0000000  }
0x3: {  	_ = 	snop  }
0x4: {  	_ = 	snop  }
0x5: {  	_ = 	snop  }
0x6: {  	_ = 	snop  }
0x7: {  	_ = 	snop  }
__scs_overlays_trampoline_lowered:
0x8: {  	[smem:$0x3F96] =	sst s0  }
0x9: {  	[smem:$0x3F97] =	sst s1  }
0xa: {  	[smem:$0x3F98] =	sst s2  }
0xb: {  	[smem:$0x3F99] =	sst s3  }
0xc: {  	[smem:$0x3F9A] =	sst s4  }
0xd: {  	[smem:$0x3F9B] =	sst s5  }
0xe: {  	[smem:$0x3F9C] =	sst s6  }
0xf: {  	[smem:$0x3F9D] =	sst s7  }
0x10: {  	[smem:$0x3F9E] =	sst s8  }
0x11: {  	[smem:$0x3F9F] =	sst s9;
	s0 =	simm.s32 @!p0 $0x0  }
0x12: {  	s1 =	sld [smem:$0x3F85];
	s0 =	simm.s32 @p0 $0x1  }
0x13: {  	[smem:$0x3FA0] =	sst s0;
	s0 =	simm.s32 @!p1 $0x0  }
0x14: {  	s2 =	sld [smem:$0x3F84];
	s0 =	simm.s32 @p1 $0x1  }
0x15: {  	[smem:$0x3FA1] =	sst s0;
	s0 =	simm.s32 @!p2 $0x0  }
0x16: {  	s3 =	sld [smem:$0x3FDB];
	s0 =	simm.s32 @p2 $0x1  }
0x17: {  	s4 =	simm.s32 $0x1BF5;
	[smem:$0x3FA3] =	sst s0  }
0x18: {  	s0 =	sld [smem:$0x3F86];
	_ =	swait.ge [sflag:s4], $0x0  }
0x19: {  	s7 =	sld [smem:$0x3F87]  }
0x1a: {  	s8 =	sadd.s32 $0xFFFFE003, lr  }
0x1b: {  	s9 =	sadd.s32 $0xFFFFFEF7, lr;
	s5 =	simm.s32 $0xFFFFFFFF;
	p2 =	slt.u32 s8, $0xFFFFF086  }
0x1c: {  	p1 =	slt.u32 s9, $0xF7A;
	s5 =	simm.s32 @!p2 $0x0  }
0x1d: {  	s5 =	simm.s32 @p1 $0x1;
	p0 =	seq.s32 s7, s2  }
0x1e: {  	s7 =	smul.u32 @!p0 $0xF7A, s2;
	p2 =	seq.s32 @!p0 s5, $0x0  }
0x1f: {  	s9 =	smul.u32 $0xF7A, s1;
	s8 =	simm.s32 @!p0 $0x1BF5;
	p2 =	por !p2, p0  }
0x20: {  	[sflag:s8] =	ssyncset.s32 @!p0 $0xFFFFF086;
	s6 =	sadd.s32 @!p0 s3, s7;
	s7 =	simm.s32 @!p0 $0x108  }
0x21: {  	s3 =	sadd.s32 s3, s9;
	s6 =	sadd.s32 @!p0 $0x88, s6;
	s7 =	simm.s32 @p2 $0x1082  }
0x22: {  	[simem:s7], [sflag:s8] =	dma.local @!p0 [hbm:s6], $0xF7A  }
0x23: {  	s9 =	sor.u32 $0xD0000000, s2;
	s6 =	simm.s32 $0x108;
	_ =	swait.ge @!p0 [sflag:s8], $0x0  }
0x24: {  	s3 =	sadd.s32 $0x88, s3;
	s6 =	simm.s32 @!p1 $0x1082;
	[sflag:s4] =	ssyncset.s32 $0xFFFFF086  }
0x25: {  	[simem:s6], [sflag:s4] =	dma.local [hbm:s3], $0xF7A  }
0x26: {  	[smem:$0x3F87] =	sst s1;
	(tag) =	ssettag s2;
	_ =	strace s9  }
0x27: {  	s1 =	sld [smem:$0x3F97]  }
0x28: {  	s2 =	sld [smem:$0x3F98]  }
0x29: {  	s4 =	sld [smem:$0x3F9A]  }
0x2a: {  	p0 =	seq.s32 s5, $0x0;
	s5 =	sld [smem:$0x3F9B]  }
0x2b: {  	s6 =	sld [smem:$0x3F9C]  }
0x2c: {  	s7 =	sld [smem:$0x3F9D]  }
0x2d: {  	s3 =	simm.s32 $0x108;
	s8 =	sld [smem:$0x3F9E]  }
0x2e: {  	s3 =	simm.s32 @!p0 $0x1082;
	s9 =	sld [smem:$0x3F9F]  }
0x2f: {  	lr =	sadd.s32 s0, s3;
	s0 =	sld [smem:$0x3F96]  }
0x30: {  	s3 =	sld [smem:$0x3F99]  }
0x31: {  	[smem:$0x3FA2] =	sst s10  }
0x32: {  	s10 =	sld [smem:$0x3FA0];
	_ =	sdelay $0x3  }
0x33: {  	p0 =	seq.s32 s10, $0x1;
	s10 =	sld [smem:$0x3FA2];
	_ =	sdelay $0x3  }
0x34: {  	[smem:$0x3FA2] =	sst s10  }
0x35: {  	s10 =	sld [smem:$0x3FA1];
	_ =	sdelay $0x3  }
0x36: {  	p1 =	seq.s32 s10, $0x1;
	s10 =	sld [smem:$0x3FA2];
	_ =	sdelay $0x3  }
0x37: {  	[smem:$0x3FA2] =	sst s10  }
0x38: {  	s10 =	sld [smem:$0x3FA3]  }
0x39: {  	_ = 	snop;
	(pc) =	sbr.ind lr, $3  }
0x3a: {  	_ = 	snop  }
0x3b: {  	_ = 	snop  }
0x3c: {  	p2 =	seq.s32 s10, $0x1;
	s10 =	sld [smem:$0x3FA2]  }
0x3d: {  	_ =	shalt  }
0x3e: {  	_ =	shalt  }
0x3f: {  	_ =	shalt  }
0x40: {  	_ =	shalt  }
0x41: {  	_ =	shalt  }
0x42: {  	_ =	shalt  }
0x43: {  	_ =	shalt  }
0x44: {  	_ =	shalt  }
0x45: {  	_ =	shalt  }
0x46: {  	_ =	shalt  }
0x47: {  	_ =	shalt  }
0x48: {  	_ =	shalt  }
0x49: {  	_ =	shalt  }
0x4a: {  	_ =	shalt  }
0x4b: {  	_ =	shalt  }
0x4c: {  	_ =	shalt  }
0x4d: {  	_ =	shalt  }
0x4e: {  	_ =	shalt  }
0x4f: {  	_ =	shalt  }
0x50: {  	_ =	shalt  }
0x51: {  	_ =	shalt  }
0x52: {  	_ =	shalt  }
0x53: {  	_ =	shalt  }
0x54: {  	_ =	shalt  }
0x55: {  	_ =	shalt  }
0x56: {  	_ =	shalt  }
0x57: {  	_ =	shalt  }
0x58: {  	_ =	shalt  }
0x59: {  	_ =	shalt  }
0x5a: {  	_ =	shalt  }
0x5b: {  	_ =	shalt  }
0x5c: {  	_ =	shalt  }
0x5d: {  	_ =	shalt  }
0x5e: {  	_ =	shalt  }
0x5f: {  	_ =	shalt  }
0x60: {  	_ =	shalt  }
0x61: {  	_ =	shalt  }
0x62: {  	_ =	shalt  }
0x63: {  	_ =	shalt  }
0x64: {  	_ =	shalt  }
0x65: {  	_ =	shalt  }
0x66: {  	_ =	shalt  }
0x67: {  	_ =	shalt  }
0x68: {  	_ =	shalt  }
0x69: {  	_ =	shalt  }
0x6a: {  	_ =	shalt  }
0x6b: {  	_ =	shalt  }
0x6c: {  	_ =	shalt  }
0x6d: {  	_ =	shalt  }
0x6e: {  	_ =	shalt  }
0x6f: {  	_ =	shalt  }
0x70: {  	_ =	shalt  }
0x71: {  	_ =	shalt  }
0x72: {  	_ =	shalt  }
0x73: {  	_ =	shalt  }
0x74: {  	_ =	shalt  }
0x75: {  	_ =	shalt  }
0x76: {  	_ =	shalt  }
0x77: {  	_ =	shalt  }
0x78: {  	_ =	shalt  }
0x79: {  	_ =	shalt  }
0x7a: {  	_ =	shalt  }
0x7b: {  	_ =	shalt  }
0x7c: {  	_ =	shalt  }
0x7d: {  	_ =	shalt  }
0x7e: {  	_ =	shalt  }
0x7f: {  	_ =	shalt  }
0x80: {  	_ =	shalt  }
0x81: {  	_ =	shalt  }
0x82: {  	_ =	shalt  }
0x83: {  	_ =	shalt  }
0x84: {  	_ =	shalt  }
0x85: {  	_ =	shalt  }
0x86: {  	_ =	shalt  }
0x87: {  	_ =	shalt  }
.Lfunc_end0:
.L_simem_size_0:
called_computation.1_lowered:
.L_overlay_start_0:
0x88: {  	s2 =	sld [smem:$0x3FD9]  }
0x89: {  	s3 =	sld [smem:$0x3FFE];
	_ =	sdelay $0x1  }
0x8a: {  	s1 =	srdreg.scid  }
0x8b: {  	s0 =	sand.u32 $0x1, s1  }
0x8c: {  	s16 =	sshll.u32 s0, $0xA;
	s2 =	sadd.s32 s3, s2  }
0x8d: {  	s2 =	sadd.s32 s2, s16  }
0x8e: {  	[smem:$0x3FAE] =	sst s2  }
0x8f: {  	_ = 	snop  }
0x90: {  	(tm) =	ssettm $0x1  }
0x91: {  	s17 =	sld [smem:$0x3FFB];
	_ =	sdelay $0x3  }
0x92: {  	_ =	strace s17  }
0x93: {  	s2 =	sld [smem:$0x3FFC];
	_ =	sdelay $0x3  }
0x94: {  	_ =	strace s2  }
0x95: {  	s2 =	sld [smem:$0x3FFD];
	_ =	sdelay $0x3  }
0x96: {  	_ =	strace s2  }
0x97: {  	_ =	strace $0x8FFFFFFF  }
0x98: {  	s18 =	sld [smem:$0x3FDB];
	_ =	sdelay $0x1  }
0x99: {  	s19 =	simm.s32 $_scs_section_size  }
0x9a: {  	s4 =	simm.s32 $_size__tile_overlayer_lowered;
	s5 =	simm.s32 $_tile_overlayer_lowered  }
0x9b: {  	s22 =	simm.s32 $0x1BFF;
	s21 =	sshll.u32 s5, $0x1;
	s2 =	sadd.s32 s19, s18  }
0x9c: {  	s6 =	simm.s32 $0x0;
	s20 =	sshll.u32 s4, $0x1;
	s4 =	sadd.s32 s21, s2  }
0x9d: {  	[timem:s6], [sflag:s22] =	dma.local [hbm:s4], s20  }
0x9e: {  	_ =	swait.ge [sflag:s22], s20  }
0x9f: {  	s3 =	ssub.s32 $0x0, s20;
	[sflag:s22] =	ssyncset.done $0x0  }
0xa0: {  	[sflag:s22] =	ssyncadd.s32 s3;
	_ =	sdelay $0x1  }
0xa1: {  	s23 =	simm.s32 $0x1B8B  }
0xa2: {  	_ =	swait.ge [sflag:s23], $0x1  }
0xa3: {  	[sflag:s23] =	ssyncset.done $0x0  }
0xa4: {  	s25 =	simm.s32 $0x1B8E;
	s24 =	sld [smem:$0x3FFE];
	[sflag:s23] =	ssyncadd.s32 $0xFFFFFFFF  }
0xa5: {  	s26 =	simm.s32 $execute0_lowered;
	[smem:$0x3FD2] =	sst s25  }
0xa6: {  	s4 =	sshll.u32 s26, $0x1;
	_ =	strace $0x80000049;
	[dreg:$0x1] =	wrdreg $0xFFFFFFFF  }
0xa7: {  	s28 =	simm.s32 $_size_execute0_lowered;
	s2 =	sadd.s32 s2, s4;
	[dreg:$0x0] =	wrdreg $0x0  }
0xa8: {  	s4 =	sshll.u32 s28, $0x1;
	[dreg:$0x2] =	wrdreg s2  }
0xa9: {  	[dreg:$0x3] =	wrdreg s4  }
0xaa: {  	[dreg:$0x4] =	wrdreg $0xC0  }
0xab: {  	_ =	task [dreg:s6], $0x5FFFF  }
0xac: {  	[dreg:$0x1] =	wrdreg $0xFFFFFFFF  }
0xad: {  	[dreg:$0x0] =	wrdreg $0x60  }
0xae: {  	[dreg:$0x2] =	wrdreg s24  }
0xaf: {  	[dreg:$0x3] =	wrdreg $0x0  }
0xb0: {  	[dreg:$0x4] =	wrdreg $0x9  }
0xb1: {  	_ =	task.clear_ibuf [dreg:s6], $0x5FFFF;
	_ =	strace $0x90000049  }
0xb2: {  	s29 =	simm.s32 $0x9;
	_ =	strace $0x8000004B  }
0xb3: {  	_ =	swait.ge [sflag:s29], $0x1  }
0xb4: {  	[sflag:s29] =	ssyncadd.s32 $0xFFFFFFFF  }
0xb5: {  	_ =	strace $0x9000004B  }
0xb6: {  	_ =	sfence  }
0xb7: {  	s30 =	sld [smem:$0x0];
	_ =	sdelay $0x2  }
0xb8: {  	s31 =	sshll.u32 s1, $0xD;
	s1 =	sshrl.u32 s1, $0x2  }
0xb9: {  	s3 =	sand.u32 $0x4000, s31;
	s1 =	sadd.s32 s1, s30  }
0xba: {  	s0 =	sor.u32 s3, s0;
	s1 =	sshll.u32 s1, $0x11  }
0xbb: {  	s0 =	sor.u32 s1, s0  }
0xbc: {  	s0 =	sadd.s32 $0x8F2B, s0  }
0xbd: {  	[sflag:s0] =	ssyncadd.remote.s32 $0x1  }
0xbe: {  	_ =	sfence.sel $0xFFFF  }
0xbf: {  	[dreg:$0x0] =	wrdreg $0xFFFFFFFF;
	(pc) =	sbr.abs _section_cstart, $3  }
0xc0: {  	[dreg:$0x1] =	wrdreg $0xFFFFFFFF  }
0xc1: {  	_ =	task.clear_ibuf [dreg:s6], $0x2FFFF;
	_ =	strace $0x9FFFFFFF  }
0xc2: {  	(tm) =	ssettm $0x7FFFFFFF  }
0xc3: {  	_ =	shalt  }
tec
execute0_lowered:
.L_overlay_start_1:
0x0: {  	(tag) =	ssettag $0x1  }
0x1: {  	s0 =	rddreg [dreg:$0x0];
	s11 =	stileid.u32  }
0x2: {  	s1 =	srdreg.scid;
	s2 =	rddreg [dreg:$0x1]  }
0x3: {  	s3 =	simm.s32 $0x0;
	s8 =	simm.s32 $0x18B00;
	s12 =	simm.s32 $0x1DBA0  }
0x4: {  	s13 =	simm.s32 $0x3;
	s14 =	simm.s32 $0x1D6A0;
	s15 =	simm.s32 $0x1D920  }
0x5: {  	s16 =	simm.s32 $0x1D9A0;
	s17 =	simm.s32 $0x1DA20;
	s18 =	simm.s32 $0x1DAA0  }
0x6: {  	s19 =	simm.s32 $0x1DB20;
	s20 =	simm.s32 $0x1;
	s21 =	simm.s32 $0x80  }
0x7: {  	s28 =	simm.s32 $0x1D820;
	s29 =	simm.s32 $0x1B6A0;
	s30 =	simm.s32 $0x1D8A0  }
0x8: {  	s31 =	simm.s32 $0x1C6A0;
	s4 =	smul.u32 $0x50, s11;
	s1 =	sand.u32 $0x1, s1  }
0x9: {  	[smem:$0x7FF] =	sst s3;
	s22 =	sadd.s32 $0xB1A00, s0;
	s10 =	smul.u32 $0x6400, s11  }
0xa: {  	p0 =	slt.u32 s11, $0xA;
	s6 =	sadd.s32 $0x148600, s0;
	s24 =	smul.u32 $0x1900, s11  }
0xb: {  	s5 =	smul.u32 $0x30D40, s1;
	_ =	strace $0x8000004A;
	[dreg:$0x4] =	wrdreg s22  }
0xc: {  	s23 =	ssub.s32 $0x2, s1;
	s1 =	smul.u32 $0x186A00, s1;
	s22 =	simm.s32 $0x186A0  }
0xd: {  	s4 =	sadd.s32 s4, s0;
	s9 =	sshrl.u32 s23, $0x1;
	s25 =	sshrl.u32 s10, $0x2  }
0xe: {  	s7 =	sadd.s32 s5, s0;
	s5 =	simm.s32 $0x10;
	s0 =	ssub.s32 s23, s9  }
0xf: {  	s10 =	sadd.s32 $0x1EA00, s4;
	s26 =	sadd.s32 s24, s1;
	s23 =	simm.s32 $0x1D720  }
0x10: {  	s24 =	simm.s32 $0x196A0;
	s1 =	simm.s32 $0x2;
	s5 =	simm.s32 @!p0 $0xF  }
0x11: {  	p0 =	slt.u32 s11, $0x2;
	s0 =	smax.u32 s0, $0x1;
	[dreg:$0x7] =	wrdreg s26  }
0x12: {  	s7 =	sadd.s32 $0xE6A00, s7;
	s8 =	simm.s32 @!p0 $0x18600;
	[dreg:$0x5] =	wrdreg s0  }
0x13: {  	s26 =	simm.s32 $0x1A6A0;
	s0 =	sadd.s32 s25, s2;
	[dreg:$0x3] =	wrdreg s8  }
0x14: {  	s25 =	simm.s32 $0x1D7A0;
	[dreg:$0x6] =	wrdreg s0;
	s0 =	simm.s32 $0x0  }
.LBB2_1:
0x15: {  	s4 =	rddreg [dreg:$0x4]  }
0x16: {  	[tilespmem:s12], [sflag:$0x3] =	stream.linear.gather [hbm4b:s4+s3], $0x1900, $0x38;
	[tilespmem:$0x1F4A0] =	vst v63  }
0x17: {  	p0 =	sne.s32 s5, $0x1;
	_ =	swait.ge [sflag:s13], $0x1900  }
.Ltmp0:
0x18: {  	[sflag:s13] =	ssyncset.done $0x0;
	(pc) =	sbr.rel @!p0 .LBB2_3-.Ltmp0, $4  }
0x19: {  	s9 =	rddreg [dreg:$0x6];
	[sflag:s13] =	ssyncadd.s32 $0xFFFFE700  }
0x1a: {  	[spmem:s9] =	stream.linear.scatter [tilespmem:s12], [sflag:$0x3], $0x1900, $0x38;
	[tilespmem:$0x1F4A0] =	vst v63  }
0x1b: {  	_ =	swait.ge [sflag:s13], $0x1900  }
0x1c: {  	s4 =	sadd.s32 $0xFFFFFFFF, s5;
	[sflag:s13] =	ssyncset.done $0x0  }
.LBB2_2:
0x1d: {  	p1 =	sne.s32 s4, $0x1;
	[sflag:s13] =	ssyncadd.s32 $0xFFFFE700;
	s9 =	sadd.s32 $0x19000, s9  }
.Ltmp1:
0x1e: {  	s4 =	sadd.s32 $0xFFFFFFFF, s4;
	(pc) =	sbr.rel @p1 .LBB2_2-.Ltmp1, $4  }
0x1f: {  	_ = 	snop  }
0x20: {  	[spmem:s9] =	stream.linear.scatter [tilespmem:s12], [sflag:$0x3], $0x1900, $0x38;
	[tilespmem:$0x1F4A0] =	vst v63  }
0x21: {  	_ =	swait.ge [sflag:s13], $0x1900  }
0x22: {  	[sflag:s13] =	ssyncset.done $0x0  }
.LBB2_3:
0x23: {  	[sflag:s13] =	ssyncadd.s32 $0xFFFFE700  }
0x24: {  	s4 =	simm.s32 $0x0;
	[bflag:$0x0] =	sbarrier.arrive $0xFFFF  }
.LBB2_4:
0x25: {  	s9 =	sadd.s32 s4, s10  }
0x26: {  	[tilespmem:s14], [sflag:$0x1] =	stream.linear.gather [hbm4b:s9+s3], $0x280, $0x38;
	[tilespmem:$0x1F4A0] =	vst v63  }
0x27: {  	s11 =	sadd.s32 $0x186A0, s9  }
0x28: {  	[tilespmem:s15], [sflag:$0x1] =	stream.linear.gather [hbm4b:s11+s3], $0x80, $0x38;
	[tilespmem:$0x1F4A0] =	vst v63  }
0x29: {  	s8 =	sadd.s32 $0x186B0, s9  }
0x2a: {  	[tilespmem:s16], [sflag:$0x1] =	stream.linear.gather [hbm4b:s8+s3], $0x80, $0x38;
	[tilespmem:$0x1F4A0] =	vst v63  }
0x2b: {  	s8 =	sadd.s32 $0x186C0, s9  }
0x2c: {  	[tilespmem:s17], [sflag:$0x1] =	stream.linear.gather [hbm4b:s8+s3], $0x80, $0x38;
	[tilespmem:$0x1F4A0] =	vst v63  }
0x2d: {  	s8 =	sadd.s32 $0x186D0, s9  }
0x2e: {  	[tilespmem:s18], [sflag:$0x1] =	stream.linear.gather [hbm4b:s8+s3], $0x80, $0x38;
	[tilespmem:$0x1F4A0] =	vst v63  }
0x2f: {  	s9 =	sadd.s32 $0x186E0, s9  }
0x30: {  	[tilespmem:s19], [sflag:$0x1] =	stream.linear.gather [hbm4b:s9+s3], $0x80, $0x38;
	[tilespmem:$0x1F4A0] =	vst v63  }
0x31: {  	_ =	swait.ge [sflag:s20], $0x280  }
0x32: {  	[sflag:s20] =	ssyncset.done $0x0  }
0x33: {  	[sflag:s20] =	ssyncadd.s32 $0xFFFFFD80  }
0x34: {  	_ =	swait.ge [sflag:s20], $0x80  }
0x35: {  	[sflag:s20] =	ssyncset.done $0x0  }
0x36: {  	[sflag:s20] =	ssyncadd.s32 $0xFFFFFF80  }
0x37: {  	_ =	swait.ge [sflag:s20], $0x80  }
0x38: {  	[sflag:s20] =	ssyncset.done $0x0  }
0x39: {  	[sflag:s20] =	ssyncadd.s32 $0xFFFFFF80  }
0x3a: {  	_ =	swait.ge [sflag:s20], $0x80  }
0x3b: {  	[sflag:s20] =	ssyncset.done $0x0  }
0x3c: {  	[sflag:s20] =	ssyncadd.s32 $0xFFFFFF80  }
0x3d: {  	_ =	swait.ge [sflag:s20], $0x80  }
0x3e: {  	[sflag:s20] =	ssyncset.done $0x0  }
0x3f: {  	[sflag:s20] =	ssyncadd.s32 $0xFFFFFF80  }
0x40: {  	_ =	swait.ge [sflag:s20], $0x80  }
0x41: {  	[sflag:s20] =	ssyncset.done $0x0  }
0x42: {  	[sflag:s20] =	ssyncadd.s32 $0xFFFFFF80  }
0x43: {  	[tilespmem:s22], [sflag:$0x2] =	stream.indirect.gather [hbm4b:s7+s21], $0x20, s14, s21, $0xb8;
	[tilespmem:$0x1F4A0] =	vst v63  }
0x44: {  	_ = 	snop  }
0x45: {  	[tilespmem:s24], [sflag:$0x2] =	stream.indirect.gather [hbm4b:s7+s21], $0x20, s23, s21, $0xb8;
	[tilespmem:$0x1F4A0] =	vst v63  }
0x46: {  	_ = 	snop  }
0x47: {  	[tilespmem:s26], [sflag:$0x2] =	stream.indirect.gather [hbm4b:s7+s21], $0x20, s25, s21, $0xb8;
	[tilespmem:$0x1F4A0] =	vst v63  }
0x48: {  	_ = 	snop  }
0x49: {  	[tilespmem:s29], [sflag:$0x2] =	stream.indirect.gather [hbm4b:s7+s21], $0x20, s28, s21, $0xb8;
	[tilespmem:$0x1F4A0] =	vst v63  }
0x4a: {  	_ = 	snop  }
0x4b: {  	[tilespmem:s31], [sflag:$0x2] =	stream.indirect.gather [hbm4b:s7+s21], $0x20, s30, s21, $0xb8;
	[tilespmem:$0x1F4A0] =	vst v63  }
0x4c: {  	_ =	swait.ge [sflag:s1], $0x1000  }
0x4d: {  	[sflag:s1] =	ssyncset.done $0x0  }
0x4e: {  	[sflag:s1] =	ssyncadd.s32 $0xFFFFF000  }
0x4f: {  	[spmem:s2] =	stream.indirect.scatter.add.f32 [tilespmem:s22], [sflag:$0x3], $0x20, s15, s21, $0xb8;
	[tilespmem:$0x1F4A0] =	vst v63  }
0x50: {  	_ =	swait.ge [sflag:s13], $0x1000  }
0x51: {  	[sflag:s13] =	ssyncset.done $0x0  }
0x52: {  	[sflag:s13] =	ssyncadd.s32 $0xFFFFF000  }
0x53: {  	_ =	swait.ge [sflag:s1], $0x1000  }
0x54: {  	[sflag:s1] =	ssyncset.done $0x0  }
0x55: {  	[sflag:s1] =	ssyncadd.s32 $0xFFFFF000  }
0x56: {  	[spmem:s2] =	stream.indirect.scatter.add.f32 [tilespmem:s24], [sflag:$0x3], $0x20, s16, s21, $0xb8;
	[tilespmem:$0x1F4A0] =	vst v63  }
0x57: {  	_ =	swait.ge [sflag:s13], $0x1000  }
0x58: {  	[sflag:s13] =	ssyncset.done $0x0  }
0x59: {  	[sflag:s13] =	ssyncadd.s32 $0xFFFFF000  }
0x5a: {  	_ =	swait.ge [sflag:s1], $0x1000  }
0x5b: {  	[sflag:s1] =	ssyncset.done $0x0  }
0x5c: {  	[sflag:s1] =	ssyncadd.s32 $0xFFFFF000  }
0x5d: {  	[spmem:s2] =	stream.indirect.scatter.add.f32 [tilespmem:s26], [sflag:$0x3], $0x20, s17, s21, $0xb8;
	[tilespmem:$0x1F4A0] =	vst v63  }
0x5e: {  	_ =	swait.ge [sflag:s13], $0x1000  }
0x5f: {  	[sflag:s13] =	ssyncset.done $0x0  }
0x60: {  	[sflag:s13] =	ssyncadd.s32 $0xFFFFF000  }
0x61: {  	_ =	swait.ge [sflag:s1], $0x1000  }
0x62: {  	[sflag:s1] =	ssyncset.done $0x0  }
0x63: {  	[sflag:s1] =	ssyncadd.s32 $0xFFFFF000  }
0x64: {  	[spmem:s2] =	stream.indirect.scatter.add.f32 [tilespmem:s29], [sflag:$0x3], $0x20, s18, s21, $0xb8;
	[tilespmem:$0x1F4A0] =	vst v63  }
0x65: {  	_ =	swait.ge [sflag:s13], $0x1000  }
0x66: {  	[sflag:s13] =	ssyncset.done $0x0  }
0x67: {  	[sflag:s13] =	ssyncadd.s32 $0xFFFFF000  }
0x68: {  	_ =	swait.ge [sflag:s1], $0x1000  }
0x69: {  	[sflag:s1] =	ssyncset.done $0x0  }
0x6a: {  	[sflag:s1] =	ssyncadd.s32 $0xFFFFF000  }
0x6b: {  	[spmem:s2] =	stream.indirect.scatter.add.f32 [tilespmem:s31], [sflag:$0x3], $0x20, s19, s21, $0xb8;
	[tilespmem:$0x1F4A0] =	vst v63  }
0x6c: {  	_ =	swait.ge [sflag:s13], $0x1000  }
0x6d: {  	s4 =	sadd.s32 $0x500, s4;
	s11 =	rddreg [dreg:$0x3]  }
0x6e: {  	p1 =	sne.s32 s11, s4  }
.Ltmp2:
0x6f: {  	_ = 	snop;
	(pc) =	sbr.rel @p1 .LBB2_4-.Ltmp2, $3  }
0x70: {  	_ =	sdelay $0x1  }
0x71: {  	[sflag:s13] =	ssyncset.done $0x0  }
0x72: {  	[sflag:s13] =	ssyncadd.s32 $0xFFFFF000  }
0x73: {  	[bflag:$0x0] =	sbarrier.arrive $0xFFFF  }
0x74: {  	s9 =	rddreg [dreg:$0x6]  }
0x75: {  	[tilespmem:s12], [sflag:$0x3] =	stream.linear.gather [spmem:s9], $0x1900, $0x38;
	[tilespmem:$0x1F4A0] =	vst v63  }
0x76: {  	_ =	swait.ge [sflag:s13], $0x1900  }
0x77: {  	s11 =	rddreg [dreg:$0x7]  }
.Ltmp3:
0x78: {  	[sflag:s13] =	ssyncset.done $0x0;
	s4 =	sshrl.u32 s11, $0x3;
	(pc) =	sbr.rel @!p0 .LBB2_7-.Ltmp3, $4  }
0x79: {  	[sflag:s13] =	ssyncadd.s32 $0xFFFFE700;
	s4 =	sadd.s32 s6, s4  }
0x7a: {  	[hbm4b:s4+s3] =	stream.linear.scatter [tilespmem:s12], [sflag:$0x3], $0x1900, $0x38;
	[tilespmem:$0x1F4A0] =	vst v63  }
0x7b: {  	_ =	swait.ge [sflag:s13], $0x1900  }
0x7c: {  	s8 =	smov.u32 s5;
	s4 =	sadd.s32 $0xFFFFFFFF, s5;
	[sflag:s13] =	ssyncset.done $0x0  }
.LBB2_6:
0x7d: {  	[sflag:s13] =	ssyncadd.s32 $0xFFFFE700;
	s11 =	sadd.s32 $0x19000, s11;
	s9 =	sadd.s32 $0x19000, s9  }
0x7e: {  	[tilespmem:s12], [sflag:$0x3] =	stream.linear.gather [spmem:s9], $0x1900, $0x38;
	[tilespmem:$0x1F4A0] =	vst v63  }
0x7f: {  	p0 =	sne.s32 s4, $0x1;
	s4 =	sadd.s32 $0xFFFFFFFF, s4;
	_ =	swait.ge [sflag:s13], $0x1900  }
.Ltmp4:
0x80: {  	s5 =	sshrl.u32 s11, $0x3;
	[sflag:s13] =	ssyncset.done $0x0;
	(pc) =	sbr.rel @p0 .LBB2_6-.Ltmp4, $4  }
0x81: {  	s5 =	sadd.s32 s6, s5;
	[sflag:s13] =	ssyncadd.s32 $0xFFFFE700  }
0x82: {  	[hbm4b:s5+s3] =	stream.linear.scatter [tilespmem:s12], [sflag:$0x3], $0x1900, $0x38;
	[tilespmem:$0x1F4A0] =	vst v63  }
0x83: {  	_ =	swait.ge [sflag:s13], $0x1900  }
0x84: {  	[sflag:s13] =	ssyncset.done $0x0  }
.LBB2_7:
0x85: {  	s0 =	sadd.s32 $0x1, s0;
	s4 =	rddreg [dreg:$0x5]  }
0x86: {  	p0 =	sne.s32 s0, s4  }
.Ltmp5:
0x87: {  	_ = 	snop;
	(pc) =	sbr.rel @p0 .LBB2_1-.Ltmp5, $2  }
0x88: {  	_ =	sdelay $0x2  }
0x89: {  	[sflag:s13] =	ssyncadd.s32 $0xFFFFE700;
	s5 =	smov.u32 s8  }
0x8a: {  	_ =	sfence.sel $0x180000  }
0x8b: {  	[bflag:$0x0] =	sbarrier.arrive $0xFFFF  }
0x8c: {  	_ =	strace $0x9000004A  }
0x8d: {  	s0 =	stileid.u32;
	[bflag:$0x2] =	sbarrier.arrive $0xFFFF  }
0x8e: {  	p0 =	sne.s32 s0, $0x0;
	s0 =	rddreg [dreg:$0x2]  }
0x8f: {  	s0 =	sadd.s32 @!p0 $0x100000, s0  }
0x90: {  	[sflag:s0] =	ssyncadd.tile.s32 @!p0 $0x1;
	_ =	shalt  }
.Lfunc_end2:
_tile_overlayer_lowered:
.L_overlay_start_2:
0x91: {  	(tag) =	ssettag $0x2  }
0x92: {  	s0 =	rddreg [dreg:$0x0];
	s2 =	stileid.u32  }
0x93: {  	s1 =	rddreg [dreg:$0x1];
	p0 =	sne.s32 s2, $0x0  }
0x94: {  	s3 =	rddreg [dreg:$0x2];
	[bflag:$0x3] =	sbarrier.arrive $0xFFFF;
	s2 =	simm.s32 @!p0 $0x1C03  }
0x95: {  	[timem:s3], [sflag:s2] =	dma.local @!p0 [hbm:s0], s1  }
0x96: {  	s0 =	simm.s32 @!p0 $0x3  }
0x97: {  	_ =	swait.ge @!p0 [sflag:s0], s1  }
0x98: {  	s1 =	ssub.s32 @!p0 $0x0, s1;
	[sflag:s0] =	ssyncset.done @!p0 $0x0  }
0x99: {  	[sflag:s0] =	ssyncadd.s32 @!p0 s1  }
0x9a: {  	[bflag:$0x3] =	sbarrier.arrive $0xFFFF  }
0x9b: {  	_ =	shalt  }

// kernel: kernel.7.cloned.1.call-start
scs
__scs_entry_jumppad:
0x0: {  	(pc) =	sbr.rel $0x88, $3  }
0x1: {  	(tag) =	ssettag $0x0;
	lr =	simm.s32 $0x1  }
0x2: {  	[smem:$0x3F87] =	sst lr;
	_ =	strace $0xD0000000  }
0x3: {  	_ = 	snop  }
0x4: {  	_ = 	snop  }
0x5: {  	_ = 	snop  }
0x6: {  	_ = 	snop  }
0x7: {  	_ = 	snop  }
__scs_overlays_trampoline_lowered:
0x8: {  	[smem:$0x3F96] =	sst s0  }
0x9: {  	[smem:$0x3F97] =	sst s1  }
0xa: {  	[smem:$0x3F98] =	sst s2  }
0xb: {  	[smem:$0x3F99] =	sst s3  }
0xc: {  	[smem:$0x3F9A] =	sst s4  }
0xd: {  	[smem:$0x3F9B] =	sst s5  }
0xe: {  	[smem:$0x3F9C] =	sst s6  }
0xf: {  	[smem:$0x3F9D] =	sst s7  }
0x10: {  	[smem:$0x3F9E] =	sst s8  }
0x11: {  	[smem:$0x3F9F] =	sst s9;
	s0 =	simm.s32 @!p0 $0x0  }
0x12: {  	s1 =	sld [smem:$0x3F85];
	s0 =	simm.s32 @p0 $0x1  }
0x13: {  	[smem:$0x3FA0] =	sst s0;
	s0 =	simm.s32 @!p1 $0x0  }
0x14: {  	s2 =	sld [smem:$0x3F84];
	s0 =	simm.s32 @p1 $0x1  }
0x15: {  	[smem:$0x3FA1] =	sst s0;
	s0 =	simm.s32 @!p2 $0x0  }
0x16: {  	s3 =	sld [smem:$0x3FDB];
	s0 =	simm.s32 @p2 $0x1  }
0x17: {  	s4 =	simm.s32 $0x1BF5;
	[smem:$0x3FA3] =	sst s0  }
0x18: {  	s0 =	sld [smem:$0x3F86];
	_ =	swait.ge [sflag:s4], $0x0  }
0x19: {  	s7 =	sld [smem:$0x3F87]  }
0x1a: {  	s8 =	sadd.s32 $0xFFFFE003, lr  }
0x1b: {  	s9 =	sadd.s32 $0xFFFFFEF7, lr;
	s5 =	simm.s32 $0xFFFFFFFF;
	p2 =	slt.u32 s8, $0xFFFFF086  }
0x1c: {  	p1 =	slt.u32 s9, $0xF7A;
	s5 =	simm.s32 @!p2 $0x0  }
0x1d: {  	s5 =	simm.s32 @p1 $0x1;
	p0 =	seq.s32 s7, s2  }
0x1e: {  	s7 =	smul.u32 @!p0 $0xF7A, s2;
	p2 =	seq.s32 @!p0 s5, $0x0  }
0x1f: {  	s9 =	smul.u32 $0xF7A, s1;
	s8 =	simm.s32 @!p0 $0x1BF5;
	p2 =	por !p2, p0  }
0x20: {  	[sflag:s8] =	ssyncset.s32 @!p0 $0xFFFFF086;
	s6 =	sadd.s32 @!p0 s3, s7;
	s7 =	simm.s32 @!p0 $0x108  }
0x21: {  	s3 =	sadd.s32 s3, s9;
	s6 =	sadd.s32 @!p0 $0x88, s6;
	s7 =	simm.s32 @p2 $0x1082  }
0x22: {  	[simem:s7], [sflag:s8] =	dma.local @!p0 [hbm:s6], $0xF7A  }
0x23: {  	s9 =	sor.u32 $0xD0000000, s2;
	s6 =	simm.s32 $0x108;
	_ =	swait.ge @!p0 [sflag:s8], $0x0  }
0x24: {  	s3 =	sadd.s32 $0x88, s3;
	s6 =	simm.s32 @!p1 $0x1082;
	[sflag:s4] =	ssyncset.s32 $0xFFFFF086  }
0x25: {  	[simem:s6], [sflag:s4] =	dma.local [hbm:s3], $0xF7A  }
0x26: {  	[smem:$0x3F87] =	sst s1;
	(tag) =	ssettag s2;
	_ =	strace s9  }
0x27: {  	s1 =	sld [smem:$0x3F97]  }
0x28: {  	s2 =	sld [smem:$0x3F98]  }
0x29: {  	s4 =	sld [smem:$0x3F9A]  }
0x2a: {  	p0 =	seq.s32 s5, $0x0;
	s5 =	sld [smem:$0x3F9B]  }
0x2b: {  	s6 =	sld [smem:$0x3F9C]  }
0x2c: {  	s7 =	sld [smem:$0x3F9D]  }
0x2d: {  	s3 =	simm.s32 $0x108;
	s8 =	sld [smem:$0x3F9E]  }
0x2e: {  	s3 =	simm.s32 @!p0 $0x1082;
	s9 =	sld [smem:$0x3F9F]  }
0x2f: {  	lr =	sadd.s32 s0, s3;
	s0 =	sld [smem:$0x3F96]  }
0x30: {  	s3 =	sld [smem:$0x3F99]  }
0x31: {  	[smem:$0x3FA2] =	sst s10  }
0x32: {  	s10 =	sld [smem:$0x3FA0];
	_ =	sdelay $0x3  }
0x33: {  	p0 =	seq.s32 s10, $0x1;
	s10 =	sld [smem:$0x3FA2];
	_ =	sdelay $0x3  }
0x34: {  	[smem:$0x3FA2] =	sst s10  }
0x35: {  	s10 =	sld [smem:$0x3FA1];
	_ =	sdelay $0x3  }
0x36: {  	p1 =	seq.s32 s10, $0x1;
	s10 =	sld [smem:$0x3FA2];
	_ =	sdelay $0x3  }
0x37: {  	[smem:$0x3FA2] =	sst s10  }
0x38: {  	s10 =	sld [smem:$0x3FA3]  }
0x39: {  	_ = 	snop;
	(pc) =	sbr.ind lr, $3  }
0x3a: {  	_ = 	snop  }
0x3b: {  	_ = 	snop  }
0x3c: {  	p2 =	seq.s32 s10, $0x1;
	s10 =	sld [smem:$0x3FA2]  }
0x3d: {  	_ =	shalt  }
0x3e: {  	_ =	shalt  }
0x3f: {  	_ =	shalt  }
0x40: {  	_ =	shalt  }
0x41: {  	_ =	shalt  }
0x42: {  	_ =	shalt  }
0x43: {  	_ =	shalt  }
0x44: {  	_ =	shalt  }
0x45: {  	_ =	shalt  }
0x46: {  	_ =	shalt  }
0x47: {  	_ =	shalt  }
0x48: {  	_ =	shalt  }
0x49: {  	_ =	shalt  }
0x4a: {  	_ =	shalt  }
0x4b: {  	_ =	shalt  }
0x4c: {  	_ =	shalt  }
0x4d: {  	_ =	shalt  }
0x4e: {  	_ =	shalt  }
0x4f: {  	_ =	shalt  }
0x50: {  	_ =	shalt  }
0x51: {  	_ =	shalt  }
0x52: {  	_ =	shalt  }
0x53: {  	_ =	shalt  }
0x54: {  	_ =	shalt  }
0x55: {  	_ =	shalt  }
0x56: {  	_ =	shalt  }
0x57: {  	_ =	shalt  }
0x58: {  	_ =	shalt  }
0x59: {  	_ =	shalt  }
0x5a: {  	_ =	shalt  }
0x5b: {  	_ =	shalt  }
0x5c: {  	_ =	shalt  }
0x5d: {  	_ =	shalt  }
0x5e: {  	_ =	shalt  }
0x5f: {  	_ =	shalt  }
0x60: {  	_ =	shalt  }
0x61: {  	_ =	shalt  }
0x62: {  	_ =	shalt  }
0x63: {  	_ =	shalt  }
0x64: {  	_ =	shalt  }
0x65: {  	_ =	shalt  }
0x66: {  	_ =	shalt  }
0x67: {  	_ =	shalt  }
0x68: {  	_ =	shalt  }
0x69: {  	_ =	shalt  }
0x6a: {  	_ =	shalt  }
0x6b: {  	_ =	shalt  }
0x6c: {  	_ =	shalt  }
0x6d: {  	_ =	shalt  }
0x6e: {  	_ =	shalt  }
0x6f: {  	_ =	shalt  }
0x70: {  	_ =	shalt  }
0x71: {  	_ =	shalt  }
0x72: {  	_ =	shalt  }
0x73: {  	_ =	shalt  }
0x74: {  	_ =	shalt  }
0x75: {  	_ =	shalt  }
0x76: {  	_ =	shalt  }
0x77: {  	_ =	shalt  }
0x78: {  	_ =	shalt  }
0x79: {  	_ =	shalt  }
0x7a: {  	_ =	shalt  }
0x7b: {  	_ =	shalt  }
0x7c: {  	_ =	shalt  }
0x7d: {  	_ =	shalt  }
0x7e: {  	_ =	shalt  }
0x7f: {  	_ =	shalt  }
0x80: {  	_ =	shalt  }
0x81: {  	_ =	shalt  }
0x82: {  	_ =	shalt  }
0x83: {  	_ =	shalt  }
0x84: {  	_ =	shalt  }
0x85: {  	_ =	shalt  }
0x86: {  	_ =	shalt  }
0x87: {  	_ =	shalt  }
.Lfunc_end0:
.L_simem_size_0:
called_computation_lowered:
.L_overlay_start_0:
0x88: {  	s2 =	sld [smem:$0x3FD9]  }
0x89: {  	s3 =	sld [smem:$0x3FFE];
	_ =	sdelay $0x1  }
0x8a: {  	s1 =	srdreg.scid  }
0x8b: {  	s0 =	sand.u32 $0x1, s1  }
0x8c: {  	s16 =	sshll.u32 s0, $0xA;
	s2 =	sadd.s32 s3, s2  }
0x8d: {  	s2 =	sadd.s32 s2, s16  }
0x8e: {  	[smem:$0x3FAE] =	sst s2  }
0x8f: {  	_ = 	snop  }
0x90: {  	(tm) =	ssettm $0x1  }
0x91: {  	s17 =	sld [smem:$0x3FFB];
	_ =	sdelay $0x3  }
0x92: {  	_ =	strace s17  }
0x93: {  	s2 =	sld [smem:$0x3FFC];
	_ =	sdelay $0x3  }
0x94: {  	_ =	strace s2  }
0x95: {  	s2 =	sld [smem:$0x3FFD];
	_ =	sdelay $0x3  }
0x96: {  	_ =	strace s2  }
0x97: {  	_ =	strace $0x8FFFFFFF  }
0x98: {  	s18 =	sld [smem:$0x3FDB];
	_ =	sdelay $0x1  }
0x99: {  	s19 =	simm.s32 $_scs_section_size  }
0x9a: {  	s4 =	simm.s32 $_size__tile_overlayer_lowered;
	s5 =	simm.s32 $_tile_overlayer_lowered  }
0x9b: {  	s22 =	simm.s32 $0x1BFF;
	s21 =	sshll.u32 s5, $0x1;
	s2 =	sadd.s32 s19, s18  }
0x9c: {  	s6 =	simm.s32 $0x0;
	s20 =	sshll.u32 s4, $0x1;
	s4 =	sadd.s32 s21, s2  }
0x9d: {  	[timem:s6], [sflag:s22] =	dma.local [hbm:s4], s20  }
0x9e: {  	_ =	swait.ge [sflag:s22], s20  }
0x9f: {  	s3 =	ssub.s32 $0x0, s20;
	[sflag:s22] =	ssyncset.done $0x0  }
0xa0: {  	[sflag:s22] =	ssyncadd.s32 s3;
	_ =	sdelay $0x1  }
0xa1: {  	s23 =	simm.s32 $0x1B8B  }
0xa2: {  	_ =	swait.ge [sflag:s23], $0x1  }
0xa3: {  	[sflag:s23] =	ssyncset.done $0x0  }
0xa4: {  	s25 =	simm.s32 $0x1B8E;
	s24 =	sld [smem:$0x3FFE];
	[sflag:s23] =	ssyncadd.s32 $0xFFFFFFFF  }
0xa5: {  	s26 =	simm.s32 $execute0_lowered;
	[smem:$0x3FD2] =	sst s25  }
0xa6: {  	s4 =	sshll.u32 s26, $0x1;
	_ =	strace $0x80000046;
	[dreg:$0x1] =	wrdreg $0xFFFFFFFF  }
0xa7: {  	s28 =	simm.s32 $_size_execute0_lowered;
	s2 =	sadd.s32 s2, s4;
	[dreg:$0x0] =	wrdreg $0x0  }
0xa8: {  	s4 =	sshll.u32 s28, $0x1;
	[dreg:$0x2] =	wrdreg s2  }
0xa9: {  	[dreg:$0x3] =	wrdreg s4  }
0xaa: {  	[dreg:$0x4] =	wrdreg $0xC0  }
0xab: {  	_ =	task [dreg:s6], $0x5FFFF  }
0xac: {  	[dreg:$0x1] =	wrdreg $0xFFFFFFFF  }
0xad: {  	[dreg:$0x0] =	wrdreg $0x60  }
0xae: {  	[dreg:$0x2] =	wrdreg s24  }
0xaf: {  	[dreg:$0x3] =	wrdreg $0x0  }
0xb0: {  	[dreg:$0x4] =	wrdreg $0x9  }
0xb1: {  	_ =	task.clear_ibuf [dreg:s6], $0x5FFFF;
	_ =	strace $0x90000046  }
0xb2: {  	s29 =	simm.s32 $0x9;
	_ =	strace $0x80000048  }
0xb3: {  	_ =	swait.ge [sflag:s29], $0x1  }
0xb4: {  	[sflag:s29] =	ssyncadd.s32 $0xFFFFFFFF  }
0xb5: {  	_ =	strace $0x90000048  }
0xb6: {  	_ =	sfence  }
0xb7: {  	s30 =	sld [smem:$0x0];
	_ =	sdelay $0x2  }
0xb8: {  	s31 =	sshll.u32 s1, $0xD;
	s1 =	sshrl.u32 s1, $0x2  }
0xb9: {  	s3 =	sand.u32 $0x4000, s31;
	s1 =	sadd.s32 s1, s30  }
0xba: {  	s0 =	sor.u32 s3, s0;
	s1 =	sshll.u32 s1, $0x11  }
0xbb: {  	s0 =	sor.u32 s1, s0  }
0xbc: {  	s0 =	sadd.s32 $0x8F2B, s0  }
0xbd: {  	[sflag:s0] =	ssyncadd.remote.s32 $0x1  }
0xbe: {  	_ =	sfence.sel $0xFFFF  }
0xbf: {  	[dreg:$0x0] =	wrdreg $0xFFFFFFFF;
	(pc) =	sbr.abs _section_cstart, $3  }
0xc0: {  	[dreg:$0x1] =	wrdreg $0xFFFFFFFF  }
0xc1: {  	_ =	task.clear_ibuf [dreg:s6], $0x2FFFF;
	_ =	strace $0x9FFFFFFF  }
0xc2: {  	(tm) =	ssettm $0x7FFFFFFF  }
0xc3: {  	_ =	shalt  }
tec
execute0_lowered:
.L_overlay_start_1:
0x0: {  	(tag) =	ssettag $0x1  }
0x1: {  	s0 =	srdreg.scid;
	s1 =	rddreg [dreg:$0x0]  }
0x2: {  	s14 =	stileid.u32;
	s2 =	rddreg [dreg:$0x1];
	s3 =	simm.s32 $0x0  }
0x3: {  	s15 =	simm.s32 $0x10;
	s28 =	simm.s32 $0x1;
	s29 =	simm.s32 $0x80  }
0x4: {  	s30 =	simm.s32 $0xC350;
	s31 =	simm.s32 $0xCB50;
	s5 =	smul.u32 $0x280, s14  }
0x5: {  	s0 =	sand.u32 $0x1, s0;
	[smem:$0x7FF] =	sst s3;
	s24 =	smul.u32 $0x3200, s14  }
0x6: {  	s8 =	sadd.s32 $0x1EA00, s1;
	s6 =	sadd.s32 $0x68000, s1;
	s18 =	smul.u32 $0xC80, s14  }
0x7: {  	p0 =	slt.u32 s14, $0xA;
	s4 =	smul.u32 $0x2800, s0;
	_ =	strace $0x80000047  }
0x8: {  	s7 =	ssub.s32 $0x2, s0;
	[dreg:$0x8] =	wrdreg s6;
	s12 =	sshll.u32 s0, $0x4  }
0x9: {  	s6 =	sadd.s32 $0x68200, s1;
	s15 =	simm.s32 @!p0 $0xF;
	s0 =	smul.u32 $0xC3500, s0  }
0xa: {  	s10 =	sshrl.u32 s7, $0x1;
	s23 =	sor.u32 s14, s12;
	s25 =	sshrl.u32 s24, $0x2  }
0xb: {  	s24 =	simm.s32 $0xEC50;
	[dreg:$0x9] =	wrdreg s15;
	s5 =	sadd.s32 s5, s4  }
0xc: {  	s4 =	sadd.s32 $0x6200, s1;
	s22 =	ssub.s32 s7, s10;
	p0 =	slt.u32 s23, $0x2  }
0xd: {  	s7 =	simm.s32 $0x28;
	s10 =	sadd.s32 s25, s2;
	s0 =	sadd.s32 s18, s0  }
0xe: {  	s23 =	simm.s32 $0xEBD0;
	[dreg:$0x5] =	wrdreg s24;
	s25 =	simm.s32 $0xECD0  }
0xf: {  	s24 =	simm.s32 $0xEED0;
	s9 =	sshrl.u32 s5, $0x3;
	[dreg:$0x14] =	wrdreg s0  }
0x10: {  	s7 =	simm.s32 @!p0 $0x27;
	s26 =	sadd.s32 $0xC3700, s5;
	[dreg:$0x4] =	wrdreg s23  }
0x11: {  	s13 =	sadd.s32 $0xC3600, s5;
	s17 =	sadd.s32 $0xC3580, s5;
	[dreg:$0x6] =	wrdreg s25  }
0x12: {  	s23 =	simm.s32 $0xEE50;
	s25 =	simm.s32 $0xEF50;
	[dreg:$0xc] =	wrdreg s10  }
0x13: {  	s0 =	simm.s32 $0xDB50;
	s11 =	sadd.s32 s9, s1;
	[dreg:$0xa] =	wrdreg s7  }
0x14: {  	s1 =	smax.u32 s22, $0x1;
	s7 =	sadd.s32 $0xC3680, s5;
	s13 =	sshrl.u32 s13, $0x3  }
0x15: {  	s5 =	sadd.s32 $0xC3500, s5;
	s21 =	sadd.s32 s9, s8;
	s22 =	simm.s32 $0xF050  }
0x16: {  	s9 =	simm.s32 $0x2;
	[dreg:$0xb] =	wrdreg s1;
	s1 =	sshrl.u32 s26, $0x3  }
0x17: {  	v0 =	vlaneseq.u32;
	s12 =	sshrl.u32 s7, $0x3;
	s16 =	sadd.s32 s13, s8;
	[dreg:$0x12] =	wrdreg s21  }
0x18: {  	v15 =	vmul.u32 $0x10, v0;
	s19 =	sadd.s32 $0x4F800, s11;
	s20 =	sshrl.u32 s5, $0x3;
	[dreg:$0x3] =	wrdreg s22  }
0x19: {  	s21 =	simm.s32 $0xEB50;
	s22 =	simm.s32 $0xEDD0;
	[dreg:$0xf] =	wrdreg s16  }
0x1a: {  	v0 =	vor.u32 $0x2, v15;
	s26 =	simm.s32 $0xED50;
	s1 =	sadd.s32 s1, s8;
	[dreg:$0x11] =	wrdreg s19  }
0x1b: {  	v1 =	vor.u32 $0x3, v15;
	v2 =	vor.u32 $0x102, v15;
	v3 =	vor.u32 $0x103, v15;
	s5 =	simm.s32 $0xE350;
	[dreg:$0xd] =	wrdreg s1;
	s1 =	sadd.s32 s12, s8  }
0x1c: {  	v4 =	vor.u32 $0x202, v15;
	v5 =	vor.u32 $0x203, v15;
	v6 =	vor.u32 $0x302, v15;
	s11 =	simm.s32 $0x0;
	[dreg:$0xe] =	wrdreg s1;
	s1 =	sshrl.u32 s17, $0x3  }
0x1d: {  	v7 =	vor.u32 $0x303, v15;
	v8 =	vor.u32 $0x402, v15;
	v9 =	vor.u32 $0x403, v15;
	s19 =	simm.s32 $0xF2D0;
	[dreg:$0x7] =	wrdreg s26;
	s1 =	sadd.s32 s1, s8  }
0x1e: {  	v10 =	vor.u32 $0x502, v15;
	v11 =	vor.u32 $0x503, v15;
	v12 =	vor.u32 $0x602, v15;
	s26 =	simm.s32 $0xEFD0;
	[dreg:$0x10] =	wrdreg s1;
	s1 =	sadd.s32 s20, s8  }
0x1f: {  	v13 =	vor.u32 $0x603, v15;
	v14 =	vor.u32 $0x702, v15;
	v15 =	vor.u32 $0x703, v15;
	s20 =	simm.s32 $0x3;
	[dreg:$0x13] =	wrdreg s1;
	s1 =	simm.s32 $0xD350  }
.LBB2_1:
0x20: {  	s7 =	rddreg [dreg:$0x8]  }
0x21: {  	[tilespmem:s19], [sflag:$0x3] =	stream.linear.gather [hbm4b:s7+s3], $0xC80, $0x38;
	[tilespmem:$0xFF50] =	vst v63  }
0x22: {  	p0 =	sne.s32 s15, $0x1;
	_ =	swait.ge [sflag:s20], $0xC80  }
.Ltmp0:
0x23: {  	[sflag:s20] =	ssyncset.done $0x0;
	(pc) =	sbr.rel @!p0 .LBB2_3-.Ltmp0, $4  }
0x24: {  	[sflag:s20] =	ssyncadd.s32 $0xFFFFF380  }
0x25: {  	[spmem:s10] =	stream.linear.scatter [tilespmem:s19], [sflag:$0x3], $0xC80, $0x38;
	[tilespmem:$0xFF50] =	vst v63  }
0x26: {  	_ =	swait.ge [sflag:s20], $0xC80  }
0x27: {  	s8 =	sadd.s32 $0xFFFFFFFF, s15;
	s12 =	smov.u32 s10;
	[sflag:s20] =	ssyncset.done $0x0  }
.LBB2_2:
0x28: {  	p1 =	sne.s32 s8, $0x1;
	[sflag:s20] =	ssyncadd.s32 $0xFFFFF380;
	s12 =	sadd.s32 $0xC800, s12  }
.Ltmp1:
0x29: {  	s8 =	sadd.s32 $0xFFFFFFFF, s8;
	(pc) =	sbr.rel @p1 .LBB2_2-.Ltmp1, $4  }
0x2a: {  	_ = 	snop  }
0x2b: {  	[spmem:s12] =	stream.linear.scatter [tilespmem:s19], [sflag:$0x3], $0xC80, $0x38;
	[tilespmem:$0xFF50] =	vst v63  }
0x2c: {  	_ =	swait.ge [sflag:s20], $0xC80  }
0x2d: {  	[sflag:s20] =	ssyncset.done $0x0  }
.LBB2_3:
0x2e: {  	[sflag:s20] =	ssyncadd.s32 $0xFFFFF380  }
0x2f: {  	[bflag:$0x0] =	sbarrier.arrive $0xFFFF  }
0x30: {  	s17 =	rddreg [dreg:$0x13]  }
0x31: {  	s16 =	rddreg [dreg:$0x12]  }
0x32: {  	s15 =	rddreg [dreg:$0x11]  }
0x33: {  	s14 =	rddreg [dreg:$0x10]  }
0x34: {  	s13 =	rddreg [dreg:$0xf]  }
0x35: {  	s12 =	rddreg [dreg:$0xe]  }
0x36: {  	s8 =	rddreg [dreg:$0xd]  }
0x37: {  	s18 =	rddreg [dreg:$0xa]  }
.LBB2_4:
0x38: {  	[tilespmem:s21], [sflag:$0x1] =	stream.linear.gather [hbm4b:s16+s3], $0x280, $0x38;
	[tilespmem:$0xFF50] =	vst v63  }
0x39: {  	s7 =	rddreg [dreg:$0x3]  }
0x3a: {  	[tilespmem:s7], [sflag:$0x1] =	stream.linear.gather [hbm4b:s15+s3], $0x280, $0x38;
	[tilespmem:$0xFF50] =	vst v63  }
0x3b: {  	_ = 	snop  }
0x3c: {  	[tilespmem:s22], [sflag:$0x1] =	stream.linear.gather [hbm4b:s17+s3], $0x80, $0x38;
	[tilespmem:$0xFF50] =	vst v63  }
0x3d: {  	_ = 	snop  }
0x3e: {  	[tilespmem:s23], [sflag:$0x1] =	stream.linear.gather [hbm4b:s14+s3], $0x80, $0x38;
	[tilespmem:$0xFF50] =	vst v63  }
0x3f: {  	_ = 	snop  }
0x40: {  	[tilespmem:s24], [sflag:$0x1] =	stream.linear.gather [hbm4b:s13+s3], $0x80, $0x38;
	[tilespmem:$0xFF50] =	vst v63  }
0x41: {  	_ = 	snop  }
0x42: {  	[tilespmem:s25], [sflag:$0x1] =	stream.linear.gather [hbm4b:s12+s3], $0x80, $0x38;
	[tilespmem:$0xFF50] =	vst v63  }
0x43: {  	_ = 	snop  }
0x44: {  	[tilespmem:s26], [sflag:$0x1] =	stream.linear.gather [hbm4b:s8+s3], $0x80, $0x38;
	[tilespmem:$0xFF50] =	vst v63  }
0x45: {  	_ =	swait.ge [sflag:s28], $0x280  }
0x46: {  	[sflag:s28] =	ssyncset.done $0x0  }
0x47: {  	[sflag:s28] =	ssyncadd.s32 $0xFFFFFD80  }
0x48: {  	_ =	swait.ge [sflag:s28], $0x280  }
0x49: {  	[sflag:s28] =	ssyncset.done $0x0  }
0x4a: {  	[sflag:s28] =	ssyncadd.s32 $0xFFFFFD80  }
0x4b: {  	_ =	swait.ge [sflag:s28], $0x80  }
0x4c: {  	[sflag:s28] =	ssyncset.done $0x0  }
0x4d: {  	[sflag:s28] =	ssyncadd.s32 $0xFFFFFF80  }
0x4e: {  	_ =	swait.ge [sflag:s28], $0x80  }
0x4f: {  	[sflag:s28] =	ssyncset.done $0x0  }
0x50: {  	[sflag:s28] =	ssyncadd.s32 $0xFFFFFF80  }
0x51: {  	_ =	swait.ge [sflag:s28], $0x80  }
0x52: {  	[sflag:s28] =	ssyncset.done $0x0  }
0x53: {  	[sflag:s28] =	ssyncadd.s32 $0xFFFFFF80  }
0x54: {  	_ =	swait.ge [sflag:s28], $0x80  }
0x55: {  	[sflag:s28] =	ssyncset.done $0x0  }
0x56: {  	[sflag:s28] =	ssyncadd.s32 $0xFFFFFF80  }
0x57: {  	_ =	swait.ge [sflag:s28], $0x80  }
0x58: {  	[sflag:s28] =	ssyncset.done $0x0  }
0x59: {  	[sflag:s28] =	ssyncadd.s32 $0xFFFFFF80  }
0x5a: {  	[tilespmem:s30], [sflag:$0x2] =	stream.indirect.gather [hbm4b:s4+s29], $0x10, s21, s29, $0xb8;
	[tilespmem:$0xFF50] =	vst v63  }
0x5b: {  	s7 =	rddreg [dreg:$0x4]  }
0x5c: {  	[tilespmem:s31], [sflag:$0x2] =	stream.indirect.gather [hbm4b:s4+s29], $0x10, s7, s29, $0xb8;
	[tilespmem:$0xFF50] =	vst v63  }
0x5d: {  	s10 =	rddreg [dreg:$0x5]  }
0x5e: {  	[tilespmem:s1], [sflag:$0x2] =	stream.indirect.gather [hbm4b:s4+s29], $0x10, s10, s29, $0xb8;
	[tilespmem:$0xFF50] =	vst v63  }
0x5f: {  	s7 =	rddreg [dreg:$0x6]  }
0x60: {  	[tilespmem:s0], [sflag:$0x2] =	stream.indirect.gather [hbm4b:s4+s29], $0x10, s7, s29, $0xb8;
	[tilespmem:$0xFF50] =	vst v63  }
0x61: {  	s10 =	rddreg [dreg:$0x7]  }
0x62: {  	[tilespmem:s5], [sflag:$0x2] =	stream.indirect.gather [hbm4b:s4+s29], $0x10, s10, s29, $0xb8;
	[tilespmem:$0xFF50] =	vst v63  }
0x63: {  	_ =	swait.ge [sflag:s9], $0x800  }
0x64: {  	[sflag:s9] =	ssyncset.done $0x0  }
0x65: {  	[sflag:s9] =	ssyncadd.s32 $0xFFFFF800  }
0x66: {  	v16 =	vld [tilespmem:$0xF050];
	_ =	sdelay $0x4  }
0x67: {  	v17 =	vsub.f32 $0.0e+00, v16  }
0x68: {  	v16 =	vmax.f32 v16, $0.0e+00  }
0x69: {  	[tilespmem:v0+s30+$0x0] =	vst.idx.msk $0xffff, v16;
	v16 =	vmax.f32 v17, $0.0e+00  }
0x6a: {  	[tilespmem:v1+s30+$0x0] =	vst.idx.msk $0xffff, v16  }
0x6b: {  	v16 =	vld [tilespmem:$0xF060];
	_ =	sdelay $0x4  }
0x6c: {  	v17 =	vsub.f32 $0.0e+00, v16  }
0x6d: {  	v16 =	vmax.f32 v16, $0.0e+00  }
0x6e: {  	[tilespmem:v2+s30+$0x0] =	vst.idx.msk $0xffff, v16;
	v16 =	vmax.f32 v17, $0.0e+00  }
0x6f: {  	[tilespmem:v3+s30+$0x0] =	vst.idx.msk $0xffff, v16  }
0x70: {  	v16 =	vld [tilespmem:$0xF070];
	_ =	sdelay $0x4  }
0x71: {  	v17 =	vsub.f32 $0.0e+00, v16  }
0x72: {  	v16 =	vmax.f32 v16, $0.0e+00  }
0x73: {  	[tilespmem:v4+s30+$0x0] =	vst.idx.msk $0xffff, v16;
	v16 =	vmax.f32 v17, $0.0e+00  }
0x74: {  	[tilespmem:v5+s30+$0x0] =	vst.idx.msk $0xffff, v16  }
0x75: {  	v16 =	vld [tilespmem:$0xF080];
	_ =	sdelay $0x4  }
0x76: {  	v17 =	vsub.f32 $0.0e+00, v16  }
0x77: {  	v16 =	vmax.f32 v16, $0.0e+00  }
0x78: {  	[tilespmem:v6+s30+$0x0] =	vst.idx.msk $0xffff, v16;
	v16 =	vmax.f32 v17, $0.0e+00  }
0x79: {  	[tilespmem:v7+s30+$0x0] =	vst.idx.msk $0xffff, v16  }
0x7a: {  	v16 =	vld [tilespmem:$0xF090];
	_ =	sdelay $0x4  }
0x7b: {  	v17 =	vsub.f32 $0.0e+00, v16  }
0x7c: {  	v16 =	vmax.f32 v16, $0.0e+00  }
0x7d: {  	[tilespmem:v8+s30+$0x0] =	vst.idx.msk $0xffff, v16;
	v16 =	vmax.f32 v17, $0.0e+00  }
0x7e: {  	[tilespmem:v9+s30+$0x0] =	vst.idx.msk $0xffff, v16  }
0x7f: {  	v16 =	vld [tilespmem:$0xF0A0];
	_ =	sdelay $0x4  }
0x80: {  	v17 =	vsub.f32 $0.0e+00, v16  }
0x81: {  	v16 =	vmax.f32 v16, $0.0e+00  }
0x82: {  	[tilespmem:v10+s30+$0x0] =	vst.idx.msk $0xffff, v16;
	v16 =	vmax.f32 v17, $0.0e+00  }
0x83: {  	[tilespmem:v11+s30+$0x0] =	vst.idx.msk $0xffff, v16  }
0x84: {  	v16 =	vld [tilespmem:$0xF0B0];
	_ =	sdelay $0x4  }
0x85: {  	v17 =	vsub.f32 $0.0e+00, v16  }
0x86: {  	v16 =	vmax.f32 v16, $0.0e+00  }
0x87: {  	[tilespmem:v12+s30+$0x0] =	vst.idx.msk $0xffff, v16;
	v16 =	vmax.f32 v17, $0.0e+00  }
0x88: {  	[tilespmem:v13+s30+$0x0] =	vst.idx.msk $0xffff, v16  }
0x89: {  	v16 =	vld [tilespmem:$0xF0C0];
	_ =	sdelay $0x4  }
0x8a: {  	v17 =	vsub.f32 $0.0e+00, v16  }
0x8b: {  	v16 =	vmax.f32 v16, $0.0e+00  }
0x8c: {  	[tilespmem:v14+s30+$0x0] =	vst.idx.msk $0xffff, v16;
	v16 =	vmax.f32 v17, $0.0e+00  }
0x8d: {  	[tilespmem:v15+s30+$0x0] =	vst.idx.msk $0xffff, v16  }
0x8e: {  	[spmem:s2] =	stream.indirect.scatter.add.f32 [tilespmem:s30], [sflag:$0x3], $0x10, s22, s29, $0xb8;
	[tilespmem:$0xFF50] =	vst v63  }
0x8f: {  	_ =	swait.ge [sflag:s20], $0x800  }
0x90: {  	[sflag:s20] =	ssyncset.done $0x0  }
0x91: {  	[sflag:s20] =	ssyncadd.s32 $0xFFFFF800  }
0x92: {  	_ =	swait.ge [sflag:s9], $0x800  }
0x93: {  	[sflag:s9] =	ssyncset.done $0x0  }
0x94: {  	[sflag:s9] =	ssyncadd.s32 $0xFFFFF800  }
0x95: {  	v16 =	vld [tilespmem:$0xF0D0];
	_ =	sdelay $0x4  }
0x96: {  	v17 =	vsub.f32 $0.0e+00, v16  }
0x97: {  	v16 =	vmax.f32 v16, $0.0e+00  }
0x98: {  	[tilespmem:v0+s31+$0x0] =	vst.idx.msk $0xffff, v16;
	v16 =	vmax.f32 v17, $0.0e+00  }
0x99: {  	[tilespmem:v1+s31+$0x0] =	vst.idx.msk $0xffff, v16  }
0x9a: {  	v16 =	vld [tilespmem:$0xF0E0];
	_ =	sdelay $0x4  }
0x9b: {  	v17 =	vsub.f32 $0.0e+00, v16  }
0x9c: {  	v16 =	vmax.f32 v16, $0.0e+00  }
0x9d: {  	[tilespmem:v2+s31+$0x0] =	vst.idx.msk $0xffff, v16;
	v16 =	vmax.f32 v17, $0.0e+00  }
0x9e: {  	[tilespmem:v3+s31+$0x0] =	vst.idx.msk $0xffff, v16  }
0x9f: {  	v16 =	vld [tilespmem:$0xF0F0];
	_ =	sdelay $0x4  }
0xa0: {  	v17 =	vsub.f32 $0.0e+00, v16  }
0xa1: {  	v16 =	vmax.f32 v16, $0.0e+00  }
0xa2: {  	[tilespmem:v4+s31+$0x0] =	vst.idx.msk $0xffff, v16;
	v16 =	vmax.f32 v17, $0.0e+00  }
0xa3: {  	[tilespmem:v5+s31+$0x0] =	vst.idx.msk $0xffff, v16  }
0xa4: {  	v16 =	vld [tilespmem:$0xF100];
	_ =	sdelay $0x4  }
0xa5: {  	v17 =	vsub.f32 $0.0e+00, v16  }
0xa6: {  	v16 =	vmax.f32 v16, $0.0e+00  }
0xa7: {  	[tilespmem:v6+s31+$0x0] =	vst.idx.msk $0xffff, v16;
	v16 =	vmax.f32 v17, $0.0e+00  }
0xa8: {  	[tilespmem:v7+s31+$0x0] =	vst.idx.msk $0xffff, v16  }
0xa9: {  	v16 =	vld [tilespmem:$0xF110];
	_ =	sdelay $0x4  }
0xaa: {  	v17 =	vsub.f32 $0.0e+00, v16  }
0xab: {  	v16 =	vmax.f32 v16, $0.0e+00  }
0xac: {  	[tilespmem:v8+s31+$0x0] =	vst.idx.msk $0xffff, v16;
	v16 =	vmax.f32 v17, $0.0e+00  }
0xad: {  	[tilespmem:v9+s31+$0x0] =	vst.idx.msk $0xffff, v16  }
0xae: {  	v16 =	vld [tilespmem:$0xF120];
	_ =	sdelay $0x4  }
0xaf: {  	v17 =	vsub.f32 $0.0e+00, v16  }
0xb0: {  	v16 =	vmax.f32 v16, $0.0e+00  }
0xb1: {  	[tilespmem:v10+s31+$0x0] =	vst.idx.msk $0xffff, v16;
	v16 =	vmax.f32 v17, $0.0e+00  }
0xb2: {  	[tilespmem:v11+s31+$0x0] =	vst.idx.msk $0xffff, v16  }
0xb3: {  	v16 =	vld [tilespmem:$0xF130];
	_ =	sdelay $0x4  }
0xb4: {  	v17 =	vsub.f32 $0.0e+00, v16  }
0xb5: {  	v16 =	vmax.f32 v16, $0.0e+00  }
0xb6: {  	[tilespmem:v12+s31+$0x0] =	vst.idx.msk $0xffff, v16;
	v16 =	vmax.f32 v17, $0.0e+00  }
0xb7: {  	[tilespmem:v13+s31+$0x0] =	vst.idx.msk $0xffff, v16  }
0xb8: {  	v16 =	vld [tilespmem:$0xF140];
	_ =	sdelay $0x4  }
0xb9: {  	v17 =	vsub.f32 $0.0e+00, v16  }
0xba: {  	v16 =	vmax.f32 v16, $0.0e+00  }
0xbb: {  	[tilespmem:v14+s31+$0x0] =	vst.idx.msk $0xffff, v16;
	v16 =	vmax.f32 v17, $0.0e+00  }
0xbc: {  	[tilespmem:v15+s31+$0x0] =	vst.idx.msk $0xffff, v16  }
0xbd: {  	[spmem:s2] =	stream.indirect.scatter.add.f32 [tilespmem:s31], [sflag:$0x3], $0x10, s23, s29, $0xb8;
	[tilespmem:$0xFF50] =	vst v63  }
0xbe: {  	_ =	swait.ge [sflag:s20], $0x800  }
0xbf: {  	[sflag:s20] =	ssyncset.done $0x0  }
0xc0: {  	[sflag:s20] =	ssyncadd.s32 $0xFFFFF800  }
0xc1: {  	_ =	swait.ge [sflag:s9], $0x800  }
0xc2: {  	[sflag:s9] =	ssyncset.done $0x0  }
0xc3: {  	[sflag:s9] =	ssyncadd.s32 $0xFFFFF800  }
0xc4: {  	v16 =	vld [tilespmem:$0xF150];
	_ =	sdelay $0x4  }
0xc5: {  	v17 =	vsub.f32 $0.0e+00, v16  }
0xc6: {  	v16 =	vmax.f32 v16, $0.0e+00  }
0xc7: {  	[tilespmem:v0+s1+$0x0] =	vst.idx.msk $0xffff, v16;
	v16 =	vmax.f32 v17, $0.0e+00  }
0xc8: {  	[tilespmem:v1+s1+$0x0] =	vst.idx.msk $0xffff, v16  }
0xc9: {  	v16 =	vld [tilespmem:$0xF160];
	_ =	sdelay $0x4  }
0xca: {  	v17 =	vsub.f32 $0.0e+00, v16  }
0xcb: {  	v16 =	vmax.f32 v16, $0.0e+00  }
0xcc: {  	[tilespmem:v2+s1+$0x0] =	vst.idx.msk $0xffff, v16;
	v16 =	vmax.f32 v17, $0.0e+00  }
0xcd: {  	[tilespmem:v3+s1+$0x0] =	vst.idx.msk $0xffff, v16  }
0xce: {  	v16 =	vld [tilespmem:$0xF170];
	_ =	sdelay $0x4  }
0xcf: {  	v17 =	vsub.f32 $0.0e+00, v16  }
0xd0: {  	v16 =	vmax.f32 v16, $0.0e+00  }
0xd1: {  	[tilespmem:v4+s1+$0x0] =	vst.idx.msk $0xffff, v16;
	v16 =	vmax.f32 v17, $0.0e+00  }
0xd2: {  	[tilespmem:v5+s1+$0x0] =	vst.idx.msk $0xffff, v16  }
0xd3: {  	v16 =	vld [tilespmem:$0xF180];
	_ =	sdelay $0x4  }
0xd4: {  	v17 =	vsub.f32 $0.0e+00, v16  }
0xd5: {  	v16 =	vmax.f32 v16, $0.0e+00  }
0xd6: {  	[tilespmem:v6+s1+$0x0] =	vst.idx.msk $0xffff, v16;
	v16 =	vmax.f32 v17, $0.0e+00  }
0xd7: {  	[tilespmem:v7+s1+$0x0] =	vst.idx.msk $0xffff, v16  }
0xd8: {  	v16 =	vld [tilespmem:$0xF190];
	_ =	sdelay $0x4  }
0xd9: {  	v17 =	vsub.f32 $0.0e+00, v16  }
0xda: {  	v16 =	vmax.f32 v16, $0.0e+00  }
0xdb: {  	[tilespmem:v8+s1+$0x0] =	vst.idx.msk $0xffff, v16;
	v16 =	vmax.f32 v17, $0.0e+00  }
0xdc: {  	[tilespmem:v9+s1+$0x0] =	vst.idx.msk $0xffff, v16  }
0xdd: {  	v16 =	vld [tilespmem:$0xF1A0];
	_ =	sdelay $0x4  }
0xde: {  	v17 =	vsub.f32 $0.0e+00, v16  }
0xdf: {  	v16 =	vmax.f32 v16, $0.0e+00  }
0xe0: {  	[tilespmem:v10+s1+$0x0] =	vst.idx.msk $0xffff, v16;
	v16 =	vmax.f32 v17, $0.0e+00  }
0xe1: {  	[tilespmem:v11+s1+$0x0] =	vst.idx.msk $0xffff, v16  }
0xe2: {  	v16 =	vld [tilespmem:$0xF1B0];
	_ =	sdelay $0x4  }
0xe3: {  	v17 =	vsub.f32 $0.0e+00, v16  }
0xe4: {  	v16 =	vmax.f32 v16, $0.0e+00  }
0xe5: {  	[tilespmem:v12+s1+$0x0] =	vst.idx.msk $0xffff, v16;
	v16 =	vmax.f32 v17, $0.0e+00  }
0xe6: {  	[tilespmem:v13+s1+$0x0] =	vst.idx.msk $0xffff, v16  }
0xe7: {  	v16 =	vld [tilespmem:$0xF1C0];
	_ =	sdelay $0x4  }
0xe8: {  	v17 =	vsub.f32 $0.0e+00, v16  }
0xe9: {  	v16 =	vmax.f32 v16, $0.0e+00  }
0xea: {  	[tilespmem:v14+s1+$0x0] =	vst.idx.msk $0xffff, v16;
	v16 =	vmax.f32 v17, $0.0e+00  }
0xeb: {  	[tilespmem:v15+s1+$0x0] =	vst.idx.msk $0xffff, v16  }
0xec: {  	[spmem:s2] =	stream.indirect.scatter.add.f32 [tilespmem:s1], [sflag:$0x3], $0x10, s24, s29, $0xb8;
	[tilespmem:$0xFF50] =	vst v63  }
0xed: {  	_ =	swait.ge [sflag:s20], $0x800  }
0xee: {  	[sflag:s20] =	ssyncset.done $0x0  }
0xef: {  	[sflag:s20] =	ssyncadd.s32 $0xFFFFF800  }
0xf0: {  	_ =	swait.ge [sflag:s9], $0x800  }
0xf1: {  	[sflag:s9] =	ssyncset.done $0x0  }
0xf2: {  	[sflag:s9] =	ssyncadd.s32 $0xFFFFF800  }
0xf3: {  	v16 =	vld [tilespmem:$0xF1D0];
	_ =	sdelay $0x4  }
0xf4: {  	v17 =	vsub.f32 $0.0e+00, v16  }
0xf5: {  	v16 =	vmax.f32 v16, $0.0e+00  }
0xf6: {  	[tilespmem:v0+s0+$0x0] =	vst.idx.msk $0xffff, v16;
	v16 =	vmax.f32 v17, $0.0e+00  }
0xf7: {  	[tilespmem:v1+s0+$0x0] =	vst.idx.msk $0xffff, v16  }
0xf8: {  	v16 =	vld [tilespmem:$0xF1E0];
	_ =	sdelay $0x4  }
0xf9: {  	v17 =	vsub.f32 $0.0e+00, v16  }
0xfa: {  	v16 =	vmax.f32 v16, $0.0e+00  }
0xfb: {  	[tilespmem:v2+s0+$0x0] =	vst.idx.msk $0xffff, v16;
	v16 =	vmax.f32 v17, $0.0e+00  }
0xfc: {  	[tilespmem:v3+s0+$0x0] =	vst.idx.msk $0xffff, v16  }
0xfd: {  	v16 =	vld [tilespmem:$0xF1F0];
	_ =	sdelay $0x4  }
0xfe: {  	v17 =	vsub.f32 $0.0e+00, v16  }
0xff: {  	v16 =	vmax.f32 v16, $0.0e+00  }
0x100: {  	[tilespmem:v4+s0+$0x0] =	vst.idx.msk $0xffff, v16;
	v16 =	vmax.f32 v17, $0.0e+00  }
0x101: {  	[tilespmem:v5+s0+$0x0] =	vst.idx.msk $0xffff, v16  }
0x102: {  	v16 =	vld [tilespmem:$0xF200];
	_ =	sdelay $0x4  }
0x103: {  	v17 =	vsub.f32 $0.0e+00, v16  }
0x104: {  	v16 =	vmax.f32 v16, $0.0e+00  }
0x105: {  	[tilespmem:v6+s0+$0x0] =	vst.idx.msk $0xffff, v16;
	v16 =	vmax.f32 v17, $0.0e+00  }
0x106: {  	[tilespmem:v7+s0+$0x0] =	vst.idx.msk $0xffff, v16  }
0x107: {  	v16 =	vld [tilespmem:$0xF210];
	_ =	sdelay $0x4  }
0x108: {  	v17 =	vsub.f32 $0.0e+00, v16  }
0x109: {  	v16 =	vmax.f32 v16, $0.0e+00  }
0x10a: {  	[tilespmem:v8+s0+$0x0] =	vst.idx.msk $0xffff, v16;
	v16 =	vmax.f32 v17, $0.0e+00  }
0x10b: {  	[tilespmem:v9+s0+$0x0] =	vst.idx.msk $0xffff, v16  }
0x10c: {  	v16 =	vld [tilespmem:$0xF220];
	_ =	sdelay $0x4  }
0x10d: {  	v17 =	vsub.f32 $0.0e+00, v16  }
0x10e: {  	v16 =	vmax.f32 v16, $0.0e+00  }
0x10f: {  	[tilespmem:v10+s0+$0x0] =	vst.idx.msk $0xffff, v16;
	v16 =	vmax.f32 v17, $0.0e+00  }
0x110: {  	[tilespmem:v11+s0+$0x0] =	vst.idx.msk $0xffff, v16  }
0x111: {  	v16 =	vld [tilespmem:$0xF230];
	_ =	sdelay $0x4  }
0x112: {  	v17 =	vsub.f32 $0.0e+00, v16  }
0x113: {  	v16 =	vmax.f32 v16, $0.0e+00  }
0x114: {  	[tilespmem:v12+s0+$0x0] =	vst.idx.msk $0xffff, v16;
	v16 =	vmax.f32 v17, $0.0e+00  }
0x115: {  	[tilespmem:v13+s0+$0x0] =	vst.idx.msk $0xffff, v16  }
0x116: {  	v16 =	vld [tilespmem:$0xF240];
	_ =	sdelay $0x4  }
0x117: {  	v17 =	vsub.f32 $0.0e+00, v16  }
0x118: {  	v16 =	vmax.f32 v16, $0.0e+00  }
0x119: {  	[tilespmem:v14+s0+$0x0] =	vst.idx.msk $0xffff, v16;
	v16 =	vmax.f32 v17, $0.0e+00  }
0x11a: {  	[tilespmem:v15+s0+$0x0] =	vst.idx.msk $0xffff, v16  }
0x11b: {  	[spmem:s2] =	stream.indirect.scatter.add.f32 [tilespmem:s0], [sflag:$0x3], $0x10, s25, s29, $0xb8;
	[tilespmem:$0xFF50] =	vst v63  }
0x11c: {  	_ =	swait.ge [sflag:s20], $0x800  }
0x11d: {  	[sflag:s20] =	ssyncset.done $0x0  }
0x11e: {  	[sflag:s20] =	ssyncadd.s32 $0xFFFFF800  }
0x11f: {  	_ =	swait.ge [sflag:s9], $0x800  }
0x120: {  	[sflag:s9] =	ssyncset.done $0x0  }
0x121: {  	[sflag:s9] =	ssyncadd.s32 $0xFFFFF800  }
0x122: {  	v16 =	vld [tilespmem:$0xF250];
	_ =	sdelay $0x4  }
0x123: {  	v17 =	vsub.f32 $0.0e+00, v16  }
0x124: {  	v16 =	vmax.f32 v16, $0.0e+00  }
0x125: {  	[tilespmem:v0+s5+$0x0] =	vst.idx.msk $0xffff, v16;
	v16 =	vmax.f32 v17, $0.0e+00  }
0x126: {  	[tilespmem:v1+s5+$0x0] =	vst.idx.msk $0xffff, v16  }
0x127: {  	v16 =	vld [tilespmem:$0xF260];
	_ =	sdelay $0x4  }
0x128: {  	v17 =	vsub.f32 $0.0e+00, v16  }
0x129: {  	v16 =	vmax.f32 v16, $0.0e+00  }
0x12a: {  	[tilespmem:v2+s5+$0x0] =	vst.idx.msk $0xffff, v16;
	v16 =	vmax.f32 v17, $0.0e+00  }
0x12b: {  	[tilespmem:v3+s5+$0x0] =	vst.idx.msk $0xffff, v16  }
0x12c: {  	v16 =	vld [tilespmem:$0xF270];
	_ =	sdelay $0x4  }
0x12d: {  	v17 =	vsub.f32 $0.0e+00, v16  }
0x12e: {  	v16 =	vmax.f32 v16, $0.0e+00  }
0x12f: {  	[tilespmem:v4+s5+$0x0] =	vst.idx.msk $0xffff, v16;
	v16 =	vmax.f32 v17, $0.0e+00  }
0x130: {  	[tilespmem:v5+s5+$0x0] =	vst.idx.msk $0xffff, v16  }
0x131: {  	v16 =	vld [tilespmem:$0xF280];
	_ =	sdelay $0x4  }
0x132: {  	v17 =	vsub.f32 $0.0e+00, v16  }
0x133: {  	v16 =	vmax.f32 v16, $0.0e+00  }
0x134: {  	[tilespmem:v6+s5+$0x0] =	vst.idx.msk $0xffff, v16;
	v16 =	vmax.f32 v17, $0.0e+00  }
0x135: {  	[tilespmem:v7+s5+$0x0] =	vst.idx.msk $0xffff, v16  }
0x136: {  	v16 =	vld [tilespmem:$0xF290];
	_ =	sdelay $0x4  }
0x137: {  	v17 =	vsub.f32 $0.0e+00, v16  }
0x138: {  	v16 =	vmax.f32 v16, $0.0e+00  }
0x139: {  	[tilespmem:v8+s5+$0x0] =	vst.idx.msk $0xffff, v16;
	v16 =	vmax.f32 v17, $0.0e+00  }
0x13a: {  	[tilespmem:v9+s5+$0x0] =	vst.idx.msk $0xffff, v16  }
0x13b: {  	v16 =	vld [tilespmem:$0xF2A0];
	_ =	sdelay $0x4  }
0x13c: {  	v17 =	vsub.f32 $0.0e+00, v16  }
0x13d: {  	v16 =	vmax.f32 v16, $0.0e+00  }
0x13e: {  	[tilespmem:v10+s5+$0x0] =	vst.idx.msk $0xffff, v16;
	v16 =	vmax.f32 v17, $0.0e+00  }
0x13f: {  	[tilespmem:v11+s5+$0x0] =	vst.idx.msk $0xffff, v16  }
0x140: {  	v16 =	vld [tilespmem:$0xF2B0];
	_ =	sdelay $0x4  }
0x141: {  	v17 =	vsub.f32 $0.0e+00, v16  }
0x142: {  	v16 =	vmax.f32 v16, $0.0e+00  }
0x143: {  	[tilespmem:v12+s5+$0x0] =	vst.idx.msk $0xffff, v16;
	v16 =	vmax.f32 v17, $0.0e+00  }
0x144: {  	[tilespmem:v13+s5+$0x0] =	vst.idx.msk $0xffff, v16  }
0x145: {  	v16 =	vld [tilespmem:$0xF2C0];
	_ =	sdelay $0x4  }
0x146: {  	v17 =	vsub.f32 $0.0e+00, v16  }
0x147: {  	v16 =	vmax.f32 v16, $0.0e+00  }
0x148: {  	p1 =	sne.s32 s18, $0x1;
	[tilespmem:v14+s5+$0x0] =	vst.idx.msk $0xffff, v16;
	v16 =	vmax.f32 v17, $0.0e+00  }
.Ltmp2:
0x149: {  	s16 =	sadd.s32 $0xA00, s16;
	s18 =	sadd.s32 $0xFFFFFFFF, s18;
	[tilespmem:v15+s5+$0x0] =	vst.idx.msk $0xffff, v16;
	(pc) =	sbr.rel @p1 .LBB2_4-.Ltmp2, $4  }
0x14a: {  	[spmem:s2] =	stream.indirect.scatter.add.f32 [tilespmem:s5], [sflag:$0x3], $0x10, s26, s29, $0xb8;
	[tilespmem:$0xFF50] =	vst v63  }
0x14b: {  	s15 =	sadd.s32 $0xA00, s15;
	s17 =	sadd.s32 $0xA00, s17;
	_ =	swait.ge [sflag:s20], $0x800  }
0x14c: {  	s14 =	sadd.s32 $0xA00, s14;
	s13 =	sadd.s32 $0xA00, s13;
	[sflag:s20] =	ssyncset.done $0x0  }
0x14d: {  	s12 =	sadd.s32 $0xA00, s12;
	s8 =	sadd.s32 $0xA00, s8;
	[sflag:s20] =	ssyncadd.s32 $0xFFFFF800  }
0x14e: {  	[bflag:$0x0] =	sbarrier.arrive $0xFFFF  }
0x14f: {  	s10 =	rddreg [dreg:$0xc]  }
0x150: {  	[tilespmem:s19], [sflag:$0x3] =	stream.linear.gather [spmem:s10], $0xC80, $0x38;
	[tilespmem:$0xFF50] =	vst v63  }
0x151: {  	_ =	swait.ge [sflag:s20], $0xC80  }
0x152: {  	s12 =	rddreg [dreg:$0x14]  }
0x153: {  	[sflag:s20] =	ssyncset.done $0x0;
	s7 =	sshrl.u32 s12, $0x3  }
.Ltmp3:
0x154: {  	[sflag:s20] =	ssyncadd.s32 $0xFFFFF380;
	s7 =	sadd.s32 s6, s7;
	(pc) =	sbr.rel @!p0 .LBB2_7-.Ltmp3, $4  }
0x155: {  	[hbm4b:s7+s3] =	stream.linear.scatter [tilespmem:s19], [sflag:$0x3], $0xC80, $0x38;
	[tilespmem:$0xFF50] =	vst v63  }
0x156: {  	_ =	swait.ge [sflag:s20], $0xC80  }
0x157: {  	s15 =	rddreg [dreg:$0x9]  }
0x158: {  	s13 =	smov.u32 s10;
	[sflag:s20] =	ssyncset.done $0x0;
	s8 =	sadd.s32 $0xFFFFFFFF, s15  }
.LBB2_6:
0x159: {  	[sflag:s20] =	ssyncadd.s32 $0xFFFFF380;
	s12 =	sadd.s32 $0xC800, s12;
	s13 =	sadd.s32 $0xC800, s13  }
0x15a: {  	[tilespmem:s19], [sflag:$0x3] =	stream.linear.gather [spmem:s13], $0xC80, $0x38;
	[tilespmem:$0xFF50] =	vst v63  }
0x15b: {  	p0 =	sne.s32 s8, $0x1;
	s8 =	sadd.s32 $0xFFFFFFFF, s8;
	_ =	swait.ge [sflag:s20], $0xC80  }
.Ltmp4:
0x15c: {  	s7 =	sshrl.u32 s12, $0x3;
	[sflag:s20] =	ssyncset.done $0x0;
	(pc) =	sbr.rel @p0 .LBB2_6-.Ltmp4, $4  }
0x15d: {  	s7 =	sadd.s32 s6, s7;
	[sflag:s20] =	ssyncadd.s32 $0xFFFFF380  }
0x15e: {  	[hbm4b:s7+s3] =	stream.linear.scatter [tilespmem:s19], [sflag:$0x3], $0xC80, $0x38;
	[tilespmem:$0xFF50] =	vst v63  }
0x15f: {  	_ =	swait.ge [sflag:s20], $0xC80  }
0x160: {  	[sflag:s20] =	ssyncset.done $0x0  }
.LBB2_7:
0x161: {  	s11 =	sadd.s32 $0x1, s11;
	s7 =	rddreg [dreg:$0xb]  }
0x162: {  	p0 =	sne.s32 s11, s7  }
.Ltmp5:
0x163: {  	_ = 	snop;
	(pc) =	sbr.rel @p0 .LBB2_1-.Ltmp5, $2  }
0x164: {  	_ =	sdelay $0x2  }
0x165: {  	[sflag:s20] =	ssyncadd.s32 $0xFFFFF380  }
0x166: {  	_ =	sfence.sel $0x180000  }
0x167: {  	[bflag:$0x0] =	sbarrier.arrive $0xFFFF  }
0x168: {  	_ =	strace $0x90000047  }
0x169: {  	s0 =	stileid.u32;
	[bflag:$0x2] =	sbarrier.arrive $0xFFFF  }
0x16a: {  	p0 =	sne.s32 s0, $0x0;
	s0 =	rddreg [dreg:$0x2]  }
0x16b: {  	s0 =	sadd.s32 @!p0 $0x100000, s0  }
0x16c: {  	[sflag:s0] =	ssyncadd.tile.s32 @!p0 $0x1;
	_ =	shalt  }
.Lfunc_end2:
_tile_overlayer_lowered:
.L_overlay_start_2:
0x16d: {  	(tag) =	ssettag $0x2  }
0x16e: {  	s0 =	rddreg [dreg:$0x0];
	s2 =	stileid.u32  }
0x16f: {  	s1 =	rddreg [dreg:$0x1];
	p0 =	sne.s32 s2, $0x0  }
0x170: {  	s3 =	rddreg [dreg:$0x2];
	[bflag:$0x3] =	sbarrier.arrive $0xFFFF;
	s2 =	simm.s32 @!p0 $0x1C03  }
0x171: {  	[timem:s3], [sflag:s2] =	dma.local @!p0 [hbm:s0], s1  }
0x172: {  	s0 =	simm.s32 @!p0 $0x3  }
0x173: {  	_ =	swait.ge @!p0 [sflag:s0], s1  }
0x174: {  	s1 =	ssub.s32 @!p0 $0x0, s1;
	[sflag:s0] =	ssyncset.done @!p0 $0x0  }
0x175: {  	[sflag:s0] =	ssyncadd.s32 @!p0 s1  }
0x176: {  	[bflag:$0x3] =	sbarrier.arrive $0xFFFF  }
0x177: {  	_ =	shalt  }

</sc_bundles>
